<compile_context>
chip_gen: v7x
topology: tpu7x:2x2x1
jax: 0.10.2.dev20260603
libtpu: 0.0.44.dev20260713+nightly
codegen_flags: <defaults>
</compile_context>

<pallas_src>
import functools

import jax
import jax.numpy as jnp
from jax import lax
from jax.experimental import pallas as pl
from jax.experimental.pallas import tpu as pltpu
from jax.experimental.pallas import tpu_sc as plsc

_B = 16
_T = 66
_L = 3
_F = 1024
_D = 64
_K = 16
_TT = _T - _L + 1
_N = _B * _TT
_MOMENTUM = 0.99
_EPS = 1e-8
_BETA = 1.0
_SCALE = 1.0

_NC = 2
_NS = 16
_NW = _NC * _NS
_RPW = _N // _NW
_R = 8
_NCHUNK = _N // 16


def _score_kernel(feat_ref, proj_ref, a_ref):
    f = feat_ref[...]
    w = (f[:, 0:_TT, :] + f[:, 1:_TT + 1, :] + f[:, 2:_TT + 2, :]) * (1.0 / _L)
    w2 = w.reshape(_N, _F)
    sf = jnp.dot(w2, proj_ref[...], preferred_element_type=jnp.float32)
    g2 = jax.lax.dot_general(
        sf * (-2.0), sf, (((1,), (1,)), ((), ())),
        preferred_element_type=jnp.float32)
    n2 = jnp.sum(sf * sf, axis=1, keepdims=True)
    a_ref[...] = g2 + n2.reshape(1, _N)


def _sc_sort(x):
    return plsc.sort_key_val(x, x)[0]


def _newton_sqrt(v):
    t = jnp.maximum(v, 1e-12)
    i = lax.bitcast_convert_type(t, jnp.int32)
    y = lax.bitcast_convert_type(
        jnp.int32(0x5F3759DF) - lax.shift_right_arithmetic(i, 1), jnp.float32)
    for _ in range(3):
        y = y * (1.5 - 0.5 * t * y * y)
    return jnp.where(v <= 0.0, 0.0, t * y)


def _sc_topk_body(a_hbm, out_hbm, rows_v, sums_v, sem0, sem1, sem2, sem3):
    wid = lax.axis_index("s") * _NC + lax.axis_index("c")
    base = wid * _RPW
    sems = [sem0, sem1, sem2, sem3]
    copies = [
        pltpu.async_copy(
            a_hbm.at[pl.ds(base + rb * _R, _R)],
            rows_v.at[pl.ds(rb * _R, _R)],
            sems[rb],
        )
        for rb in range(_RPW // _R)
    ]
    row_sums = []
    for rb in range(_RPW // _R):
        copies[rb].wait()
        bests = tuple(
            _sc_sort(rows_v[rb * _R + r, pl.ds(0, 16)]) for r in range(_R)
        )

        def body(j, bs, _rb=rb):
            nb = []
            for r in range(_R):
                x = rows_v[_rb * _R + r, pl.ds(j * 16, 16)]
                c = plsc.sort_key_val(x, x, descending=True)[0]
                nb.append(_sc_sort(jnp.minimum(bs[r], c)))
            return tuple(nb)

        bests = lax.fori_loop(1, _NCHUNK, body, bests)
        for r in range(_R):
            row = rb * _R + r
            dvec = rows_v[row, pl.ds(base + (row // 16) * 16, 16)]
            d2 = bests[r] - dvec[row % 16]
            row_sums.append(jnp.sum(_newton_sqrt(d2)))
    lane = lax.iota(jnp.int32, 16)
    for h in range(_RPW // 16):
        vec = jnp.zeros((16,), jnp.float32)
        for r16 in range(16):
            vec = jnp.where(lane == r16, row_sums[h * 16 + r16], vec)
        sums_v[pl.ds(16 * h, 16)] = vec
    pltpu.sync_copy(sums_v, out_hbm.at[pl.ds(base, _RPW)])


_sc_topk = functools.partial(
    pl.kernel,
    out_type=jax.ShapeDtypeStruct((_N,), jnp.float32),
    mesh=plsc.VectorSubcoreMesh(core_axis_name="c", subcore_axis_name="s"),
    scratch_types=[
        pltpu.VMEM((_RPW, _N), jnp.float32),
        pltpu.VMEM((_RPW,), jnp.float32),
        pltpu.SemaphoreType.DMA,
        pltpu.SemaphoreType.DMA,
        pltpu.SemaphoreType.DMA,
        pltpu.SemaphoreType.DMA,
    ],
    compiler_params=pltpu.CompilerParams(needs_layout_passes=False),
)(_sc_topk_body)


def _finish_kernel(sums_ref, rew_ref, out_ref):
    int_rew = sums_ref[...] * (1.0 / _K)
    mag = _MOMENTUM + (1.0 - _MOMENTUM) * jnp.mean(jnp.abs(int_rew))
    out_ref[...] = rew_ref[...] + _BETA * _SCALE * int_rew / (mag + _EPS)


@jax.jit
def kernel(reward, feat, proj, queue):
    del queue
    rew1 = reward[:, :_TT].reshape(_N)
    a = pl.pallas_call(
        _score_kernel,
        out_shape=jax.ShapeDtypeStruct((_N, _N), jnp.float32),
    )(feat, proj)
    sums = _sc_topk(a)
    out = pl.pallas_call(
        _finish_kernel,
        out_shape=jax.ShapeDtypeStruct((_N,), jnp.float32),
    )(sums, rew1)
    return out.reshape(_B, _TT, 1)

# --- scband reference (transcript-rebuilt; emitter-appended) ---
"""Pipeline reference for scband-video-intr-bonus-15324443312990 (READ-ONLY COPY).

The authoritative reference and input builder live on the scoring server;
editing this copy changes nothing except your own understanding.
"""

import jax, jax.numpy as jnp
import numpy as np

BETA = 1.0
K = 16
INTR_SEQ_LENGTH = 3
FEAT_DIM = 1024
QUEUE_DIM = 64
QUEUE_SIZE = 8192
MOMENTUM = 0.99
SCALE = 1.0
EPS = 1e-8


def setup_inputs(seed: int = 0) -> dict:
    key = jax.random.key(seed)
    k1, k2, k3 = jax.random.split(key, 3)
    reward = jax.random.normal(k1, (16, 66), dtype=jnp.float32)
    feat = jax.random.normal(k2, (16, 66, FEAT_DIM), dtype=jnp.float32)
    # non-trainable random projection parameter: normal(mean=0, std=1/queue_dim)
    proj = jax.random.normal(k3, (FEAT_DIM, QUEUE_DIM), dtype=jnp.float32) / QUEUE_DIM
    # queue buffer initialized to zeros (fresh module, tf_queue_step starts at 0)
    queue = jnp.zeros((QUEUE_SIZE, QUEUE_DIM), dtype=jnp.float32)
    return {"reward": reward, "feat": feat, "proj": proj, "queue": queue}


def reference(reward, feat, proj, queue):
    B, T, F = feat.shape
    L = INTR_SEQ_LENGTH
    t = T - L + 1
    # torch.unfold(dim=1, size=L, step=1).mean(-1): sliding-window mean over time
    win = jnp.arange(t)[:, None] + jnp.arange(L)[None, :]  # (t, L)
    seq_feat = feat[:, win, :].mean(axis=2)  # (B, t, F)
    seq_feat = jnp.matmul(seq_feat, proj)  # (B, t, d)
    b, tt, d = seq_feat.shape
    sf = seq_feat.reshape(b * tt, d)
    seq_size = b * tt
    # construct_queue: shift and insert at front; tf_queue_step = min(0 + seq_size, queue_size)
    new_queue = jnp.concatenate([sf, queue[:-seq_size]], axis=0)
    tf_queue_step = min(seq_size, QUEUE_SIZE)
    q = new_queue[:tf_queue_step]
    # pairwise L2 distance: (b*t, tf_queue_step)
    dist = jnp.linalg.norm(sf[:, None, :] - q[None, :, :], axis=-1)
    kk = min(K, q.shape[0])
    neg_top, _ = jax.lax.top_k(-dist, kk)  # largest of -dist == k nearest
    int_rew = -1.0 * neg_top.mean(axis=1)  # mean distance to k nearest neighbors
    # StreamNorm (dreamerv2 tools): mag starts at 1.0, updated once, then transform
    mag = MOMENTUM * 1.0 + (1.0 - MOMENTUM) * jnp.abs(int_rew).mean()
    int_rew = int_rew / (mag + EPS) * SCALE
    int_rew = int_rew.reshape(b, tt)
    int_rew = jax.lax.stop_gradient(int_rew)  # computed under torch.no_grad + .detach()
    new_reward = reward[:, :tt] + BETA * int_rew  # beta_type == 'abs'
    return new_reward[..., None]  # (B, t, 1)

if __name__ == "__main__":
    import jax
    _d = setup_inputs()
    print(jax.jit(kernel)(*tuple(_d.values())))

</pallas_src>

<mosaic_0001>
#map = affine_map<(d0, d1) -> (0, 0)>
#map1 = affine_map<(d0, d1) -> (0)>
module attributes {stable_mosaic.version = 14 : i64} {
  func.func @_sc_topk_body(%arg0: i32, %arg1: i32, %arg2: memref<1024x1024xf32, #tpu.memory_space<hbm>>, %arg3: memref<1024xf32, #tpu.memory_space<hbm>>, %arg4: memref<32x1024xf32, #tpu.memory_space<vmem>>, %arg5: memref<32xf32, #tpu.memory_space<vmem>>, %arg6: memref<!tpu.dma_semaphore, #tpu.memory_space<semaphore_mem>>, %arg7: memref<!tpu.dma_semaphore, #tpu.memory_space<semaphore_mem>>, %arg8: memref<!tpu.dma_semaphore, #tpu.memory_space<semaphore_mem>>, %arg9: memref<!tpu.dma_semaphore, #tpu.memory_space<semaphore_mem>>) attributes {dimension_semantics = [#tpu.dimension_semantics<core_parallel>, #tpu.dimension_semantics<subcore_parallel>], iteration_bounds = array<i64: 2, 16>, scalar_prefetch = 0 : i64, scratch_operands = 6 : i64, tpu.core_type = #tpu.core_type<sc_vector_subcore>, window_params = [{transform_indices = #map}, {transform_indices = #map1}]} {
    %mul3A = arith.constant 2 : i32
    %mul3A_0 = arith.muli %arg1, %mul3A : i32
    %add3A = arith.addi %mul3A_0, %arg0 : i32
    %mul3A_1 = arith.constant 32 : i32
    %mul3A_2 = arith.muli %add3A, %mul3A_1 : i32
    %add3A_3 = arith.constant 0 : i32
    %add3A_4 = arith.addi %mul3A_2, %add3A_3 : i32
    %dma_start3A = arith.constant 0 : i32
    %dma_start3A_5 = arith.constant 0 : i32
    %dma_start3A_6 = tpu.memref_slice %arg4[%dma_start3A, %dma_start3A_5] : memref<32x1024xf32, #tpu.memory_space<vmem>> -> memref<8x1024xf32, #tpu.memory_space<vmem>>
    %dma_start3A_7 = arith.constant 0 : i32
    %dma_start3A_8 = tpu.memref_slice %arg2[%add3A_4, %dma_start3A_7] : memref<1024x1024xf32, #tpu.memory_space<hbm>> -> memref<8x1024xf32, #tpu.memory_space<hbm>>
    %dma_start3A_9 = arith.constant 0 : i32
    %dma_start3A_10 = arith.constant 0 : i32
    %dma_start3A_11 = tpu.memref_slice %arg4[%dma_start3A_9, %dma_start3A_10] : memref<32x1024xf32, #tpu.memory_space<vmem>> -> memref<8x1024xf32, #tpu.memory_space<vmem>>
    %dma_start3A_12 = arith.constant 0 : i32
    %dma_start3A_13 = tpu.memref_slice %arg2[%add3A_4, %dma_start3A_12] : memref<1024x1024xf32, #tpu.memory_space<hbm>> -> memref<8x1024xf32, #tpu.memory_space<hbm>>
    tpu.enqueue_dma source(%dma_start3A_13 : memref<8x1024xf32, #tpu.memory_space<hbm>>) target(%dma_start3A_11 : memref<8x1024xf32, #tpu.memory_space<vmem>>) target_semaphore(%arg6 : memref<!tpu.dma_semaphore, #tpu.memory_space<semaphore_mem>>)
    %add3A_14 = arith.constant 8 : i32
    %add3A_15 = arith.addi %mul3A_2, %add3A_14 : i32
    %dma_start3A_16 = arith.constant 8 : i32
    %dma_start3A_17 = arith.constant 0 : i32
    %dma_start3A_18 = tpu.memref_slice %arg4[%dma_start3A_16, %dma_start3A_17] : memref<32x1024xf32, #tpu.memory_space<vmem>> -> memref<8x1024xf32, #tpu.memory_space<vmem>>
    %dma_start3A_19 = arith.constant 0 : i32
    %dma_start3A_20 = tpu.memref_slice %arg2[%add3A_15, %dma_start3A_19] : memref<1024x1024xf32, #tpu.memory_space<hbm>> -> memref<8x1024xf32, #tpu.memory_space<hbm>>
    %dma_start3A_21 = arith.constant 8 : i32
    %dma_start3A_22 = arith.constant 0 : i32
    %dma_start3A_23 = tpu.memref_slice %arg4[%dma_start3A_21, %dma_start3A_22] : memref<32x1024xf32, #tpu.memory_space<vmem>> -> memref<8x1024xf32, #tpu.memory_space<vmem>>
    %dma_start3A_24 = arith.constant 0 : i32
    %dma_start3A_25 = tpu.memref_slice %arg2[%add3A_15, %dma_start3A_24] : memref<1024x1024xf32, #tpu.memory_space<hbm>> -> memref<8x1024xf32, #tpu.memory_space<hbm>>
    tpu.enqueue_dma source(%dma_start3A_25 : memref<8x1024xf32, #tpu.memory_space<hbm>>) target(%dma_start3A_23 : memref<8x1024xf32, #tpu.memory_space<vmem>>) target_semaphore(%arg7 : memref<!tpu.dma_semaphore, #tpu.memory_space<semaphore_mem>>)
    %add3A_26 = arith.constant 16 : i32
    %add3A_27 = arith.addi %mul3A_2, %add3A_26 : i32
    %dma_start3A_28 = arith.constant 16 : i32
    %dma_start3A_29 = arith.constant 0 : i32
    %dma_start3A_30 = tpu.memref_slice %arg4[%dma_start3A_28, %dma_start3A_29] : memref<32x1024xf32, #tpu.memory_space<vmem>> -> memref<8x1024xf32, #tpu.memory_space<vmem>>
    %dma_start3A_31 = arith.constant 0 : i32
    %dma_start3A_32 = tpu.memref_slice %arg2[%add3A_27, %dma_start3A_31] : memref<1024x1024xf32, #tpu.memory_space<hbm>> -> memref<8x1024xf32, #tpu.memory_space<hbm>>
    %dma_start3A_33 = arith.constant 16 : i32
    %dma_start3A_34 = arith.constant 0 : i32
    %dma_start3A_35 = tpu.memref_slice %arg4[%dma_start3A_33, %dma_start3A_34] : memref<32x1024xf32, #tpu.memory_space<vmem>> -> memref<8x1024xf32, #tpu.memory_space<vmem>>
    %dma_start3A_36 = arith.constant 0 : i32
    %dma_start3A_37 = tpu.memref_slice %arg2[%add3A_27, %dma_start3A_36] : memref<1024x1024xf32, #tpu.memory_space<hbm>> -> memref<8x1024xf32, #tpu.memory_space<hbm>>
    tpu.enqueue_dma source(%dma_start3A_37 : memref<8x1024xf32, #tpu.memory_space<hbm>>) target(%dma_start3A_35 : memref<8x1024xf32, #tpu.memory_space<vmem>>) target_semaphore(%arg8 : memref<!tpu.dma_semaphore, #tpu.memory_space<semaphore_mem>>)
    %add3A_38 = arith.constant 24 : i32
    %add3A_39 = arith.addi %mul3A_2, %add3A_38 : i32
    %dma_start3A_40 = arith.constant 24 : i32
    %dma_start3A_41 = arith.constant 0 : i32
    %dma_start3A_42 = tpu.memref_slice %arg4[%dma_start3A_40, %dma_start3A_41] : memref<32x1024xf32, #tpu.memory_space<vmem>> -> memref<8x1024xf32, #tpu.memory_space<vmem>>
    %dma_start3A_43 = arith.constant 0 : i32
    %dma_start3A_44 = tpu.memref_slice %arg2[%add3A_39, %dma_start3A_43] : memref<1024x1024xf32, #tpu.memory_space<hbm>> -> memref<8x1024xf32, #tpu.memory_space<hbm>>
    %dma_start3A_45 = arith.constant 24 : i32
    %dma_start3A_46 = arith.constant 0 : i32
    %dma_start3A_47 = tpu.memref_slice %arg4[%dma_start3A_45, %dma_start3A_46] : memref<32x1024xf32, #tpu.memory_space<vmem>> -> memref<8x1024xf32, #tpu.memory_space<vmem>>
    %dma_start3A_48 = arith.constant 0 : i32
    %dma_start3A_49 = tpu.memref_slice %arg2[%add3A_39, %dma_start3A_48] : memref<1024x1024xf32, #tpu.memory_space<hbm>> -> memref<8x1024xf32, #tpu.memory_space<hbm>>
    tpu.enqueue_dma source(%dma_start3A_49 : memref<8x1024xf32, #tpu.memory_space<hbm>>) target(%dma_start3A_47 : memref<8x1024xf32, #tpu.memory_space<vmem>>) target_semaphore(%arg9 : memref<!tpu.dma_semaphore, #tpu.memory_space<semaphore_mem>>)
    %dma_wait3A = arith.constant 0 : i32
    %dma_wait3A_50 = arith.constant 0 : i32
    %dma_wait3A_51 = tpu.memref_slice %arg4[%dma_wait3A, %dma_wait3A_50] : memref<32x1024xf32, #tpu.memory_space<vmem>> -> memref<8x1024xf32, #tpu.memory_space<vmem>>
    %dma_wait3A_52 = arith.constant 0 : i32
    %dma_wait3A_53 = tpu.memref_slice %arg2[%add3A_4, %dma_wait3A_52] : memref<1024x1024xf32, #tpu.memory_space<hbm>> -> memref<8x1024xf32, #tpu.memory_space<hbm>>
    %dma_wait3A_54 = arith.constant 0 : i32
    %dma_wait3A_55 = arith.constant 0 : i32
    %dma_wait3A_56 = tpu.memref_slice %arg4[%dma_wait3A_54, %dma_wait3A_55] : memref<32x1024xf32, #tpu.memory_space<vmem>> -> memref<8x1024xf32, #tpu.memory_space<vmem>>
    %dma_wait3A_57 = arith.constant 0 : i32
    %dma_wait3A_58 = tpu.memref_slice %arg2[%add3A_4, %dma_wait3A_57] : memref<1024x1024xf32, #tpu.memory_space<hbm>> -> memref<8x1024xf32, #tpu.memory_space<hbm>>
    tpu.wait_dma2 semaphore(%arg6 : memref<!tpu.dma_semaphore, #tpu.memory_space<semaphore_mem>>) src(%dma_wait3A_58 : memref<8x1024xf32, #tpu.memory_space<hbm>>) dst(%dma_wait3A_56 : memref<8x1024xf32, #tpu.memory_space<vmem>>)
    %get3A = arith.constant 0 : i32
    %get3A_59 = arith.index_cast %get3A : i32 to index
    %get3A_60 = arith.constant 0 : index
    %get3A_61 = tpu.vector_load %arg4[%get3A_59, %get3A_60] {strides = array<i32>} : memref<32x1024xf32, #tpu.memory_space<vmem>>, vector<16xf32>,
    %masked_sort3A = arith.constant dense<true> : vector<16xi1>
    %masked_sort3A_62, %masked_sort3A_63, %masked_sort3A_64 = tpu.sort %get3A_61, %get3A_61 masked %masked_sort3A : (vector<16xf32>, vector<16xf32>, vector<16xi1>) -> (vector<16xi1>, vector<16xf32>, vector<16xf32>)
    %get3A_65 = arith.constant 1 : i32
    %get3A_66 = arith.index_cast %get3A_65 : i32 to index
    %get3A_67 = arith.constant 0 : index
    %get3A_68 = tpu.vector_load %arg4[%get3A_66, %get3A_67] {strides = array<i32>} : memref<32x1024xf32, #tpu.memory_space<vmem>>, vector<16xf32>,
    %masked_sort3A_69 = arith.constant dense<true> : vector<16xi1>
    %masked_sort3A_70, %masked_sort3A_71, %masked_sort3A_72 = tpu.sort %get3A_68, %get3A_68 masked %masked_sort3A_69 : (vector<16xf32>, vector<16xf32>, vector<16xi1>) -> (vector<16xi1>, vector<16xf32>, vector<16xf32>)
    %get3A_73 = arith.constant 2 : i32
    %get3A_74 = arith.index_cast %get3A_73 : i32 to index
    %get3A_75 = arith.constant 0 : index
    %get3A_76 = tpu.vector_load %arg4[%get3A_74, %get3A_75] {strides = array<i32>} : memref<32x1024xf32, #tpu.memory_space<vmem>>, vector<16xf32>,
    %masked_sort3A_77 = arith.constant dense<true> : vector<16xi1>
    %masked_sort3A_78, %masked_sort3A_79, %masked_sort3A_80 = tpu.sort %get3A_76, %get3A_76 masked %masked_sort3A_77 : (vector<16xf32>, vector<16xf32>, vector<16xi1>) -> (vector<16xi1>, vector<16xf32>, vector<16xf32>)
    %get3A_81 = arith.constant 3 : i32
    %get3A_82 = arith.index_cast %get3A_81 : i32 to index
    %get3A_83 = arith.constant 0 : index
    %get3A_84 = tpu.vector_load %arg4[%get3A_82, %get3A_83] {strides = array<i32>} : memref<32x1024xf32, #tpu.memory_space<vmem>>, vector<16xf32>,
    %masked_sort3A_85 = arith.constant dense<true> : vector<16xi1>
    %masked_sort3A_86, %masked_sort3A_87, %masked_sort3A_88 = tpu.sort %get3A_84, %get3A_84 masked %masked_sort3A_85 : (vector<16xf32>, vector<16xf32>, vector<16xi1>) -> (vector<16xi1>, vector<16xf32>, vector<16xf32>)
    %get3A_89 = arith.constant 4 : i32
    %get3A_90 = arith.index_cast %get3A_89 : i32 to index
    %get3A_91 = arith.constant 0 : index
    %get3A_92 = tpu.vector_load %arg4[%get3A_90, %get3A_91] {strides = array<i32>} : memref<32x1024xf32, #tpu.memory_space<vmem>>, vector<16xf32>,
    %masked_sort3A_93 = arith.constant dense<true> : vector<16xi1>
    %masked_sort3A_94, %masked_sort3A_95, %masked_sort3A_96 = tpu.sort %get3A_92, %get3A_92 masked %masked_sort3A_93 : (vector<16xf32>, vector<16xf32>, vector<16xi1>) -> (vector<16xi1>, vector<16xf32>, vector<16xf32>)
    %get3A_97 = arith.constant 5 : i32
    %get3A_98 = arith.index_cast %get3A_97 : i32 to index
    %get3A_99 = arith.constant 0 : index
    %get3A_100 = tpu.vector_load %arg4[%get3A_98, %get3A_99] {strides = array<i32>} : memref<32x1024xf32, #tpu.memory_space<vmem>>, vector<16xf32>,
    %masked_sort3A_101 = arith.constant dense<true> : vector<16xi1>
    %masked_sort3A_102, %masked_sort3A_103, %masked_sort3A_104 = tpu.sort %get3A_100, %get3A_100 masked %masked_sort3A_101 : (vector<16xf32>, vector<16xf32>, vector<16xi1>) -> (vector<16xi1>, vector<16xf32>, vector<16xf32>)
    %get3A_105 = arith.constant 6 : i32
    %get3A_106 = arith.index_cast %get3A_105 : i32 to index
    %get3A_107 = arith.constant 0 : index
    %get3A_108 = tpu.vector_load %arg4[%get3A_106, %get3A_107] {strides = array<i32>} : memref<32x1024xf32, #tpu.memory_space<vmem>>, vector<16xf32>,
    %masked_sort3A_109 = arith.constant dense<true> : vector<16xi1>
    %masked_sort3A_110, %masked_sort3A_111, %masked_sort3A_112 = tpu.sort %get3A_108, %get3A_108 masked %masked_sort3A_109 : (vector<16xf32>, vector<16xf32>, vector<16xi1>) -> (vector<16xi1>, vector<16xf32>, vector<16xf32>)
    %get3A_113 = arith.constant 7 : i32
    %get3A_114 = arith.index_cast %get3A_113 : i32 to index
    %get3A_115 = arith.constant 0 : index
    %get3A_116 = tpu.vector_load %arg4[%get3A_114, %get3A_115] {strides = array<i32>} : memref<32x1024xf32, #tpu.memory_space<vmem>>, vector<16xf32>,
    %masked_sort3A_117 = arith.constant dense<true> : vector<16xi1>
    %masked_sort3A_118, %masked_sort3A_119, %masked_sort3A_120 = tpu.sort %get3A_116, %get3A_116 masked %masked_sort3A_117 : (vector<16xf32>, vector<16xf32>, vector<16xi1>) -> (vector<16xi1>, vector<16xf32>, vector<16xf32>)
    %scan3A = arith.constant 1 : i32
    %scan3A_121 = arith.constant 63 : i32
    %scan3A_122 = arith.addi %scan3A, %scan3A_121 : i32
    %scan3A_123 = arith.constant 1 : i32
    %scan3A_124:8 = scf.for %scan3A_2409 = %scan3A to %scan3A_122 step %scan3A_123 iter_args(%scan3A_2410 = %masked_sort3A_63, %scan3A_2411 = %masked_sort3A_71, %scan3A_2412 = %masked_sort3A_79, %scan3A_2413 = %masked_sort3A_87, %scan3A_2414 = %masked_sort3A_95, %scan3A_2415 = %masked_sort3A_103, %scan3A_2416 = %masked_sort3A_111, %scan3A_2417 = %masked_sort3A_119) -> (vector<16xf32>, vector<16xf32>, vector<16xf32>, vector<16xf32>, vector<16xf32>, vector<16xf32>, vector<16xf32>, vector<16xf32>)  : i32 {
      %mul3A_2418 = arith.constant 16 : i32
      %mul3A_2419 = arith.muli %scan3A_2409, %mul3A_2418 : i32
      %get3A_2420 = arith.constant 0 : i32
      %get3A_2421 = arith.index_cast %get3A_2420 : i32 to index
      %get3A_2422 = arith.index_cast %mul3A_2419 : i32 to index
      %get3A_2423 = tpu.vector_load %arg4[%get3A_2421, %get3A_2422] {strides = array<i32>} : memref<32x1024xf32, #tpu.memory_space<vmem>>, vector<16xf32>,
      %masked_sort3A_2424 = arith.constant dense<true> : vector<16xi1>
      %masked_sort3A_2425, %masked_sort3A_2426, %masked_sort3A_2427 = tpu.sort %get3A_2423, %get3A_2423 masked %masked_sort3A_2424 {descending = true} : (vector<16xf32>, vector<16xf32>, vector<16xi1>) -> (vector<16xi1>, vector<16xf32>, vector<16xf32>)
      %min3A = arith.minimumf %scan3A_2410, %masked_sort3A_2426 : vector<16xf32>
      %masked_sort3A_2428 = arith.constant dense<true> : vector<16xi1>
      %masked_sort3A_2429, %masked_sort3A_2430, %masked_sort3A_2431 = tpu.sort %min3A, %min3A masked %masked_sort3A_2428 : (vector<16xf32>, vector<16xf32>, vector<16xi1>) -> (vector<16xi1>, vector<16xf32>, vector<16xf32>)
      %mul3A_2432 = arith.constant 16 : i32
      %mul3A_2433 = arith.muli %scan3A_2409, %mul3A_2432 : i32
      %get3A_2434 = arith.constant 1 : i32
      %get3A_2435 = arith.index_cast %get3A_2434 : i32 to index
      %get3A_2436 = arith.index_cast %mul3A_2433 : i32 to index
      %get3A_2437 = tpu.vector_load %arg4[%get3A_2435, %get3A_2436] {strides = array<i32>} : memref<32x1024xf32, #tpu.memory_space<vmem>>, vector<16xf32>,
      %masked_sort3A_2438 = arith.constant dense<true> : vector<16xi1>
      %masked_sort3A_2439, %masked_sort3A_2440, %masked_sort3A_2441 = tpu.sort %get3A_2437, %get3A_2437 masked %masked_sort3A_2438 {descending = true} : (vector<16xf32>, vector<16xf32>, vector<16xi1>) -> (vector<16xi1>, vector<16xf32>, vector<16xf32>)
      %min3A_2442 = arith.minimumf %scan3A_2411, %masked_sort3A_2440 : vector<16xf32>
      %masked_sort3A_2443 = arith.constant dense<true> : vector<16xi1>
      %masked_sort3A_2444, %masked_sort3A_2445, %masked_sort3A_2446 = tpu.sort %min3A_2442, %min3A_2442 masked %masked_sort3A_2443 : (vector<16xf32>, vector<16xf32>, vector<16xi1>) -> (vector<16xi1>, vector<16xf32>, vector<16xf32>)
      %mul3A_2447 = arith.constant 16 : i32
      %mul3A_2448 = arith.muli %scan3A_2409, %mul3A_2447 : i32
      %get3A_2449 = arith.constant 2 : i32
      %get3A_2450 = arith.index_cast %get3A_2449 : i32 to index
      %get3A_2451 = arith.index_cast %mul3A_2448 : i32 to index
      %get3A_2452 = tpu.vector_load %arg4[%get3A_2450, %get3A_2451] {strides = array<i32>} : memref<32x1024xf32, #tpu.memory_space<vmem>>, vector<16xf32>,
      %masked_sort3A_2453 = arith.constant dense<true> : vector<16xi1>
      %masked_sort3A_2454, %masked_sort3A_2455, %masked_sort3A_2456 = tpu.sort %get3A_2452, %get3A_2452 masked %masked_sort3A_2453 {descending = true} : (vector<16xf32>, vector<16xf32>, vector<16xi1>) -> (vector<16xi1>, vector<16xf32>, vector<16xf32>)
      %min3A_2457 = arith.minimumf %scan3A_2412, %masked_sort3A_2455 : vector<16xf32>
      %masked_sort3A_2458 = arith.constant dense<true> : vector<16xi1>
      %masked_sort3A_2459, %masked_sort3A_2460, %masked_sort3A_2461 = tpu.sort %min3A_2457, %min3A_2457 masked %masked_sort3A_2458 : (vector<16xf32>, vector<16xf32>, vector<16xi1>) -> (vector<16xi1>, vector<16xf32>, vector<16xf32>)
      %mul3A_2462 = arith.constant 16 : i32
      %mul3A_2463 = arith.muli %scan3A_2409, %mul3A_2462 : i32
      %get3A_2464 = arith.constant 3 : i32
      %get3A_2465 = arith.index_cast %get3A_2464 : i32 to index
      %get3A_2466 = arith.index_cast %mul3A_2463 : i32 to index
      %get3A_2467 = tpu.vector_load %arg4[%get3A_2465, %get3A_2466] {strides = array<i32>} : memref<32x1024xf32, #tpu.memory_space<vmem>>, vector<16xf32>,
      %masked_sort3A_2468 = arith.constant dense<true> : vector<16xi1>
      %masked_sort3A_2469, %masked_sort3A_2470, %masked_sort3A_2471 = tpu.sort %get3A_2467, %get3A_2467 masked %masked_sort3A_2468 {descending = true} : (vector<16xf32>, vector<16xf32>, vector<16xi1>) -> (vector<16xi1>, vector<16xf32>, vector<16xf32>)
      %min3A_2472 = arith.minimumf %scan3A_2413, %masked_sort3A_2470 : vector<16xf32>
      %masked_sort3A_2473 = arith.constant dense<true> : vector<16xi1>
      %masked_sort3A_2474, %masked_sort3A_2475, %masked_sort3A_2476 = tpu.sort %min3A_2472, %min3A_2472 masked %masked_sort3A_2473 : (vector<16xf32>, vector<16xf32>, vector<16xi1>) -> (vector<16xi1>, vector<16xf32>, vector<16xf32>)
      %mul3A_2477 = arith.constant 16 : i32
      %mul3A_2478 = arith.muli %scan3A_2409, %mul3A_2477 : i32
      %get3A_2479 = arith.constant 4 : i32
      %get3A_2480 = arith.index_cast %get3A_2479 : i32 to index
      %get3A_2481 = arith.index_cast %mul3A_2478 : i32 to index
      %get3A_2482 = tpu.vector_load %arg4[%get3A_2480, %get3A_2481] {strides = array<i32>} : memref<32x1024xf32, #tpu.memory_space<vmem>>, vector<16xf32>,
      %masked_sort3A_2483 = arith.constant dense<true> : vector<16xi1>
      %masked_sort3A_2484, %masked_sort3A_2485, %masked_sort3A_2486 = tpu.sort %get3A_2482, %get3A_2482 masked %masked_sort3A_2483 {descending = true} : (vector<16xf32>, vector<16xf32>, vector<16xi1>) -> (vector<16xi1>, vector<16xf32>, vector<16xf32>)
      %min3A_2487 = arith.minimumf %scan3A_2414, %masked_sort3A_2485 : vector<16xf32>
      %masked_sort3A_2488 = arith.constant dense<true> : vector<16xi1>
      %masked_sort3A_2489, %masked_sort3A_2490, %masked_sort3A_2491 = tpu.sort %min3A_2487, %min3A_2487 masked %masked_sort3A_2488 : (vector<16xf32>, vector<16xf32>, vector<16xi1>) -> (vector<16xi1>, vector<16xf32>, vector<16xf32>)
      %mul3A_2492 = arith.constant 16 : i32
      %mul3A_2493 = arith.muli %scan3A_2409, %mul3A_2492 : i32
      %get3A_2494 = arith.constant 5 : i32
      %get3A_2495 = arith.index_cast %get3A_2494 : i32 to index
      %get3A_2496 = arith.index_cast %mul3A_2493 : i32 to index
      %get3A_2497 = tpu.vector_load %arg4[%get3A_2495, %get3A_2496] {strides = array<i32>} : memref<32x1024xf32, #tpu.memory_space<vmem>>, vector<16xf32>,
      %masked_sort3A_2498 = arith.constant dense<true> : vector<16xi1>
      %masked_sort3A_2499, %masked_sort3A_2500, %masked_sort3A_2501 = tpu.sort %get3A_2497, %get3A_2497 masked %masked_sort3A_2498 {descending = true} : (vector<16xf32>, vector<16xf32>, vector<16xi1>) -> (vector<16xi1>, vector<16xf32>, vector<16xf32>)
      %min3A_2502 = arith.minimumf %scan3A_2415, %masked_sort3A_2500 : vector<16xf32>
      %masked_sort3A_2503 = arith.constant dense<true> : vector<16xi1>
      %masked_sort3A_2504, %masked_sort3A_2505, %masked_sort3A_2506 = tpu.sort %min3A_2502, %min3A_2502 masked %masked_sort3A_2503 : (vector<16xf32>, vector<16xf32>, vector<16xi1>) -> (vector<16xi1>, vector<16xf32>, vector<16xf32>)
      %mul3A_2507 = arith.constant 16 : i32
      %mul3A_2508 = arith.muli %scan3A_2409, %mul3A_2507 : i32
      %get3A_2509 = arith.constant 6 : i32
      %get3A_2510 = arith.index_cast %get3A_2509 : i32 to index
      %get3A_2511 = arith.index_cast %mul3A_2508 : i32 to index
      %get3A_2512 = tpu.vector_load %arg4[%get3A_2510, %get3A_2511] {strides = array<i32>} : memref<32x1024xf32, #tpu.memory_space<vmem>>, vector<16xf32>,
      %masked_sort3A_2513 = arith.constant dense<true> : vector<16xi1>
      %masked_sort3A_2514, %masked_sort3A_2515, %masked_sort3A_2516 = tpu.sort %get3A_2512, %get3A_2512 masked %masked_sort3A_2513 {descending = true} : (vector<16xf32>, vector<16xf32>, vector<16xi1>) -> (vector<16xi1>, vector<16xf32>, vector<16xf32>)
      %min3A_2517 = arith.minimumf %scan3A_2416, %masked_sort3A_2515 : vector<16xf32>
      %masked_sort3A_2518 = arith.constant dense<true> : vector<16xi1>
      %masked_sort3A_2519, %masked_sort3A_2520, %masked_sort3A_2521 = tpu.sort %min3A_2517, %min3A_2517 masked %masked_sort3A_2518 : (vector<16xf32>, vector<16xf32>, vector<16xi1>) -> (vector<16xi1>, vector<16xf32>, vector<16xf32>)
      %mul3A_2522 = arith.constant 16 : i32
      %mul3A_2523 = arith.muli %scan3A_2409, %mul3A_2522 : i32
      %get3A_2524 = arith.constant 7 : i32
      %get3A_2525 = arith.index_cast %get3A_2524 : i32 to index
      %get3A_2526 = arith.index_cast %mul3A_2523 : i32 to index
      %get3A_2527 = tpu.vector_load %arg4[%get3A_2525, %get3A_2526] {strides = array<i32>} : memref<32x1024xf32, #tpu.memory_space<vmem>>, vector<16xf32>,
      %masked_sort3A_2528 = arith.constant dense<true> : vector<16xi1>
      %masked_sort3A_2529, %masked_sort3A_2530, %masked_sort3A_2531 = tpu.sort %get3A_2527, %get3A_2527 masked %masked_sort3A_2528 {descending = true} : (vector<16xf32>, vector<16xf32>, vector<16xi1>) -> (vector<16xi1>, vector<16xf32>, vector<16xf32>)
      %min3A_2532 = arith.minimumf %scan3A_2417, %masked_sort3A_2530 : vector<16xf32>
      %masked_sort3A_2533 = arith.constant dense<true> : vector<16xi1>
      %masked_sort3A_2534, %masked_sort3A_2535, %masked_sort3A_2536 = tpu.sort %min3A_2532, %min3A_2532 masked %masked_sort3A_2533 : (vector<16xf32>, vector<16xf32>, vector<16xi1>) -> (vector<16xi1>, vector<16xf32>, vector<16xf32>)
      scf.yield %masked_sort3A_2430, %masked_sort3A_2445, %masked_sort3A_2460, %masked_sort3A_2475, %masked_sort3A_2490, %masked_sort3A_2505, %masked_sort3A_2520, %masked_sort3A_2535 : vector<16xf32>, vector<16xf32>, vector<16xf32>, vector<16xf32>, vector<16xf32>, vector<16xf32>, vector<16xf32>, vector<16xf32>
    }
    %scan3A_125 = arith.constant 63 : i32
    %add3A_126 = arith.constant 0 : i32
    %add3A_127 = arith.addi %mul3A_2, %add3A_126 : i32
    %get3A_128 = arith.constant 0 : i32
    %get3A_129 = arith.index_cast %get3A_128 : i32 to index
    %get3A_130 = arith.index_cast %add3A_127 : i32 to index
    %get3A_131 = tpu.vector_load %arg4[%get3A_129, %get3A_130] {strides = array<i32>} : memref<32x1024xf32, #tpu.memory_space<vmem>>, vector<16xf32>,
    %slice3A = vector.extract_strided_slice %get3A_131 {offsets = [0], sizes = [1], strides = [1]} : vector<16xf32> to vector<1xf32>
    %squeeze3A = vector.extract %slice3A[0] : f32 from vector<1xf32>
    %sub3A = vector.broadcast %squeeze3A : f32 to vector<16xf32>
    %sub3A_132 = arith.subf %scan3A_124#0, %sub3A : vector<16xf32>
    %max3A = arith.constant 9.99999996E-13 : f32
    %max3A_133 = vector.broadcast %max3A : f32 to vector<16xf32>
    %max3A_134 = arith.maximumf %sub3A_132, %max3A_133 : vector<16xf32>
    %bitcast_convert_type3A = tpu.bitcast %max3A_134 : vector<16xf32> -> vector<16xi32>
    %shift_right_arithmetic3A = arith.constant 1 : i32
    %shift_right_arithmetic3A_135 = vector.broadcast %shift_right_arithmetic3A : i32 to vector<16xi32>
    %shift_right_arithmetic3A_136 = arith.shrsi %bitcast_convert_type3A, %shift_right_arithmetic3A_135 : vector<16xi32>
    %sub3A_137 = arith.constant 1597463007 : i32
    %sub3A_138 = vector.broadcast %sub3A_137 : i32 to vector<16xi32>
    %sub3A_139 = arith.subi %sub3A_138, %shift_right_arithmetic3A_136 : vector<16xi32>
    %bitcast_convert_type3A_140 = tpu.bitcast %sub3A_139 : vector<16xi32> -> vector<16xf32>
    %mul3A_141 = arith.constant 5.000000e-01 : f32
    %mul3A_142 = vector.broadcast %mul3A_141 : f32 to vector<16xf32>
    %mul3A_143 = arith.mulf %mul3A_142, %max3A_134 : vector<16xf32>
    %mul3A_144 = arith.mulf %mul3A_143, %bitcast_convert_type3A_140 : vector<16xf32>
    %mul3A_145 = arith.mulf %mul3A_144, %bitcast_convert_type3A_140 : vector<16xf32>
    %sub3A_146 = arith.constant 1.500000e+00 : f32
    %sub3A_147 = vector.broadcast %sub3A_146 : f32 to vector<16xf32>
    %sub3A_148 = arith.subf %sub3A_147, %mul3A_145 : vector<16xf32>
    %mul3A_149 = arith.mulf %bitcast_convert_type3A_140, %sub3A_148 : vector<16xf32>
    %mul3A_150 = arith.constant 5.000000e-01 : f32
    %mul3A_151 = vector.broadcast %mul3A_150 : f32 to vector<16xf32>
    %mul3A_152 = arith.mulf %mul3A_151, %max3A_134 : vector<16xf32>
    %mul3A_153 = arith.mulf %mul3A_152, %mul3A_149 : vector<16xf32>
    %mul3A_154 = arith.mulf %mul3A_153, %mul3A_149 : vector<16xf32>
    %sub3A_155 = arith.constant 1.500000e+00 : f32
    %sub3A_156 = vector.broadcast %sub3A_155 : f32 to vector<16xf32>
    %sub3A_157 = arith.subf %sub3A_156, %mul3A_154 : vector<16xf32>
    %mul3A_158 = arith.mulf %mul3A_149, %sub3A_157 : vector<16xf32>
    %mul3A_159 = arith.constant 5.000000e-01 : f32
    %mul3A_160 = vector.broadcast %mul3A_159 : f32 to vector<16xf32>
    %mul3A_161 = arith.mulf %mul3A_160, %max3A_134 : vector<16xf32>
    %mul3A_162 = arith.mulf %mul3A_161, %mul3A_158 : vector<16xf32>
    %mul3A_163 = arith.mulf %mul3A_162, %mul3A_158 : vector<16xf32>
    %sub3A_164 = arith.constant 1.500000e+00 : f32
    %sub3A_165 = vector.broadcast %sub3A_164 : f32 to vector<16xf32>
    %sub3A_166 = arith.subf %sub3A_165, %mul3A_163 : vector<16xf32>
    %mul3A_167 = arith.mulf %mul3A_158, %sub3A_166 : vector<16xf32>
    %le3A = arith.constant 0.000000e+00 : f32
    %le3A_168 = vector.broadcast %le3A : f32 to vector<16xf32>
    %le3A_169 = arith.cmpf ole, %sub3A_132, %le3A_168 : vector<16xf32>
    %mul3A_170 = arith.mulf %max3A_134, %mul3A_167 : vector<16xf32>
    %jit3A = arith.constant 0.000000e+00 : f32
    %broadcast_in_dim3A = vector.broadcast %jit3A : f32 to vector<16xf32>
    %select_n3A = arith.select %le3A_169, %broadcast_in_dim3A, %mul3A_170 : vector<16xi1>, vector<16xf32>
    %reduce_sum3A = arith.constant true
    %reduce_sum3A_171 = vector.broadcast %reduce_sum3A : i1 to vector<16xi1>
    %reduce_sum3A_172 = tpu.scan <sum>, %select_n3A masked %reduce_sum3A_171 : vector<16xf32>, vector<16xi1> -> vector<16xf32>
    %reduce_sum3A_173 = vector.extract %reduce_sum3A_172[15] : f32 from vector<16xf32>
    %add3A_174 = arith.constant 0 : i32
    %add3A_175 = arith.addi %mul3A_2, %add3A_174 : i32
    %get3A_176 = arith.constant 1 : i32
    %get3A_177 = arith.index_cast %get3A_176 : i32 to index
    %get3A_178 = arith.index_cast %add3A_175 : i32 to index
    %get3A_179 = tpu.vector_load %arg4[%get3A_177, %get3A_178] {strides = array<i32>} : memref<32x1024xf32, #tpu.memory_space<vmem>>, vector<16xf32>,
    %slice3A_180 = vector.extract_strided_slice %get3A_179 {offsets = [1], sizes = [1], strides = [1]} : vector<16xf32> to vector<1xf32>
    %squeeze3A_181 = vector.extract %slice3A_180[0] : f32 from vector<1xf32>
    %sub3A_182 = vector.broadcast %squeeze3A_181 : f32 to vector<16xf32>
    %sub3A_183 = arith.subf %scan3A_124#1, %sub3A_182 : vector<16xf32>
    %max3A_184 = arith.constant 9.99999996E-13 : f32
    %max3A_185 = vector.broadcast %max3A_184 : f32 to vector<16xf32>
    %max3A_186 = arith.maximumf %sub3A_183, %max3A_185 : vector<16xf32>
    %bitcast_convert_type3A_187 = tpu.bitcast %max3A_186 : vector<16xf32> -> vector<16xi32>
    %shift_right_arithmetic3A_188 = arith.constant 1 : i32
    %shift_right_arithmetic3A_189 = vector.broadcast %shift_right_arithmetic3A_188 : i32 to vector<16xi32>
    %shift_right_arithmetic3A_190 = arith.shrsi %bitcast_convert_type3A_187, %shift_right_arithmetic3A_189 : vector<16xi32>
    %sub3A_191 = arith.constant 1597463007 : i32
    %sub3A_192 = vector.broadcast %sub3A_191 : i32 to vector<16xi32>
    %sub3A_193 = arith.subi %sub3A_192, %shift_right_arithmetic3A_190 : vector<16xi32>
    %bitcast_convert_type3A_194 = tpu.bitcast %sub3A_193 : vector<16xi32> -> vector<16xf32>
    %mul3A_195 = arith.constant 5.000000e-01 : f32
    %mul3A_196 = vector.broadcast %mul3A_195 : f32 to vector<16xf32>
    %mul3A_197 = arith.mulf %mul3A_196, %max3A_186 : vector<16xf32>
    %mul3A_198 = arith.mulf %mul3A_197, %bitcast_convert_type3A_194 : vector<16xf32>
    %mul3A_199 = arith.mulf %mul3A_198, %bitcast_convert_type3A_194 : vector<16xf32>
    %sub3A_200 = arith.constant 1.500000e+00 : f32
    %sub3A_201 = vector.broadcast %sub3A_200 : f32 to vector<16xf32>
    %sub3A_202 = arith.subf %sub3A_201, %mul3A_199 : vector<16xf32>
    %mul3A_203 = arith.mulf %bitcast_convert_type3A_194, %sub3A_202 : vector<16xf32>
    %mul3A_204 = arith.constant 5.000000e-01 : f32
    %mul3A_205 = vector.broadcast %mul3A_204 : f32 to vector<16xf32>
    %mul3A_206 = arith.mulf %mul3A_205, %max3A_186 : vector<16xf32>
    %mul3A_207 = arith.mulf %mul3A_206, %mul3A_203 : vector<16xf32>
    %mul3A_208 = arith.mulf %mul3A_207, %mul3A_203 : vector<16xf32>
    %sub3A_209 = arith.constant 1.500000e+00 : f32
    %sub3A_210 = vector.broadcast %sub3A_209 : f32 to vector<16xf32>
    %sub3A_211 = arith.subf %sub3A_210, %mul3A_208 : vector<16xf32>
    %mul3A_212 = arith.mulf %mul3A_203, %sub3A_211 : vector<16xf32>
    %mul3A_213 = arith.constant 5.000000e-01 : f32
    %mul3A_214 = vector.broadcast %mul3A_213 : f32 to vector<16xf32>
    %mul3A_215 = arith.mulf %mul3A_214, %max3A_186 : vector<16xf32>
    %mul3A_216 = arith.mulf %mul3A_215, %mul3A_212 : vector<16xf32>
    %mul3A_217 = arith.mulf %mul3A_216, %mul3A_212 : vector<16xf32>
    %sub3A_218 = arith.constant 1.500000e+00 : f32
    %sub3A_219 = vector.broadcast %sub3A_218 : f32 to vector<16xf32>
    %sub3A_220 = arith.subf %sub3A_219, %mul3A_217 : vector<16xf32>
    %mul3A_221 = arith.mulf %mul3A_212, %sub3A_220 : vector<16xf32>
    %le3A_222 = arith.constant 0.000000e+00 : f32
    %le3A_223 = vector.broadcast %le3A_222 : f32 to vector<16xf32>
    %le3A_224 = arith.cmpf ole, %sub3A_183, %le3A_223 : vector<16xf32>
    %mul3A_225 = arith.mulf %max3A_186, %mul3A_221 : vector<16xf32>
    %jit3A_226 = arith.constant 0.000000e+00 : f32
    %broadcast_in_dim3A_227 = vector.broadcast %jit3A_226 : f32 to vector<16xf32>
    %select_n3A_228 = arith.select %le3A_224, %broadcast_in_dim3A_227, %mul3A_225 : vector<16xi1>, vector<16xf32>
    %reduce_sum3A_229 = arith.constant true
    %reduce_sum3A_230 = vector.broadcast %reduce_sum3A_229 : i1 to vector<16xi1>
    %reduce_sum3A_231 = tpu.scan <sum>, %select_n3A_228 masked %reduce_sum3A_230 : vector<16xf32>, vector<16xi1> -> vector<16xf32>
    %reduce_sum3A_232 = vector.extract %reduce_sum3A_231[15] : f32 from vector<16xf32>
    %add3A_233 = arith.constant 0 : i32
    %add3A_234 = arith.addi %mul3A_2, %add3A_233 : i32
    %get3A_235 = arith.constant 2 : i32
    %get3A_236 = arith.index_cast %get3A_235 : i32 to index
    %get3A_237 = arith.index_cast %add3A_234 : i32 to index
    %get3A_238 = tpu.vector_load %arg4[%get3A_236, %get3A_237] {strides = array<i32>} : memref<32x1024xf32, #tpu.memory_space<vmem>>, vector<16xf32>,
    %slice3A_239 = vector.extract_strided_slice %get3A_238 {offsets = [2], sizes = [1], strides = [1]} : vector<16xf32> to vector<1xf32>
    %squeeze3A_240 = vector.extract %slice3A_239[0] : f32 from vector<1xf32>
    %sub3A_241 = vector.broadcast %squeeze3A_240 : f32 to vector<16xf32>
    %sub3A_242 = arith.subf %scan3A_124#2, %sub3A_241 : vector<16xf32>
    %max3A_243 = arith.constant 9.99999996E-13 : f32
    %max3A_244 = vector.broadcast %max3A_243 : f32 to vector<16xf32>
    %max3A_245 = arith.maximumf %sub3A_242, %max3A_244 : vector<16xf32>
    %bitcast_convert_type3A_246 = tpu.bitcast %max3A_245 : vector<16xf32> -> vector<16xi32>
    %shift_right_arithmetic3A_247 = arith.constant 1 : i32
    %shift_right_arithmetic3A_248 = vector.broadcast %shift_right_arithmetic3A_247 : i32 to vector<16xi32>
    %shift_right_arithmetic3A_249 = arith.shrsi %bitcast_convert_type3A_246, %shift_right_arithmetic3A_248 : vector<16xi32>
    %sub3A_250 = arith.constant 1597463007 : i32
    %sub3A_251 = vector.broadcast %sub3A_250 : i32 to vector<16xi32>
    %sub3A_252 = arith.subi %sub3A_251, %shift_right_arithmetic3A_249 : vector<16xi32>
    %bitcast_convert_type3A_253 = tpu.bitcast %sub3A_252 : vector<16xi32> -> vector<16xf32>
    %mul3A_254 = arith.constant 5.000000e-01 : f32
    %mul3A_255 = vector.broadcast %mul3A_254 : f32 to vector<16xf32>
    %mul3A_256 = arith.mulf %mul3A_255, %max3A_245 : vector<16xf32>
    %mul3A_257 = arith.mulf %mul3A_256, %bitcast_convert_type3A_253 : vector<16xf32>
    %mul3A_258 = arith.mulf %mul3A_257, %bitcast_convert_type3A_253 : vector<16xf32>
    %sub3A_259 = arith.constant 1.500000e+00 : f32
    %sub3A_260 = vector.broadcast %sub3A_259 : f32 to vector<16xf32>
    %sub3A_261 = arith.subf %sub3A_260, %mul3A_258 : vector<16xf32>
    %mul3A_262 = arith.mulf %bitcast_convert_type3A_253, %sub3A_261 : vector<16xf32>
    %mul3A_263 = arith.constant 5.000000e-01 : f32
    %mul3A_264 = vector.broadcast %mul3A_263 : f32 to vector<16xf32>
    %mul3A_265 = arith.mulf %mul3A_264, %max3A_245 : vector<16xf32>
    %mul3A_266 = arith.mulf %mul3A_265, %mul3A_262 : vector<16xf32>
    %mul3A_267 = arith.mulf %mul3A_266, %mul3A_262 : vector<16xf32>
    %sub3A_268 = arith.constant 1.500000e+00 : f32
    %sub3A_269 = vector.broadcast %sub3A_268 : f32 to vector<16xf32>
    %sub3A_270 = arith.subf %sub3A_269, %mul3A_267 : vector<16xf32>
    %mul3A_271 = arith.mulf %mul3A_262, %sub3A_270 : vector<16xf32>
    %mul3A_272 = arith.constant 5.000000e-01 : f32
    %mul3A_273 = vector.broadcast %mul3A_272 : f32 to vector<16xf32>
    %mul3A_274 = arith.mulf %mul3A_273, %max3A_245 : vector<16xf32>
    %mul3A_275 = arith.mulf %mul3A_274, %mul3A_271 : vector<16xf32>
    %mul3A_276 = arith.mulf %mul3A_275, %mul3A_271 : vector<16xf32>
    %sub3A_277 = arith.constant 1.500000e+00 : f32
    %sub3A_278 = vector.broadcast %sub3A_277 : f32 to vector<16xf32>
    %sub3A_279 = arith.subf %sub3A_278, %mul3A_276 : vector<16xf32>
    %mul3A_280 = arith.mulf %mul3A_271, %sub3A_279 : vector<16xf32>
    %le3A_281 = arith.constant 0.000000e+00 : f32
    %le3A_282 = vector.broadcast %le3A_281 : f32 to vector<16xf32>
    %le3A_283 = arith.cmpf ole, %sub3A_242, %le3A_282 : vector<16xf32>
    %mul3A_284 = arith.mulf %max3A_245, %mul3A_280 : vector<16xf32>
    %jit3A_285 = arith.constant 0.000000e+00 : f32
    %broadcast_in_dim3A_286 = vector.broadcast %jit3A_285 : f32 to vector<16xf32>
    %select_n3A_287 = arith.select %le3A_283, %broadcast_in_dim3A_286, %mul3A_284 : vector<16xi1>, vector<16xf32>
    %reduce_sum3A_288 = arith.constant true
    %reduce_sum3A_289 = vector.broadcast %reduce_sum3A_288 : i1 to vector<16xi1>
    %reduce_sum3A_290 = tpu.scan <sum>, %select_n3A_287 masked %reduce_sum3A_289 : vector<16xf32>, vector<16xi1> -> vector<16xf32>
    %reduce_sum3A_291 = vector.extract %reduce_sum3A_290[15] : f32 from vector<16xf32>
    %add3A_292 = arith.constant 0 : i32
    %add3A_293 = arith.addi %mul3A_2, %add3A_292 : i32
    %get3A_294 = arith.constant 3 : i32
    %get3A_295 = arith.index_cast %get3A_294 : i32 to index
    %get3A_296 = arith.index_cast %add3A_293 : i32 to index
    %get3A_297 = tpu.vector_load %arg4[%get3A_295, %get3A_296] {strides = array<i32>} : memref<32x1024xf32, #tpu.memory_space<vmem>>, vector<16xf32>,
    %slice3A_298 = vector.extract_strided_slice %get3A_297 {offsets = [3], sizes = [1], strides = [1]} : vector<16xf32> to vector<1xf32>
    %squeeze3A_299 = vector.extract %slice3A_298[0] : f32 from vector<1xf32>
    %sub3A_300 = vector.broadcast %squeeze3A_299 : f32 to vector<16xf32>
    %sub3A_301 = arith.subf %scan3A_124#3, %sub3A_300 : vector<16xf32>
    %max3A_302 = arith.constant 9.99999996E-13 : f32
    %max3A_303 = vector.broadcast %max3A_302 : f32 to vector<16xf32>
    %max3A_304 = arith.maximumf %sub3A_301, %max3A_303 : vector<16xf32>
    %bitcast_convert_type3A_305 = tpu.bitcast %max3A_304 : vector<16xf32> -> vector<16xi32>
    %shift_right_arithmetic3A_306 = arith.constant 1 : i32
    %shift_right_arithmetic3A_307 = vector.broadcast %shift_right_arithmetic3A_306 : i32 to vector<16xi32>
    %shift_right_arithmetic3A_308 = arith.shrsi %bitcast_convert_type3A_305, %shift_right_arithmetic3A_307 : vector<16xi32>
    %sub3A_309 = arith.constant 1597463007 : i32
    %sub3A_310 = vector.broadcast %sub3A_309 : i32 to vector<16xi32>
    %sub3A_311 = arith.subi %sub3A_310, %shift_right_arithmetic3A_308 : vector<16xi32>
    %bitcast_convert_type3A_312 = tpu.bitcast %sub3A_311 : vector<16xi32> -> vector<16xf32>
    %mul3A_313 = arith.constant 5.000000e-01 : f32
    %mul3A_314 = vector.broadcast %mul3A_313 : f32 to vector<16xf32>
    %mul3A_315 = arith.mulf %mul3A_314, %max3A_304 : vector<16xf32>
    %mul3A_316 = arith.mulf %mul3A_315, %bitcast_convert_type3A_312 : vector<16xf32>
    %mul3A_317 = arith.mulf %mul3A_316, %bitcast_convert_type3A_312 : vector<16xf32>
    %sub3A_318 = arith.constant 1.500000e+00 : f32
    %sub3A_319 = vector.broadcast %sub3A_318 : f32 to vector<16xf32>
    %sub3A_320 = arith.subf %sub3A_319, %mul3A_317 : vector<16xf32>
    %mul3A_321 = arith.mulf %bitcast_convert_type3A_312, %sub3A_320 : vector<16xf32>
    %mul3A_322 = arith.constant 5.000000e-01 : f32
    %mul3A_323 = vector.broadcast %mul3A_322 : f32 to vector<16xf32>
    %mul3A_324 = arith.mulf %mul3A_323, %max3A_304 : vector<16xf32>
    %mul3A_325 = arith.mulf %mul3A_324, %mul3A_321 : vector<16xf32>
    %mul3A_326 = arith.mulf %mul3A_325, %mul3A_321 : vector<16xf32>
    %sub3A_327 = arith.constant 1.500000e+00 : f32
    %sub3A_328 = vector.broadcast %sub3A_327 : f32 to vector<16xf32>
    %sub3A_329 = arith.subf %sub3A_328, %mul3A_326 : vector<16xf32>
    %mul3A_330 = arith.mulf %mul3A_321, %sub3A_329 : vector<16xf32>
    %mul3A_331 = arith.constant 5.000000e-01 : f32
    %mul3A_332 = vector.broadcast %mul3A_331 : f32 to vector<16xf32>
    %mul3A_333 = arith.mulf %mul3A_332, %max3A_304 : vector<16xf32>
    %mul3A_334 = arith.mulf %mul3A_333, %mul3A_330 : vector<16xf32>
    %mul3A_335 = arith.mulf %mul3A_334, %mul3A_330 : vector<16xf32>
    %sub3A_336 = arith.constant 1.500000e+00 : f32
    %sub3A_337 = vector.broadcast %sub3A_336 : f32 to vector<16xf32>
    %sub3A_338 = arith.subf %sub3A_337, %mul3A_335 : vector<16xf32>
    %mul3A_339 = arith.mulf %mul3A_330, %sub3A_338 : vector<16xf32>
    %le3A_340 = arith.constant 0.000000e+00 : f32
    %le3A_341 = vector.broadcast %le3A_340 : f32 to vector<16xf32>
    %le3A_342 = arith.cmpf ole, %sub3A_301, %le3A_341 : vector<16xf32>
    %mul3A_343 = arith.mulf %max3A_304, %mul3A_339 : vector<16xf32>
    %jit3A_344 = arith.constant 0.000000e+00 : f32
    %broadcast_in_dim3A_345 = vector.broadcast %jit3A_344 : f32 to vector<16xf32>
    %select_n3A_346 = arith.select %le3A_342, %broadcast_in_dim3A_345, %mul3A_343 : vector<16xi1>, vector<16xf32>
    %reduce_sum3A_347 = arith.constant true
    %reduce_sum3A_348 = vector.broadcast %reduce_sum3A_347 : i1 to vector<16xi1>
    %reduce_sum3A_349 = tpu.scan <sum>, %select_n3A_346 masked %reduce_sum3A_348 : vector<16xf32>, vector<16xi1> -> vector<16xf32>
    %reduce_sum3A_350 = vector.extract %reduce_sum3A_349[15] : f32 from vector<16xf32>
    %add3A_351 = arith.constant 0 : i32
    %add3A_352 = arith.addi %mul3A_2, %add3A_351 : i32
    %get3A_353 = arith.constant 4 : i32
    %get3A_354 = arith.index_cast %get3A_353 : i32 to index
    %get3A_355 = arith.index_cast %add3A_352 : i32 to index
    %get3A_356 = tpu.vector_load %arg4[%get3A_354, %get3A_355] {strides = array<i32>} : memref<32x1024xf32, #tpu.memory_space<vmem>>, vector<16xf32>,
    %slice3A_357 = vector.extract_strided_slice %get3A_356 {offsets = [4], sizes = [1], strides = [1]} : vector<16xf32> to vector<1xf32>
    %squeeze3A_358 = vector.extract %slice3A_357[0] : f32 from vector<1xf32>
    %sub3A_359 = vector.broadcast %squeeze3A_358 : f32 to vector<16xf32>
    %sub3A_360 = arith.subf %scan3A_124#4, %sub3A_359 : vector<16xf32>
    %max3A_361 = arith.constant 9.99999996E-13 : f32
    %max3A_362 = vector.broadcast %max3A_361 : f32 to vector<16xf32>
    %max3A_363 = arith.maximumf %sub3A_360, %max3A_362 : vector<16xf32>
    %bitcast_convert_type3A_364 = tpu.bitcast %max3A_363 : vector<16xf32> -> vector<16xi32>
    %shift_right_arithmetic3A_365 = arith.constant 1 : i32
    %shift_right_arithmetic3A_366 = vector.broadcast %shift_right_arithmetic3A_365 : i32 to vector<16xi32>
    %shift_right_arithmetic3A_367 = arith.shrsi %bitcast_convert_type3A_364, %shift_right_arithmetic3A_366 : vector<16xi32>
    %sub3A_368 = arith.constant 1597463007 : i32
    %sub3A_369 = vector.broadcast %sub3A_368 : i32 to vector<16xi32>
    %sub3A_370 = arith.subi %sub3A_369, %shift_right_arithmetic3A_367 : vector<16xi32>
    %bitcast_convert_type3A_371 = tpu.bitcast %sub3A_370 : vector<16xi32> -> vector<16xf32>
    %mul3A_372 = arith.constant 5.000000e-01 : f32
    %mul3A_373 = vector.broadcast %mul3A_372 : f32 to vector<16xf32>
    %mul3A_374 = arith.mulf %mul3A_373, %max3A_363 : vector<16xf32>
    %mul3A_375 = arith.mulf %mul3A_374, %bitcast_convert_type3A_371 : vector<16xf32>
    %mul3A_376 = arith.mulf %mul3A_375, %bitcast_convert_type3A_371 : vector<16xf32>
    %sub3A_377 = arith.constant 1.500000e+00 : f32
    %sub3A_378 = vector.broadcast %sub3A_377 : f32 to vector<16xf32>
    %sub3A_379 = arith.subf %sub3A_378, %mul3A_376 : vector<16xf32>
    %mul3A_380 = arith.mulf %bitcast_convert_type3A_371, %sub3A_379 : vector<16xf32>
    %mul3A_381 = arith.constant 5.000000e-01 : f32
    %mul3A_382 = vector.broadcast %mul3A_381 : f32 to vector<16xf32>
    %mul3A_383 = arith.mulf %mul3A_382, %max3A_363 : vector<16xf32>
    %mul3A_384 = arith.mulf %mul3A_383, %mul3A_380 : vector<16xf32>
    %mul3A_385 = arith.mulf %mul3A_384, %mul3A_380 : vector<16xf32>
    %sub3A_386 = arith.constant 1.500000e+00 : f32
    %sub3A_387 = vector.broadcast %sub3A_386 : f32 to vector<16xf32>
    %sub3A_388 = arith.subf %sub3A_387, %mul3A_385 : vector<16xf32>
    %mul3A_389 = arith.mulf %mul3A_380, %sub3A_388 : vector<16xf32>
    %mul3A_390 = arith.constant 5.000000e-01 : f32
    %mul3A_391 = vector.broadcast %mul3A_390 : f32 to vector<16xf32>
    %mul3A_392 = arith.mulf %mul3A_391, %max3A_363 : vector<16xf32>
    %mul3A_393 = arith.mulf %mul3A_392, %mul3A_389 : vector<16xf32>
    %mul3A_394 = arith.mulf %mul3A_393, %mul3A_389 : vector<16xf32>
    %sub3A_395 = arith.constant 1.500000e+00 : f32
    %sub3A_396 = vector.broadcast %sub3A_395 : f32 to vector<16xf32>
    %sub3A_397 = arith.subf %sub3A_396, %mul3A_394 : vector<16xf32>
    %mul3A_398 = arith.mulf %mul3A_389, %sub3A_397 : vector<16xf32>
    %le3A_399 = arith.constant 0.000000e+00 : f32
    %le3A_400 = vector.broadcast %le3A_399 : f32 to vector<16xf32>
    %le3A_401 = arith.cmpf ole, %sub3A_360, %le3A_400 : vector<16xf32>
    %mul3A_402 = arith.mulf %max3A_363, %mul3A_398 : vector<16xf32>
    %jit3A_403 = arith.constant 0.000000e+00 : f32
    %broadcast_in_dim3A_404 = vector.broadcast %jit3A_403 : f32 to vector<16xf32>
    %select_n3A_405 = arith.select %le3A_401, %broadcast_in_dim3A_404, %mul3A_402 : vector<16xi1>, vector<16xf32>
    %reduce_sum3A_406 = arith.constant true
    %reduce_sum3A_407 = vector.broadcast %reduce_sum3A_406 : i1 to vector<16xi1>
    %reduce_sum3A_408 = tpu.scan <sum>, %select_n3A_405 masked %reduce_sum3A_407 : vector<16xf32>, vector<16xi1> -> vector<16xf32>
    %reduce_sum3A_409 = vector.extract %reduce_sum3A_408[15] : f32 from vector<16xf32>
    %add3A_410 = arith.constant 0 : i32
    %add3A_411 = arith.addi %mul3A_2, %add3A_410 : i32
    %get3A_412 = arith.constant 5 : i32
    %get3A_413 = arith.index_cast %get3A_412 : i32 to index
    %get3A_414 = arith.index_cast %add3A_411 : i32 to index
    %get3A_415 = tpu.vector_load %arg4[%get3A_413, %get3A_414] {strides = array<i32>} : memref<32x1024xf32, #tpu.memory_space<vmem>>, vector<16xf32>,
    %slice3A_416 = vector.extract_strided_slice %get3A_415 {offsets = [5], sizes = [1], strides = [1]} : vector<16xf32> to vector<1xf32>
    %squeeze3A_417 = vector.extract %slice3A_416[0] : f32 from vector<1xf32>
    %sub3A_418 = vector.broadcast %squeeze3A_417 : f32 to vector<16xf32>
    %sub3A_419 = arith.subf %scan3A_124#5, %sub3A_418 : vector<16xf32>
    %max3A_420 = arith.constant 9.99999996E-13 : f32
    %max3A_421 = vector.broadcast %max3A_420 : f32 to vector<16xf32>
    %max3A_422 = arith.maximumf %sub3A_419, %max3A_421 : vector<16xf32>
    %bitcast_convert_type3A_423 = tpu.bitcast %max3A_422 : vector<16xf32> -> vector<16xi32>
    %shift_right_arithmetic3A_424 = arith.constant 1 : i32
    %shift_right_arithmetic3A_425 = vector.broadcast %shift_right_arithmetic3A_424 : i32 to vector<16xi32>
    %shift_right_arithmetic3A_426 = arith.shrsi %bitcast_convert_type3A_423, %shift_right_arithmetic3A_425 : vector<16xi32>
    %sub3A_427 = arith.constant 1597463007 : i32
    %sub3A_428 = vector.broadcast %sub3A_427 : i32 to vector<16xi32>
    %sub3A_429 = arith.subi %sub3A_428, %shift_right_arithmetic3A_426 : vector<16xi32>
    %bitcast_convert_type3A_430 = tpu.bitcast %sub3A_429 : vector<16xi32> -> vector<16xf32>
    %mul3A_431 = arith.constant 5.000000e-01 : f32
    %mul3A_432 = vector.broadcast %mul3A_431 : f32 to vector<16xf32>
    %mul3A_433 = arith.mulf %mul3A_432, %max3A_422 : vector<16xf32>
    %mul3A_434 = arith.mulf %mul3A_433, %bitcast_convert_type3A_430 : vector<16xf32>
    %mul3A_435 = arith.mulf %mul3A_434, %bitcast_convert_type3A_430 : vector<16xf32>
    %sub3A_436 = arith.constant 1.500000e+00 : f32
    %sub3A_437 = vector.broadcast %sub3A_436 : f32 to vector<16xf32>
    %sub3A_438 = arith.subf %sub3A_437, %mul3A_435 : vector<16xf32>
    %mul3A_439 = arith.mulf %bitcast_convert_type3A_430, %sub3A_438 : vector<16xf32>
    %mul3A_440 = arith.constant 5.000000e-01 : f32
    %mul3A_441 = vector.broadcast %mul3A_440 : f32 to vector<16xf32>
    %mul3A_442 = arith.mulf %mul3A_441, %max3A_422 : vector<16xf32>
    %mul3A_443 = arith.mulf %mul3A_442, %mul3A_439 : vector<16xf32>
    %mul3A_444 = arith.mulf %mul3A_443, %mul3A_439 : vector<16xf32>
    %sub3A_445 = arith.constant 1.500000e+00 : f32
    %sub3A_446 = vector.broadcast %sub3A_445 : f32 to vector<16xf32>
    %sub3A_447 = arith.subf %sub3A_446, %mul3A_444 : vector<16xf32>
    %mul3A_448 = arith.mulf %mul3A_439, %sub3A_447 : vector<16xf32>
    %mul3A_449 = arith.constant 5.000000e-01 : f32
    %mul3A_450 = vector.broadcast %mul3A_449 : f32 to vector<16xf32>
    %mul3A_451 = arith.mulf %mul3A_450, %max3A_422 : vector<16xf32>
    %mul3A_452 = arith.mulf %mul3A_451, %mul3A_448 : vector<16xf32>
    %mul3A_453 = arith.mulf %mul3A_452, %mul3A_448 : vector<16xf32>
    %sub3A_454 = arith.constant 1.500000e+00 : f32
    %sub3A_455 = vector.broadcast %sub3A_454 : f32 to vector<16xf32>
    %sub3A_456 = arith.subf %sub3A_455, %mul3A_453 : vector<16xf32>
    %mul3A_457 = arith.mulf %mul3A_448, %sub3A_456 : vector<16xf32>
    %le3A_458 = arith.constant 0.000000e+00 : f32
    %le3A_459 = vector.broadcast %le3A_458 : f32 to vector<16xf32>
    %le3A_460 = arith.cmpf ole, %sub3A_419, %le3A_459 : vector<16xf32>
    %mul3A_461 = arith.mulf %max3A_422, %mul3A_457 : vector<16xf32>
    %jit3A_462 = arith.constant 0.000000e+00 : f32
    %broadcast_in_dim3A_463 = vector.broadcast %jit3A_462 : f32 to vector<16xf32>
    %select_n3A_464 = arith.select %le3A_460, %broadcast_in_dim3A_463, %mul3A_461 : vector<16xi1>, vector<16xf32>
    %reduce_sum3A_465 = arith.constant true
    %reduce_sum3A_466 = vector.broadcast %reduce_sum3A_465 : i1 to vector<16xi1>
    %reduce_sum3A_467 = tpu.scan <sum>, %select_n3A_464 masked %reduce_sum3A_466 : vector<16xf32>, vector<16xi1> -> vector<16xf32>
    %reduce_sum3A_468 = vector.extract %reduce_sum3A_467[15] : f32 from vector<16xf32>
    %add3A_469 = arith.constant 0 : i32
    %add3A_470 = arith.addi %mul3A_2, %add3A_469 : i32
    %get3A_471 = arith.constant 6 : i32
    %get3A_472 = arith.index_cast %get3A_471 : i32 to index
    %get3A_473 = arith.index_cast %add3A_470 : i32 to index
    %get3A_474 = tpu.vector_load %arg4[%get3A_472, %get3A_473] {strides = array<i32>} : memref<32x1024xf32, #tpu.memory_space<vmem>>, vector<16xf32>,
    %slice3A_475 = vector.extract_strided_slice %get3A_474 {offsets = [6], sizes = [1], strides = [1]} : vector<16xf32> to vector<1xf32>
    %squeeze3A_476 = vector.extract %slice3A_475[0] : f32 from vector<1xf32>
    %sub3A_477 = vector.broadcast %squeeze3A_476 : f32 to vector<16xf32>
    %sub3A_478 = arith.subf %scan3A_124#6, %sub3A_477 : vector<16xf32>
    %max3A_479 = arith.constant 9.99999996E-13 : f32
    %max3A_480 = vector.broadcast %max3A_479 : f32 to vector<16xf32>
    %max3A_481 = arith.maximumf %sub3A_478, %max3A_480 : vector<16xf32>
    %bitcast_convert_type3A_482 = tpu.bitcast %max3A_481 : vector<16xf32> -> vector<16xi32>
    %shift_right_arithmetic3A_483 = arith.constant 1 : i32
    %shift_right_arithmetic3A_484 = vector.broadcast %shift_right_arithmetic3A_483 : i32 to vector<16xi32>
    %shift_right_arithmetic3A_485 = arith.shrsi %bitcast_convert_type3A_482, %shift_right_arithmetic3A_484 : vector<16xi32>
    %sub3A_486 = arith.constant 1597463007 : i32
    %sub3A_487 = vector.broadcast %sub3A_486 : i32 to vector<16xi32>
    %sub3A_488 = arith.subi %sub3A_487, %shift_right_arithmetic3A_485 : vector<16xi32>
    %bitcast_convert_type3A_489 = tpu.bitcast %sub3A_488 : vector<16xi32> -> vector<16xf32>
    %mul3A_490 = arith.constant 5.000000e-01 : f32
    %mul3A_491 = vector.broadcast %mul3A_490 : f32 to vector<16xf32>
    %mul3A_492 = arith.mulf %mul3A_491, %max3A_481 : vector<16xf32>
    %mul3A_493 = arith.mulf %mul3A_492, %bitcast_convert_type3A_489 : vector<16xf32>
    %mul3A_494 = arith.mulf %mul3A_493, %bitcast_convert_type3A_489 : vector<16xf32>
    %sub3A_495 = arith.constant 1.500000e+00 : f32
    %sub3A_496 = vector.broadcast %sub3A_495 : f32 to vector<16xf32>
    %sub3A_497 = arith.subf %sub3A_496, %mul3A_494 : vector<16xf32>
    %mul3A_498 = arith.mulf %bitcast_convert_type3A_489, %sub3A_497 : vector<16xf32>
    %mul3A_499 = arith.constant 5.000000e-01 : f32
    %mul3A_500 = vector.broadcast %mul3A_499 : f32 to vector<16xf32>
    %mul3A_501 = arith.mulf %mul3A_500, %max3A_481 : vector<16xf32>
    %mul3A_502 = arith.mulf %mul3A_501, %mul3A_498 : vector<16xf32>
    %mul3A_503 = arith.mulf %mul3A_502, %mul3A_498 : vector<16xf32>
    %sub3A_504 = arith.constant 1.500000e+00 : f32
    %sub3A_505 = vector.broadcast %sub3A_504 : f32 to vector<16xf32>
    %sub3A_506 = arith.subf %sub3A_505, %mul3A_503 : vector<16xf32>
    %mul3A_507 = arith.mulf %mul3A_498, %sub3A_506 : vector<16xf32>
    %mul3A_508 = arith.constant 5.000000e-01 : f32
    %mul3A_509 = vector.broadcast %mul3A_508 : f32 to vector<16xf32>
    %mul3A_510 = arith.mulf %mul3A_509, %max3A_481 : vector<16xf32>
    %mul3A_511 = arith.mulf %mul3A_510, %mul3A_507 : vector<16xf32>
    %mul3A_512 = arith.mulf %mul3A_511, %mul3A_507 : vector<16xf32>
    %sub3A_513 = arith.constant 1.500000e+00 : f32
    %sub3A_514 = vector.broadcast %sub3A_513 : f32 to vector<16xf32>
    %sub3A_515 = arith.subf %sub3A_514, %mul3A_512 : vector<16xf32>
    %mul3A_516 = arith.mulf %mul3A_507, %sub3A_515 : vector<16xf32>
    %le3A_517 = arith.constant 0.000000e+00 : f32
    %le3A_518 = vector.broadcast %le3A_517 : f32 to vector<16xf32>
    %le3A_519 = arith.cmpf ole, %sub3A_478, %le3A_518 : vector<16xf32>
    %mul3A_520 = arith.mulf %max3A_481, %mul3A_516 : vector<16xf32>
    %jit3A_521 = arith.constant 0.000000e+00 : f32
    %broadcast_in_dim3A_522 = vector.broadcast %jit3A_521 : f32 to vector<16xf32>
    %select_n3A_523 = arith.select %le3A_519, %broadcast_in_dim3A_522, %mul3A_520 : vector<16xi1>, vector<16xf32>
    %reduce_sum3A_524 = arith.constant true
    %reduce_sum3A_525 = vector.broadcast %reduce_sum3A_524 : i1 to vector<16xi1>
    %reduce_sum3A_526 = tpu.scan <sum>, %select_n3A_523 masked %reduce_sum3A_525 : vector<16xf32>, vector<16xi1> -> vector<16xf32>
    %reduce_sum3A_527 = vector.extract %reduce_sum3A_526[15] : f32 from vector<16xf32>
    %add3A_528 = arith.constant 0 : i32
    %add3A_529 = arith.addi %mul3A_2, %add3A_528 : i32
    %get3A_530 = arith.constant 7 : i32
    %get3A_531 = arith.index_cast %get3A_530 : i32 to index
    %get3A_532 = arith.index_cast %add3A_529 : i32 to index
    %get3A_533 = tpu.vector_load %arg4[%get3A_531, %get3A_532] {strides = array<i32>} : memref<32x1024xf32, #tpu.memory_space<vmem>>, vector<16xf32>,
    %slice3A_534 = vector.extract_strided_slice %get3A_533 {offsets = [7], sizes = [1], strides = [1]} : vector<16xf32> to vector<1xf32>
    %squeeze3A_535 = vector.extract %slice3A_534[0] : f32 from vector<1xf32>
    %sub3A_536 = vector.broadcast %squeeze3A_535 : f32 to vector<16xf32>
    %sub3A_537 = arith.subf %scan3A_124#7, %sub3A_536 : vector<16xf32>
    %max3A_538 = arith.constant 9.99999996E-13 : f32
    %max3A_539 = vector.broadcast %max3A_538 : f32 to vector<16xf32>
    %max3A_540 = arith.maximumf %sub3A_537, %max3A_539 : vector<16xf32>
    %bitcast_convert_type3A_541 = tpu.bitcast %max3A_540 : vector<16xf32> -> vector<16xi32>
    %shift_right_arithmetic3A_542 = arith.constant 1 : i32
    %shift_right_arithmetic3A_543 = vector.broadcast %shift_right_arithmetic3A_542 : i32 to vector<16xi32>
    %shift_right_arithmetic3A_544 = arith.shrsi %bitcast_convert_type3A_541, %shift_right_arithmetic3A_543 : vector<16xi32>
    %sub3A_545 = arith.constant 1597463007 : i32
    %sub3A_546 = vector.broadcast %sub3A_545 : i32 to vector<16xi32>
    %sub3A_547 = arith.subi %sub3A_546, %shift_right_arithmetic3A_544 : vector<16xi32>
    %bitcast_convert_type3A_548 = tpu.bitcast %sub3A_547 : vector<16xi32> -> vector<16xf32>
    %mul3A_549 = arith.constant 5.000000e-01 : f32
    %mul3A_550 = vector.broadcast %mul3A_549 : f32 to vector<16xf32>
    %mul3A_551 = arith.mulf %mul3A_550, %max3A_540 : vector<16xf32>
    %mul3A_552 = arith.mulf %mul3A_551, %bitcast_convert_type3A_548 : vector<16xf32>
    %mul3A_553 = arith.mulf %mul3A_552, %bitcast_convert_type3A_548 : vector<16xf32>
    %sub3A_554 = arith.constant 1.500000e+00 : f32
    %sub3A_555 = vector.broadcast %sub3A_554 : f32 to vector<16xf32>
    %sub3A_556 = arith.subf %sub3A_555, %mul3A_553 : vector<16xf32>
    %mul3A_557 = arith.mulf %bitcast_convert_type3A_548, %sub3A_556 : vector<16xf32>
    %mul3A_558 = arith.constant 5.000000e-01 : f32
    %mul3A_559 = vector.broadcast %mul3A_558 : f32 to vector<16xf32>
    %mul3A_560 = arith.mulf %mul3A_559, %max3A_540 : vector<16xf32>
    %mul3A_561 = arith.mulf %mul3A_560, %mul3A_557 : vector<16xf32>
    %mul3A_562 = arith.mulf %mul3A_561, %mul3A_557 : vector<16xf32>
    %sub3A_563 = arith.constant 1.500000e+00 : f32
    %sub3A_564 = vector.broadcast %sub3A_563 : f32 to vector<16xf32>
    %sub3A_565 = arith.subf %sub3A_564, %mul3A_562 : vector<16xf32>
    %mul3A_566 = arith.mulf %mul3A_557, %sub3A_565 : vector<16xf32>
    %mul3A_567 = arith.constant 5.000000e-01 : f32
    %mul3A_568 = vector.broadcast %mul3A_567 : f32 to vector<16xf32>
    %mul3A_569 = arith.mulf %mul3A_568, %max3A_540 : vector<16xf32>
    %mul3A_570 = arith.mulf %mul3A_569, %mul3A_566 : vector<16xf32>
    %mul3A_571 = arith.mulf %mul3A_570, %mul3A_566 : vector<16xf32>
    %sub3A_572 = arith.constant 1.500000e+00 : f32
    %sub3A_573 = vector.broadcast %sub3A_572 : f32 to vector<16xf32>
    %sub3A_574 = arith.subf %sub3A_573, %mul3A_571 : vector<16xf32>
    %mul3A_575 = arith.mulf %mul3A_566, %sub3A_574 : vector<16xf32>
    %le3A_576 = arith.constant 0.000000e+00 : f32
    %le3A_577 = vector.broadcast %le3A_576 : f32 to vector<16xf32>
    %le3A_578 = arith.cmpf ole, %sub3A_537, %le3A_577 : vector<16xf32>
    %mul3A_579 = arith.mulf %max3A_540, %mul3A_575 : vector<16xf32>
    %jit3A_580 = arith.constant 0.000000e+00 : f32
    %broadcast_in_dim3A_581 = vector.broadcast %jit3A_580 : f32 to vector<16xf32>
    %select_n3A_582 = arith.select %le3A_578, %broadcast_in_dim3A_581, %mul3A_579 : vector<16xi1>, vector<16xf32>
    %reduce_sum3A_583 = arith.constant true
    %reduce_sum3A_584 = vector.broadcast %reduce_sum3A_583 : i1 to vector<16xi1>
    %reduce_sum3A_585 = tpu.scan <sum>, %select_n3A_582 masked %reduce_sum3A_584 : vector<16xf32>, vector<16xi1> -> vector<16xf32>
    %reduce_sum3A_586 = vector.extract %reduce_sum3A_585[15] : f32 from vector<16xf32>
    %dma_wait3A_587 = arith.constant 8 : i32
    %dma_wait3A_588 = arith.constant 0 : i32
    %dma_wait3A_589 = tpu.memref_slice %arg4[%dma_wait3A_587, %dma_wait3A_588] : memref<32x1024xf32, #tpu.memory_space<vmem>> -> memref<8x1024xf32, #tpu.memory_space<vmem>>
    %dma_wait3A_590 = arith.constant 0 : i32
    %dma_wait3A_591 = tpu.memref_slice %arg2[%add3A_15, %dma_wait3A_590] : memref<1024x1024xf32, #tpu.memory_space<hbm>> -> memref<8x1024xf32, #tpu.memory_space<hbm>>
    %dma_wait3A_592 = arith.constant 8 : i32
    %dma_wait3A_593 = arith.constant 0 : i32
    %dma_wait3A_594 = tpu.memref_slice %arg4[%dma_wait3A_592, %dma_wait3A_593] : memref<32x1024xf32, #tpu.memory_space<vmem>> -> memref<8x1024xf32, #tpu.memory_space<vmem>>
    %dma_wait3A_595 = arith.constant 0 : i32
    %dma_wait3A_596 = tpu.memref_slice %arg2[%add3A_15, %dma_wait3A_595] : memref<1024x1024xf32, #tpu.memory_space<hbm>> -> memref<8x1024xf32, #tpu.memory_space<hbm>>
    tpu.wait_dma2 semaphore(%arg7 : memref<!tpu.dma_semaphore, #tpu.memory_space<semaphore_mem>>) src(%dma_wait3A_596 : memref<8x1024xf32, #tpu.memory_space<hbm>>) dst(%dma_wait3A_594 : memref<8x1024xf32, #tpu.memory_space<vmem>>)
    %get3A_597 = arith.constant 8 : i32
    %get3A_598 = arith.index_cast %get3A_597 : i32 to index
    %get3A_599 = arith.constant 0 : index
    %get3A_600 = tpu.vector_load %arg4[%get3A_598, %get3A_599] {strides = array<i32>} : memref<32x1024xf32, #tpu.memory_space<vmem>>, vector<16xf32>,
    %masked_sort3A_601 = arith.constant dense<true> : vector<16xi1>
    %masked_sort3A_602, %masked_sort3A_603, %masked_sort3A_604 = tpu.sort %get3A_600, %get3A_600 masked %masked_sort3A_601 : (vector<16xf32>, vector<16xf32>, vector<16xi1>) -> (vector<16xi1>, vector<16xf32>, vector<16xf32>)
    %get3A_605 = arith.constant 9 : i32
    %get3A_606 = arith.index_cast %get3A_605 : i32 to index
    %get3A_607 = arith.constant 0 : index
    %get3A_608 = tpu.vector_load %arg4[%get3A_606, %get3A_607] {strides = array<i32>} : memref<32x1024xf32, #tpu.memory_space<vmem>>, vector<16xf32>,
    %masked_sort3A_609 = arith.constant dense<true> : vector<16xi1>
    %masked_sort3A_610, %masked_sort3A_611, %masked_sort3A_612 = tpu.sort %get3A_608, %get3A_608 masked %masked_sort3A_609 : (vector<16xf32>, vector<16xf32>, vector<16xi1>) -> (vector<16xi1>, vector<16xf32>, vector<16xf32>)
    %get3A_613 = arith.constant 10 : i32
    %get3A_614 = arith.index_cast %get3A_613 : i32 to index
    %get3A_615 = arith.constant 0 : index
    %get3A_616 = tpu.vector_load %arg4[%get3A_614, %get3A_615] {strides = array<i32>} : memref<32x1024xf32, #tpu.memory_space<vmem>>, vector<16xf32>,
    %masked_sort3A_617 = arith.constant dense<true> : vector<16xi1>
    %masked_sort3A_618, %masked_sort3A_619, %masked_sort3A_620 = tpu.sort %get3A_616, %get3A_616 masked %masked_sort3A_617 : (vector<16xf32>, vector<16xf32>, vector<16xi1>) -> (vector<16xi1>, vector<16xf32>, vector<16xf32>)
    %get3A_621 = arith.constant 11 : i32
    %get3A_622 = arith.index_cast %get3A_621 : i32 to index
    %get3A_623 = arith.constant 0 : index
    %get3A_624 = tpu.vector_load %arg4[%get3A_622, %get3A_623] {strides = array<i32>} : memref<32x1024xf32, #tpu.memory_space<vmem>>, vector<16xf32>,
    %masked_sort3A_625 = arith.constant dense<true> : vector<16xi1>
    %masked_sort3A_626, %masked_sort3A_627, %masked_sort3A_628 = tpu.sort %get3A_624, %get3A_624 masked %masked_sort3A_625 : (vector<16xf32>, vector<16xf32>, vector<16xi1>) -> (vector<16xi1>, vector<16xf32>, vector<16xf32>)
    %get3A_629 = arith.constant 12 : i32
    %get3A_630 = arith.index_cast %get3A_629 : i32 to index
    %get3A_631 = arith.constant 0 : index
    %get3A_632 = tpu.vector_load %arg4[%get3A_630, %get3A_631] {strides = array<i32>} : memref<32x1024xf32, #tpu.memory_space<vmem>>, vector<16xf32>,
    %masked_sort3A_633 = arith.constant dense<true> : vector<16xi1>
    %masked_sort3A_634, %masked_sort3A_635, %masked_sort3A_636 = tpu.sort %get3A_632, %get3A_632 masked %masked_sort3A_633 : (vector<16xf32>, vector<16xf32>, vector<16xi1>) -> (vector<16xi1>, vector<16xf32>, vector<16xf32>)
    %get3A_637 = arith.constant 13 : i32
    %get3A_638 = arith.index_cast %get3A_637 : i32 to index
    %get3A_639 = arith.constant 0 : index
    %get3A_640 = tpu.vector_load %arg4[%get3A_638, %get3A_639] {strides = array<i32>} : memref<32x1024xf32, #tpu.memory_space<vmem>>, vector<16xf32>,
    %masked_sort3A_641 = arith.constant dense<true> : vector<16xi1>
    %masked_sort3A_642, %masked_sort3A_643, %masked_sort3A_644 = tpu.sort %get3A_640, %get3A_640 masked %masked_sort3A_641 : (vector<16xf32>, vector<16xf32>, vector<16xi1>) -> (vector<16xi1>, vector<16xf32>, vector<16xf32>)
    %get3A_645 = arith.constant 14 : i32
    %get3A_646 = arith.index_cast %get3A_645 : i32 to index
    %get3A_647 = arith.constant 0 : index
    %get3A_648 = tpu.vector_load %arg4[%get3A_646, %get3A_647] {strides = array<i32>} : memref<32x1024xf32, #tpu.memory_space<vmem>>, vector<16xf32>,
    %masked_sort3A_649 = arith.constant dense<true> : vector<16xi1>
    %masked_sort3A_650, %masked_sort3A_651, %masked_sort3A_652 = tpu.sort %get3A_648, %get3A_648 masked %masked_sort3A_649 : (vector<16xf32>, vector<16xf32>, vector<16xi1>) -> (vector<16xi1>, vector<16xf32>, vector<16xf32>)
    %get3A_653 = arith.constant 15 : i32
    %get3A_654 = arith.index_cast %get3A_653 : i32 to index
    %get3A_655 = arith.constant 0 : index
    %get3A_656 = tpu.vector_load %arg4[%get3A_654, %get3A_655] {strides = array<i32>} : memref<32x1024xf32, #tpu.memory_space<vmem>>, vector<16xf32>,
    %masked_sort3A_657 = arith.constant dense<true> : vector<16xi1>
    %masked_sort3A_658, %masked_sort3A_659, %masked_sort3A_660 = tpu.sort %get3A_656, %get3A_656 masked %masked_sort3A_657 : (vector<16xf32>, vector<16xf32>, vector<16xi1>) -> (vector<16xi1>, vector<16xf32>, vector<16xf32>)
    %scan3A_661 = arith.constant 1 : i32
    %scan3A_662 = arith.constant 63 : i32
    %scan3A_663 = arith.addi %scan3A_661, %scan3A_662 : i32
    %scan3A_664 = arith.constant 1 : i32
    %scan3A_665:8 = scf.for %scan3A_2409 = %scan3A_661 to %scan3A_663 step %scan3A_664 iter_args(%scan3A_2410 = %masked_sort3A_603, %scan3A_2411 = %masked_sort3A_611, %scan3A_2412 = %masked_sort3A_619, %scan3A_2413 = %masked_sort3A_627, %scan3A_2414 = %masked_sort3A_635, %scan3A_2415 = %masked_sort3A_643, %scan3A_2416 = %masked_sort3A_651, %scan3A_2417 = %masked_sort3A_659) -> (vector<16xf32>, vector<16xf32>, vector<16xf32>, vector<16xf32>, vector<16xf32>, vector<16xf32>, vector<16xf32>, vector<16xf32>)  : i32 {
      %mul3A_2418 = arith.constant 16 : i32
      %mul3A_2419 = arith.muli %scan3A_2409, %mul3A_2418 : i32
      %get3A_2420 = arith.constant 8 : i32
      %get3A_2421 = arith.index_cast %get3A_2420 : i32 to index
      %get3A_2422 = arith.index_cast %mul3A_2419 : i32 to index
      %get3A_2423 = tpu.vector_load %arg4[%get3A_2421, %get3A_2422] {strides = array<i32>} : memref<32x1024xf32, #tpu.memory_space<vmem>>, vector<16xf32>,
      %masked_sort3A_2424 = arith.constant dense<true> : vector<16xi1>
      %masked_sort3A_2425, %masked_sort3A_2426, %masked_sort3A_2427 = tpu.sort %get3A_2423, %get3A_2423 masked %masked_sort3A_2424 {descending = true} : (vector<16xf32>, vector<16xf32>, vector<16xi1>) -> (vector<16xi1>, vector<16xf32>, vector<16xf32>)
      %min3A = arith.minimumf %scan3A_2410, %masked_sort3A_2426 : vector<16xf32>
      %masked_sort3A_2428 = arith.constant dense<true> : vector<16xi1>
      %masked_sort3A_2429, %masked_sort3A_2430, %masked_sort3A_2431 = tpu.sort %min3A, %min3A masked %masked_sort3A_2428 : (vector<16xf32>, vector<16xf32>, vector<16xi1>) -> (vector<16xi1>, vector<16xf32>, vector<16xf32>)
      %mul3A_2432 = arith.constant 16 : i32
      %mul3A_2433 = arith.muli %scan3A_2409, %mul3A_2432 : i32
      %get3A_2434 = arith.constant 9 : i32
      %get3A_2435 = arith.index_cast %get3A_2434 : i32 to index
      %get3A_2436 = arith.index_cast %mul3A_2433 : i32 to index
      %get3A_2437 = tpu.vector_load %arg4[%get3A_2435, %get3A_2436] {strides = array<i32>} : memref<32x1024xf32, #tpu.memory_space<vmem>>, vector<16xf32>,
      %masked_sort3A_2438 = arith.constant dense<true> : vector<16xi1>
      %masked_sort3A_2439, %masked_sort3A_2440, %masked_sort3A_2441 = tpu.sort %get3A_2437, %get3A_2437 masked %masked_sort3A_2438 {descending = true} : (vector<16xf32>, vector<16xf32>, vector<16xi1>) -> (vector<16xi1>, vector<16xf32>, vector<16xf32>)
      %min3A_2442 = arith.minimumf %scan3A_2411, %masked_sort3A_2440 : vector<16xf32>
      %masked_sort3A_2443 = arith.constant dense<true> : vector<16xi1>
      %masked_sort3A_2444, %masked_sort3A_2445, %masked_sort3A_2446 = tpu.sort %min3A_2442, %min3A_2442 masked %masked_sort3A_2443 : (vector<16xf32>, vector<16xf32>, vector<16xi1>) -> (vector<16xi1>, vector<16xf32>, vector<16xf32>)
      %mul3A_2447 = arith.constant 16 : i32
      %mul3A_2448 = arith.muli %scan3A_2409, %mul3A_2447 : i32
      %get3A_2449 = arith.constant 10 : i32
      %get3A_2450 = arith.index_cast %get3A_2449 : i32 to index
      %get3A_2451 = arith.index_cast %mul3A_2448 : i32 to index
      %get3A_2452 = tpu.vector_load %arg4[%get3A_2450, %get3A_2451] {strides = array<i32>} : memref<32x1024xf32, #tpu.memory_space<vmem>>, vector<16xf32>,
      %masked_sort3A_2453 = arith.constant dense<true> : vector<16xi1>
      %masked_sort3A_2454, %masked_sort3A_2455, %masked_sort3A_2456 = tpu.sort %get3A_2452, %get3A_2452 masked %masked_sort3A_2453 {descending = true} : (vector<16xf32>, vector<16xf32>, vector<16xi1>) -> (vector<16xi1>, vector<16xf32>, vector<16xf32>)
      %min3A_2457 = arith.minimumf %scan3A_2412, %masked_sort3A_2455 : vector<16xf32>
      %masked_sort3A_2458 = arith.constant dense<true> : vector<16xi1>
      %masked_sort3A_2459, %masked_sort3A_2460, %masked_sort3A_2461 = tpu.sort %min3A_2457, %min3A_2457 masked %masked_sort3A_2458 : (vector<16xf32>, vector<16xf32>, vector<16xi1>) -> (vector<16xi1>, vector<16xf32>, vector<16xf32>)
      %mul3A_2462 = arith.constant 16 : i32
      %mul3A_2463 = arith.muli %scan3A_2409, %mul3A_2462 : i32
      %get3A_2464 = arith.constant 11 : i32
      %get3A_2465 = arith.index_cast %get3A_2464 : i32 to index
      %get3A_2466 = arith.index_cast %mul3A_2463 : i32 to index
      %get3A_2467 = tpu.vector_load %arg4[%get3A_2465, %get3A_2466] {strides = array<i32>} : memref<32x1024xf32, #tpu.memory_space<vmem>>, vector<16xf32>,
      %masked_sort3A_2468 = arith.constant dense<true> : vector<16xi1>
      %masked_sort3A_2469, %masked_sort3A_2470, %masked_sort3A_2471 = tpu.sort %get3A_2467, %get3A_2467 masked %masked_sort3A_2468 {descending = true} : (vector<16xf32>, vector<16xf32>, vector<16xi1>) -> (vector<16xi1>, vector<16xf32>, vector<16xf32>)
      %min3A_2472 = arith.minimumf %scan3A_2413, %masked_sort3A_2470 : vector<16xf32>
      %masked_sort3A_2473 = arith.constant dense<true> : vector<16xi1>
      %masked_sort3A_2474, %masked_sort3A_2475, %masked_sort3A_2476 = tpu.sort %min3A_2472, %min3A_2472 masked %masked_sort3A_2473 : (vector<16xf32>, vector<16xf32>, vector<16xi1>) -> (vector<16xi1>, vector<16xf32>, vector<16xf32>)
      %mul3A_2477 = arith.constant 16 : i32
      %mul3A_2478 = arith.muli %scan3A_2409, %mul3A_2477 : i32
      %get3A_2479 = arith.constant 12 : i32
      %get3A_2480 = arith.index_cast %get3A_2479 : i32 to index
      %get3A_2481 = arith.index_cast %mul3A_2478 : i32 to index
      %get3A_2482 = tpu.vector_load %arg4[%get3A_2480, %get3A_2481] {strides = array<i32>} : memref<32x1024xf32, #tpu.memory_space<vmem>>, vector<16xf32>,
      %masked_sort3A_2483 = arith.constant dense<true> : vector<16xi1>
      %masked_sort3A_2484, %masked_sort3A_2485, %masked_sort3A_2486 = tpu.sort %get3A_2482, %get3A_2482 masked %masked_sort3A_2483 {descending = true} : (vector<16xf32>, vector<16xf32>, vector<16xi1>) -> (vector<16xi1>, vector<16xf32>, vector<16xf32>)
      %min3A_2487 = arith.minimumf %scan3A_2414, %masked_sort3A_2485 : vector<16xf32>
      %masked_sort3A_2488 = arith.constant dense<true> : vector<16xi1>
      %masked_sort3A_2489, %masked_sort3A_2490, %masked_sort3A_2491 = tpu.sort %min3A_2487, %min3A_2487 masked %masked_sort3A_2488 : (vector<16xf32>, vector<16xf32>, vector<16xi1>) -> (vector<16xi1>, vector<16xf32>, vector<16xf32>)
      %mul3A_2492 = arith.constant 16 : i32
      %mul3A_2493 = arith.muli %scan3A_2409, %mul3A_2492 : i32
      %get3A_2494 = arith.constant 13 : i32
      %get3A_2495 = arith.index_cast %get3A_2494 : i32 to index
      %get3A_2496 = arith.index_cast %mul3A_2493 : i32 to index
      %get3A_2497 = tpu.vector_load %arg4[%get3A_2495, %get3A_2496] {strides = array<i32>} : memref<32x1024xf32, #tpu.memory_space<vmem>>, vector<16xf32>,
      %masked_sort3A_2498 = arith.constant dense<true> : vector<16xi1>
      %masked_sort3A_2499, %masked_sort3A_2500, %masked_sort3A_2501 = tpu.sort %get3A_2497, %get3A_2497 masked %masked_sort3A_2498 {descending = true} : (vector<16xf32>, vector<16xf32>, vector<16xi1>) -> (vector<16xi1>, vector<16xf32>, vector<16xf32>)
      %min3A_2502 = arith.minimumf %scan3A_2415, %masked_sort3A_2500 : vector<16xf32>
      %masked_sort3A_2503 = arith.constant dense<true> : vector<16xi1>
      %masked_sort3A_2504, %masked_sort3A_2505, %masked_sort3A_2506 = tpu.sort %min3A_2502, %min3A_2502 masked %masked_sort3A_2503 : (vector<16xf32>, vector<16xf32>, vector<16xi1>) -> (vector<16xi1>, vector<16xf32>, vector<16xf32>)
      %mul3A_2507 = arith.constant 16 : i32
      %mul3A_2508 = arith.muli %scan3A_2409, %mul3A_2507 : i32
      %get3A_2509 = arith.constant 14 : i32
      %get3A_2510 = arith.index_cast %get3A_2509 : i32 to index
      %get3A_2511 = arith.index_cast %mul3A_2508 : i32 to index
      %get3A_2512 = tpu.vector_load %arg4[%get3A_2510, %get3A_2511] {strides = array<i32>} : memref<32x1024xf32, #tpu.memory_space<vmem>>, vector<16xf32>,
      %masked_sort3A_2513 = arith.constant dense<true> : vector<16xi1>
      %masked_sort3A_2514, %masked_sort3A_2515, %masked_sort3A_2516 = tpu.sort %get3A_2512, %get3A_2512 masked %masked_sort3A_2513 {descending = true} : (vector<16xf32>, vector<16xf32>, vector<16xi1>) -> (vector<16xi1>, vector<16xf32>, vector<16xf32>)
      %min3A_2517 = arith.minimumf %scan3A_2416, %masked_sort3A_2515 : vector<16xf32>
      %masked_sort3A_2518 = arith.constant dense<true> : vector<16xi1>
      %masked_sort3A_2519, %masked_sort3A_2520, %masked_sort3A_2521 = tpu.sort %min3A_2517, %min3A_2517 masked %masked_sort3A_2518 : (vector<16xf32>, vector<16xf32>, vector<16xi1>) -> (vector<16xi1>, vector<16xf32>, vector<16xf32>)
      %mul3A_2522 = arith.constant 16 : i32
      %mul3A_2523 = arith.muli %scan3A_2409, %mul3A_2522 : i32
      %get3A_2524 = arith.constant 15 : i32
      %get3A_2525 = arith.index_cast %get3A_2524 : i32 to index
      %get3A_2526 = arith.index_cast %mul3A_2523 : i32 to index
      %get3A_2527 = tpu.vector_load %arg4[%get3A_2525, %get3A_2526] {strides = array<i32>} : memref<32x1024xf32, #tpu.memory_space<vmem>>, vector<16xf32>,
      %masked_sort3A_2528 = arith.constant dense<true> : vector<16xi1>
      %masked_sort3A_2529, %masked_sort3A_2530, %masked_sort3A_2531 = tpu.sort %get3A_2527, %get3A_2527 masked %masked_sort3A_2528 {descending = true} : (vector<16xf32>, vector<16xf32>, vector<16xi1>) -> (vector<16xi1>, vector<16xf32>, vector<16xf32>)
      %min3A_2532 = arith.minimumf %scan3A_2417, %masked_sort3A_2530 : vector<16xf32>
      %masked_sort3A_2533 = arith.constant dense<true> : vector<16xi1>
      %masked_sort3A_2534, %masked_sort3A_2535, %masked_sort3A_2536 = tpu.sort %min3A_2532, %min3A_2532 masked %masked_sort3A_2533 : (vector<16xf32>, vector<16xf32>, vector<16xi1>) -> (vector<16xi1>, vector<16xf32>, vector<16xf32>)
      scf.yield %masked_sort3A_2430, %masked_sort3A_2445, %masked_sort3A_2460, %masked_sort3A_2475, %masked_sort3A_2490, %masked_sort3A_2505, %masked_sort3A_2520, %masked_sort3A_2535 : vector<16xf32>, vector<16xf32>, vector<16xf32>, vector<16xf32>, vector<16xf32>, vector<16xf32>, vector<16xf32>, vector<16xf32>
    }
    %scan3A_666 = arith.constant 63 : i32
    %add3A_667 = arith.constant 0 : i32
    %add3A_668 = arith.addi %mul3A_2, %add3A_667 : i32
    %get3A_669 = arith.constant 8 : i32
    %get3A_670 = arith.index_cast %get3A_669 : i32 to index
    %get3A_671 = arith.index_cast %add3A_668 : i32 to index
    %get3A_672 = tpu.vector_load %arg4[%get3A_670, %get3A_671] {strides = array<i32>} : memref<32x1024xf32, #tpu.memory_space<vmem>>, vector<16xf32>,
    %slice3A_673 = vector.extract_strided_slice %get3A_672 {offsets = [8], sizes = [1], strides = [1]} : vector<16xf32> to vector<1xf32>
    %squeeze3A_674 = vector.extract %slice3A_673[0] : f32 from vector<1xf32>
    %sub3A_675 = vector.broadcast %squeeze3A_674 : f32 to vector<16xf32>
    %sub3A_676 = arith.subf %scan3A_665#0, %sub3A_675 : vector<16xf32>
    %max3A_677 = arith.constant 9.99999996E-13 : f32
    %max3A_678 = vector.broadcast %max3A_677 : f32 to vector<16xf32>
    %max3A_679 = arith.maximumf %sub3A_676, %max3A_678 : vector<16xf32>
    %bitcast_convert_type3A_680 = tpu.bitcast %max3A_679 : vector<16xf32> -> vector<16xi32>
    %shift_right_arithmetic3A_681 = arith.constant 1 : i32
    %shift_right_arithmetic3A_682 = vector.broadcast %shift_right_arithmetic3A_681 : i32 to vector<16xi32>
    %shift_right_arithmetic3A_683 = arith.shrsi %bitcast_convert_type3A_680, %shift_right_arithmetic3A_682 : vector<16xi32>
    %sub3A_684 = arith.constant 1597463007 : i32
    %sub3A_685 = vector.broadcast %sub3A_684 : i32 to vector<16xi32>
    %sub3A_686 = arith.subi %sub3A_685, %shift_right_arithmetic3A_683 : vector<16xi32>
    %bitcast_convert_type3A_687 = tpu.bitcast %sub3A_686 : vector<16xi32> -> vector<16xf32>
    %mul3A_688 = arith.constant 5.000000e-01 : f32
    %mul3A_689 = vector.broadcast %mul3A_688 : f32 to vector<16xf32>
    %mul3A_690 = arith.mulf %mul3A_689, %max3A_679 : vector<16xf32>
    %mul3A_691 = arith.mulf %mul3A_690, %bitcast_convert_type3A_687 : vector<16xf32>
    %mul3A_692 = arith.mulf %mul3A_691, %bitcast_convert_type3A_687 : vector<16xf32>
    %sub3A_693 = arith.constant 1.500000e+00 : f32
    %sub3A_694 = vector.broadcast %sub3A_693 : f32 to vector<16xf32>
    %sub3A_695 = arith.subf %sub3A_694, %mul3A_692 : vector<16xf32>
    %mul3A_696 = arith.mulf %bitcast_convert_type3A_687, %sub3A_695 : vector<16xf32>
    %mul3A_697 = arith.constant 5.000000e-01 : f32
    %mul3A_698 = vector.broadcast %mul3A_697 : f32 to vector<16xf32>
    %mul3A_699 = arith.mulf %mul3A_698, %max3A_679 : vector<16xf32>
    %mul3A_700 = arith.mulf %mul3A_699, %mul3A_696 : vector<16xf32>
    %mul3A_701 = arith.mulf %mul3A_700, %mul3A_696 : vector<16xf32>
    %sub3A_702 = arith.constant 1.500000e+00 : f32
    %sub3A_703 = vector.broadcast %sub3A_702 : f32 to vector<16xf32>
    %sub3A_704 = arith.subf %sub3A_703, %mul3A_701 : vector<16xf32>
    %mul3A_705 = arith.mulf %mul3A_696, %sub3A_704 : vector<16xf32>
    %mul3A_706 = arith.constant 5.000000e-01 : f32
    %mul3A_707 = vector.broadcast %mul3A_706 : f32 to vector<16xf32>
    %mul3A_708 = arith.mulf %mul3A_707, %max3A_679 : vector<16xf32>
    %mul3A_709 = arith.mulf %mul3A_708, %mul3A_705 : vector<16xf32>
    %mul3A_710 = arith.mulf %mul3A_709, %mul3A_705 : vector<16xf32>
    %sub3A_711 = arith.constant 1.500000e+00 : f32
    %sub3A_712 = vector.broadcast %sub3A_711 : f32 to vector<16xf32>
    %sub3A_713 = arith.subf %sub3A_712, %mul3A_710 : vector<16xf32>
    %mul3A_714 = arith.mulf %mul3A_705, %sub3A_713 : vector<16xf32>
    %le3A_715 = arith.constant 0.000000e+00 : f32
    %le3A_716 = vector.broadcast %le3A_715 : f32 to vector<16xf32>
    %le3A_717 = arith.cmpf ole, %sub3A_676, %le3A_716 : vector<16xf32>
    %mul3A_718 = arith.mulf %max3A_679, %mul3A_714 : vector<16xf32>
    %jit3A_719 = arith.constant 0.000000e+00 : f32
    %broadcast_in_dim3A_720 = vector.broadcast %jit3A_719 : f32 to vector<16xf32>
    %select_n3A_721 = arith.select %le3A_717, %broadcast_in_dim3A_720, %mul3A_718 : vector<16xi1>, vector<16xf32>
    %reduce_sum3A_722 = arith.constant true
    %reduce_sum3A_723 = vector.broadcast %reduce_sum3A_722 : i1 to vector<16xi1>
    %reduce_sum3A_724 = tpu.scan <sum>, %select_n3A_721 masked %reduce_sum3A_723 : vector<16xf32>, vector<16xi1> -> vector<16xf32>
    %reduce_sum3A_725 = vector.extract %reduce_sum3A_724[15] : f32 from vector<16xf32>
    %add3A_726 = arith.constant 0 : i32
    %add3A_727 = arith.addi %mul3A_2, %add3A_726 : i32
    %get3A_728 = arith.constant 9 : i32
    %get3A_729 = arith.index_cast %get3A_728 : i32 to index
    %get3A_730 = arith.index_cast %add3A_727 : i32 to index
    %get3A_731 = tpu.vector_load %arg4[%get3A_729, %get3A_730] {strides = array<i32>} : memref<32x1024xf32, #tpu.memory_space<vmem>>, vector<16xf32>,
    %slice3A_732 = vector.extract_strided_slice %get3A_731 {offsets = [9], sizes = [1], strides = [1]} : vector<16xf32> to vector<1xf32>
    %squeeze3A_733 = vector.extract %slice3A_732[0] : f32 from vector<1xf32>
    %sub3A_734 = vector.broadcast %squeeze3A_733 : f32 to vector<16xf32>
    %sub3A_735 = arith.subf %scan3A_665#1, %sub3A_734 : vector<16xf32>
    %max3A_736 = arith.constant 9.99999996E-13 : f32
    %max3A_737 = vector.broadcast %max3A_736 : f32 to vector<16xf32>
    %max3A_738 = arith.maximumf %sub3A_735, %max3A_737 : vector<16xf32>
    %bitcast_convert_type3A_739 = tpu.bitcast %max3A_738 : vector<16xf32> -> vector<16xi32>
    %shift_right_arithmetic3A_740 = arith.constant 1 : i32
    %shift_right_arithmetic3A_741 = vector.broadcast %shift_right_arithmetic3A_740 : i32 to vector<16xi32>
    %shift_right_arithmetic3A_742 = arith.shrsi %bitcast_convert_type3A_739, %shift_right_arithmetic3A_741 : vector<16xi32>
    %sub3A_743 = arith.constant 1597463007 : i32
    %sub3A_744 = vector.broadcast %sub3A_743 : i32 to vector<16xi32>
    %sub3A_745 = arith.subi %sub3A_744, %shift_right_arithmetic3A_742 : vector<16xi32>
    %bitcast_convert_type3A_746 = tpu.bitcast %sub3A_745 : vector<16xi32> -> vector<16xf32>
    %mul3A_747 = arith.constant 5.000000e-01 : f32
    %mul3A_748 = vector.broadcast %mul3A_747 : f32 to vector<16xf32>
    %mul3A_749 = arith.mulf %mul3A_748, %max3A_738 : vector<16xf32>
    %mul3A_750 = arith.mulf %mul3A_749, %bitcast_convert_type3A_746 : vector<16xf32>
    %mul3A_751 = arith.mulf %mul3A_750, %bitcast_convert_type3A_746 : vector<16xf32>
    %sub3A_752 = arith.constant 1.500000e+00 : f32
    %sub3A_753 = vector.broadcast %sub3A_752 : f32 to vector<16xf32>
    %sub3A_754 = arith.subf %sub3A_753, %mul3A_751 : vector<16xf32>
    %mul3A_755 = arith.mulf %bitcast_convert_type3A_746, %sub3A_754 : vector<16xf32>
    %mul3A_756 = arith.constant 5.000000e-01 : f32
    %mul3A_757 = vector.broadcast %mul3A_756 : f32 to vector<16xf32>
    %mul3A_758 = arith.mulf %mul3A_757, %max3A_738 : vector<16xf32>
    %mul3A_759 = arith.mulf %mul3A_758, %mul3A_755 : vector<16xf32>
    %mul3A_760 = arith.mulf %mul3A_759, %mul3A_755 : vector<16xf32>
    %sub3A_761 = arith.constant 1.500000e+00 : f32
    %sub3A_762 = vector.broadcast %sub3A_761 : f32 to vector<16xf32>
    %sub3A_763 = arith.subf %sub3A_762, %mul3A_760 : vector<16xf32>
    %mul3A_764 = arith.mulf %mul3A_755, %sub3A_763 : vector<16xf32>
    %mul3A_765 = arith.constant 5.000000e-01 : f32
    %mul3A_766 = vector.broadcast %mul3A_765 : f32 to vector<16xf32>
    %mul3A_767 = arith.mulf %mul3A_766, %max3A_738 : vector<16xf32>
    %mul3A_768 = arith.mulf %mul3A_767, %mul3A_764 : vector<16xf32>
    %mul3A_769 = arith.mulf %mul3A_768, %mul3A_764 : vector<16xf32>
    %sub3A_770 = arith.constant 1.500000e+00 : f32
    %sub3A_771 = vector.broadcast %sub3A_770 : f32 to vector<16xf32>
    %sub3A_772 = arith.subf %sub3A_771, %mul3A_769 : vector<16xf32>
    %mul3A_773 = arith.mulf %mul3A_764, %sub3A_772 : vector<16xf32>
    %le3A_774 = arith.constant 0.000000e+00 : f32
    %le3A_775 = vector.broadcast %le3A_774 : f32 to vector<16xf32>
    %le3A_776 = arith.cmpf ole, %sub3A_735, %le3A_775 : vector<16xf32>
    %mul3A_777 = arith.mulf %max3A_738, %mul3A_773 : vector<16xf32>
    %jit3A_778 = arith.constant 0.000000e+00 : f32
    %broadcast_in_dim3A_779 = vector.broadcast %jit3A_778 : f32 to vector<16xf32>
    %select_n3A_780 = arith.select %le3A_776, %broadcast_in_dim3A_779, %mul3A_777 : vector<16xi1>, vector<16xf32>
    %reduce_sum3A_781 = arith.constant true
    %reduce_sum3A_782 = vector.broadcast %reduce_sum3A_781 : i1 to vector<16xi1>
    %reduce_sum3A_783 = tpu.scan <sum>, %select_n3A_780 masked %reduce_sum3A_782 : vector<16xf32>, vector<16xi1> -> vector<16xf32>
    %reduce_sum3A_784 = vector.extract %reduce_sum3A_783[15] : f32 from vector<16xf32>
    %add3A_785 = arith.constant 0 : i32
    %add3A_786 = arith.addi %mul3A_2, %add3A_785 : i32
    %get3A_787 = arith.constant 10 : i32
    %get3A_788 = arith.index_cast %get3A_787 : i32 to index
    %get3A_789 = arith.index_cast %add3A_786 : i32 to index
    %get3A_790 = tpu.vector_load %arg4[%get3A_788, %get3A_789] {strides = array<i32>} : memref<32x1024xf32, #tpu.memory_space<vmem>>, vector<16xf32>,
    %slice3A_791 = vector.extract_strided_slice %get3A_790 {offsets = [10], sizes = [1], strides = [1]} : vector<16xf32> to vector<1xf32>
    %squeeze3A_792 = vector.extract %slice3A_791[0] : f32 from vector<1xf32>
    %sub3A_793 = vector.broadcast %squeeze3A_792 : f32 to vector<16xf32>
    %sub3A_794 = arith.subf %scan3A_665#2, %sub3A_793 : vector<16xf32>
    %max3A_795 = arith.constant 9.99999996E-13 : f32
    %max3A_796 = vector.broadcast %max3A_795 : f32 to vector<16xf32>
    %max3A_797 = arith.maximumf %sub3A_794, %max3A_796 : vector<16xf32>
    %bitcast_convert_type3A_798 = tpu.bitcast %max3A_797 : vector<16xf32> -> vector<16xi32>
    %shift_right_arithmetic3A_799 = arith.constant 1 : i32
    %shift_right_arithmetic3A_800 = vector.broadcast %shift_right_arithmetic3A_799 : i32 to vector<16xi32>
    %shift_right_arithmetic3A_801 = arith.shrsi %bitcast_convert_type3A_798, %shift_right_arithmetic3A_800 : vector<16xi32>
    %sub3A_802 = arith.constant 1597463007 : i32
    %sub3A_803 = vector.broadcast %sub3A_802 : i32 to vector<16xi32>
    %sub3A_804 = arith.subi %sub3A_803, %shift_right_arithmetic3A_801 : vector<16xi32>
    %bitcast_convert_type3A_805 = tpu.bitcast %sub3A_804 : vector<16xi32> -> vector<16xf32>
    %mul3A_806 = arith.constant 5.000000e-01 : f32
    %mul3A_807 = vector.broadcast %mul3A_806 : f32 to vector<16xf32>
    %mul3A_808 = arith.mulf %mul3A_807, %max3A_797 : vector<16xf32>
    %mul3A_809 = arith.mulf %mul3A_808, %bitcast_convert_type3A_805 : vector<16xf32>
    %mul3A_810 = arith.mulf %mul3A_809, %bitcast_convert_type3A_805 : vector<16xf32>
    %sub3A_811 = arith.constant 1.500000e+00 : f32
    %sub3A_812 = vector.broadcast %sub3A_811 : f32 to vector<16xf32>
    %sub3A_813 = arith.subf %sub3A_812, %mul3A_810 : vector<16xf32>
    %mul3A_814 = arith.mulf %bitcast_convert_type3A_805, %sub3A_813 : vector<16xf32>
    %mul3A_815 = arith.constant 5.000000e-01 : f32
    %mul3A_816 = vector.broadcast %mul3A_815 : f32 to vector<16xf32>
    %mul3A_817 = arith.mulf %mul3A_816, %max3A_797 : vector<16xf32>
    %mul3A_818 = arith.mulf %mul3A_817, %mul3A_814 : vector<16xf32>
    %mul3A_819 = arith.mulf %mul3A_818, %mul3A_814 : vector<16xf32>
    %sub3A_820 = arith.constant 1.500000e+00 : f32
    %sub3A_821 = vector.broadcast %sub3A_820 : f32 to vector<16xf32>
    %sub3A_822 = arith.subf %sub3A_821, %mul3A_819 : vector<16xf32>
    %mul3A_823 = arith.mulf %mul3A_814, %sub3A_822 : vector<16xf32>
    %mul3A_824 = arith.constant 5.000000e-01 : f32
    %mul3A_825 = vector.broadcast %mul3A_824 : f32 to vector<16xf32>
    %mul3A_826 = arith.mulf %mul3A_825, %max3A_797 : vector<16xf32>
    %mul3A_827 = arith.mulf %mul3A_826, %mul3A_823 : vector<16xf32>
    %mul3A_828 = arith.mulf %mul3A_827, %mul3A_823 : vector<16xf32>
    %sub3A_829 = arith.constant 1.500000e+00 : f32
    %sub3A_830 = vector.broadcast %sub3A_829 : f32 to vector<16xf32>
    %sub3A_831 = arith.subf %sub3A_830, %mul3A_828 : vector<16xf32>
    %mul3A_832 = arith.mulf %mul3A_823, %sub3A_831 : vector<16xf32>
    %le3A_833 = arith.constant 0.000000e+00 : f32
    %le3A_834 = vector.broadcast %le3A_833 : f32 to vector<16xf32>
    %le3A_835 = arith.cmpf ole, %sub3A_794, %le3A_834 : vector<16xf32>
    %mul3A_836 = arith.mulf %max3A_797, %mul3A_832 : vector<16xf32>
    %jit3A_837 = arith.constant 0.000000e+00 : f32
    %broadcast_in_dim3A_838 = vector.broadcast %jit3A_837 : f32 to vector<16xf32>
    %select_n3A_839 = arith.select %le3A_835, %broadcast_in_dim3A_838, %mul3A_836 : vector<16xi1>, vector<16xf32>
    %reduce_sum3A_840 = arith.constant true
    %reduce_sum3A_841 = vector.broadcast %reduce_sum3A_840 : i1 to vector<16xi1>
    %reduce_sum3A_842 = tpu.scan <sum>, %select_n3A_839 masked %reduce_sum3A_841 : vector<16xf32>, vector<16xi1> -> vector<16xf32>
    %reduce_sum3A_843 = vector.extract %reduce_sum3A_842[15] : f32 from vector<16xf32>
    %add3A_844 = arith.constant 0 : i32
    %add3A_845 = arith.addi %mul3A_2, %add3A_844 : i32
    %get3A_846 = arith.constant 11 : i32
    %get3A_847 = arith.index_cast %get3A_846 : i32 to index
    %get3A_848 = arith.index_cast %add3A_845 : i32 to index
    %get3A_849 = tpu.vector_load %arg4[%get3A_847, %get3A_848] {strides = array<i32>} : memref<32x1024xf32, #tpu.memory_space<vmem>>, vector<16xf32>,
    %slice3A_850 = vector.extract_strided_slice %get3A_849 {offsets = [11], sizes = [1], strides = [1]} : vector<16xf32> to vector<1xf32>
    %squeeze3A_851 = vector.extract %slice3A_850[0] : f32 from vector<1xf32>
    %sub3A_852 = vector.broadcast %squeeze3A_851 : f32 to vector<16xf32>
    %sub3A_853 = arith.subf %scan3A_665#3, %sub3A_852 : vector<16xf32>
    %max3A_854 = arith.constant 9.99999996E-13 : f32
    %max3A_855 = vector.broadcast %max3A_854 : f32 to vector<16xf32>
    %max3A_856 = arith.maximumf %sub3A_853, %max3A_855 : vector<16xf32>
    %bitcast_convert_type3A_857 = tpu.bitcast %max3A_856 : vector<16xf32> -> vector<16xi32>
    %shift_right_arithmetic3A_858 = arith.constant 1 : i32
    %shift_right_arithmetic3A_859 = vector.broadcast %shift_right_arithmetic3A_858 : i32 to vector<16xi32>
    %shift_right_arithmetic3A_860 = arith.shrsi %bitcast_convert_type3A_857, %shift_right_arithmetic3A_859 : vector<16xi32>
    %sub3A_861 = arith.constant 1597463007 : i32
    %sub3A_862 = vector.broadcast %sub3A_861 : i32 to vector<16xi32>
    %sub3A_863 = arith.subi %sub3A_862, %shift_right_arithmetic3A_860 : vector<16xi32>
    %bitcast_convert_type3A_864 = tpu.bitcast %sub3A_863 : vector<16xi32> -> vector<16xf32>
    %mul3A_865 = arith.constant 5.000000e-01 : f32
    %mul3A_866 = vector.broadcast %mul3A_865 : f32 to vector<16xf32>
    %mul3A_867 = arith.mulf %mul3A_866, %max3A_856 : vector<16xf32>
    %mul3A_868 = arith.mulf %mul3A_867, %bitcast_convert_type3A_864 : vector<16xf32>
    %mul3A_869 = arith.mulf %mul3A_868, %bitcast_convert_type3A_864 : vector<16xf32>
    %sub3A_870 = arith.constant 1.500000e+00 : f32
    %sub3A_871 = vector.broadcast %sub3A_870 : f32 to vector<16xf32>
    %sub3A_872 = arith.subf %sub3A_871, %mul3A_869 : vector<16xf32>
    %mul3A_873 = arith.mulf %bitcast_convert_type3A_864, %sub3A_872 : vector<16xf32>
    %mul3A_874 = arith.constant 5.000000e-01 : f32
    %mul3A_875 = vector.broadcast %mul3A_874 : f32 to vector<16xf32>
    %mul3A_876 = arith.mulf %mul3A_875, %max3A_856 : vector<16xf32>
    %mul3A_877 = arith.mulf %mul3A_876, %mul3A_873 : vector<16xf32>
    %mul3A_878 = arith.mulf %mul3A_877, %mul3A_873 : vector<16xf32>
    %sub3A_879 = arith.constant 1.500000e+00 : f32
    %sub3A_880 = vector.broadcast %sub3A_879 : f32 to vector<16xf32>
    %sub3A_881 = arith.subf %sub3A_880, %mul3A_878 : vector<16xf32>
    %mul3A_882 = arith.mulf %mul3A_873, %sub3A_881 : vector<16xf32>
    %mul3A_883 = arith.constant 5.000000e-01 : f32
    %mul3A_884 = vector.broadcast %mul3A_883 : f32 to vector<16xf32>
    %mul3A_885 = arith.mulf %mul3A_884, %max3A_856 : vector<16xf32>
    %mul3A_886 = arith.mulf %mul3A_885, %mul3A_882 : vector<16xf32>
    %mul3A_887 = arith.mulf %mul3A_886, %mul3A_882 : vector<16xf32>
    %sub3A_888 = arith.constant 1.500000e+00 : f32
    %sub3A_889 = vector.broadcast %sub3A_888 : f32 to vector<16xf32>
    %sub3A_890 = arith.subf %sub3A_889, %mul3A_887 : vector<16xf32>
    %mul3A_891 = arith.mulf %mul3A_882, %sub3A_890 : vector<16xf32>
    %le3A_892 = arith.constant 0.000000e+00 : f32
    %le3A_893 = vector.broadcast %le3A_892 : f32 to vector<16xf32>
    %le3A_894 = arith.cmpf ole, %sub3A_853, %le3A_893 : vector<16xf32>
    %mul3A_895 = arith.mulf %max3A_856, %mul3A_891 : vector<16xf32>
    %jit3A_896 = arith.constant 0.000000e+00 : f32
    %broadcast_in_dim3A_897 = vector.broadcast %jit3A_896 : f32 to vector<16xf32>
    %select_n3A_898 = arith.select %le3A_894, %broadcast_in_dim3A_897, %mul3A_895 : vector<16xi1>, vector<16xf32>
    %reduce_sum3A_899 = arith.constant true
    %reduce_sum3A_900 = vector.broadcast %reduce_sum3A_899 : i1 to vector<16xi1>
    %reduce_sum3A_901 = tpu.scan <sum>, %select_n3A_898 masked %reduce_sum3A_900 : vector<16xf32>, vector<16xi1> -> vector<16xf32>
    %reduce_sum3A_902 = vector.extract %reduce_sum3A_901[15] : f32 from vector<16xf32>
    %add3A_903 = arith.constant 0 : i32
    %add3A_904 = arith.addi %mul3A_2, %add3A_903 : i32
    %get3A_905 = arith.constant 12 : i32
    %get3A_906 = arith.index_cast %get3A_905 : i32 to index
    %get3A_907 = arith.index_cast %add3A_904 : i32 to index
    %get3A_908 = tpu.vector_load %arg4[%get3A_906, %get3A_907] {strides = array<i32>} : memref<32x1024xf32, #tpu.memory_space<vmem>>, vector<16xf32>,
    %slice3A_909 = vector.extract_strided_slice %get3A_908 {offsets = [12], sizes = [1], strides = [1]} : vector<16xf32> to vector<1xf32>
    %squeeze3A_910 = vector.extract %slice3A_909[0] : f32 from vector<1xf32>
    %sub3A_911 = vector.broadcast %squeeze3A_910 : f32 to vector<16xf32>
    %sub3A_912 = arith.subf %scan3A_665#4, %sub3A_911 : vector<16xf32>
    %max3A_913 = arith.constant 9.99999996E-13 : f32
    %max3A_914 = vector.broadcast %max3A_913 : f32 to vector<16xf32>
    %max3A_915 = arith.maximumf %sub3A_912, %max3A_914 : vector<16xf32>
    %bitcast_convert_type3A_916 = tpu.bitcast %max3A_915 : vector<16xf32> -> vector<16xi32>
    %shift_right_arithmetic3A_917 = arith.constant 1 : i32
    %shift_right_arithmetic3A_918 = vector.broadcast %shift_right_arithmetic3A_917 : i32 to vector<16xi32>
    %shift_right_arithmetic3A_919 = arith.shrsi %bitcast_convert_type3A_916, %shift_right_arithmetic3A_918 : vector<16xi32>
    %sub3A_920 = arith.constant 1597463007 : i32
    %sub3A_921 = vector.broadcast %sub3A_920 : i32 to vector<16xi32>
    %sub3A_922 = arith.subi %sub3A_921, %shift_right_arithmetic3A_919 : vector<16xi32>
    %bitcast_convert_type3A_923 = tpu.bitcast %sub3A_922 : vector<16xi32> -> vector<16xf32>
    %mul3A_924 = arith.constant 5.000000e-01 : f32
    %mul3A_925 = vector.broadcast %mul3A_924 : f32 to vector<16xf32>
    %mul3A_926 = arith.mulf %mul3A_925, %max3A_915 : vector<16xf32>
    %mul3A_927 = arith.mulf %mul3A_926, %bitcast_convert_type3A_923 : vector<16xf32>
    %mul3A_928 = arith.mulf %mul3A_927, %bitcast_convert_type3A_923 : vector<16xf32>
    %sub3A_929 = arith.constant 1.500000e+00 : f32
    %sub3A_930 = vector.broadcast %sub3A_929 : f32 to vector<16xf32>
    %sub3A_931 = arith.subf %sub3A_930, %mul3A_928 : vector<16xf32>
    %mul3A_932 = arith.mulf %bitcast_convert_type3A_923, %sub3A_931 : vector<16xf32>
    %mul3A_933 = arith.constant 5.000000e-01 : f32
    %mul3A_934 = vector.broadcast %mul3A_933 : f32 to vector<16xf32>
    %mul3A_935 = arith.mulf %mul3A_934, %max3A_915 : vector<16xf32>
    %mul3A_936 = arith.mulf %mul3A_935, %mul3A_932 : vector<16xf32>
    %mul3A_937 = arith.mulf %mul3A_936, %mul3A_932 : vector<16xf32>
    %sub3A_938 = arith.constant 1.500000e+00 : f32
    %sub3A_939 = vector.broadcast %sub3A_938 : f32 to vector<16xf32>
    %sub3A_940 = arith.subf %sub3A_939, %mul3A_937 : vector<16xf32>
    %mul3A_941 = arith.mulf %mul3A_932, %sub3A_940 : vector<16xf32>
    %mul3A_942 = arith.constant 5.000000e-01 : f32
    %mul3A_943 = vector.broadcast %mul3A_942 : f32 to vector<16xf32>
    %mul3A_944 = arith.mulf %mul3A_943, %max3A_915 : vector<16xf32>
    %mul3A_945 = arith.mulf %mul3A_944, %mul3A_941 : vector<16xf32>
    %mul3A_946 = arith.mulf %mul3A_945, %mul3A_941 : vector<16xf32>
    %sub3A_947 = arith.constant 1.500000e+00 : f32
    %sub3A_948 = vector.broadcast %sub3A_947 : f32 to vector<16xf32>
    %sub3A_949 = arith.subf %sub3A_948, %mul3A_946 : vector<16xf32>
    %mul3A_950 = arith.mulf %mul3A_941, %sub3A_949 : vector<16xf32>
    %le3A_951 = arith.constant 0.000000e+00 : f32
    %le3A_952 = vector.broadcast %le3A_951 : f32 to vector<16xf32>
    %le3A_953 = arith.cmpf ole, %sub3A_912, %le3A_952 : vector<16xf32>
    %mul3A_954 = arith.mulf %max3A_915, %mul3A_950 : vector<16xf32>
    %jit3A_955 = arith.constant 0.000000e+00 : f32
    %broadcast_in_dim3A_956 = vector.broadcast %jit3A_955 : f32 to vector<16xf32>
    %select_n3A_957 = arith.select %le3A_953, %broadcast_in_dim3A_956, %mul3A_954 : vector<16xi1>, vector<16xf32>
    %reduce_sum3A_958 = arith.constant true
    %reduce_sum3A_959 = vector.broadcast %reduce_sum3A_958 : i1 to vector<16xi1>
    %reduce_sum3A_960 = tpu.scan <sum>, %select_n3A_957 masked %reduce_sum3A_959 : vector<16xf32>, vector<16xi1> -> vector<16xf32>
    %reduce_sum3A_961 = vector.extract %reduce_sum3A_960[15] : f32 from vector<16xf32>
    %add3A_962 = arith.constant 0 : i32
    %add3A_963 = arith.addi %mul3A_2, %add3A_962 : i32
    %get3A_964 = arith.constant 13 : i32
    %get3A_965 = arith.index_cast %get3A_964 : i32 to index
    %get3A_966 = arith.index_cast %add3A_963 : i32 to index
    %get3A_967 = tpu.vector_load %arg4[%get3A_965, %get3A_966] {strides = array<i32>} : memref<32x1024xf32, #tpu.memory_space<vmem>>, vector<16xf32>,
    %slice3A_968 = vector.extract_strided_slice %get3A_967 {offsets = [13], sizes = [1], strides = [1]} : vector<16xf32> to vector<1xf32>
    %squeeze3A_969 = vector.extract %slice3A_968[0] : f32 from vector<1xf32>
    %sub3A_970 = vector.broadcast %squeeze3A_969 : f32 to vector<16xf32>
    %sub3A_971 = arith.subf %scan3A_665#5, %sub3A_970 : vector<16xf32>
    %max3A_972 = arith.constant 9.99999996E-13 : f32
    %max3A_973 = vector.broadcast %max3A_972 : f32 to vector<16xf32>
    %max3A_974 = arith.maximumf %sub3A_971, %max3A_973 : vector<16xf32>
    %bitcast_convert_type3A_975 = tpu.bitcast %max3A_974 : vector<16xf32> -> vector<16xi32>
    %shift_right_arithmetic3A_976 = arith.constant 1 : i32
    %shift_right_arithmetic3A_977 = vector.broadcast %shift_right_arithmetic3A_976 : i32 to vector<16xi32>
    %shift_right_arithmetic3A_978 = arith.shrsi %bitcast_convert_type3A_975, %shift_right_arithmetic3A_977 : vector<16xi32>
    %sub3A_979 = arith.constant 1597463007 : i32
    %sub3A_980 = vector.broadcast %sub3A_979 : i32 to vector<16xi32>
    %sub3A_981 = arith.subi %sub3A_980, %shift_right_arithmetic3A_978 : vector<16xi32>
    %bitcast_convert_type3A_982 = tpu.bitcast %sub3A_981 : vector<16xi32> -> vector<16xf32>
    %mul3A_983 = arith.constant 5.000000e-01 : f32
    %mul3A_984 = vector.broadcast %mul3A_983 : f32 to vector<16xf32>
    %mul3A_985 = arith.mulf %mul3A_984, %max3A_974 : vector<16xf32>
    %mul3A_986 = arith.mulf %mul3A_985, %bitcast_convert_type3A_982 : vector<16xf32>
    %mul3A_987 = arith.mulf %mul3A_986, %bitcast_convert_type3A_982 : vector<16xf32>
    %sub3A_988 = arith.constant 1.500000e+00 : f32
    %sub3A_989 = vector.broadcast %sub3A_988 : f32 to vector<16xf32>
    %sub3A_990 = arith.subf %sub3A_989, %mul3A_987 : vector<16xf32>
    %mul3A_991 = arith.mulf %bitcast_convert_type3A_982, %sub3A_990 : vector<16xf32>
    %mul3A_992 = arith.constant 5.000000e-01 : f32
    %mul3A_993 = vector.broadcast %mul3A_992 : f32 to vector<16xf32>
    %mul3A_994 = arith.mulf %mul3A_993, %max3A_974 : vector<16xf32>
    %mul3A_995 = arith.mulf %mul3A_994, %mul3A_991 : vector<16xf32>
    %mul3A_996 = arith.mulf %mul3A_995, %mul3A_991 : vector<16xf32>
    %sub3A_997 = arith.constant 1.500000e+00 : f32
    %sub3A_998 = vector.broadcast %sub3A_997 : f32 to vector<16xf32>
    %sub3A_999 = arith.subf %sub3A_998, %mul3A_996 : vector<16xf32>
    %mul3A_1000 = arith.mulf %mul3A_991, %sub3A_999 : vector<16xf32>
    %mul3A_1001 = arith.constant 5.000000e-01 : f32
    %mul3A_1002 = vector.broadcast %mul3A_1001 : f32 to vector<16xf32>
    %mul3A_1003 = arith.mulf %mul3A_1002, %max3A_974 : vector<16xf32>
    %mul3A_1004 = arith.mulf %mul3A_1003, %mul3A_1000 : vector<16xf32>
    %mul3A_1005 = arith.mulf %mul3A_1004, %mul3A_1000 : vector<16xf32>
    %sub3A_1006 = arith.constant 1.500000e+00 : f32
    %sub3A_1007 = vector.broadcast %sub3A_1006 : f32 to vector<16xf32>
    %sub3A_1008 = arith.subf %sub3A_1007, %mul3A_1005 : vector<16xf32>
    %mul3A_1009 = arith.mulf %mul3A_1000, %sub3A_1008 : vector<16xf32>
    %le3A_1010 = arith.constant 0.000000e+00 : f32
    %le3A_1011 = vector.broadcast %le3A_1010 : f32 to vector<16xf32>
    %le3A_1012 = arith.cmpf ole, %sub3A_971, %le3A_1011 : vector<16xf32>
    %mul3A_1013 = arith.mulf %max3A_974, %mul3A_1009 : vector<16xf32>
    %jit3A_1014 = arith.constant 0.000000e+00 : f32
    %broadcast_in_dim3A_1015 = vector.broadcast %jit3A_1014 : f32 to vector<16xf32>
    %select_n3A_1016 = arith.select %le3A_1012, %broadcast_in_dim3A_1015, %mul3A_1013 : vector<16xi1>, vector<16xf32>
    %reduce_sum3A_1017 = arith.constant true
    %reduce_sum3A_1018 = vector.broadcast %reduce_sum3A_1017 : i1 to vector<16xi1>
    %reduce_sum3A_1019 = tpu.scan <sum>, %select_n3A_1016 masked %reduce_sum3A_1018 : vector<16xf32>, vector<16xi1> -> vector<16xf32>
    %reduce_sum3A_1020 = vector.extract %reduce_sum3A_1019[15] : f32 from vector<16xf32>
    %add3A_1021 = arith.constant 0 : i32
    %add3A_1022 = arith.addi %mul3A_2, %add3A_1021 : i32
    %get3A_1023 = arith.constant 14 : i32
    %get3A_1024 = arith.index_cast %get3A_1023 : i32 to index
    %get3A_1025 = arith.index_cast %add3A_1022 : i32 to index
    %get3A_1026 = tpu.vector_load %arg4[%get3A_1024, %get3A_1025] {strides = array<i32>} : memref<32x1024xf32, #tpu.memory_space<vmem>>, vector<16xf32>,
    %slice3A_1027 = vector.extract_strided_slice %get3A_1026 {offsets = [14], sizes = [1], strides = [1]} : vector<16xf32> to vector<1xf32>
    %squeeze3A_1028 = vector.extract %slice3A_1027[0] : f32 from vector<1xf32>
    %sub3A_1029 = vector.broadcast %squeeze3A_1028 : f32 to vector<16xf32>
    %sub3A_1030 = arith.subf %scan3A_665#6, %sub3A_1029 : vector<16xf32>
    %max3A_1031 = arith.constant 9.99999996E-13 : f32
    %max3A_1032 = vector.broadcast %max3A_1031 : f32 to vector<16xf32>
    %max3A_1033 = arith.maximumf %sub3A_1030, %max3A_1032 : vector<16xf32>
    %bitcast_convert_type3A_1034 = tpu.bitcast %max3A_1033 : vector<16xf32> -> vector<16xi32>
    %shift_right_arithmetic3A_1035 = arith.constant 1 : i32
    %shift_right_arithmetic3A_1036 = vector.broadcast %shift_right_arithmetic3A_1035 : i32 to vector<16xi32>
    %shift_right_arithmetic3A_1037 = arith.shrsi %bitcast_convert_type3A_1034, %shift_right_arithmetic3A_1036 : vector<16xi32>
    %sub3A_1038 = arith.constant 1597463007 : i32
    %sub3A_1039 = vector.broadcast %sub3A_1038 : i32 to vector<16xi32>
    %sub3A_1040 = arith.subi %sub3A_1039, %shift_right_arithmetic3A_1037 : vector<16xi32>
    %bitcast_convert_type3A_1041 = tpu.bitcast %sub3A_1040 : vector<16xi32> -> vector<16xf32>
    %mul3A_1042 = arith.constant 5.000000e-01 : f32
    %mul3A_1043 = vector.broadcast %mul3A_1042 : f32 to vector<16xf32>
    %mul3A_1044 = arith.mulf %mul3A_1043, %max3A_1033 : vector<16xf32>
    %mul3A_1045 = arith.mulf %mul3A_1044, %bitcast_convert_type3A_1041 : vector<16xf32>
    %mul3A_1046 = arith.mulf %mul3A_1045, %bitcast_convert_type3A_1041 : vector<16xf32>
    %sub3A_1047 = arith.constant 1.500000e+00 : f32
    %sub3A_1048 = vector.broadcast %sub3A_1047 : f32 to vector<16xf32>
    %sub3A_1049 = arith.subf %sub3A_1048, %mul3A_1046 : vector<16xf32>
    %mul3A_1050 = arith.mulf %bitcast_convert_type3A_1041, %sub3A_1049 : vector<16xf32>
    %mul3A_1051 = arith.constant 5.000000e-01 : f32
    %mul3A_1052 = vector.broadcast %mul3A_1051 : f32 to vector<16xf32>
    %mul3A_1053 = arith.mulf %mul3A_1052, %max3A_1033 : vector<16xf32>
    %mul3A_1054 = arith.mulf %mul3A_1053, %mul3A_1050 : vector<16xf32>
    %mul3A_1055 = arith.mulf %mul3A_1054, %mul3A_1050 : vector<16xf32>
    %sub3A_1056 = arith.constant 1.500000e+00 : f32
    %sub3A_1057 = vector.broadcast %sub3A_1056 : f32 to vector<16xf32>
    %sub3A_1058 = arith.subf %sub3A_1057, %mul3A_1055 : vector<16xf32>
    %mul3A_1059 = arith.mulf %mul3A_1050, %sub3A_1058 : vector<16xf32>
    %mul3A_1060 = arith.constant 5.000000e-01 : f32
    %mul3A_1061 = vector.broadcast %mul3A_1060 : f32 to vector<16xf32>
    %mul3A_1062 = arith.mulf %mul3A_1061, %max3A_1033 : vector<16xf32>
    %mul3A_1063 = arith.mulf %mul3A_1062, %mul3A_1059 : vector<16xf32>
    %mul3A_1064 = arith.mulf %mul3A_1063, %mul3A_1059 : vector<16xf32>
    %sub3A_1065 = arith.constant 1.500000e+00 : f32
    %sub3A_1066 = vector.broadcast %sub3A_1065 : f32 to vector<16xf32>
    %sub3A_1067 = arith.subf %sub3A_1066, %mul3A_1064 : vector<16xf32>
    %mul3A_1068 = arith.mulf %mul3A_1059, %sub3A_1067 : vector<16xf32>
    %le3A_1069 = arith.constant 0.000000e+00 : f32
    %le3A_1070 = vector.broadcast %le3A_1069 : f32 to vector<16xf32>
    %le3A_1071 = arith.cmpf ole, %sub3A_1030, %le3A_1070 : vector<16xf32>
    %mul3A_1072 = arith.mulf %max3A_1033, %mul3A_1068 : vector<16xf32>
    %jit3A_1073 = arith.constant 0.000000e+00 : f32
    %broadcast_in_dim3A_1074 = vector.broadcast %jit3A_1073 : f32 to vector<16xf32>
    %select_n3A_1075 = arith.select %le3A_1071, %broadcast_in_dim3A_1074, %mul3A_1072 : vector<16xi1>, vector<16xf32>
    %reduce_sum3A_1076 = arith.constant true
    %reduce_sum3A_1077 = vector.broadcast %reduce_sum3A_1076 : i1 to vector<16xi1>
    %reduce_sum3A_1078 = tpu.scan <sum>, %select_n3A_1075 masked %reduce_sum3A_1077 : vector<16xf32>, vector<16xi1> -> vector<16xf32>
    %reduce_sum3A_1079 = vector.extract %reduce_sum3A_1078[15] : f32 from vector<16xf32>
    %add3A_1080 = arith.constant 0 : i32
    %add3A_1081 = arith.addi %mul3A_2, %add3A_1080 : i32
    %get3A_1082 = arith.constant 15 : i32
    %get3A_1083 = arith.index_cast %get3A_1082 : i32 to index
    %get3A_1084 = arith.index_cast %add3A_1081 : i32 to index
    %get3A_1085 = tpu.vector_load %arg4[%get3A_1083, %get3A_1084] {strides = array<i32>} : memref<32x1024xf32, #tpu.memory_space<vmem>>, vector<16xf32>,
    %slice3A_1086 = vector.extract_strided_slice %get3A_1085 {offsets = [15], sizes = [1], strides = [1]} : vector<16xf32> to vector<1xf32>
    %squeeze3A_1087 = vector.extract %slice3A_1086[0] : f32 from vector<1xf32>
    %sub3A_1088 = vector.broadcast %squeeze3A_1087 : f32 to vector<16xf32>
    %sub3A_1089 = arith.subf %scan3A_665#7, %sub3A_1088 : vector<16xf32>
    %max3A_1090 = arith.constant 9.99999996E-13 : f32
    %max3A_1091 = vector.broadcast %max3A_1090 : f32 to vector<16xf32>
    %max3A_1092 = arith.maximumf %sub3A_1089, %max3A_1091 : vector<16xf32>
    %bitcast_convert_type3A_1093 = tpu.bitcast %max3A_1092 : vector<16xf32> -> vector<16xi32>
    %shift_right_arithmetic3A_1094 = arith.constant 1 : i32
    %shift_right_arithmetic3A_1095 = vector.broadcast %shift_right_arithmetic3A_1094 : i32 to vector<16xi32>
    %shift_right_arithmetic3A_1096 = arith.shrsi %bitcast_convert_type3A_1093, %shift_right_arithmetic3A_1095 : vector<16xi32>
    %sub3A_1097 = arith.constant 1597463007 : i32
    %sub3A_1098 = vector.broadcast %sub3A_1097 : i32 to vector<16xi32>
    %sub3A_1099 = arith.subi %sub3A_1098, %shift_right_arithmetic3A_1096 : vector<16xi32>
    %bitcast_convert_type3A_1100 = tpu.bitcast %sub3A_1099 : vector<16xi32> -> vector<16xf32>
    %mul3A_1101 = arith.constant 5.000000e-01 : f32
    %mul3A_1102 = vector.broadcast %mul3A_1101 : f32 to vector<16xf32>
    %mul3A_1103 = arith.mulf %mul3A_1102, %max3A_1092 : vector<16xf32>
    %mul3A_1104 = arith.mulf %mul3A_1103, %bitcast_convert_type3A_1100 : vector<16xf32>
    %mul3A_1105 = arith.mulf %mul3A_1104, %bitcast_convert_type3A_1100 : vector<16xf32>
    %sub3A_1106 = arith.constant 1.500000e+00 : f32
    %sub3A_1107 = vector.broadcast %sub3A_1106 : f32 to vector<16xf32>
    %sub3A_1108 = arith.subf %sub3A_1107, %mul3A_1105 : vector<16xf32>
    %mul3A_1109 = arith.mulf %bitcast_convert_type3A_1100, %sub3A_1108 : vector<16xf32>
    %mul3A_1110 = arith.constant 5.000000e-01 : f32
    %mul3A_1111 = vector.broadcast %mul3A_1110 : f32 to vector<16xf32>
    %mul3A_1112 = arith.mulf %mul3A_1111, %max3A_1092 : vector<16xf32>
    %mul3A_1113 = arith.mulf %mul3A_1112, %mul3A_1109 : vector<16xf32>
    %mul3A_1114 = arith.mulf %mul3A_1113, %mul3A_1109 : vector<16xf32>
    %sub3A_1115 = arith.constant 1.500000e+00 : f32
    %sub3A_1116 = vector.broadcast %sub3A_1115 : f32 to vector<16xf32>
    %sub3A_1117 = arith.subf %sub3A_1116, %mul3A_1114 : vector<16xf32>
    %mul3A_1118 = arith.mulf %mul3A_1109, %sub3A_1117 : vector<16xf32>
    %mul3A_1119 = arith.constant 5.000000e-01 : f32
    %mul3A_1120 = vector.broadcast %mul3A_1119 : f32 to vector<16xf32>
    %mul3A_1121 = arith.mulf %mul3A_1120, %max3A_1092 : vector<16xf32>
    %mul3A_1122 = arith.mulf %mul3A_1121, %mul3A_1118 : vector<16xf32>
    %mul3A_1123 = arith.mulf %mul3A_1122, %mul3A_1118 : vector<16xf32>
    %sub3A_1124 = arith.constant 1.500000e+00 : f32
    %sub3A_1125 = vector.broadcast %sub3A_1124 : f32 to vector<16xf32>
    %sub3A_1126 = arith.subf %sub3A_1125, %mul3A_1123 : vector<16xf32>
    %mul3A_1127 = arith.mulf %mul3A_1118, %sub3A_1126 : vector<16xf32>
    %le3A_1128 = arith.constant 0.000000e+00 : f32
    %le3A_1129 = vector.broadcast %le3A_1128 : f32 to vector<16xf32>
    %le3A_1130 = arith.cmpf ole, %sub3A_1089, %le3A_1129 : vector<16xf32>
    %mul3A_1131 = arith.mulf %max3A_1092, %mul3A_1127 : vector<16xf32>
    %jit3A_1132 = arith.constant 0.000000e+00 : f32
    %broadcast_in_dim3A_1133 = vector.broadcast %jit3A_1132 : f32 to vector<16xf32>
    %select_n3A_1134 = arith.select %le3A_1130, %broadcast_in_dim3A_1133, %mul3A_1131 : vector<16xi1>, vector<16xf32>
    %reduce_sum3A_1135 = arith.constant true
    %reduce_sum3A_1136 = vector.broadcast %reduce_sum3A_1135 : i1 to vector<16xi1>
    %reduce_sum3A_1137 = tpu.scan <sum>, %select_n3A_1134 masked %reduce_sum3A_1136 : vector<16xf32>, vector<16xi1> -> vector<16xf32>
    %reduce_sum3A_1138 = vector.extract %reduce_sum3A_1137[15] : f32 from vector<16xf32>
    %dma_wait3A_1139 = arith.constant 16 : i32
    %dma_wait3A_1140 = arith.constant 0 : i32
    %dma_wait3A_1141 = tpu.memref_slice %arg4[%dma_wait3A_1139, %dma_wait3A_1140] : memref<32x1024xf32, #tpu.memory_space<vmem>> -> memref<8x1024xf32, #tpu.memory_space<vmem>>
    %dma_wait3A_1142 = arith.constant 0 : i32
    %dma_wait3A_1143 = tpu.memref_slice %arg2[%add3A_27, %dma_wait3A_1142] : memref<1024x1024xf32, #tpu.memory_space<hbm>> -> memref<8x1024xf32, #tpu.memory_space<hbm>>
    %dma_wait3A_1144 = arith.constant 16 : i32
    %dma_wait3A_1145 = arith.constant 0 : i32
    %dma_wait3A_1146 = tpu.memref_slice %arg4[%dma_wait3A_1144, %dma_wait3A_1145] : memref<32x1024xf32, #tpu.memory_space<vmem>> -> memref<8x1024xf32, #tpu.memory_space<vmem>>
    %dma_wait3A_1147 = arith.constant 0 : i32
    %dma_wait3A_1148 = tpu.memref_slice %arg2[%add3A_27, %dma_wait3A_1147] : memref<1024x1024xf32, #tpu.memory_space<hbm>> -> memref<8x1024xf32, #tpu.memory_space<hbm>>
    tpu.wait_dma2 semaphore(%arg8 : memref<!tpu.dma_semaphore, #tpu.memory_space<semaphore_mem>>) src(%dma_wait3A_1148 : memref<8x1024xf32, #tpu.memory_space<hbm>>) dst(%dma_wait3A_1146 : memref<8x1024xf32, #tpu.memory_space<vmem>>)
    %get3A_1149 = arith.constant 16 : i32
    %get3A_1150 = arith.index_cast %get3A_1149 : i32 to index
    %get3A_1151 = arith.constant 0 : index
    %get3A_1152 = tpu.vector_load %arg4[%get3A_1150, %get3A_1151] {strides = array<i32>} : memref<32x1024xf32, #tpu.memory_space<vmem>>, vector<16xf32>,
    %masked_sort3A_1153 = arith.constant dense<true> : vector<16xi1>
    %masked_sort3A_1154, %masked_sort3A_1155, %masked_sort3A_1156 = tpu.sort %get3A_1152, %get3A_1152 masked %masked_sort3A_1153 : (vector<16xf32>, vector<16xf32>, vector<16xi1>) -> (vector<16xi1>, vector<16xf32>, vector<16xf32>)
    %get3A_1157 = arith.constant 17 : i32
    %get3A_1158 = arith.index_cast %get3A_1157 : i32 to index
    %get3A_1159 = arith.constant 0 : index
    %get3A_1160 = tpu.vector_load %arg4[%get3A_1158, %get3A_1159] {strides = array<i32>} : memref<32x1024xf32, #tpu.memory_space<vmem>>, vector<16xf32>,
    %masked_sort3A_1161 = arith.constant dense<true> : vector<16xi1>
    %masked_sort3A_1162, %masked_sort3A_1163, %masked_sort3A_1164 = tpu.sort %get3A_1160, %get3A_1160 masked %masked_sort3A_1161 : (vector<16xf32>, vector<16xf32>, vector<16xi1>) -> (vector<16xi1>, vector<16xf32>, vector<16xf32>)
    %get3A_1165 = arith.constant 18 : i32
    %get3A_1166 = arith.index_cast %get3A_1165 : i32 to index
    %get3A_1167 = arith.constant 0 : index
    %get3A_1168 = tpu.vector_load %arg4[%get3A_1166, %get3A_1167] {strides = array<i32>} : memref<32x1024xf32, #tpu.memory_space<vmem>>, vector<16xf32>,
    %masked_sort3A_1169 = arith.constant dense<true> : vector<16xi1>
    %masked_sort3A_1170, %masked_sort3A_1171, %masked_sort3A_1172 = tpu.sort %get3A_1168, %get3A_1168 masked %masked_sort3A_1169 : (vector<16xf32>, vector<16xf32>, vector<16xi1>) -> (vector<16xi1>, vector<16xf32>, vector<16xf32>)
    %get3A_1173 = arith.constant 19 : i32
    %get3A_1174 = arith.index_cast %get3A_1173 : i32 to index
    %get3A_1175 = arith.constant 0 : index
    %get3A_1176 = tpu.vector_load %arg4[%get3A_1174, %get3A_1175] {strides = array<i32>} : memref<32x1024xf32, #tpu.memory_space<vmem>>, vector<16xf32>,
    %masked_sort3A_1177 = arith.constant dense<true> : vector<16xi1>
    %masked_sort3A_1178, %masked_sort3A_1179, %masked_sort3A_1180 = tpu.sort %get3A_1176, %get3A_1176 masked %masked_sort3A_1177 : (vector<16xf32>, vector<16xf32>, vector<16xi1>) -> (vector<16xi1>, vector<16xf32>, vector<16xf32>)
    %get3A_1181 = arith.constant 20 : i32
    %get3A_1182 = arith.index_cast %get3A_1181 : i32 to index
    %get3A_1183 = arith.constant 0 : index
    %get3A_1184 = tpu.vector_load %arg4[%get3A_1182, %get3A_1183] {strides = array<i32>} : memref<32x1024xf32, #tpu.memory_space<vmem>>, vector<16xf32>,
    %masked_sort3A_1185 = arith.constant dense<true> : vector<16xi1>
    %masked_sort3A_1186, %masked_sort3A_1187, %masked_sort3A_1188 = tpu.sort %get3A_1184, %get3A_1184 masked %masked_sort3A_1185 : (vector<16xf32>, vector<16xf32>, vector<16xi1>) -> (vector<16xi1>, vector<16xf32>, vector<16xf32>)
    %get3A_1189 = arith.constant 21 : i32
    %get3A_1190 = arith.index_cast %get3A_1189 : i32 to index
    %get3A_1191 = arith.constant 0 : index
    %get3A_1192 = tpu.vector_load %arg4[%get3A_1190, %get3A_1191] {strides = array<i32>} : memref<32x1024xf32, #tpu.memory_space<vmem>>, vector<16xf32>,
    %masked_sort3A_1193 = arith.constant dense<true> : vector<16xi1>
    %masked_sort3A_1194, %masked_sort3A_1195, %masked_sort3A_1196 = tpu.sort %get3A_1192, %get3A_1192 masked %masked_sort3A_1193 : (vector<16xf32>, vector<16xf32>, vector<16xi1>) -> (vector<16xi1>, vector<16xf32>, vector<16xf32>)
    %get3A_1197 = arith.constant 22 : i32
    %get3A_1198 = arith.index_cast %get3A_1197 : i32 to index
    %get3A_1199 = arith.constant 0 : index
    %get3A_1200 = tpu.vector_load %arg4[%get3A_1198, %get3A_1199] {strides = array<i32>} : memref<32x1024xf32, #tpu.memory_space<vmem>>, vector<16xf32>,
    %masked_sort3A_1201 = arith.constant dense<true> : vector<16xi1>
    %masked_sort3A_1202, %masked_sort3A_1203, %masked_sort3A_1204 = tpu.sort %get3A_1200, %get3A_1200 masked %masked_sort3A_1201 : (vector<16xf32>, vector<16xf32>, vector<16xi1>) -> (vector<16xi1>, vector<16xf32>, vector<16xf32>)
    %get3A_1205 = arith.constant 23 : i32
    %get3A_1206 = arith.index_cast %get3A_1205 : i32 to index
    %get3A_1207 = arith.constant 0 : index
    %get3A_1208 = tpu.vector_load %arg4[%get3A_1206, %get3A_1207] {strides = array<i32>} : memref<32x1024xf32, #tpu.memory_space<vmem>>, vector<16xf32>,
    %masked_sort3A_1209 = arith.constant dense<true> : vector<16xi1>
    %masked_sort3A_1210, %masked_sort3A_1211, %masked_sort3A_1212 = tpu.sort %get3A_1208, %get3A_1208 masked %masked_sort3A_1209 : (vector<16xf32>, vector<16xf32>, vector<16xi1>) -> (vector<16xi1>, vector<16xf32>, vector<16xf32>)
    %scan3A_1213 = arith.constant 1 : i32
    %scan3A_1214 = arith.constant 63 : i32
    %scan3A_1215 = arith.addi %scan3A_1213, %scan3A_1214 : i32
    %scan3A_1216 = arith.constant 1 : i32
    %scan3A_1217:8 = scf.for %scan3A_2409 = %scan3A_1213 to %scan3A_1215 step %scan3A_1216 iter_args(%scan3A_2410 = %masked_sort3A_1155, %scan3A_2411 = %masked_sort3A_1163, %scan3A_2412 = %masked_sort3A_1171, %scan3A_2413 = %masked_sort3A_1179, %scan3A_2414 = %masked_sort3A_1187, %scan3A_2415 = %masked_sort3A_1195, %scan3A_2416 = %masked_sort3A_1203, %scan3A_2417 = %masked_sort3A_1211) -> (vector<16xf32>, vector<16xf32>, vector<16xf32>, vector<16xf32>, vector<16xf32>, vector<16xf32>, vector<16xf32>, vector<16xf32>)  : i32 {
      %mul3A_2418 = arith.constant 16 : i32
      %mul3A_2419 = arith.muli %scan3A_2409, %mul3A_2418 : i32
      %get3A_2420 = arith.constant 16 : i32
      %get3A_2421 = arith.index_cast %get3A_2420 : i32 to index
      %get3A_2422 = arith.index_cast %mul3A_2419 : i32 to index
      %get3A_2423 = tpu.vector_load %arg4[%get3A_2421, %get3A_2422] {strides = array<i32>} : memref<32x1024xf32, #tpu.memory_space<vmem>>, vector<16xf32>,
      %masked_sort3A_2424 = arith.constant dense<true> : vector<16xi1>
      %masked_sort3A_2425, %masked_sort3A_2426, %masked_sort3A_2427 = tpu.sort %get3A_2423, %get3A_2423 masked %masked_sort3A_2424 {descending = true} : (vector<16xf32>, vector<16xf32>, vector<16xi1>) -> (vector<16xi1>, vector<16xf32>, vector<16xf32>)
      %min3A = arith.minimumf %scan3A_2410, %masked_sort3A_2426 : vector<16xf32>
      %masked_sort3A_2428 = arith.constant dense<true> : vector<16xi1>
      %masked_sort3A_2429, %masked_sort3A_2430, %masked_sort3A_2431 = tpu.sort %min3A, %min3A masked %masked_sort3A_2428 : (vector<16xf32>, vector<16xf32>, vector<16xi1>) -> (vector<16xi1>, vector<16xf32>, vector<16xf32>)
      %mul3A_2432 = arith.constant 16 : i32
      %mul3A_2433 = arith.muli %scan3A_2409, %mul3A_2432 : i32
      %get3A_2434 = arith.constant 17 : i32
      %get3A_2435 = arith.index_cast %get3A_2434 : i32 to index
      %get3A_2436 = arith.index_cast %mul3A_2433 : i32 to index
      %get3A_2437 = tpu.vector_load %arg4[%get3A_2435, %get3A_2436] {strides = array<i32>} : memref<32x1024xf32, #tpu.memory_space<vmem>>, vector<16xf32>,
      %masked_sort3A_2438 = arith.constant dense<true> : vector<16xi1>
      %masked_sort3A_2439, %masked_sort3A_2440, %masked_sort3A_2441 = tpu.sort %get3A_2437, %get3A_2437 masked %masked_sort3A_2438 {descending = true} : (vector<16xf32>, vector<16xf32>, vector<16xi1>) -> (vector<16xi1>, vector<16xf32>, vector<16xf32>)
      %min3A_2442 = arith.minimumf %scan3A_2411, %masked_sort3A_2440 : vector<16xf32>
      %masked_sort3A_2443 = arith.constant dense<true> : vector<16xi1>
      %masked_sort3A_2444, %masked_sort3A_2445, %masked_sort3A_2446 = tpu.sort %min3A_2442, %min3A_2442 masked %masked_sort3A_2443 : (vector<16xf32>, vector<16xf32>, vector<16xi1>) -> (vector<16xi1>, vector<16xf32>, vector<16xf32>)
      %mul3A_2447 = arith.constant 16 : i32
      %mul3A_2448 = arith.muli %scan3A_2409, %mul3A_2447 : i32
      %get3A_2449 = arith.constant 18 : i32
      %get3A_2450 = arith.index_cast %get3A_2449 : i32 to index
      %get3A_2451 = arith.index_cast %mul3A_2448 : i32 to index
      %get3A_2452 = tpu.vector_load %arg4[%get3A_2450, %get3A_2451] {strides = array<i32>} : memref<32x1024xf32, #tpu.memory_space<vmem>>, vector<16xf32>,
      %masked_sort3A_2453 = arith.constant dense<true> : vector<16xi1>
      %masked_sort3A_2454, %masked_sort3A_2455, %masked_sort3A_2456 = tpu.sort %get3A_2452, %get3A_2452 masked %masked_sort3A_2453 {descending = true} : (vector<16xf32>, vector<16xf32>, vector<16xi1>) -> (vector<16xi1>, vector<16xf32>, vector<16xf32>)
      %min3A_2457 = arith.minimumf %scan3A_2412, %masked_sort3A_2455 : vector<16xf32>
      %masked_sort3A_2458 = arith.constant dense<true> : vector<16xi1>
      %masked_sort3A_2459, %masked_sort3A_2460, %masked_sort3A_2461 = tpu.sort %min3A_2457, %min3A_2457 masked %masked_sort3A_2458 : (vector<16xf32>, vector<16xf32>, vector<16xi1>) -> (vector<16xi1>, vector<16xf32>, vector<16xf32>)
      %mul3A_2462 = arith.constant 16 : i32
      %mul3A_2463 = arith.muli %scan3A_2409, %mul3A_2462 : i32
      %get3A_2464 = arith.constant 19 : i32
      %get3A_2465 = arith.index_cast %get3A_2464 : i32 to index
      %get3A_2466 = arith.index_cast %mul3A_2463 : i32 to index
      %get3A_2467 = tpu.vector_load %arg4[%get3A_2465, %get3A_2466] {strides = array<i32>} : memref<32x1024xf32, #tpu.memory_space<vmem>>, vector<16xf32>,
      %masked_sort3A_2468 = arith.constant dense<true> : vector<16xi1>
      %masked_sort3A_2469, %masked_sort3A_2470, %masked_sort3A_2471 = tpu.sort %get3A_2467, %get3A_2467 masked %masked_sort3A_2468 {descending = true} : (vector<16xf32>, vector<16xf32>, vector<16xi1>) -> (vector<16xi1>, vector<16xf32>, vector<16xf32>)
      %min3A_2472 = arith.minimumf %scan3A_2413, %masked_sort3A_2470 : vector<16xf32>
      %masked_sort3A_2473 = arith.constant dense<true> : vector<16xi1>
      %masked_sort3A_2474, %masked_sort3A_2475, %masked_sort3A_2476 = tpu.sort %min3A_2472, %min3A_2472 masked %masked_sort3A_2473 : (vector<16xf32>, vector<16xf32>, vector<16xi1>) -> (vector<16xi1>, vector<16xf32>, vector<16xf32>)
      %mul3A_2477 = arith.constant 16 : i32
      %mul3A_2478 = arith.muli %scan3A_2409, %mul3A_2477 : i32
      %get3A_2479 = arith.constant 20 : i32
      %get3A_2480 = arith.index_cast %get3A_2479 : i32 to index
      %get3A_2481 = arith.index_cast %mul3A_2478 : i32 to index
      %get3A_2482 = tpu.vector_load %arg4[%get3A_2480, %get3A_2481] {strides = array<i32>} : memref<32x1024xf32, #tpu.memory_space<vmem>>, vector<16xf32>,
      %masked_sort3A_2483 = arith.constant dense<true> : vector<16xi1>
      %masked_sort3A_2484, %masked_sort3A_2485, %masked_sort3A_2486 = tpu.sort %get3A_2482, %get3A_2482 masked %masked_sort3A_2483 {descending = true} : (vector<16xf32>, vector<16xf32>, vector<16xi1>) -> (vector<16xi1>, vector<16xf32>, vector<16xf32>)
      %min3A_2487 = arith.minimumf %scan3A_2414, %masked_sort3A_2485 : vector<16xf32>
      %masked_sort3A_2488 = arith.constant dense<true> : vector<16xi1>
      %masked_sort3A_2489, %masked_sort3A_2490, %masked_sort3A_2491 = tpu.sort %min3A_2487, %min3A_2487 masked %masked_sort3A_2488 : (vector<16xf32>, vector<16xf32>, vector<16xi1>) -> (vector<16xi1>, vector<16xf32>, vector<16xf32>)
      %mul3A_2492 = arith.constant 16 : i32
      %mul3A_2493 = arith.muli %scan3A_2409, %mul3A_2492 : i32
      %get3A_2494 = arith.constant 21 : i32
      %get3A_2495 = arith.index_cast %get3A_2494 : i32 to index
      %get3A_2496 = arith.index_cast %mul3A_2493 : i32 to index
      %get3A_2497 = tpu.vector_load %arg4[%get3A_2495, %get3A_2496] {strides = array<i32>} : memref<32x1024xf32, #tpu.memory_space<vmem>>, vector<16xf32>,
      %masked_sort3A_2498 = arith.constant dense<true> : vector<16xi1>
      %masked_sort3A_2499, %masked_sort3A_2500, %masked_sort3A_2501 = tpu.sort %get3A_2497, %get3A_2497 masked %masked_sort3A_2498 {descending = true} : (vector<16xf32>, vector<16xf32>, vector<16xi1>) -> (vector<16xi1>, vector<16xf32>, vector<16xf32>)
      %min3A_2502 = arith.minimumf %scan3A_2415, %masked_sort3A_2500 : vector<16xf32>
      %masked_sort3A_2503 = arith.constant dense<true> : vector<16xi1>
      %masked_sort3A_2504, %masked_sort3A_2505, %masked_sort3A_2506 = tpu.sort %min3A_2502, %min3A_2502 masked %masked_sort3A_2503 : (vector<16xf32>, vector<16xf32>, vector<16xi1>) -> (vector<16xi1>, vector<16xf32>, vector<16xf32>)
      %mul3A_2507 = arith.constant 16 : i32
      %mul3A_2508 = arith.muli %scan3A_2409, %mul3A_2507 : i32
      %get3A_2509 = arith.constant 22 : i32
      %get3A_2510 = arith.index_cast %get3A_2509 : i32 to index
      %get3A_2511 = arith.index_cast %mul3A_2508 : i32 to index
      %get3A_2512 = tpu.vector_load %arg4[%get3A_2510, %get3A_2511] {strides = array<i32>} : memref<32x1024xf32, #tpu.memory_space<vmem>>, vector<16xf32>,
      %masked_sort3A_2513 = arith.constant dense<true> : vector<16xi1>
      %masked_sort3A_2514, %masked_sort3A_2515, %masked_sort3A_2516 = tpu.sort %get3A_2512, %get3A_2512 masked %masked_sort3A_2513 {descending = true} : (vector<16xf32>, vector<16xf32>, vector<16xi1>) -> (vector<16xi1>, vector<16xf32>, vector<16xf32>)
      %min3A_2517 = arith.minimumf %scan3A_2416, %masked_sort3A_2515 : vector<16xf32>
      %masked_sort3A_2518 = arith.constant dense<true> : vector<16xi1>
      %masked_sort3A_2519, %masked_sort3A_2520, %masked_sort3A_2521 = tpu.sort %min3A_2517, %min3A_2517 masked %masked_sort3A_2518 : (vector<16xf32>, vector<16xf32>, vector<16xi1>) -> (vector<16xi1>, vector<16xf32>, vector<16xf32>)
      %mul3A_2522 = arith.constant 16 : i32
      %mul3A_2523 = arith.muli %scan3A_2409, %mul3A_2522 : i32
      %get3A_2524 = arith.constant 23 : i32
      %get3A_2525 = arith.index_cast %get3A_2524 : i32 to index
      %get3A_2526 = arith.index_cast %mul3A_2523 : i32 to index
      %get3A_2527 = tpu.vector_load %arg4[%get3A_2525, %get3A_2526] {strides = array<i32>} : memref<32x1024xf32, #tpu.memory_space<vmem>>, vector<16xf32>,
      %masked_sort3A_2528 = arith.constant dense<true> : vector<16xi1>
      %masked_sort3A_2529, %masked_sort3A_2530, %masked_sort3A_2531 = tpu.sort %get3A_2527, %get3A_2527 masked %masked_sort3A_2528 {descending = true} : (vector<16xf32>, vector<16xf32>, vector<16xi1>) -> (vector<16xi1>, vector<16xf32>, vector<16xf32>)
      %min3A_2532 = arith.minimumf %scan3A_2417, %masked_sort3A_2530 : vector<16xf32>
      %masked_sort3A_2533 = arith.constant dense<true> : vector<16xi1>
      %masked_sort3A_2534, %masked_sort3A_2535, %masked_sort3A_2536 = tpu.sort %min3A_2532, %min3A_2532 masked %masked_sort3A_2533 : (vector<16xf32>, vector<16xf32>, vector<16xi1>) -> (vector<16xi1>, vector<16xf32>, vector<16xf32>)
      scf.yield %masked_sort3A_2430, %masked_sort3A_2445, %masked_sort3A_2460, %masked_sort3A_2475, %masked_sort3A_2490, %masked_sort3A_2505, %masked_sort3A_2520, %masked_sort3A_2535 : vector<16xf32>, vector<16xf32>, vector<16xf32>, vector<16xf32>, vector<16xf32>, vector<16xf32>, vector<16xf32>, vector<16xf32>
    }
    %scan3A_1218 = arith.constant 63 : i32
    %add3A_1219 = arith.constant 16 : i32
    %add3A_1220 = arith.addi %mul3A_2, %add3A_1219 : i32
    %get3A_1221 = arith.constant 16 : i32
    %get3A_1222 = arith.index_cast %get3A_1221 : i32 to index
    %get3A_1223 = arith.index_cast %add3A_1220 : i32 to index
    %get3A_1224 = tpu.vector_load %arg4[%get3A_1222, %get3A_1223] {strides = array<i32>} : memref<32x1024xf32, #tpu.memory_space<vmem>>, vector<16xf32>,
    %slice3A_1225 = vector.extract_strided_slice %get3A_1224 {offsets = [0], sizes = [1], strides = [1]} : vector<16xf32> to vector<1xf32>
    %squeeze3A_1226 = vector.extract %slice3A_1225[0] : f32 from vector<1xf32>
    %sub3A_1227 = vector.broadcast %squeeze3A_1226 : f32 to vector<16xf32>
    %sub3A_1228 = arith.subf %scan3A_1217#0, %sub3A_1227 : vector<16xf32>
    %max3A_1229 = arith.constant 9.99999996E-13 : f32
    %max3A_1230 = vector.broadcast %max3A_1229 : f32 to vector<16xf32>
    %max3A_1231 = arith.maximumf %sub3A_1228, %max3A_1230 : vector<16xf32>
    %bitcast_convert_type3A_1232 = tpu.bitcast %max3A_1231 : vector<16xf32> -> vector<16xi32>
    %shift_right_arithmetic3A_1233 = arith.constant 1 : i32
    %shift_right_arithmetic3A_1234 = vector.broadcast %shift_right_arithmetic3A_1233 : i32 to vector<16xi32>
    %shift_right_arithmetic3A_1235 = arith.shrsi %bitcast_convert_type3A_1232, %shift_right_arithmetic3A_1234 : vector<16xi32>
    %sub3A_1236 = arith.constant 1597463007 : i32
    %sub3A_1237 = vector.broadcast %sub3A_1236 : i32 to vector<16xi32>
    %sub3A_1238 = arith.subi %sub3A_1237, %shift_right_arithmetic3A_1235 : vector<16xi32>
    %bitcast_convert_type3A_1239 = tpu.bitcast %sub3A_1238 : vector<16xi32> -> vector<16xf32>
    %mul3A_1240 = arith.constant 5.000000e-01 : f32
    %mul3A_1241 = vector.broadcast %mul3A_1240 : f32 to vector<16xf32>
    %mul3A_1242 = arith.mulf %mul3A_1241, %max3A_1231 : vector<16xf32>
    %mul3A_1243 = arith.mulf %mul3A_1242, %bitcast_convert_type3A_1239 : vector<16xf32>
    %mul3A_1244 = arith.mulf %mul3A_1243, %bitcast_convert_type3A_1239 : vector<16xf32>
    %sub3A_1245 = arith.constant 1.500000e+00 : f32
    %sub3A_1246 = vector.broadcast %sub3A_1245 : f32 to vector<16xf32>
    %sub3A_1247 = arith.subf %sub3A_1246, %mul3A_1244 : vector<16xf32>
    %mul3A_1248 = arith.mulf %bitcast_convert_type3A_1239, %sub3A_1247 : vector<16xf32>
    %mul3A_1249 = arith.constant 5.000000e-01 : f32
    %mul3A_1250 = vector.broadcast %mul3A_1249 : f32 to vector<16xf32>
    %mul3A_1251 = arith.mulf %mul3A_1250, %max3A_1231 : vector<16xf32>
    %mul3A_1252 = arith.mulf %mul3A_1251, %mul3A_1248 : vector<16xf32>
    %mul3A_1253 = arith.mulf %mul3A_1252, %mul3A_1248 : vector<16xf32>
    %sub3A_1254 = arith.constant 1.500000e+00 : f32
    %sub3A_1255 = vector.broadcast %sub3A_1254 : f32 to vector<16xf32>
    %sub3A_1256 = arith.subf %sub3A_1255, %mul3A_1253 : vector<16xf32>
    %mul3A_1257 = arith.mulf %mul3A_1248, %sub3A_1256 : vector<16xf32>
    %mul3A_1258 = arith.constant 5.000000e-01 : f32
    %mul3A_1259 = vector.broadcast %mul3A_1258 : f32 to vector<16xf32>
    %mul3A_1260 = arith.mulf %mul3A_1259, %max3A_1231 : vector<16xf32>
    %mul3A_1261 = arith.mulf %mul3A_1260, %mul3A_1257 : vector<16xf32>
    %mul3A_1262 = arith.mulf %mul3A_1261, %mul3A_1257 : vector<16xf32>
    %sub3A_1263 = arith.constant 1.500000e+00 : f32
    %sub3A_1264 = vector.broadcast %sub3A_1263 : f32 to vector<16xf32>
    %sub3A_1265 = arith.subf %sub3A_1264, %mul3A_1262 : vector<16xf32>
    %mul3A_1266 = arith.mulf %mul3A_1257, %sub3A_1265 : vector<16xf32>
    %le3A_1267 = arith.constant 0.000000e+00 : f32
    %le3A_1268 = vector.broadcast %le3A_1267 : f32 to vector<16xf32>
    %le3A_1269 = arith.cmpf ole, %sub3A_1228, %le3A_1268 : vector<16xf32>
    %mul3A_1270 = arith.mulf %max3A_1231, %mul3A_1266 : vector<16xf32>
    %jit3A_1271 = arith.constant 0.000000e+00 : f32
    %broadcast_in_dim3A_1272 = vector.broadcast %jit3A_1271 : f32 to vector<16xf32>
    %select_n3A_1273 = arith.select %le3A_1269, %broadcast_in_dim3A_1272, %mul3A_1270 : vector<16xi1>, vector<16xf32>
    %reduce_sum3A_1274 = arith.constant true
    %reduce_sum3A_1275 = vector.broadcast %reduce_sum3A_1274 : i1 to vector<16xi1>
    %reduce_sum3A_1276 = tpu.scan <sum>, %select_n3A_1273 masked %reduce_sum3A_1275 : vector<16xf32>, vector<16xi1> -> vector<16xf32>
    %reduce_sum3A_1277 = vector.extract %reduce_sum3A_1276[15] : f32 from vector<16xf32>
    %add3A_1278 = arith.constant 16 : i32
    %add3A_1279 = arith.addi %mul3A_2, %add3A_1278 : i32
    %get3A_1280 = arith.constant 17 : i32
    %get3A_1281 = arith.index_cast %get3A_1280 : i32 to index
    %get3A_1282 = arith.index_cast %add3A_1279 : i32 to index
    %get3A_1283 = tpu.vector_load %arg4[%get3A_1281, %get3A_1282] {strides = array<i32>} : memref<32x1024xf32, #tpu.memory_space<vmem>>, vector<16xf32>,
    %slice3A_1284 = vector.extract_strided_slice %get3A_1283 {offsets = [1], sizes = [1], strides = [1]} : vector<16xf32> to vector<1xf32>
    %squeeze3A_1285 = vector.extract %slice3A_1284[0] : f32 from vector<1xf32>
    %sub3A_1286 = vector.broadcast %squeeze3A_1285 : f32 to vector<16xf32>
    %sub3A_1287 = arith.subf %scan3A_1217#1, %sub3A_1286 : vector<16xf32>
    %max3A_1288 = arith.constant 9.99999996E-13 : f32
    %max3A_1289 = vector.broadcast %max3A_1288 : f32 to vector<16xf32>
    %max3A_1290 = arith.maximumf %sub3A_1287, %max3A_1289 : vector<16xf32>
    %bitcast_convert_type3A_1291 = tpu.bitcast %max3A_1290 : vector<16xf32> -> vector<16xi32>
    %shift_right_arithmetic3A_1292 = arith.constant 1 : i32
    %shift_right_arithmetic3A_1293 = vector.broadcast %shift_right_arithmetic3A_1292 : i32 to vector<16xi32>
    %shift_right_arithmetic3A_1294 = arith.shrsi %bitcast_convert_type3A_1291, %shift_right_arithmetic3A_1293 : vector<16xi32>
    %sub3A_1295 = arith.constant 1597463007 : i32
    %sub3A_1296 = vector.broadcast %sub3A_1295 : i32 to vector<16xi32>
    %sub3A_1297 = arith.subi %sub3A_1296, %shift_right_arithmetic3A_1294 : vector<16xi32>
    %bitcast_convert_type3A_1298 = tpu.bitcast %sub3A_1297 : vector<16xi32> -> vector<16xf32>
    %mul3A_1299 = arith.constant 5.000000e-01 : f32
    %mul3A_1300 = vector.broadcast %mul3A_1299 : f32 to vector<16xf32>
    %mul3A_1301 = arith.mulf %mul3A_1300, %max3A_1290 : vector<16xf32>
    %mul3A_1302 = arith.mulf %mul3A_1301, %bitcast_convert_type3A_1298 : vector<16xf32>
    %mul3A_1303 = arith.mulf %mul3A_1302, %bitcast_convert_type3A_1298 : vector<16xf32>
    %sub3A_1304 = arith.constant 1.500000e+00 : f32
    %sub3A_1305 = vector.broadcast %sub3A_1304 : f32 to vector<16xf32>
    %sub3A_1306 = arith.subf %sub3A_1305, %mul3A_1303 : vector<16xf32>
    %mul3A_1307 = arith.mulf %bitcast_convert_type3A_1298, %sub3A_1306 : vector<16xf32>
    %mul3A_1308 = arith.constant 5.000000e-01 : f32
    %mul3A_1309 = vector.broadcast %mul3A_1308 : f32 to vector<16xf32>
    %mul3A_1310 = arith.mulf %mul3A_1309, %max3A_1290 : vector<16xf32>
    %mul3A_1311 = arith.mulf %mul3A_1310, %mul3A_1307 : vector<16xf32>
    %mul3A_1312 = arith.mulf %mul3A_1311, %mul3A_1307 : vector<16xf32>
    %sub3A_1313 = arith.constant 1.500000e+00 : f32
    %sub3A_1314 = vector.broadcast %sub3A_1313 : f32 to vector<16xf32>
    %sub3A_1315 = arith.subf %sub3A_1314, %mul3A_1312 : vector<16xf32>
    %mul3A_1316 = arith.mulf %mul3A_1307, %sub3A_1315 : vector<16xf32>
    %mul3A_1317 = arith.constant 5.000000e-01 : f32
    %mul3A_1318 = vector.broadcast %mul3A_1317 : f32 to vector<16xf32>
    %mul3A_1319 = arith.mulf %mul3A_1318, %max3A_1290 : vector<16xf32>
    %mul3A_1320 = arith.mulf %mul3A_1319, %mul3A_1316 : vector<16xf32>
    %mul3A_1321 = arith.mulf %mul3A_1320, %mul3A_1316 : vector<16xf32>
    %sub3A_1322 = arith.constant 1.500000e+00 : f32
    %sub3A_1323 = vector.broadcast %sub3A_1322 : f32 to vector<16xf32>
    %sub3A_1324 = arith.subf %sub3A_1323, %mul3A_1321 : vector<16xf32>
    %mul3A_1325 = arith.mulf %mul3A_1316, %sub3A_1324 : vector<16xf32>
    %le3A_1326 = arith.constant 0.000000e+00 : f32
    %le3A_1327 = vector.broadcast %le3A_1326 : f32 to vector<16xf32>
    %le3A_1328 = arith.cmpf ole, %sub3A_1287, %le3A_1327 : vector<16xf32>
    %mul3A_1329 = arith.mulf %max3A_1290, %mul3A_1325 : vector<16xf32>
    %jit3A_1330 = arith.constant 0.000000e+00 : f32
    %broadcast_in_dim3A_1331 = vector.broadcast %jit3A_1330 : f32 to vector<16xf32>
    %select_n3A_1332 = arith.select %le3A_1328, %broadcast_in_dim3A_1331, %mul3A_1329 : vector<16xi1>, vector<16xf32>
    %reduce_sum3A_1333 = arith.constant true
    %reduce_sum3A_1334 = vector.broadcast %reduce_sum3A_1333 : i1 to vector<16xi1>
    %reduce_sum3A_1335 = tpu.scan <sum>, %select_n3A_1332 masked %reduce_sum3A_1334 : vector<16xf32>, vector<16xi1> -> vector<16xf32>
    %reduce_sum3A_1336 = vector.extract %reduce_sum3A_1335[15] : f32 from vector<16xf32>
    %add3A_1337 = arith.constant 16 : i32
    %add3A_1338 = arith.addi %mul3A_2, %add3A_1337 : i32
    %get3A_1339 = arith.constant 18 : i32
    %get3A_1340 = arith.index_cast %get3A_1339 : i32 to index
    %get3A_1341 = arith.index_cast %add3A_1338 : i32 to index
    %get3A_1342 = tpu.vector_load %arg4[%get3A_1340, %get3A_1341] {strides = array<i32>} : memref<32x1024xf32, #tpu.memory_space<vmem>>, vector<16xf32>,
    %slice3A_1343 = vector.extract_strided_slice %get3A_1342 {offsets = [2], sizes = [1], strides = [1]} : vector<16xf32> to vector<1xf32>
    %squeeze3A_1344 = vector.extract %slice3A_1343[0] : f32 from vector<1xf32>
    %sub3A_1345 = vector.broadcast %squeeze3A_1344 : f32 to vector<16xf32>
    %sub3A_1346 = arith.subf %scan3A_1217#2, %sub3A_1345 : vector<16xf32>
    %max3A_1347 = arith.constant 9.99999996E-13 : f32
    %max3A_1348 = vector.broadcast %max3A_1347 : f32 to vector<16xf32>
    %max3A_1349 = arith.maximumf %sub3A_1346, %max3A_1348 : vector<16xf32>
    %bitcast_convert_type3A_1350 = tpu.bitcast %max3A_1349 : vector<16xf32> -> vector<16xi32>
    %shift_right_arithmetic3A_1351 = arith.constant 1 : i32
    %shift_right_arithmetic3A_1352 = vector.broadcast %shift_right_arithmetic3A_1351 : i32 to vector<16xi32>
    %shift_right_arithmetic3A_1353 = arith.shrsi %bitcast_convert_type3A_1350, %shift_right_arithmetic3A_1352 : vector<16xi32>
    %sub3A_1354 = arith.constant 1597463007 : i32
    %sub3A_1355 = vector.broadcast %sub3A_1354 : i32 to vector<16xi32>
    %sub3A_1356 = arith.subi %sub3A_1355, %shift_right_arithmetic3A_1353 : vector<16xi32>
    %bitcast_convert_type3A_1357 = tpu.bitcast %sub3A_1356 : vector<16xi32> -> vector<16xf32>
    %mul3A_1358 = arith.constant 5.000000e-01 : f32
    %mul3A_1359 = vector.broadcast %mul3A_1358 : f32 to vector<16xf32>
    %mul3A_1360 = arith.mulf %mul3A_1359, %max3A_1349 : vector<16xf32>
    %mul3A_1361 = arith.mulf %mul3A_1360, %bitcast_convert_type3A_1357 : vector<16xf32>
    %mul3A_1362 = arith.mulf %mul3A_1361, %bitcast_convert_type3A_1357 : vector<16xf32>
    %sub3A_1363 = arith.constant 1.500000e+00 : f32
    %sub3A_1364 = vector.broadcast %sub3A_1363 : f32 to vector<16xf32>
    %sub3A_1365 = arith.subf %sub3A_1364, %mul3A_1362 : vector<16xf32>
    %mul3A_1366 = arith.mulf %bitcast_convert_type3A_1357, %sub3A_1365 : vector<16xf32>
    %mul3A_1367 = arith.constant 5.000000e-01 : f32
    %mul3A_1368 = vector.broadcast %mul3A_1367 : f32 to vector<16xf32>
    %mul3A_1369 = arith.mulf %mul3A_1368, %max3A_1349 : vector<16xf32>
    %mul3A_1370 = arith.mulf %mul3A_1369, %mul3A_1366 : vector<16xf32>
    %mul3A_1371 = arith.mulf %mul3A_1370, %mul3A_1366 : vector<16xf32>
    %sub3A_1372 = arith.constant 1.500000e+00 : f32
    %sub3A_1373 = vector.broadcast %sub3A_1372 : f32 to vector<16xf32>
    %sub3A_1374 = arith.subf %sub3A_1373, %mul3A_1371 : vector<16xf32>
    %mul3A_1375 = arith.mulf %mul3A_1366, %sub3A_1374 : vector<16xf32>
    %mul3A_1376 = arith.constant 5.000000e-01 : f32
    %mul3A_1377 = vector.broadcast %mul3A_1376 : f32 to vector<16xf32>
    %mul3A_1378 = arith.mulf %mul3A_1377, %max3A_1349 : vector<16xf32>
    %mul3A_1379 = arith.mulf %mul3A_1378, %mul3A_1375 : vector<16xf32>
    %mul3A_1380 = arith.mulf %mul3A_1379, %mul3A_1375 : vector<16xf32>
    %sub3A_1381 = arith.constant 1.500000e+00 : f32
    %sub3A_1382 = vector.broadcast %sub3A_1381 : f32 to vector<16xf32>
    %sub3A_1383 = arith.subf %sub3A_1382, %mul3A_1380 : vector<16xf32>
    %mul3A_1384 = arith.mulf %mul3A_1375, %sub3A_1383 : vector<16xf32>
    %le3A_1385 = arith.constant 0.000000e+00 : f32
    %le3A_1386 = vector.broadcast %le3A_1385 : f32 to vector<16xf32>
    %le3A_1387 = arith.cmpf ole, %sub3A_1346, %le3A_1386 : vector<16xf32>
    %mul3A_1388 = arith.mulf %max3A_1349, %mul3A_1384 : vector<16xf32>
    %jit3A_1389 = arith.constant 0.000000e+00 : f32
    %broadcast_in_dim3A_1390 = vector.broadcast %jit3A_1389 : f32 to vector<16xf32>
    %select_n3A_1391 = arith.select %le3A_1387, %broadcast_in_dim3A_1390, %mul3A_1388 : vector<16xi1>, vector<16xf32>
    %reduce_sum3A_1392 = arith.constant true
    %reduce_sum3A_1393 = vector.broadcast %reduce_sum3A_1392 : i1 to vector<16xi1>
    %reduce_sum3A_1394 = tpu.scan <sum>, %select_n3A_1391 masked %reduce_sum3A_1393 : vector<16xf32>, vector<16xi1> -> vector<16xf32>
    %reduce_sum3A_1395 = vector.extract %reduce_sum3A_1394[15] : f32 from vector<16xf32>
    %add3A_1396 = arith.constant 16 : i32
    %add3A_1397 = arith.addi %mul3A_2, %add3A_1396 : i32
    %get3A_1398 = arith.constant 19 : i32
    %get3A_1399 = arith.index_cast %get3A_1398 : i32 to index
    %get3A_1400 = arith.index_cast %add3A_1397 : i32 to index
    %get3A_1401 = tpu.vector_load %arg4[%get3A_1399, %get3A_1400] {strides = array<i32>} : memref<32x1024xf32, #tpu.memory_space<vmem>>, vector<16xf32>,
    %slice3A_1402 = vector.extract_strided_slice %get3A_1401 {offsets = [3], sizes = [1], strides = [1]} : vector<16xf32> to vector<1xf32>
    %squeeze3A_1403 = vector.extract %slice3A_1402[0] : f32 from vector<1xf32>
    %sub3A_1404 = vector.broadcast %squeeze3A_1403 : f32 to vector<16xf32>
    %sub3A_1405 = arith.subf %scan3A_1217#3, %sub3A_1404 : vector<16xf32>
    %max3A_1406 = arith.constant 9.99999996E-13 : f32
    %max3A_1407 = vector.broadcast %max3A_1406 : f32 to vector<16xf32>
    %max3A_1408 = arith.maximumf %sub3A_1405, %max3A_1407 : vector<16xf32>
    %bitcast_convert_type3A_1409 = tpu.bitcast %max3A_1408 : vector<16xf32> -> vector<16xi32>
    %shift_right_arithmetic3A_1410 = arith.constant 1 : i32
    %shift_right_arithmetic3A_1411 = vector.broadcast %shift_right_arithmetic3A_1410 : i32 to vector<16xi32>
    %shift_right_arithmetic3A_1412 = arith.shrsi %bitcast_convert_type3A_1409, %shift_right_arithmetic3A_1411 : vector<16xi32>
    %sub3A_1413 = arith.constant 1597463007 : i32
    %sub3A_1414 = vector.broadcast %sub3A_1413 : i32 to vector<16xi32>
    %sub3A_1415 = arith.subi %sub3A_1414, %shift_right_arithmetic3A_1412 : vector<16xi32>
    %bitcast_convert_type3A_1416 = tpu.bitcast %sub3A_1415 : vector<16xi32> -> vector<16xf32>
    %mul3A_1417 = arith.constant 5.000000e-01 : f32
    %mul3A_1418 = vector.broadcast %mul3A_1417 : f32 to vector<16xf32>
    %mul3A_1419 = arith.mulf %mul3A_1418, %max3A_1408 : vector<16xf32>
    %mul3A_1420 = arith.mulf %mul3A_1419, %bitcast_convert_type3A_1416 : vector<16xf32>
    %mul3A_1421 = arith.mulf %mul3A_1420, %bitcast_convert_type3A_1416 : vector<16xf32>
    %sub3A_1422 = arith.constant 1.500000e+00 : f32
    %sub3A_1423 = vector.broadcast %sub3A_1422 : f32 to vector<16xf32>
    %sub3A_1424 = arith.subf %sub3A_1423, %mul3A_1421 : vector<16xf32>
    %mul3A_1425 = arith.mulf %bitcast_convert_type3A_1416, %sub3A_1424 : vector<16xf32>
    %mul3A_1426 = arith.constant 5.000000e-01 : f32
    %mul3A_1427 = vector.broadcast %mul3A_1426 : f32 to vector<16xf32>
    %mul3A_1428 = arith.mulf %mul3A_1427, %max3A_1408 : vector<16xf32>
    %mul3A_1429 = arith.mulf %mul3A_1428, %mul3A_1425 : vector<16xf32>
    %mul3A_1430 = arith.mulf %mul3A_1429, %mul3A_1425 : vector<16xf32>
    %sub3A_1431 = arith.constant 1.500000e+00 : f32
    %sub3A_1432 = vector.broadcast %sub3A_1431 : f32 to vector<16xf32>
    %sub3A_1433 = arith.subf %sub3A_1432, %mul3A_1430 : vector<16xf32>
    %mul3A_1434 = arith.mulf %mul3A_1425, %sub3A_1433 : vector<16xf32>
    %mul3A_1435 = arith.constant 5.000000e-01 : f32
    %mul3A_1436 = vector.broadcast %mul3A_1435 : f32 to vector<16xf32>
    %mul3A_1437 = arith.mulf %mul3A_1436, %max3A_1408 : vector<16xf32>
    %mul3A_1438 = arith.mulf %mul3A_1437, %mul3A_1434 : vector<16xf32>
    %mul3A_1439 = arith.mulf %mul3A_1438, %mul3A_1434 : vector<16xf32>
    %sub3A_1440 = arith.constant 1.500000e+00 : f32
    %sub3A_1441 = vector.broadcast %sub3A_1440 : f32 to vector<16xf32>
    %sub3A_1442 = arith.subf %sub3A_1441, %mul3A_1439 : vector<16xf32>
    %mul3A_1443 = arith.mulf %mul3A_1434, %sub3A_1442 : vector<16xf32>
    %le3A_1444 = arith.constant 0.000000e+00 : f32
    %le3A_1445 = vector.broadcast %le3A_1444 : f32 to vector<16xf32>
    %le3A_1446 = arith.cmpf ole, %sub3A_1405, %le3A_1445 : vector<16xf32>
    %mul3A_1447 = arith.mulf %max3A_1408, %mul3A_1443 : vector<16xf32>
    %jit3A_1448 = arith.constant 0.000000e+00 : f32
    %broadcast_in_dim3A_1449 = vector.broadcast %jit3A_1448 : f32 to vector<16xf32>
    %select_n3A_1450 = arith.select %le3A_1446, %broadcast_in_dim3A_1449, %mul3A_1447 : vector<16xi1>, vector<16xf32>
    %reduce_sum3A_1451 = arith.constant true
    %reduce_sum3A_1452 = vector.broadcast %reduce_sum3A_1451 : i1 to vector<16xi1>
    %reduce_sum3A_1453 = tpu.scan <sum>, %select_n3A_1450 masked %reduce_sum3A_1452 : vector<16xf32>, vector<16xi1> -> vector<16xf32>
    %reduce_sum3A_1454 = vector.extract %reduce_sum3A_1453[15] : f32 from vector<16xf32>
    %add3A_1455 = arith.constant 16 : i32
    %add3A_1456 = arith.addi %mul3A_2, %add3A_1455 : i32
    %get3A_1457 = arith.constant 20 : i32
    %get3A_1458 = arith.index_cast %get3A_1457 : i32 to index
    %get3A_1459 = arith.index_cast %add3A_1456 : i32 to index
    %get3A_1460 = tpu.vector_load %arg4[%get3A_1458, %get3A_1459] {strides = array<i32>} : memref<32x1024xf32, #tpu.memory_space<vmem>>, vector<16xf32>,
    %slice3A_1461 = vector.extract_strided_slice %get3A_1460 {offsets = [4], sizes = [1], strides = [1]} : vector<16xf32> to vector<1xf32>
    %squeeze3A_1462 = vector.extract %slice3A_1461[0] : f32 from vector<1xf32>
    %sub3A_1463 = vector.broadcast %squeeze3A_1462 : f32 to vector<16xf32>
    %sub3A_1464 = arith.subf %scan3A_1217#4, %sub3A_1463 : vector<16xf32>
    %max3A_1465 = arith.constant 9.99999996E-13 : f32
    %max3A_1466 = vector.broadcast %max3A_1465 : f32 to vector<16xf32>
    %max3A_1467 = arith.maximumf %sub3A_1464, %max3A_1466 : vector<16xf32>
    %bitcast_convert_type3A_1468 = tpu.bitcast %max3A_1467 : vector<16xf32> -> vector<16xi32>
    %shift_right_arithmetic3A_1469 = arith.constant 1 : i32
    %shift_right_arithmetic3A_1470 = vector.broadcast %shift_right_arithmetic3A_1469 : i32 to vector<16xi32>
    %shift_right_arithmetic3A_1471 = arith.shrsi %bitcast_convert_type3A_1468, %shift_right_arithmetic3A_1470 : vector<16xi32>
    %sub3A_1472 = arith.constant 1597463007 : i32
    %sub3A_1473 = vector.broadcast %sub3A_1472 : i32 to vector<16xi32>
    %sub3A_1474 = arith.subi %sub3A_1473, %shift_right_arithmetic3A_1471 : vector<16xi32>
    %bitcast_convert_type3A_1475 = tpu.bitcast %sub3A_1474 : vector<16xi32> -> vector<16xf32>
    %mul3A_1476 = arith.constant 5.000000e-01 : f32
    %mul3A_1477 = vector.broadcast %mul3A_1476 : f32 to vector<16xf32>
    %mul3A_1478 = arith.mulf %mul3A_1477, %max3A_1467 : vector<16xf32>
    %mul3A_1479 = arith.mulf %mul3A_1478, %bitcast_convert_type3A_1475 : vector<16xf32>
    %mul3A_1480 = arith.mulf %mul3A_1479, %bitcast_convert_type3A_1475 : vector<16xf32>
    %sub3A_1481 = arith.constant 1.500000e+00 : f32
    %sub3A_1482 = vector.broadcast %sub3A_1481 : f32 to vector<16xf32>
    %sub3A_1483 = arith.subf %sub3A_1482, %mul3A_1480 : vector<16xf32>
    %mul3A_1484 = arith.mulf %bitcast_convert_type3A_1475, %sub3A_1483 : vector<16xf32>
    %mul3A_1485 = arith.constant 5.000000e-01 : f32
    %mul3A_1486 = vector.broadcast %mul3A_1485 : f32 to vector<16xf32>
    %mul3A_1487 = arith.mulf %mul3A_1486, %max3A_1467 : vector<16xf32>
    %mul3A_1488 = arith.mulf %mul3A_1487, %mul3A_1484 : vector<16xf32>
    %mul3A_1489 = arith.mulf %mul3A_1488, %mul3A_1484 : vector<16xf32>
    %sub3A_1490 = arith.constant 1.500000e+00 : f32
    %sub3A_1491 = vector.broadcast %sub3A_1490 : f32 to vector<16xf32>
    %sub3A_1492 = arith.subf %sub3A_1491, %mul3A_1489 : vector<16xf32>
    %mul3A_1493 = arith.mulf %mul3A_1484, %sub3A_1492 : vector<16xf32>
    %mul3A_1494 = arith.constant 5.000000e-01 : f32
    %mul3A_1495 = vector.broadcast %mul3A_1494 : f32 to vector<16xf32>
    %mul3A_1496 = arith.mulf %mul3A_1495, %max3A_1467 : vector<16xf32>
    %mul3A_1497 = arith.mulf %mul3A_1496, %mul3A_1493 : vector<16xf32>
    %mul3A_1498 = arith.mulf %mul3A_1497, %mul3A_1493 : vector<16xf32>
    %sub3A_1499 = arith.constant 1.500000e+00 : f32
    %sub3A_1500 = vector.broadcast %sub3A_1499 : f32 to vector<16xf32>
    %sub3A_1501 = arith.subf %sub3A_1500, %mul3A_1498 : vector<16xf32>
    %mul3A_1502 = arith.mulf %mul3A_1493, %sub3A_1501 : vector<16xf32>
    %le3A_1503 = arith.constant 0.000000e+00 : f32
    %le3A_1504 = vector.broadcast %le3A_1503 : f32 to vector<16xf32>
    %le3A_1505 = arith.cmpf ole, %sub3A_1464, %le3A_1504 : vector<16xf32>
    %mul3A_1506 = arith.mulf %max3A_1467, %mul3A_1502 : vector<16xf32>
    %jit3A_1507 = arith.constant 0.000000e+00 : f32
    %broadcast_in_dim3A_1508 = vector.broadcast %jit3A_1507 : f32 to vector<16xf32>
    %select_n3A_1509 = arith.select %le3A_1505, %broadcast_in_dim3A_1508, %mul3A_1506 : vector<16xi1>, vector<16xf32>
    %reduce_sum3A_1510 = arith.constant true
    %reduce_sum3A_1511 = vector.broadcast %reduce_sum3A_1510 : i1 to vector<16xi1>
    %reduce_sum3A_1512 = tpu.scan <sum>, %select_n3A_1509 masked %reduce_sum3A_1511 : vector<16xf32>, vector<16xi1> -> vector<16xf32>
    %reduce_sum3A_1513 = vector.extract %reduce_sum3A_1512[15] : f32 from vector<16xf32>
    %add3A_1514 = arith.constant 16 : i32
    %add3A_1515 = arith.addi %mul3A_2, %add3A_1514 : i32
    %get3A_1516 = arith.constant 21 : i32
    %get3A_1517 = arith.index_cast %get3A_1516 : i32 to index
    %get3A_1518 = arith.index_cast %add3A_1515 : i32 to index
    %get3A_1519 = tpu.vector_load %arg4[%get3A_1517, %get3A_1518] {strides = array<i32>} : memref<32x1024xf32, #tpu.memory_space<vmem>>, vector<16xf32>,
    %slice3A_1520 = vector.extract_strided_slice %get3A_1519 {offsets = [5], sizes = [1], strides = [1]} : vector<16xf32> to vector<1xf32>
    %squeeze3A_1521 = vector.extract %slice3A_1520[0] : f32 from vector<1xf32>
    %sub3A_1522 = vector.broadcast %squeeze3A_1521 : f32 to vector<16xf32>
    %sub3A_1523 = arith.subf %scan3A_1217#5, %sub3A_1522 : vector<16xf32>
    %max3A_1524 = arith.constant 9.99999996E-13 : f32
    %max3A_1525 = vector.broadcast %max3A_1524 : f32 to vector<16xf32>
    %max3A_1526 = arith.maximumf %sub3A_1523, %max3A_1525 : vector<16xf32>
    %bitcast_convert_type3A_1527 = tpu.bitcast %max3A_1526 : vector<16xf32> -> vector<16xi32>
    %shift_right_arithmetic3A_1528 = arith.constant 1 : i32
    %shift_right_arithmetic3A_1529 = vector.broadcast %shift_right_arithmetic3A_1528 : i32 to vector<16xi32>
    %shift_right_arithmetic3A_1530 = arith.shrsi %bitcast_convert_type3A_1527, %shift_right_arithmetic3A_1529 : vector<16xi32>
    %sub3A_1531 = arith.constant 1597463007 : i32
    %sub3A_1532 = vector.broadcast %sub3A_1531 : i32 to vector<16xi32>
    %sub3A_1533 = arith.subi %sub3A_1532, %shift_right_arithmetic3A_1530 : vector<16xi32>
    %bitcast_convert_type3A_1534 = tpu.bitcast %sub3A_1533 : vector<16xi32> -> vector<16xf32>
    %mul3A_1535 = arith.constant 5.000000e-01 : f32
    %mul3A_1536 = vector.broadcast %mul3A_1535 : f32 to vector<16xf32>
    %mul3A_1537 = arith.mulf %mul3A_1536, %max3A_1526 : vector<16xf32>
    %mul3A_1538 = arith.mulf %mul3A_1537, %bitcast_convert_type3A_1534 : vector<16xf32>
    %mul3A_1539 = arith.mulf %mul3A_1538, %bitcast_convert_type3A_1534 : vector<16xf32>
    %sub3A_1540 = arith.constant 1.500000e+00 : f32
    %sub3A_1541 = vector.broadcast %sub3A_1540 : f32 to vector<16xf32>
    %sub3A_1542 = arith.subf %sub3A_1541, %mul3A_1539 : vector<16xf32>
    %mul3A_1543 = arith.mulf %bitcast_convert_type3A_1534, %sub3A_1542 : vector<16xf32>
    %mul3A_1544 = arith.constant 5.000000e-01 : f32
    %mul3A_1545 = vector.broadcast %mul3A_1544 : f32 to vector<16xf32>
    %mul3A_1546 = arith.mulf %mul3A_1545, %max3A_1526 : vector<16xf32>
    %mul3A_1547 = arith.mulf %mul3A_1546, %mul3A_1543 : vector<16xf32>
    %mul3A_1548 = arith.mulf %mul3A_1547, %mul3A_1543 : vector<16xf32>
    %sub3A_1549 = arith.constant 1.500000e+00 : f32
    %sub3A_1550 = vector.broadcast %sub3A_1549 : f32 to vector<16xf32>
    %sub3A_1551 = arith.subf %sub3A_1550, %mul3A_1548 : vector<16xf32>
    %mul3A_1552 = arith.mulf %mul3A_1543, %sub3A_1551 : vector<16xf32>
    %mul3A_1553 = arith.constant 5.000000e-01 : f32
    %mul3A_1554 = vector.broadcast %mul3A_1553 : f32 to vector<16xf32>
    %mul3A_1555 = arith.mulf %mul3A_1554, %max3A_1526 : vector<16xf32>
    %mul3A_1556 = arith.mulf %mul3A_1555, %mul3A_1552 : vector<16xf32>
    %mul3A_1557 = arith.mulf %mul3A_1556, %mul3A_1552 : vector<16xf32>
    %sub3A_1558 = arith.constant 1.500000e+00 : f32
    %sub3A_1559 = vector.broadcast %sub3A_1558 : f32 to vector<16xf32>
    %sub3A_1560 = arith.subf %sub3A_1559, %mul3A_1557 : vector<16xf32>
    %mul3A_1561 = arith.mulf %mul3A_1552, %sub3A_1560 : vector<16xf32>
    %le3A_1562 = arith.constant 0.000000e+00 : f32
    %le3A_1563 = vector.broadcast %le3A_1562 : f32 to vector<16xf32>
    %le3A_1564 = arith.cmpf ole, %sub3A_1523, %le3A_1563 : vector<16xf32>
    %mul3A_1565 = arith.mulf %max3A_1526, %mul3A_1561 : vector<16xf32>
    %jit3A_1566 = arith.constant 0.000000e+00 : f32
    %broadcast_in_dim3A_1567 = vector.broadcast %jit3A_1566 : f32 to vector<16xf32>
    %select_n3A_1568 = arith.select %le3A_1564, %broadcast_in_dim3A_1567, %mul3A_1565 : vector<16xi1>, vector<16xf32>
    %reduce_sum3A_1569 = arith.constant true
    %reduce_sum3A_1570 = vector.broadcast %reduce_sum3A_1569 : i1 to vector<16xi1>
    %reduce_sum3A_1571 = tpu.scan <sum>, %select_n3A_1568 masked %reduce_sum3A_1570 : vector<16xf32>, vector<16xi1> -> vector<16xf32>
    %reduce_sum3A_1572 = vector.extract %reduce_sum3A_1571[15] : f32 from vector<16xf32>
    %add3A_1573 = arith.constant 16 : i32
    %add3A_1574 = arith.addi %mul3A_2, %add3A_1573 : i32
    %get3A_1575 = arith.constant 22 : i32
    %get3A_1576 = arith.index_cast %get3A_1575 : i32 to index
    %get3A_1577 = arith.index_cast %add3A_1574 : i32 to index
    %get3A_1578 = tpu.vector_load %arg4[%get3A_1576, %get3A_1577] {strides = array<i32>} : memref<32x1024xf32, #tpu.memory_space<vmem>>, vector<16xf32>,
    %slice3A_1579 = vector.extract_strided_slice %get3A_1578 {offsets = [6], sizes = [1], strides = [1]} : vector<16xf32> to vector<1xf32>
    %squeeze3A_1580 = vector.extract %slice3A_1579[0] : f32 from vector<1xf32>
    %sub3A_1581 = vector.broadcast %squeeze3A_1580 : f32 to vector<16xf32>
    %sub3A_1582 = arith.subf %scan3A_1217#6, %sub3A_1581 : vector<16xf32>
    %max3A_1583 = arith.constant 9.99999996E-13 : f32
    %max3A_1584 = vector.broadcast %max3A_1583 : f32 to vector<16xf32>
    %max3A_1585 = arith.maximumf %sub3A_1582, %max3A_1584 : vector<16xf32>
    %bitcast_convert_type3A_1586 = tpu.bitcast %max3A_1585 : vector<16xf32> -> vector<16xi32>
    %shift_right_arithmetic3A_1587 = arith.constant 1 : i32
    %shift_right_arithmetic3A_1588 = vector.broadcast %shift_right_arithmetic3A_1587 : i32 to vector<16xi32>
    %shift_right_arithmetic3A_1589 = arith.shrsi %bitcast_convert_type3A_1586, %shift_right_arithmetic3A_1588 : vector<16xi32>
    %sub3A_1590 = arith.constant 1597463007 : i32
    %sub3A_1591 = vector.broadcast %sub3A_1590 : i32 to vector<16xi32>
    %sub3A_1592 = arith.subi %sub3A_1591, %shift_right_arithmetic3A_1589 : vector<16xi32>
    %bitcast_convert_type3A_1593 = tpu.bitcast %sub3A_1592 : vector<16xi32> -> vector<16xf32>
    %mul3A_1594 = arith.constant 5.000000e-01 : f32
    %mul3A_1595 = vector.broadcast %mul3A_1594 : f32 to vector<16xf32>
    %mul3A_1596 = arith.mulf %mul3A_1595, %max3A_1585 : vector<16xf32>
    %mul3A_1597 = arith.mulf %mul3A_1596, %bitcast_convert_type3A_1593 : vector<16xf32>
    %mul3A_1598 = arith.mulf %mul3A_1597, %bitcast_convert_type3A_1593 : vector<16xf32>
    %sub3A_1599 = arith.constant 1.500000e+00 : f32
    %sub3A_1600 = vector.broadcast %sub3A_1599 : f32 to vector<16xf32>
    %sub3A_1601 = arith.subf %sub3A_1600, %mul3A_1598 : vector<16xf32>
    %mul3A_1602 = arith.mulf %bitcast_convert_type3A_1593, %sub3A_1601 : vector<16xf32>
    %mul3A_1603 = arith.constant 5.000000e-01 : f32
    %mul3A_1604 = vector.broadcast %mul3A_1603 : f32 to vector<16xf32>
    %mul3A_1605 = arith.mulf %mul3A_1604, %max3A_1585 : vector<16xf32>
    %mul3A_1606 = arith.mulf %mul3A_1605, %mul3A_1602 : vector<16xf32>
    %mul3A_1607 = arith.mulf %mul3A_1606, %mul3A_1602 : vector<16xf32>
    %sub3A_1608 = arith.constant 1.500000e+00 : f32
    %sub3A_1609 = vector.broadcast %sub3A_1608 : f32 to vector<16xf32>
    %sub3A_1610 = arith.subf %sub3A_1609, %mul3A_1607 : vector<16xf32>
    %mul3A_1611 = arith.mulf %mul3A_1602, %sub3A_1610 : vector<16xf32>
    %mul3A_1612 = arith.constant 5.000000e-01 : f32
    %mul3A_1613 = vector.broadcast %mul3A_1612 : f32 to vector<16xf32>
    %mul3A_1614 = arith.mulf %mul3A_1613, %max3A_1585 : vector<16xf32>
    %mul3A_1615 = arith.mulf %mul3A_1614, %mul3A_1611 : vector<16xf32>
    %mul3A_1616 = arith.mulf %mul3A_1615, %mul3A_1611 : vector<16xf32>
    %sub3A_1617 = arith.constant 1.500000e+00 : f32
    %sub3A_1618 = vector.broadcast %sub3A_1617 : f32 to vector<16xf32>
    %sub3A_1619 = arith.subf %sub3A_1618, %mul3A_1616 : vector<16xf32>
    %mul3A_1620 = arith.mulf %mul3A_1611, %sub3A_1619 : vector<16xf32>
    %le3A_1621 = arith.constant 0.000000e+00 : f32
    %le3A_1622 = vector.broadcast %le3A_1621 : f32 to vector<16xf32>
    %le3A_1623 = arith.cmpf ole, %sub3A_1582, %le3A_1622 : vector<16xf32>
    %mul3A_1624 = arith.mulf %max3A_1585, %mul3A_1620 : vector<16xf32>
    %jit3A_1625 = arith.constant 0.000000e+00 : f32
    %broadcast_in_dim3A_1626 = vector.broadcast %jit3A_1625 : f32 to vector<16xf32>
    %select_n3A_1627 = arith.select %le3A_1623, %broadcast_in_dim3A_1626, %mul3A_1624 : vector<16xi1>, vector<16xf32>
    %reduce_sum3A_1628 = arith.constant true
    %reduce_sum3A_1629 = vector.broadcast %reduce_sum3A_1628 : i1 to vector<16xi1>
    %reduce_sum3A_1630 = tpu.scan <sum>, %select_n3A_1627 masked %reduce_sum3A_1629 : vector<16xf32>, vector<16xi1> -> vector<16xf32>
    %reduce_sum3A_1631 = vector.extract %reduce_sum3A_1630[15] : f32 from vector<16xf32>
    %add3A_1632 = arith.constant 16 : i32
    %add3A_1633 = arith.addi %mul3A_2, %add3A_1632 : i32
    %get3A_1634 = arith.constant 23 : i32
    %get3A_1635 = arith.index_cast %get3A_1634 : i32 to index
    %get3A_1636 = arith.index_cast %add3A_1633 : i32 to index
    %get3A_1637 = tpu.vector_load %arg4[%get3A_1635, %get3A_1636] {strides = array<i32>} : memref<32x1024xf32, #tpu.memory_space<vmem>>, vector<16xf32>,
    %slice3A_1638 = vector.extract_strided_slice %get3A_1637 {offsets = [7], sizes = [1], strides = [1]} : vector<16xf32> to vector<1xf32>
    %squeeze3A_1639 = vector.extract %slice3A_1638[0] : f32 from vector<1xf32>
    %sub3A_1640 = vector.broadcast %squeeze3A_1639 : f32 to vector<16xf32>
    %sub3A_1641 = arith.subf %scan3A_1217#7, %sub3A_1640 : vector<16xf32>
    %max3A_1642 = arith.constant 9.99999996E-13 : f32
    %max3A_1643 = vector.broadcast %max3A_1642 : f32 to vector<16xf32>
    %max3A_1644 = arith.maximumf %sub3A_1641, %max3A_1643 : vector<16xf32>
    %bitcast_convert_type3A_1645 = tpu.bitcast %max3A_1644 : vector<16xf32> -> vector<16xi32>
    %shift_right_arithmetic3A_1646 = arith.constant 1 : i32
    %shift_right_arithmetic3A_1647 = vector.broadcast %shift_right_arithmetic3A_1646 : i32 to vector<16xi32>
    %shift_right_arithmetic3A_1648 = arith.shrsi %bitcast_convert_type3A_1645, %shift_right_arithmetic3A_1647 : vector<16xi32>
    %sub3A_1649 = arith.constant 1597463007 : i32
    %sub3A_1650 = vector.broadcast %sub3A_1649 : i32 to vector<16xi32>
    %sub3A_1651 = arith.subi %sub3A_1650, %shift_right_arithmetic3A_1648 : vector<16xi32>
    %bitcast_convert_type3A_1652 = tpu.bitcast %sub3A_1651 : vector<16xi32> -> vector<16xf32>
    %mul3A_1653 = arith.constant 5.000000e-01 : f32
    %mul3A_1654 = vector.broadcast %mul3A_1653 : f32 to vector<16xf32>
    %mul3A_1655 = arith.mulf %mul3A_1654, %max3A_1644 : vector<16xf32>
    %mul3A_1656 = arith.mulf %mul3A_1655, %bitcast_convert_type3A_1652 : vector<16xf32>
    %mul3A_1657 = arith.mulf %mul3A_1656, %bitcast_convert_type3A_1652 : vector<16xf32>
    %sub3A_1658 = arith.constant 1.500000e+00 : f32
    %sub3A_1659 = vector.broadcast %sub3A_1658 : f32 to vector<16xf32>
    %sub3A_1660 = arith.subf %sub3A_1659, %mul3A_1657 : vector<16xf32>
    %mul3A_1661 = arith.mulf %bitcast_convert_type3A_1652, %sub3A_1660 : vector<16xf32>
    %mul3A_1662 = arith.constant 5.000000e-01 : f32
    %mul3A_1663 = vector.broadcast %mul3A_1662 : f32 to vector<16xf32>
    %mul3A_1664 = arith.mulf %mul3A_1663, %max3A_1644 : vector<16xf32>
    %mul3A_1665 = arith.mulf %mul3A_1664, %mul3A_1661 : vector<16xf32>
    %mul3A_1666 = arith.mulf %mul3A_1665, %mul3A_1661 : vector<16xf32>
    %sub3A_1667 = arith.constant 1.500000e+00 : f32
    %sub3A_1668 = vector.broadcast %sub3A_1667 : f32 to vector<16xf32>
    %sub3A_1669 = arith.subf %sub3A_1668, %mul3A_1666 : vector<16xf32>
    %mul3A_1670 = arith.mulf %mul3A_1661, %sub3A_1669 : vector<16xf32>
    %mul3A_1671 = arith.constant 5.000000e-01 : f32
    %mul3A_1672 = vector.broadcast %mul3A_1671 : f32 to vector<16xf32>
    %mul3A_1673 = arith.mulf %mul3A_1672, %max3A_1644 : vector<16xf32>
    %mul3A_1674 = arith.mulf %mul3A_1673, %mul3A_1670 : vector<16xf32>
    %mul3A_1675 = arith.mulf %mul3A_1674, %mul3A_1670 : vector<16xf32>
    %sub3A_1676 = arith.constant 1.500000e+00 : f32
    %sub3A_1677 = vector.broadcast %sub3A_1676 : f32 to vector<16xf32>
    %sub3A_1678 = arith.subf %sub3A_1677, %mul3A_1675 : vector<16xf32>
    %mul3A_1679 = arith.mulf %mul3A_1670, %sub3A_1678 : vector<16xf32>
    %le3A_1680 = arith.constant 0.000000e+00 : f32
    %le3A_1681 = vector.broadcast %le3A_1680 : f32 to vector<16xf32>
    %le3A_1682 = arith.cmpf ole, %sub3A_1641, %le3A_1681 : vector<16xf32>
    %mul3A_1683 = arith.mulf %max3A_1644, %mul3A_1679 : vector<16xf32>
    %jit3A_1684 = arith.constant 0.000000e+00 : f32
    %broadcast_in_dim3A_1685 = vector.broadcast %jit3A_1684 : f32 to vector<16xf32>
    %select_n3A_1686 = arith.select %le3A_1682, %broadcast_in_dim3A_1685, %mul3A_1683 : vector<16xi1>, vector<16xf32>
    %reduce_sum3A_1687 = arith.constant true
    %reduce_sum3A_1688 = vector.broadcast %reduce_sum3A_1687 : i1 to vector<16xi1>
    %reduce_sum3A_1689 = tpu.scan <sum>, %select_n3A_1686 masked %reduce_sum3A_1688 : vector<16xf32>, vector<16xi1> -> vector<16xf32>
    %reduce_sum3A_1690 = vector.extract %reduce_sum3A_1689[15] : f32 from vector<16xf32>
    %dma_wait3A_1691 = arith.constant 24 : i32
    %dma_wait3A_1692 = arith.constant 0 : i32
    %dma_wait3A_1693 = tpu.memref_slice %arg4[%dma_wait3A_1691, %dma_wait3A_1692] : memref<32x1024xf32, #tpu.memory_space<vmem>> -> memref<8x1024xf32, #tpu.memory_space<vmem>>
    %dma_wait3A_1694 = arith.constant 0 : i32
    %dma_wait3A_1695 = tpu.memref_slice %arg2[%add3A_39, %dma_wait3A_1694] : memref<1024x1024xf32, #tpu.memory_space<hbm>> -> memref<8x1024xf32, #tpu.memory_space<hbm>>
    %dma_wait3A_1696 = arith.constant 24 : i32
    %dma_wait3A_1697 = arith.constant 0 : i32
    %dma_wait3A_1698 = tpu.memref_slice %arg4[%dma_wait3A_1696, %dma_wait3A_1697] : memref<32x1024xf32, #tpu.memory_space<vmem>> -> memref<8x1024xf32, #tpu.memory_space<vmem>>
    %dma_wait3A_1699 = arith.constant 0 : i32
    %dma_wait3A_1700 = tpu.memref_slice %arg2[%add3A_39, %dma_wait3A_1699] : memref<1024x1024xf32, #tpu.memory_space<hbm>> -> memref<8x1024xf32, #tpu.memory_space<hbm>>
    tpu.wait_dma2 semaphore(%arg9 : memref<!tpu.dma_semaphore, #tpu.memory_space<semaphore_mem>>) src(%dma_wait3A_1700 : memref<8x1024xf32, #tpu.memory_space<hbm>>) dst(%dma_wait3A_1698 : memref<8x1024xf32, #tpu.memory_space<vmem>>)
    %get3A_1701 = arith.constant 24 : i32
    %get3A_1702 = arith.index_cast %get3A_1701 : i32 to index
    %get3A_1703 = arith.constant 0 : index
    %get3A_1704 = tpu.vector_load %arg4[%get3A_1702, %get3A_1703] {strides = array<i32>} : memref<32x1024xf32, #tpu.memory_space<vmem>>, vector<16xf32>,
    %masked_sort3A_1705 = arith.constant dense<true> : vector<16xi1>
    %masked_sort3A_1706, %masked_sort3A_1707, %masked_sort3A_1708 = tpu.sort %get3A_1704, %get3A_1704 masked %masked_sort3A_1705 : (vector<16xf32>, vector<16xf32>, vector<16xi1>) -> (vector<16xi1>, vector<16xf32>, vector<16xf32>)
    %get3A_1709 = arith.constant 25 : i32
    %get3A_1710 = arith.index_cast %get3A_1709 : i32 to index
    %get3A_1711 = arith.constant 0 : index
    %get3A_1712 = tpu.vector_load %arg4[%get3A_1710, %get3A_1711] {strides = array<i32>} : memref<32x1024xf32, #tpu.memory_space<vmem>>, vector<16xf32>,
    %masked_sort3A_1713 = arith.constant dense<true> : vector<16xi1>
    %masked_sort3A_1714, %masked_sort3A_1715, %masked_sort3A_1716 = tpu.sort %get3A_1712, %get3A_1712 masked %masked_sort3A_1713 : (vector<16xf32>, vector<16xf32>, vector<16xi1>) -> (vector<16xi1>, vector<16xf32>, vector<16xf32>)
    %get3A_1717 = arith.constant 26 : i32
    %get3A_1718 = arith.index_cast %get3A_1717 : i32 to index
    %get3A_1719 = arith.constant 0 : index
    %get3A_1720 = tpu.vector_load %arg4[%get3A_1718, %get3A_1719] {strides = array<i32>} : memref<32x1024xf32, #tpu.memory_space<vmem>>, vector<16xf32>,
    %masked_sort3A_1721 = arith.constant dense<true> : vector<16xi1>
    %masked_sort3A_1722, %masked_sort3A_1723, %masked_sort3A_1724 = tpu.sort %get3A_1720, %get3A_1720 masked %masked_sort3A_1721 : (vector<16xf32>, vector<16xf32>, vector<16xi1>) -> (vector<16xi1>, vector<16xf32>, vector<16xf32>)
    %get3A_1725 = arith.constant 27 : i32
    %get3A_1726 = arith.index_cast %get3A_1725 : i32 to index
    %get3A_1727 = arith.constant 0 : index
    %get3A_1728 = tpu.vector_load %arg4[%get3A_1726, %get3A_1727] {strides = array<i32>} : memref<32x1024xf32, #tpu.memory_space<vmem>>, vector<16xf32>,
    %masked_sort3A_1729 = arith.constant dense<true> : vector<16xi1>
    %masked_sort3A_1730, %masked_sort3A_1731, %masked_sort3A_1732 = tpu.sort %get3A_1728, %get3A_1728 masked %masked_sort3A_1729 : (vector<16xf32>, vector<16xf32>, vector<16xi1>) -> (vector<16xi1>, vector<16xf32>, vector<16xf32>)
    %get3A_1733 = arith.constant 28 : i32
    %get3A_1734 = arith.index_cast %get3A_1733 : i32 to index
    %get3A_1735 = arith.constant 0 : index
    %get3A_1736 = tpu.vector_load %arg4[%get3A_1734, %get3A_1735] {strides = array<i32>} : memref<32x1024xf32, #tpu.memory_space<vmem>>, vector<16xf32>,
    %masked_sort3A_1737 = arith.constant dense<true> : vector<16xi1>
    %masked_sort3A_1738, %masked_sort3A_1739, %masked_sort3A_1740 = tpu.sort %get3A_1736, %get3A_1736 masked %masked_sort3A_1737 : (vector<16xf32>, vector<16xf32>, vector<16xi1>) -> (vector<16xi1>, vector<16xf32>, vector<16xf32>)
    %get3A_1741 = arith.constant 29 : i32
    %get3A_1742 = arith.index_cast %get3A_1741 : i32 to index
    %get3A_1743 = arith.constant 0 : index
    %get3A_1744 = tpu.vector_load %arg4[%get3A_1742, %get3A_1743] {strides = array<i32>} : memref<32x1024xf32, #tpu.memory_space<vmem>>, vector<16xf32>,
    %masked_sort3A_1745 = arith.constant dense<true> : vector<16xi1>
    %masked_sort3A_1746, %masked_sort3A_1747, %masked_sort3A_1748 = tpu.sort %get3A_1744, %get3A_1744 masked %masked_sort3A_1745 : (vector<16xf32>, vector<16xf32>, vector<16xi1>) -> (vector<16xi1>, vector<16xf32>, vector<16xf32>)
    %get3A_1749 = arith.constant 30 : i32
    %get3A_1750 = arith.index_cast %get3A_1749 : i32 to index
    %get3A_1751 = arith.constant 0 : index
    %get3A_1752 = tpu.vector_load %arg4[%get3A_1750, %get3A_1751] {strides = array<i32>} : memref<32x1024xf32, #tpu.memory_space<vmem>>, vector<16xf32>,
    %masked_sort3A_1753 = arith.constant dense<true> : vector<16xi1>
    %masked_sort3A_1754, %masked_sort3A_1755, %masked_sort3A_1756 = tpu.sort %get3A_1752, %get3A_1752 masked %masked_sort3A_1753 : (vector<16xf32>, vector<16xf32>, vector<16xi1>) -> (vector<16xi1>, vector<16xf32>, vector<16xf32>)
    %get3A_1757 = arith.constant 31 : i32
    %get3A_1758 = arith.index_cast %get3A_1757 : i32 to index
    %get3A_1759 = arith.constant 0 : index
    %get3A_1760 = tpu.vector_load %arg4[%get3A_1758, %get3A_1759] {strides = array<i32>} : memref<32x1024xf32, #tpu.memory_space<vmem>>, vector<16xf32>,
    %masked_sort3A_1761 = arith.constant dense<true> : vector<16xi1>
    %masked_sort3A_1762, %masked_sort3A_1763, %masked_sort3A_1764 = tpu.sort %get3A_1760, %get3A_1760 masked %masked_sort3A_1761 : (vector<16xf32>, vector<16xf32>, vector<16xi1>) -> (vector<16xi1>, vector<16xf32>, vector<16xf32>)
    %scan3A_1765 = arith.constant 1 : i32
    %scan3A_1766 = arith.constant 63 : i32
    %scan3A_1767 = arith.addi %scan3A_1765, %scan3A_1766 : i32
    %scan3A_1768 = arith.constant 1 : i32
    %scan3A_1769:8 = scf.for %scan3A_2409 = %scan3A_1765 to %scan3A_1767 step %scan3A_1768 iter_args(%scan3A_2410 = %masked_sort3A_1707, %scan3A_2411 = %masked_sort3A_1715, %scan3A_2412 = %masked_sort3A_1723, %scan3A_2413 = %masked_sort3A_1731, %scan3A_2414 = %masked_sort3A_1739, %scan3A_2415 = %masked_sort3A_1747, %scan3A_2416 = %masked_sort3A_1755, %scan3A_2417 = %masked_sort3A_1763) -> (vector<16xf32>, vector<16xf32>, vector<16xf32>, vector<16xf32>, vector<16xf32>, vector<16xf32>, vector<16xf32>, vector<16xf32>)  : i32 {
      %mul3A_2418 = arith.constant 16 : i32
      %mul3A_2419 = arith.muli %scan3A_2409, %mul3A_2418 : i32
      %get3A_2420 = arith.constant 24 : i32
      %get3A_2421 = arith.index_cast %get3A_2420 : i32 to index
      %get3A_2422 = arith.index_cast %mul3A_2419 : i32 to index
      %get3A_2423 = tpu.vector_load %arg4[%get3A_2421, %get3A_2422] {strides = array<i32>} : memref<32x1024xf32, #tpu.memory_space<vmem>>, vector<16xf32>,
      %masked_sort3A_2424 = arith.constant dense<true> : vector<16xi1>
      %masked_sort3A_2425, %masked_sort3A_2426, %masked_sort3A_2427 = tpu.sort %get3A_2423, %get3A_2423 masked %masked_sort3A_2424 {descending = true} : (vector<16xf32>, vector<16xf32>, vector<16xi1>) -> (vector<16xi1>, vector<16xf32>, vector<16xf32>)
      %min3A = arith.minimumf %scan3A_2410, %masked_sort3A_2426 : vector<16xf32>
      %masked_sort3A_2428 = arith.constant dense<true> : vector<16xi1>
      %masked_sort3A_2429, %masked_sort3A_2430, %masked_sort3A_2431 = tpu.sort %min3A, %min3A masked %masked_sort3A_2428 : (vector<16xf32>, vector<16xf32>, vector<16xi1>) -> (vector<16xi1>, vector<16xf32>, vector<16xf32>)
      %mul3A_2432 = arith.constant 16 : i32
      %mul3A_2433 = arith.muli %scan3A_2409, %mul3A_2432 : i32
      %get3A_2434 = arith.constant 25 : i32
      %get3A_2435 = arith.index_cast %get3A_2434 : i32 to index
      %get3A_2436 = arith.index_cast %mul3A_2433 : i32 to index
      %get3A_2437 = tpu.vector_load %arg4[%get3A_2435, %get3A_2436] {strides = array<i32>} : memref<32x1024xf32, #tpu.memory_space<vmem>>, vector<16xf32>,
      %masked_sort3A_2438 = arith.constant dense<true> : vector<16xi1>
      %masked_sort3A_2439, %masked_sort3A_2440, %masked_sort3A_2441 = tpu.sort %get3A_2437, %get3A_2437 masked %masked_sort3A_2438 {descending = true} : (vector<16xf32>, vector<16xf32>, vector<16xi1>) -> (vector<16xi1>, vector<16xf32>, vector<16xf32>)
      %min3A_2442 = arith.minimumf %scan3A_2411, %masked_sort3A_2440 : vector<16xf32>
      %masked_sort3A_2443 = arith.constant dense<true> : vector<16xi1>
      %masked_sort3A_2444, %masked_sort3A_2445, %masked_sort3A_2446 = tpu.sort %min3A_2442, %min3A_2442 masked %masked_sort3A_2443 : (vector<16xf32>, vector<16xf32>, vector<16xi1>) -> (vector<16xi1>, vector<16xf32>, vector<16xf32>)
      %mul3A_2447 = arith.constant 16 : i32
      %mul3A_2448 = arith.muli %scan3A_2409, %mul3A_2447 : i32
      %get3A_2449 = arith.constant 26 : i32
      %get3A_2450 = arith.index_cast %get3A_2449 : i32 to index
      %get3A_2451 = arith.index_cast %mul3A_2448 : i32 to index
      %get3A_2452 = tpu.vector_load %arg4[%get3A_2450, %get3A_2451] {strides = array<i32>} : memref<32x1024xf32, #tpu.memory_space<vmem>>, vector<16xf32>,
      %masked_sort3A_2453 = arith.constant dense<true> : vector<16xi1>
      %masked_sort3A_2454, %masked_sort3A_2455, %masked_sort3A_2456 = tpu.sort %get3A_2452, %get3A_2452 masked %masked_sort3A_2453 {descending = true} : (vector<16xf32>, vector<16xf32>, vector<16xi1>) -> (vector<16xi1>, vector<16xf32>, vector<16xf32>)
      %min3A_2457 = arith.minimumf %scan3A_2412, %masked_sort3A_2455 : vector<16xf32>
      %masked_sort3A_2458 = arith.constant dense<true> : vector<16xi1>
      %masked_sort3A_2459, %masked_sort3A_2460, %masked_sort3A_2461 = tpu.sort %min3A_2457, %min3A_2457 masked %masked_sort3A_2458 : (vector<16xf32>, vector<16xf32>, vector<16xi1>) -> (vector<16xi1>, vector<16xf32>, vector<16xf32>)
      %mul3A_2462 = arith.constant 16 : i32
      %mul3A_2463 = arith.muli %scan3A_2409, %mul3A_2462 : i32
      %get3A_2464 = arith.constant 27 : i32
      %get3A_2465 = arith.index_cast %get3A_2464 : i32 to index
      %get3A_2466 = arith.index_cast %mul3A_2463 : i32 to index
      %get3A_2467 = tpu.vector_load %arg4[%get3A_2465, %get3A_2466] {strides = array<i32>} : memref<32x1024xf32, #tpu.memory_space<vmem>>, vector<16xf32>,
      %masked_sort3A_2468 = arith.constant dense<true> : vector<16xi1>
      %masked_sort3A_2469, %masked_sort3A_2470, %masked_sort3A_2471 = tpu.sort %get3A_2467, %get3A_2467 masked %masked_sort3A_2468 {descending = true} : (vector<16xf32>, vector<16xf32>, vector<16xi1>) -> (vector<16xi1>, vector<16xf32>, vector<16xf32>)
      %min3A_2472 = arith.minimumf %scan3A_2413, %masked_sort3A_2470 : vector<16xf32>
      %masked_sort3A_2473 = arith.constant dense<true> : vector<16xi1>
      %masked_sort3A_2474, %masked_sort3A_2475, %masked_sort3A_2476 = tpu.sort %min3A_2472, %min3A_2472 masked %masked_sort3A_2473 : (vector<16xf32>, vector<16xf32>, vector<16xi1>) -> (vector<16xi1>, vector<16xf32>, vector<16xf32>)
      %mul3A_2477 = arith.constant 16 : i32
      %mul3A_2478 = arith.muli %scan3A_2409, %mul3A_2477 : i32
      %get3A_2479 = arith.constant 28 : i32
      %get3A_2480 = arith.index_cast %get3A_2479 : i32 to index
      %get3A_2481 = arith.index_cast %mul3A_2478 : i32 to index
      %get3A_2482 = tpu.vector_load %arg4[%get3A_2480, %get3A_2481] {strides = array<i32>} : memref<32x1024xf32, #tpu.memory_space<vmem>>, vector<16xf32>,
      %masked_sort3A_2483 = arith.constant dense<true> : vector<16xi1>
      %masked_sort3A_2484, %masked_sort3A_2485, %masked_sort3A_2486 = tpu.sort %get3A_2482, %get3A_2482 masked %masked_sort3A_2483 {descending = true} : (vector<16xf32>, vector<16xf32>, vector<16xi1>) -> (vector<16xi1>, vector<16xf32>, vector<16xf32>)
      %min3A_2487 = arith.minimumf %scan3A_2414, %masked_sort3A_2485 : vector<16xf32>
      %masked_sort3A_2488 = arith.constant dense<true> : vector<16xi1>
      %masked_sort3A_2489, %masked_sort3A_2490, %masked_sort3A_2491 = tpu.sort %min3A_2487, %min3A_2487 masked %masked_sort3A_2488 : (vector<16xf32>, vector<16xf32>, vector<16xi1>) -> (vector<16xi1>, vector<16xf32>, vector<16xf32>)
      %mul3A_2492 = arith.constant 16 : i32
      %mul3A_2493 = arith.muli %scan3A_2409, %mul3A_2492 : i32
      %get3A_2494 = arith.constant 29 : i32
      %get3A_2495 = arith.index_cast %get3A_2494 : i32 to index
      %get3A_2496 = arith.index_cast %mul3A_2493 : i32 to index
      %get3A_2497 = tpu.vector_load %arg4[%get3A_2495, %get3A_2496] {strides = array<i32>} : memref<32x1024xf32, #tpu.memory_space<vmem>>, vector<16xf32>,
      %masked_sort3A_2498 = arith.constant dense<true> : vector<16xi1>
      %masked_sort3A_2499, %masked_sort3A_2500, %masked_sort3A_2501 = tpu.sort %get3A_2497, %get3A_2497 masked %masked_sort3A_2498 {descending = true} : (vector<16xf32>, vector<16xf32>, vector<16xi1>) -> (vector<16xi1>, vector<16xf32>, vector<16xf32>)
      %min3A_2502 = arith.minimumf %scan3A_2415, %masked_sort3A_2500 : vector<16xf32>
      %masked_sort3A_2503 = arith.constant dense<true> : vector<16xi1>
      %masked_sort3A_2504, %masked_sort3A_2505, %masked_sort3A_2506 = tpu.sort %min3A_2502, %min3A_2502 masked %masked_sort3A_2503 : (vector<16xf32>, vector<16xf32>, vector<16xi1>) -> (vector<16xi1>, vector<16xf32>, vector<16xf32>)
      %mul3A_2507 = arith.constant 16 : i32
      %mul3A_2508 = arith.muli %scan3A_2409, %mul3A_2507 : i32
      %get3A_2509 = arith.constant 30 : i32
      %get3A_2510 = arith.index_cast %get3A_2509 : i32 to index
      %get3A_2511 = arith.index_cast %mul3A_2508 : i32 to index
      %get3A_2512 = tpu.vector_load %arg4[%get3A_2510, %get3A_2511] {strides = array<i32>} : memref<32x1024xf32, #tpu.memory_space<vmem>>, vector<16xf32>,
      %masked_sort3A_2513 = arith.constant dense<true> : vector<16xi1>
      %masked_sort3A_2514, %masked_sort3A_2515, %masked_sort3A_2516 = tpu.sort %get3A_2512, %get3A_2512 masked %masked_sort3A_2513 {descending = true} : (vector<16xf32>, vector<16xf32>, vector<16xi1>) -> (vector<16xi1>, vector<16xf32>, vector<16xf32>)
      %min3A_2517 = arith.minimumf %scan3A_2416, %masked_sort3A_2515 : vector<16xf32>
      %masked_sort3A_2518 = arith.constant dense<true> : vector<16xi1>
      %masked_sort3A_2519, %masked_sort3A_2520, %masked_sort3A_2521 = tpu.sort %min3A_2517, %min3A_2517 masked %masked_sort3A_2518 : (vector<16xf32>, vector<16xf32>, vector<16xi1>) -> (vector<16xi1>, vector<16xf32>, vector<16xf32>)
      %mul3A_2522 = arith.constant 16 : i32
      %mul3A_2523 = arith.muli %scan3A_2409, %mul3A_2522 : i32
      %get3A_2524 = arith.constant 31 : i32
      %get3A_2525 = arith.index_cast %get3A_2524 : i32 to index
      %get3A_2526 = arith.index_cast %mul3A_2523 : i32 to index
      %get3A_2527 = tpu.vector_load %arg4[%get3A_2525, %get3A_2526] {strides = array<i32>} : memref<32x1024xf32, #tpu.memory_space<vmem>>, vector<16xf32>,
      %masked_sort3A_2528 = arith.constant dense<true> : vector<16xi1>
      %masked_sort3A_2529, %masked_sort3A_2530, %masked_sort3A_2531 = tpu.sort %get3A_2527, %get3A_2527 masked %masked_sort3A_2528 {descending = true} : (vector<16xf32>, vector<16xf32>, vector<16xi1>) -> (vector<16xi1>, vector<16xf32>, vector<16xf32>)
      %min3A_2532 = arith.minimumf %scan3A_2417, %masked_sort3A_2530 : vector<16xf32>
      %masked_sort3A_2533 = arith.constant dense<true> : vector<16xi1>
      %masked_sort3A_2534, %masked_sort3A_2535, %masked_sort3A_2536 = tpu.sort %min3A_2532, %min3A_2532 masked %masked_sort3A_2533 : (vector<16xf32>, vector<16xf32>, vector<16xi1>) -> (vector<16xi1>, vector<16xf32>, vector<16xf32>)
      scf.yield %masked_sort3A_2430, %masked_sort3A_2445, %masked_sort3A_2460, %masked_sort3A_2475, %masked_sort3A_2490, %masked_sort3A_2505, %masked_sort3A_2520, %masked_sort3A_2535 : vector<16xf32>, vector<16xf32>, vector<16xf32>, vector<16xf32>, vector<16xf32>, vector<16xf32>, vector<16xf32>, vector<16xf32>
    }
    %scan3A_1770 = arith.constant 63 : i32
    %add3A_1771 = arith.constant 16 : i32
    %add3A_1772 = arith.addi %mul3A_2, %add3A_1771 : i32
    %get3A_1773 = arith.constant 24 : i32
    %get3A_1774 = arith.index_cast %get3A_1773 : i32 to index
    %get3A_1775 = arith.index_cast %add3A_1772 : i32 to index
    %get3A_1776 = tpu.vector_load %arg4[%get3A_1774, %get3A_1775] {strides = array<i32>} : memref<32x1024xf32, #tpu.memory_space<vmem>>, vector<16xf32>,
    %slice3A_1777 = vector.extract_strided_slice %get3A_1776 {offsets = [8], sizes = [1], strides = [1]} : vector<16xf32> to vector<1xf32>
    %squeeze3A_1778 = vector.extract %slice3A_1777[0] : f32 from vector<1xf32>
    %sub3A_1779 = vector.broadcast %squeeze3A_1778 : f32 to vector<16xf32>
    %sub3A_1780 = arith.subf %scan3A_1769#0, %sub3A_1779 : vector<16xf32>
    %max3A_1781 = arith.constant 9.99999996E-13 : f32
    %max3A_1782 = vector.broadcast %max3A_1781 : f32 to vector<16xf32>
    %max3A_1783 = arith.maximumf %sub3A_1780, %max3A_1782 : vector<16xf32>
    %bitcast_convert_type3A_1784 = tpu.bitcast %max3A_1783 : vector<16xf32> -> vector<16xi32>
    %shift_right_arithmetic3A_1785 = arith.constant 1 : i32
    %shift_right_arithmetic3A_1786 = vector.broadcast %shift_right_arithmetic3A_1785 : i32 to vector<16xi32>
    %shift_right_arithmetic3A_1787 = arith.shrsi %bitcast_convert_type3A_1784, %shift_right_arithmetic3A_1786 : vector<16xi32>
    %sub3A_1788 = arith.constant 1597463007 : i32
    %sub3A_1789 = vector.broadcast %sub3A_1788 : i32 to vector<16xi32>
    %sub3A_1790 = arith.subi %sub3A_1789, %shift_right_arithmetic3A_1787 : vector<16xi32>
    %bitcast_convert_type3A_1791 = tpu.bitcast %sub3A_1790 : vector<16xi32> -> vector<16xf32>
    %mul3A_1792 = arith.constant 5.000000e-01 : f32
    %mul3A_1793 = vector.broadcast %mul3A_1792 : f32 to vector<16xf32>
    %mul3A_1794 = arith.mulf %mul3A_1793, %max3A_1783 : vector<16xf32>
    %mul3A_1795 = arith.mulf %mul3A_1794, %bitcast_convert_type3A_1791 : vector<16xf32>
    %mul3A_1796 = arith.mulf %mul3A_1795, %bitcast_convert_type3A_1791 : vector<16xf32>
    %sub3A_1797 = arith.constant 1.500000e+00 : f32
    %sub3A_1798 = vector.broadcast %sub3A_1797 : f32 to vector<16xf32>
    %sub3A_1799 = arith.subf %sub3A_1798, %mul3A_1796 : vector<16xf32>
    %mul3A_1800 = arith.mulf %bitcast_convert_type3A_1791, %sub3A_1799 : vector<16xf32>
    %mul3A_1801 = arith.constant 5.000000e-01 : f32
    %mul3A_1802 = vector.broadcast %mul3A_1801 : f32 to vector<16xf32>
    %mul3A_1803 = arith.mulf %mul3A_1802, %max3A_1783 : vector<16xf32>
    %mul3A_1804 = arith.mulf %mul3A_1803, %mul3A_1800 : vector<16xf32>
    %mul3A_1805 = arith.mulf %mul3A_1804, %mul3A_1800 : vector<16xf32>
    %sub3A_1806 = arith.constant 1.500000e+00 : f32
    %sub3A_1807 = vector.broadcast %sub3A_1806 : f32 to vector<16xf32>
    %sub3A_1808 = arith.subf %sub3A_1807, %mul3A_1805 : vector<16xf32>
    %mul3A_1809 = arith.mulf %mul3A_1800, %sub3A_1808 : vector<16xf32>
    %mul3A_1810 = arith.constant 5.000000e-01 : f32
    %mul3A_1811 = vector.broadcast %mul3A_1810 : f32 to vector<16xf32>
    %mul3A_1812 = arith.mulf %mul3A_1811, %max3A_1783 : vector<16xf32>
    %mul3A_1813 = arith.mulf %mul3A_1812, %mul3A_1809 : vector<16xf32>
    %mul3A_1814 = arith.mulf %mul3A_1813, %mul3A_1809 : vector<16xf32>
    %sub3A_1815 = arith.constant 1.500000e+00 : f32
    %sub3A_1816 = vector.broadcast %sub3A_1815 : f32 to vector<16xf32>
    %sub3A_1817 = arith.subf %sub3A_1816, %mul3A_1814 : vector<16xf32>
    %mul3A_1818 = arith.mulf %mul3A_1809, %sub3A_1817 : vector<16xf32>
    %le3A_1819 = arith.constant 0.000000e+00 : f32
    %le3A_1820 = vector.broadcast %le3A_1819 : f32 to vector<16xf32>
    %le3A_1821 = arith.cmpf ole, %sub3A_1780, %le3A_1820 : vector<16xf32>
    %mul3A_1822 = arith.mulf %max3A_1783, %mul3A_1818 : vector<16xf32>
    %jit3A_1823 = arith.constant 0.000000e+00 : f32
    %broadcast_in_dim3A_1824 = vector.broadcast %jit3A_1823 : f32 to vector<16xf32>
    %select_n3A_1825 = arith.select %le3A_1821, %broadcast_in_dim3A_1824, %mul3A_1822 : vector<16xi1>, vector<16xf32>
    %reduce_sum3A_1826 = arith.constant true
    %reduce_sum3A_1827 = vector.broadcast %reduce_sum3A_1826 : i1 to vector<16xi1>
    %reduce_sum3A_1828 = tpu.scan <sum>, %select_n3A_1825 masked %reduce_sum3A_1827 : vector<16xf32>, vector<16xi1> -> vector<16xf32>
    %reduce_sum3A_1829 = vector.extract %reduce_sum3A_1828[15] : f32 from vector<16xf32>
    %add3A_1830 = arith.constant 16 : i32
    %add3A_1831 = arith.addi %mul3A_2, %add3A_1830 : i32
    %get3A_1832 = arith.constant 25 : i32
    %get3A_1833 = arith.index_cast %get3A_1832 : i32 to index
    %get3A_1834 = arith.index_cast %add3A_1831 : i32 to index
    %get3A_1835 = tpu.vector_load %arg4[%get3A_1833, %get3A_1834] {strides = array<i32>} : memref<32x1024xf32, #tpu.memory_space<vmem>>, vector<16xf32>,
    %slice3A_1836 = vector.extract_strided_slice %get3A_1835 {offsets = [9], sizes = [1], strides = [1]} : vector<16xf32> to vector<1xf32>
    %squeeze3A_1837 = vector.extract %slice3A_1836[0] : f32 from vector<1xf32>
    %sub3A_1838 = vector.broadcast %squeeze3A_1837 : f32 to vector<16xf32>
    %sub3A_1839 = arith.subf %scan3A_1769#1, %sub3A_1838 : vector<16xf32>
    %max3A_1840 = arith.constant 9.99999996E-13 : f32
    %max3A_1841 = vector.broadcast %max3A_1840 : f32 to vector<16xf32>
    %max3A_1842 = arith.maximumf %sub3A_1839, %max3A_1841 : vector<16xf32>
    %bitcast_convert_type3A_1843 = tpu.bitcast %max3A_1842 : vector<16xf32> -> vector<16xi32>
    %shift_right_arithmetic3A_1844 = arith.constant 1 : i32
    %shift_right_arithmetic3A_1845 = vector.broadcast %shift_right_arithmetic3A_1844 : i32 to vector<16xi32>
    %shift_right_arithmetic3A_1846 = arith.shrsi %bitcast_convert_type3A_1843, %shift_right_arithmetic3A_1845 : vector<16xi32>
    %sub3A_1847 = arith.constant 1597463007 : i32
    %sub3A_1848 = vector.broadcast %sub3A_1847 : i32 to vector<16xi32>
    %sub3A_1849 = arith.subi %sub3A_1848, %shift_right_arithmetic3A_1846 : vector<16xi32>
    %bitcast_convert_type3A_1850 = tpu.bitcast %sub3A_1849 : vector<16xi32> -> vector<16xf32>
    %mul3A_1851 = arith.constant 5.000000e-01 : f32
    %mul3A_1852 = vector.broadcast %mul3A_1851 : f32 to vector<16xf32>
    %mul3A_1853 = arith.mulf %mul3A_1852, %max3A_1842 : vector<16xf32>
    %mul3A_1854 = arith.mulf %mul3A_1853, %bitcast_convert_type3A_1850 : vector<16xf32>
    %mul3A_1855 = arith.mulf %mul3A_1854, %bitcast_convert_type3A_1850 : vector<16xf32>
    %sub3A_1856 = arith.constant 1.500000e+00 : f32
    %sub3A_1857 = vector.broadcast %sub3A_1856 : f32 to vector<16xf32>
    %sub3A_1858 = arith.subf %sub3A_1857, %mul3A_1855 : vector<16xf32>
    %mul3A_1859 = arith.mulf %bitcast_convert_type3A_1850, %sub3A_1858 : vector<16xf32>
    %mul3A_1860 = arith.constant 5.000000e-01 : f32
    %mul3A_1861 = vector.broadcast %mul3A_1860 : f32 to vector<16xf32>
    %mul3A_1862 = arith.mulf %mul3A_1861, %max3A_1842 : vector<16xf32>
    %mul3A_1863 = arith.mulf %mul3A_1862, %mul3A_1859 : vector<16xf32>
    %mul3A_1864 = arith.mulf %mul3A_1863, %mul3A_1859 : vector<16xf32>
    %sub3A_1865 = arith.constant 1.500000e+00 : f32
    %sub3A_1866 = vector.broadcast %sub3A_1865 : f32 to vector<16xf32>
    %sub3A_1867 = arith.subf %sub3A_1866, %mul3A_1864 : vector<16xf32>
    %mul3A_1868 = arith.mulf %mul3A_1859, %sub3A_1867 : vector<16xf32>
    %mul3A_1869 = arith.constant 5.000000e-01 : f32
    %mul3A_1870 = vector.broadcast %mul3A_1869 : f32 to vector<16xf32>
    %mul3A_1871 = arith.mulf %mul3A_1870, %max3A_1842 : vector<16xf32>
    %mul3A_1872 = arith.mulf %mul3A_1871, %mul3A_1868 : vector<16xf32>
    %mul3A_1873 = arith.mulf %mul3A_1872, %mul3A_1868 : vector<16xf32>
    %sub3A_1874 = arith.constant 1.500000e+00 : f32
    %sub3A_1875 = vector.broadcast %sub3A_1874 : f32 to vector<16xf32>
    %sub3A_1876 = arith.subf %sub3A_1875, %mul3A_1873 : vector<16xf32>
    %mul3A_1877 = arith.mulf %mul3A_1868, %sub3A_1876 : vector<16xf32>
    %le3A_1878 = arith.constant 0.000000e+00 : f32
    %le3A_1879 = vector.broadcast %le3A_1878 : f32 to vector<16xf32>
    %le3A_1880 = arith.cmpf ole, %sub3A_1839, %le3A_1879 : vector<16xf32>
    %mul3A_1881 = arith.mulf %max3A_1842, %mul3A_1877 : vector<16xf32>
    %jit3A_1882 = arith.constant 0.000000e+00 : f32
    %broadcast_in_dim3A_1883 = vector.broadcast %jit3A_1882 : f32 to vector<16xf32>
    %select_n3A_1884 = arith.select %le3A_1880, %broadcast_in_dim3A_1883, %mul3A_1881 : vector<16xi1>, vector<16xf32>
    %reduce_sum3A_1885 = arith.constant true
    %reduce_sum3A_1886 = vector.broadcast %reduce_sum3A_1885 : i1 to vector<16xi1>
    %reduce_sum3A_1887 = tpu.scan <sum>, %select_n3A_1884 masked %reduce_sum3A_1886 : vector<16xf32>, vector<16xi1> -> vector<16xf32>
    %reduce_sum3A_1888 = vector.extract %reduce_sum3A_1887[15] : f32 from vector<16xf32>
    %add3A_1889 = arith.constant 16 : i32
    %add3A_1890 = arith.addi %mul3A_2, %add3A_1889 : i32
    %get3A_1891 = arith.constant 26 : i32
    %get3A_1892 = arith.index_cast %get3A_1891 : i32 to index
    %get3A_1893 = arith.index_cast %add3A_1890 : i32 to index
    %get3A_1894 = tpu.vector_load %arg4[%get3A_1892, %get3A_1893] {strides = array<i32>} : memref<32x1024xf32, #tpu.memory_space<vmem>>, vector<16xf32>,
    %slice3A_1895 = vector.extract_strided_slice %get3A_1894 {offsets = [10], sizes = [1], strides = [1]} : vector<16xf32> to vector<1xf32>
    %squeeze3A_1896 = vector.extract %slice3A_1895[0] : f32 from vector<1xf32>
    %sub3A_1897 = vector.broadcast %squeeze3A_1896 : f32 to vector<16xf32>
    %sub3A_1898 = arith.subf %scan3A_1769#2, %sub3A_1897 : vector<16xf32>
    %max3A_1899 = arith.constant 9.99999996E-13 : f32
    %max3A_1900 = vector.broadcast %max3A_1899 : f32 to vector<16xf32>
    %max3A_1901 = arith.maximumf %sub3A_1898, %max3A_1900 : vector<16xf32>
    %bitcast_convert_type3A_1902 = tpu.bitcast %max3A_1901 : vector<16xf32> -> vector<16xi32>
    %shift_right_arithmetic3A_1903 = arith.constant 1 : i32
    %shift_right_arithmetic3A_1904 = vector.broadcast %shift_right_arithmetic3A_1903 : i32 to vector<16xi32>
    %shift_right_arithmetic3A_1905 = arith.shrsi %bitcast_convert_type3A_1902, %shift_right_arithmetic3A_1904 : vector<16xi32>
    %sub3A_1906 = arith.constant 1597463007 : i32
    %sub3A_1907 = vector.broadcast %sub3A_1906 : i32 to vector<16xi32>
    %sub3A_1908 = arith.subi %sub3A_1907, %shift_right_arithmetic3A_1905 : vector<16xi32>
    %bitcast_convert_type3A_1909 = tpu.bitcast %sub3A_1908 : vector<16xi32> -> vector<16xf32>
    %mul3A_1910 = arith.constant 5.000000e-01 : f32
    %mul3A_1911 = vector.broadcast %mul3A_1910 : f32 to vector<16xf32>
    %mul3A_1912 = arith.mulf %mul3A_1911, %max3A_1901 : vector<16xf32>
    %mul3A_1913 = arith.mulf %mul3A_1912, %bitcast_convert_type3A_1909 : vector<16xf32>
    %mul3A_1914 = arith.mulf %mul3A_1913, %bitcast_convert_type3A_1909 : vector<16xf32>
    %sub3A_1915 = arith.constant 1.500000e+00 : f32
    %sub3A_1916 = vector.broadcast %sub3A_1915 : f32 to vector<16xf32>
    %sub3A_1917 = arith.subf %sub3A_1916, %mul3A_1914 : vector<16xf32>
    %mul3A_1918 = arith.mulf %bitcast_convert_type3A_1909, %sub3A_1917 : vector<16xf32>
    %mul3A_1919 = arith.constant 5.000000e-01 : f32
    %mul3A_1920 = vector.broadcast %mul3A_1919 : f32 to vector<16xf32>
    %mul3A_1921 = arith.mulf %mul3A_1920, %max3A_1901 : vector<16xf32>
    %mul3A_1922 = arith.mulf %mul3A_1921, %mul3A_1918 : vector<16xf32>
    %mul3A_1923 = arith.mulf %mul3A_1922, %mul3A_1918 : vector<16xf32>
    %sub3A_1924 = arith.constant 1.500000e+00 : f32
    %sub3A_1925 = vector.broadcast %sub3A_1924 : f32 to vector<16xf32>
    %sub3A_1926 = arith.subf %sub3A_1925, %mul3A_1923 : vector<16xf32>
    %mul3A_1927 = arith.mulf %mul3A_1918, %sub3A_1926 : vector<16xf32>
    %mul3A_1928 = arith.constant 5.000000e-01 : f32
    %mul3A_1929 = vector.broadcast %mul3A_1928 : f32 to vector<16xf32>
    %mul3A_1930 = arith.mulf %mul3A_1929, %max3A_1901 : vector<16xf32>
    %mul3A_1931 = arith.mulf %mul3A_1930, %mul3A_1927 : vector<16xf32>
    %mul3A_1932 = arith.mulf %mul3A_1931, %mul3A_1927 : vector<16xf32>
    %sub3A_1933 = arith.constant 1.500000e+00 : f32
    %sub3A_1934 = vector.broadcast %sub3A_1933 : f32 to vector<16xf32>
    %sub3A_1935 = arith.subf %sub3A_1934, %mul3A_1932 : vector<16xf32>
    %mul3A_1936 = arith.mulf %mul3A_1927, %sub3A_1935 : vector<16xf32>
    %le3A_1937 = arith.constant 0.000000e+00 : f32
    %le3A_1938 = vector.broadcast %le3A_1937 : f32 to vector<16xf32>
    %le3A_1939 = arith.cmpf ole, %sub3A_1898, %le3A_1938 : vector<16xf32>
    %mul3A_1940 = arith.mulf %max3A_1901, %mul3A_1936 : vector<16xf32>
    %jit3A_1941 = arith.constant 0.000000e+00 : f32
    %broadcast_in_dim3A_1942 = vector.broadcast %jit3A_1941 : f32 to vector<16xf32>
    %select_n3A_1943 = arith.select %le3A_1939, %broadcast_in_dim3A_1942, %mul3A_1940 : vector<16xi1>, vector<16xf32>
    %reduce_sum3A_1944 = arith.constant true
    %reduce_sum3A_1945 = vector.broadcast %reduce_sum3A_1944 : i1 to vector<16xi1>
    %reduce_sum3A_1946 = tpu.scan <sum>, %select_n3A_1943 masked %reduce_sum3A_1945 : vector<16xf32>, vector<16xi1> -> vector<16xf32>
    %reduce_sum3A_1947 = vector.extract %reduce_sum3A_1946[15] : f32 from vector<16xf32>
    %add3A_1948 = arith.constant 16 : i32
    %add3A_1949 = arith.addi %mul3A_2, %add3A_1948 : i32
    %get3A_1950 = arith.constant 27 : i32
    %get3A_1951 = arith.index_cast %get3A_1950 : i32 to index
    %get3A_1952 = arith.index_cast %add3A_1949 : i32 to index
    %get3A_1953 = tpu.vector_load %arg4[%get3A_1951, %get3A_1952] {strides = array<i32>} : memref<32x1024xf32, #tpu.memory_space<vmem>>, vector<16xf32>,
    %slice3A_1954 = vector.extract_strided_slice %get3A_1953 {offsets = [11], sizes = [1], strides = [1]} : vector<16xf32> to vector<1xf32>
    %squeeze3A_1955 = vector.extract %slice3A_1954[0] : f32 from vector<1xf32>
    %sub3A_1956 = vector.broadcast %squeeze3A_1955 : f32 to vector<16xf32>
    %sub3A_1957 = arith.subf %scan3A_1769#3, %sub3A_1956 : vector<16xf32>
    %max3A_1958 = arith.constant 9.99999996E-13 : f32
    %max3A_1959 = vector.broadcast %max3A_1958 : f32 to vector<16xf32>
    %max3A_1960 = arith.maximumf %sub3A_1957, %max3A_1959 : vector<16xf32>
    %bitcast_convert_type3A_1961 = tpu.bitcast %max3A_1960 : vector<16xf32> -> vector<16xi32>
    %shift_right_arithmetic3A_1962 = arith.constant 1 : i32
    %shift_right_arithmetic3A_1963 = vector.broadcast %shift_right_arithmetic3A_1962 : i32 to vector<16xi32>
    %shift_right_arithmetic3A_1964 = arith.shrsi %bitcast_convert_type3A_1961, %shift_right_arithmetic3A_1963 : vector<16xi32>
    %sub3A_1965 = arith.constant 1597463007 : i32
    %sub3A_1966 = vector.broadcast %sub3A_1965 : i32 to vector<16xi32>
    %sub3A_1967 = arith.subi %sub3A_1966, %shift_right_arithmetic3A_1964 : vector<16xi32>
    %bitcast_convert_type3A_1968 = tpu.bitcast %sub3A_1967 : vector<16xi32> -> vector<16xf32>
    %mul3A_1969 = arith.constant 5.000000e-01 : f32
    %mul3A_1970 = vector.broadcast %mul3A_1969 : f32 to vector<16xf32>
    %mul3A_1971 = arith.mulf %mul3A_1970, %max3A_1960 : vector<16xf32>
    %mul3A_1972 = arith.mulf %mul3A_1971, %bitcast_convert_type3A_1968 : vector<16xf32>
    %mul3A_1973 = arith.mulf %mul3A_1972, %bitcast_convert_type3A_1968 : vector<16xf32>
    %sub3A_1974 = arith.constant 1.500000e+00 : f32
    %sub3A_1975 = vector.broadcast %sub3A_1974 : f32 to vector<16xf32>
    %sub3A_1976 = arith.subf %sub3A_1975, %mul3A_1973 : vector<16xf32>
    %mul3A_1977 = arith.mulf %bitcast_convert_type3A_1968, %sub3A_1976 : vector<16xf32>
    %mul3A_1978 = arith.constant 5.000000e-01 : f32
    %mul3A_1979 = vector.broadcast %mul3A_1978 : f32 to vector<16xf32>
    %mul3A_1980 = arith.mulf %mul3A_1979, %max3A_1960 : vector<16xf32>
    %mul3A_1981 = arith.mulf %mul3A_1980, %mul3A_1977 : vector<16xf32>
    %mul3A_1982 = arith.mulf %mul3A_1981, %mul3A_1977 : vector<16xf32>
    %sub3A_1983 = arith.constant 1.500000e+00 : f32
    %sub3A_1984 = vector.broadcast %sub3A_1983 : f32 to vector<16xf32>
    %sub3A_1985 = arith.subf %sub3A_1984, %mul3A_1982 : vector<16xf32>
    %mul3A_1986 = arith.mulf %mul3A_1977, %sub3A_1985 : vector<16xf32>
    %mul3A_1987 = arith.constant 5.000000e-01 : f32
    %mul3A_1988 = vector.broadcast %mul3A_1987 : f32 to vector<16xf32>
    %mul3A_1989 = arith.mulf %mul3A_1988, %max3A_1960 : vector<16xf32>
    %mul3A_1990 = arith.mulf %mul3A_1989, %mul3A_1986 : vector<16xf32>
    %mul3A_1991 = arith.mulf %mul3A_1990, %mul3A_1986 : vector<16xf32>
    %sub3A_1992 = arith.constant 1.500000e+00 : f32
    %sub3A_1993 = vector.broadcast %sub3A_1992 : f32 to vector<16xf32>
    %sub3A_1994 = arith.subf %sub3A_1993, %mul3A_1991 : vector<16xf32>
    %mul3A_1995 = arith.mulf %mul3A_1986, %sub3A_1994 : vector<16xf32>
    %le3A_1996 = arith.constant 0.000000e+00 : f32
    %le3A_1997 = vector.broadcast %le3A_1996 : f32 to vector<16xf32>
    %le3A_1998 = arith.cmpf ole, %sub3A_1957, %le3A_1997 : vector<16xf32>
    %mul3A_1999 = arith.mulf %max3A_1960, %mul3A_1995 : vector<16xf32>
    %jit3A_2000 = arith.constant 0.000000e+00 : f32
    %broadcast_in_dim3A_2001 = vector.broadcast %jit3A_2000 : f32 to vector<16xf32>
    %select_n3A_2002 = arith.select %le3A_1998, %broadcast_in_dim3A_2001, %mul3A_1999 : vector<16xi1>, vector<16xf32>
    %reduce_sum3A_2003 = arith.constant true
    %reduce_sum3A_2004 = vector.broadcast %reduce_sum3A_2003 : i1 to vector<16xi1>
    %reduce_sum3A_2005 = tpu.scan <sum>, %select_n3A_2002 masked %reduce_sum3A_2004 : vector<16xf32>, vector<16xi1> -> vector<16xf32>
    %reduce_sum3A_2006 = vector.extract %reduce_sum3A_2005[15] : f32 from vector<16xf32>
    %add3A_2007 = arith.constant 16 : i32
    %add3A_2008 = arith.addi %mul3A_2, %add3A_2007 : i32
    %get3A_2009 = arith.constant 28 : i32
    %get3A_2010 = arith.index_cast %get3A_2009 : i32 to index
    %get3A_2011 = arith.index_cast %add3A_2008 : i32 to index
    %get3A_2012 = tpu.vector_load %arg4[%get3A_2010, %get3A_2011] {strides = array<i32>} : memref<32x1024xf32, #tpu.memory_space<vmem>>, vector<16xf32>,
    %slice3A_2013 = vector.extract_strided_slice %get3A_2012 {offsets = [12], sizes = [1], strides = [1]} : vector<16xf32> to vector<1xf32>
    %squeeze3A_2014 = vector.extract %slice3A_2013[0] : f32 from vector<1xf32>
    %sub3A_2015 = vector.broadcast %squeeze3A_2014 : f32 to vector<16xf32>
    %sub3A_2016 = arith.subf %scan3A_1769#4, %sub3A_2015 : vector<16xf32>
    %max3A_2017 = arith.constant 9.99999996E-13 : f32
    %max3A_2018 = vector.broadcast %max3A_2017 : f32 to vector<16xf32>
    %max3A_2019 = arith.maximumf %sub3A_2016, %max3A_2018 : vector<16xf32>
    %bitcast_convert_type3A_2020 = tpu.bitcast %max3A_2019 : vector<16xf32> -> vector<16xi32>
    %shift_right_arithmetic3A_2021 = arith.constant 1 : i32
    %shift_right_arithmetic3A_2022 = vector.broadcast %shift_right_arithmetic3A_2021 : i32 to vector<16xi32>
    %shift_right_arithmetic3A_2023 = arith.shrsi %bitcast_convert_type3A_2020, %shift_right_arithmetic3A_2022 : vector<16xi32>
    %sub3A_2024 = arith.constant 1597463007 : i32
    %sub3A_2025 = vector.broadcast %sub3A_2024 : i32 to vector<16xi32>
    %sub3A_2026 = arith.subi %sub3A_2025, %shift_right_arithmetic3A_2023 : vector<16xi32>
    %bitcast_convert_type3A_2027 = tpu.bitcast %sub3A_2026 : vector<16xi32> -> vector<16xf32>
    %mul3A_2028 = arith.constant 5.000000e-01 : f32
    %mul3A_2029 = vector.broadcast %mul3A_2028 : f32 to vector<16xf32>
    %mul3A_2030 = arith.mulf %mul3A_2029, %max3A_2019 : vector<16xf32>
    %mul3A_2031 = arith.mulf %mul3A_2030, %bitcast_convert_type3A_2027 : vector<16xf32>
    %mul3A_2032 = arith.mulf %mul3A_2031, %bitcast_convert_type3A_2027 : vector<16xf32>
    %sub3A_2033 = arith.constant 1.500000e+00 : f32
    %sub3A_2034 = vector.broadcast %sub3A_2033 : f32 to vector<16xf32>
    %sub3A_2035 = arith.subf %sub3A_2034, %mul3A_2032 : vector<16xf32>
    %mul3A_2036 = arith.mulf %bitcast_convert_type3A_2027, %sub3A_2035 : vector<16xf32>
    %mul3A_2037 = arith.constant 5.000000e-01 : f32
    %mul3A_2038 = vector.broadcast %mul3A_2037 : f32 to vector<16xf32>
    %mul3A_2039 = arith.mulf %mul3A_2038, %max3A_2019 : vector<16xf32>
    %mul3A_2040 = arith.mulf %mul3A_2039, %mul3A_2036 : vector<16xf32>
    %mul3A_2041 = arith.mulf %mul3A_2040, %mul3A_2036 : vector<16xf32>
    %sub3A_2042 = arith.constant 1.500000e+00 : f32
    %sub3A_2043 = vector.broadcast %sub3A_2042 : f32 to vector<16xf32>
    %sub3A_2044 = arith.subf %sub3A_2043, %mul3A_2041 : vector<16xf32>
    %mul3A_2045 = arith.mulf %mul3A_2036, %sub3A_2044 : vector<16xf32>
    %mul3A_2046 = arith.constant 5.000000e-01 : f32
    %mul3A_2047 = vector.broadcast %mul3A_2046 : f32 to vector<16xf32>
    %mul3A_2048 = arith.mulf %mul3A_2047, %max3A_2019 : vector<16xf32>
    %mul3A_2049 = arith.mulf %mul3A_2048, %mul3A_2045 : vector<16xf32>
    %mul3A_2050 = arith.mulf %mul3A_2049, %mul3A_2045 : vector<16xf32>
    %sub3A_2051 = arith.constant 1.500000e+00 : f32
    %sub3A_2052 = vector.broadcast %sub3A_2051 : f32 to vector<16xf32>
    %sub3A_2053 = arith.subf %sub3A_2052, %mul3A_2050 : vector<16xf32>
    %mul3A_2054 = arith.mulf %mul3A_2045, %sub3A_2053 : vector<16xf32>
    %le3A_2055 = arith.constant 0.000000e+00 : f32
    %le3A_2056 = vector.broadcast %le3A_2055 : f32 to vector<16xf32>
    %le3A_2057 = arith.cmpf ole, %sub3A_2016, %le3A_2056 : vector<16xf32>
    %mul3A_2058 = arith.mulf %max3A_2019, %mul3A_2054 : vector<16xf32>
    %jit3A_2059 = arith.constant 0.000000e+00 : f32
    %broadcast_in_dim3A_2060 = vector.broadcast %jit3A_2059 : f32 to vector<16xf32>
    %select_n3A_2061 = arith.select %le3A_2057, %broadcast_in_dim3A_2060, %mul3A_2058 : vector<16xi1>, vector<16xf32>
    %reduce_sum3A_2062 = arith.constant true
    %reduce_sum3A_2063 = vector.broadcast %reduce_sum3A_2062 : i1 to vector<16xi1>
    %reduce_sum3A_2064 = tpu.scan <sum>, %select_n3A_2061 masked %reduce_sum3A_2063 : vector<16xf32>, vector<16xi1> -> vector<16xf32>
    %reduce_sum3A_2065 = vector.extract %reduce_sum3A_2064[15] : f32 from vector<16xf32>
    %add3A_2066 = arith.constant 16 : i32
    %add3A_2067 = arith.addi %mul3A_2, %add3A_2066 : i32
    %get3A_2068 = arith.constant 29 : i32
    %get3A_2069 = arith.index_cast %get3A_2068 : i32 to index
    %get3A_2070 = arith.index_cast %add3A_2067 : i32 to index
    %get3A_2071 = tpu.vector_load %arg4[%get3A_2069, %get3A_2070] {strides = array<i32>} : memref<32x1024xf32, #tpu.memory_space<vmem>>, vector<16xf32>,
    %slice3A_2072 = vector.extract_strided_slice %get3A_2071 {offsets = [13], sizes = [1], strides = [1]} : vector<16xf32> to vector<1xf32>
    %squeeze3A_2073 = vector.extract %slice3A_2072[0] : f32 from vector<1xf32>
    %sub3A_2074 = vector.broadcast %squeeze3A_2073 : f32 to vector<16xf32>
    %sub3A_2075 = arith.subf %scan3A_1769#5, %sub3A_2074 : vector<16xf32>
    %max3A_2076 = arith.constant 9.99999996E-13 : f32
    %max3A_2077 = vector.broadcast %max3A_2076 : f32 to vector<16xf32>
    %max3A_2078 = arith.maximumf %sub3A_2075, %max3A_2077 : vector<16xf32>
    %bitcast_convert_type3A_2079 = tpu.bitcast %max3A_2078 : vector<16xf32> -> vector<16xi32>
    %shift_right_arithmetic3A_2080 = arith.constant 1 : i32
    %shift_right_arithmetic3A_2081 = vector.broadcast %shift_right_arithmetic3A_2080 : i32 to vector<16xi32>
    %shift_right_arithmetic3A_2082 = arith.shrsi %bitcast_convert_type3A_2079, %shift_right_arithmetic3A_2081 : vector<16xi32>
    %sub3A_2083 = arith.constant 1597463007 : i32
    %sub3A_2084 = vector.broadcast %sub3A_2083 : i32 to vector<16xi32>
    %sub3A_2085 = arith.subi %sub3A_2084, %shift_right_arithmetic3A_2082 : vector<16xi32>
    %bitcast_convert_type3A_2086 = tpu.bitcast %sub3A_2085 : vector<16xi32> -> vector<16xf32>
    %mul3A_2087 = arith.constant 5.000000e-01 : f32
    %mul3A_2088 = vector.broadcast %mul3A_2087 : f32 to vector<16xf32>
    %mul3A_2089 = arith.mulf %mul3A_2088, %max3A_2078 : vector<16xf32>
    %mul3A_2090 = arith.mulf %mul3A_2089, %bitcast_convert_type3A_2086 : vector<16xf32>
    %mul3A_2091 = arith.mulf %mul3A_2090, %bitcast_convert_type3A_2086 : vector<16xf32>
    %sub3A_2092 = arith.constant 1.500000e+00 : f32
    %sub3A_2093 = vector.broadcast %sub3A_2092 : f32 to vector<16xf32>
    %sub3A_2094 = arith.subf %sub3A_2093, %mul3A_2091 : vector<16xf32>
    %mul3A_2095 = arith.mulf %bitcast_convert_type3A_2086, %sub3A_2094 : vector<16xf32>
    %mul3A_2096 = arith.constant 5.000000e-01 : f32
    %mul3A_2097 = vector.broadcast %mul3A_2096 : f32 to vector<16xf32>
    %mul3A_2098 = arith.mulf %mul3A_2097, %max3A_2078 : vector<16xf32>
    %mul3A_2099 = arith.mulf %mul3A_2098, %mul3A_2095 : vector<16xf32>
    %mul3A_2100 = arith.mulf %mul3A_2099, %mul3A_2095 : vector<16xf32>
    %sub3A_2101 = arith.constant 1.500000e+00 : f32
    %sub3A_2102 = vector.broadcast %sub3A_2101 : f32 to vector<16xf32>
    %sub3A_2103 = arith.subf %sub3A_2102, %mul3A_2100 : vector<16xf32>
    %mul3A_2104 = arith.mulf %mul3A_2095, %sub3A_2103 : vector<16xf32>
    %mul3A_2105 = arith.constant 5.000000e-01 : f32
    %mul3A_2106 = vector.broadcast %mul3A_2105 : f32 to vector<16xf32>
    %mul3A_2107 = arith.mulf %mul3A_2106, %max3A_2078 : vector<16xf32>
    %mul3A_2108 = arith.mulf %mul3A_2107, %mul3A_2104 : vector<16xf32>
    %mul3A_2109 = arith.mulf %mul3A_2108, %mul3A_2104 : vector<16xf32>
    %sub3A_2110 = arith.constant 1.500000e+00 : f32
    %sub3A_2111 = vector.broadcast %sub3A_2110 : f32 to vector<16xf32>
    %sub3A_2112 = arith.subf %sub3A_2111, %mul3A_2109 : vector<16xf32>
    %mul3A_2113 = arith.mulf %mul3A_2104, %sub3A_2112 : vector<16xf32>
    %le3A_2114 = arith.constant 0.000000e+00 : f32
    %le3A_2115 = vector.broadcast %le3A_2114 : f32 to vector<16xf32>
    %le3A_2116 = arith.cmpf ole, %sub3A_2075, %le3A_2115 : vector<16xf32>
    %mul3A_2117 = arith.mulf %max3A_2078, %mul3A_2113 : vector<16xf32>
    %jit3A_2118 = arith.constant 0.000000e+00 : f32
    %broadcast_in_dim3A_2119 = vector.broadcast %jit3A_2118 : f32 to vector<16xf32>
    %select_n3A_2120 = arith.select %le3A_2116, %broadcast_in_dim3A_2119, %mul3A_2117 : vector<16xi1>, vector<16xf32>
    %reduce_sum3A_2121 = arith.constant true
    %reduce_sum3A_2122 = vector.broadcast %reduce_sum3A_2121 : i1 to vector<16xi1>
    %reduce_sum3A_2123 = tpu.scan <sum>, %select_n3A_2120 masked %reduce_sum3A_2122 : vector<16xf32>, vector<16xi1> -> vector<16xf32>
    %reduce_sum3A_2124 = vector.extract %reduce_sum3A_2123[15] : f32 from vector<16xf32>
    %add3A_2125 = arith.constant 16 : i32
    %add3A_2126 = arith.addi %mul3A_2, %add3A_2125 : i32
    %get3A_2127 = arith.constant 30 : i32
    %get3A_2128 = arith.index_cast %get3A_2127 : i32 to index
    %get3A_2129 = arith.index_cast %add3A_2126 : i32 to index
    %get3A_2130 = tpu.vector_load %arg4[%get3A_2128, %get3A_2129] {strides = array<i32>} : memref<32x1024xf32, #tpu.memory_space<vmem>>, vector<16xf32>,
    %slice3A_2131 = vector.extract_strided_slice %get3A_2130 {offsets = [14], sizes = [1], strides = [1]} : vector<16xf32> to vector<1xf32>
    %squeeze3A_2132 = vector.extract %slice3A_2131[0] : f32 from vector<1xf32>
    %sub3A_2133 = vector.broadcast %squeeze3A_2132 : f32 to vector<16xf32>
    %sub3A_2134 = arith.subf %scan3A_1769#6, %sub3A_2133 : vector<16xf32>
    %max3A_2135 = arith.constant 9.99999996E-13 : f32
    %max3A_2136 = vector.broadcast %max3A_2135 : f32 to vector<16xf32>
    %max3A_2137 = arith.maximumf %sub3A_2134, %max3A_2136 : vector<16xf32>
    %bitcast_convert_type3A_2138 = tpu.bitcast %max3A_2137 : vector<16xf32> -> vector<16xi32>
    %shift_right_arithmetic3A_2139 = arith.constant 1 : i32
    %shift_right_arithmetic3A_2140 = vector.broadcast %shift_right_arithmetic3A_2139 : i32 to vector<16xi32>
    %shift_right_arithmetic3A_2141 = arith.shrsi %bitcast_convert_type3A_2138, %shift_right_arithmetic3A_2140 : vector<16xi32>
    %sub3A_2142 = arith.constant 1597463007 : i32
    %sub3A_2143 = vector.broadcast %sub3A_2142 : i32 to vector<16xi32>
    %sub3A_2144 = arith.subi %sub3A_2143, %shift_right_arithmetic3A_2141 : vector<16xi32>
    %bitcast_convert_type3A_2145 = tpu.bitcast %sub3A_2144 : vector<16xi32> -> vector<16xf32>
    %mul3A_2146 = arith.constant 5.000000e-01 : f32
    %mul3A_2147 = vector.broadcast %mul3A_2146 : f32 to vector<16xf32>
    %mul3A_2148 = arith.mulf %mul3A_2147, %max3A_2137 : vector<16xf32>
    %mul3A_2149 = arith.mulf %mul3A_2148, %bitcast_convert_type3A_2145 : vector<16xf32>
    %mul3A_2150 = arith.mulf %mul3A_2149, %bitcast_convert_type3A_2145 : vector<16xf32>
    %sub3A_2151 = arith.constant 1.500000e+00 : f32
    %sub3A_2152 = vector.broadcast %sub3A_2151 : f32 to vector<16xf32>
    %sub3A_2153 = arith.subf %sub3A_2152, %mul3A_2150 : vector<16xf32>
    %mul3A_2154 = arith.mulf %bitcast_convert_type3A_2145, %sub3A_2153 : vector<16xf32>
    %mul3A_2155 = arith.constant 5.000000e-01 : f32
    %mul3A_2156 = vector.broadcast %mul3A_2155 : f32 to vector<16xf32>
    %mul3A_2157 = arith.mulf %mul3A_2156, %max3A_2137 : vector<16xf32>
    %mul3A_2158 = arith.mulf %mul3A_2157, %mul3A_2154 : vector<16xf32>
    %mul3A_2159 = arith.mulf %mul3A_2158, %mul3A_2154 : vector<16xf32>
    %sub3A_2160 = arith.constant 1.500000e+00 : f32
    %sub3A_2161 = vector.broadcast %sub3A_2160 : f32 to vector<16xf32>
    %sub3A_2162 = arith.subf %sub3A_2161, %mul3A_2159 : vector<16xf32>
    %mul3A_2163 = arith.mulf %mul3A_2154, %sub3A_2162 : vector<16xf32>
    %mul3A_2164 = arith.constant 5.000000e-01 : f32
    %mul3A_2165 = vector.broadcast %mul3A_2164 : f32 to vector<16xf32>
    %mul3A_2166 = arith.mulf %mul3A_2165, %max3A_2137 : vector<16xf32>
    %mul3A_2167 = arith.mulf %mul3A_2166, %mul3A_2163 : vector<16xf32>
    %mul3A_2168 = arith.mulf %mul3A_2167, %mul3A_2163 : vector<16xf32>
    %sub3A_2169 = arith.constant 1.500000e+00 : f32
    %sub3A_2170 = vector.broadcast %sub3A_2169 : f32 to vector<16xf32>
    %sub3A_2171 = arith.subf %sub3A_2170, %mul3A_2168 : vector<16xf32>
    %mul3A_2172 = arith.mulf %mul3A_2163, %sub3A_2171 : vector<16xf32>
    %le3A_2173 = arith.constant 0.000000e+00 : f32
    %le3A_2174 = vector.broadcast %le3A_2173 : f32 to vector<16xf32>
    %le3A_2175 = arith.cmpf ole, %sub3A_2134, %le3A_2174 : vector<16xf32>
    %mul3A_2176 = arith.mulf %max3A_2137, %mul3A_2172 : vector<16xf32>
    %jit3A_2177 = arith.constant 0.000000e+00 : f32
    %broadcast_in_dim3A_2178 = vector.broadcast %jit3A_2177 : f32 to vector<16xf32>
    %select_n3A_2179 = arith.select %le3A_2175, %broadcast_in_dim3A_2178, %mul3A_2176 : vector<16xi1>, vector<16xf32>
    %reduce_sum3A_2180 = arith.constant true
    %reduce_sum3A_2181 = vector.broadcast %reduce_sum3A_2180 : i1 to vector<16xi1>
    %reduce_sum3A_2182 = tpu.scan <sum>, %select_n3A_2179 masked %reduce_sum3A_2181 : vector<16xf32>, vector<16xi1> -> vector<16xf32>
    %reduce_sum3A_2183 = vector.extract %reduce_sum3A_2182[15] : f32 from vector<16xf32>
    %add3A_2184 = arith.constant 16 : i32
    %add3A_2185 = arith.addi %mul3A_2, %add3A_2184 : i32
    %get3A_2186 = arith.constant 31 : i32
    %get3A_2187 = arith.index_cast %get3A_2186 : i32 to index
    %get3A_2188 = arith.index_cast %add3A_2185 : i32 to index
    %get3A_2189 = tpu.vector_load %arg4[%get3A_2187, %get3A_2188] {strides = array<i32>} : memref<32x1024xf32, #tpu.memory_space<vmem>>, vector<16xf32>,
    %slice3A_2190 = vector.extract_strided_slice %get3A_2189 {offsets = [15], sizes = [1], strides = [1]} : vector<16xf32> to vector<1xf32>
    %squeeze3A_2191 = vector.extract %slice3A_2190[0] : f32 from vector<1xf32>
    %sub3A_2192 = vector.broadcast %squeeze3A_2191 : f32 to vector<16xf32>
    %sub3A_2193 = arith.subf %scan3A_1769#7, %sub3A_2192 : vector<16xf32>
    %max3A_2194 = arith.constant 9.99999996E-13 : f32
    %max3A_2195 = vector.broadcast %max3A_2194 : f32 to vector<16xf32>
    %max3A_2196 = arith.maximumf %sub3A_2193, %max3A_2195 : vector<16xf32>
    %bitcast_convert_type3A_2197 = tpu.bitcast %max3A_2196 : vector<16xf32> -> vector<16xi32>
    %shift_right_arithmetic3A_2198 = arith.constant 1 : i32
    %shift_right_arithmetic3A_2199 = vector.broadcast %shift_right_arithmetic3A_2198 : i32 to vector<16xi32>
    %shift_right_arithmetic3A_2200 = arith.shrsi %bitcast_convert_type3A_2197, %shift_right_arithmetic3A_2199 : vector<16xi32>
    %sub3A_2201 = arith.constant 1597463007 : i32
    %sub3A_2202 = vector.broadcast %sub3A_2201 : i32 to vector<16xi32>
    %sub3A_2203 = arith.subi %sub3A_2202, %shift_right_arithmetic3A_2200 : vector<16xi32>
    %bitcast_convert_type3A_2204 = tpu.bitcast %sub3A_2203 : vector<16xi32> -> vector<16xf32>
    %mul3A_2205 = arith.constant 5.000000e-01 : f32
    %mul3A_2206 = vector.broadcast %mul3A_2205 : f32 to vector<16xf32>
    %mul3A_2207 = arith.mulf %mul3A_2206, %max3A_2196 : vector<16xf32>
    %mul3A_2208 = arith.mulf %mul3A_2207, %bitcast_convert_type3A_2204 : vector<16xf32>
    %mul3A_2209 = arith.mulf %mul3A_2208, %bitcast_convert_type3A_2204 : vector<16xf32>
    %sub3A_2210 = arith.constant 1.500000e+00 : f32
    %sub3A_2211 = vector.broadcast %sub3A_2210 : f32 to vector<16xf32>
    %sub3A_2212 = arith.subf %sub3A_2211, %mul3A_2209 : vector<16xf32>
    %mul3A_2213 = arith.mulf %bitcast_convert_type3A_2204, %sub3A_2212 : vector<16xf32>
    %mul3A_2214 = arith.constant 5.000000e-01 : f32
    %mul3A_2215 = vector.broadcast %mul3A_2214 : f32 to vector<16xf32>
    %mul3A_2216 = arith.mulf %mul3A_2215, %max3A_2196 : vector<16xf32>
    %mul3A_2217 = arith.mulf %mul3A_2216, %mul3A_2213 : vector<16xf32>
    %mul3A_2218 = arith.mulf %mul3A_2217, %mul3A_2213 : vector<16xf32>
    %sub3A_2219 = arith.constant 1.500000e+00 : f32
    %sub3A_2220 = vector.broadcast %sub3A_2219 : f32 to vector<16xf32>
    %sub3A_2221 = arith.subf %sub3A_2220, %mul3A_2218 : vector<16xf32>
    %mul3A_2222 = arith.mulf %mul3A_2213, %sub3A_2221 : vector<16xf32>
    %mul3A_2223 = arith.constant 5.000000e-01 : f32
    %mul3A_2224 = vector.broadcast %mul3A_2223 : f32 to vector<16xf32>
    %mul3A_2225 = arith.mulf %mul3A_2224, %max3A_2196 : vector<16xf32>
    %mul3A_2226 = arith.mulf %mul3A_2225, %mul3A_2222 : vector<16xf32>
    %mul3A_2227 = arith.mulf %mul3A_2226, %mul3A_2222 : vector<16xf32>
    %sub3A_2228 = arith.constant 1.500000e+00 : f32
    %sub3A_2229 = vector.broadcast %sub3A_2228 : f32 to vector<16xf32>
    %sub3A_2230 = arith.subf %sub3A_2229, %mul3A_2227 : vector<16xf32>
    %mul3A_2231 = arith.mulf %mul3A_2222, %sub3A_2230 : vector<16xf32>
    %le3A_2232 = arith.constant 0.000000e+00 : f32
    %le3A_2233 = vector.broadcast %le3A_2232 : f32 to vector<16xf32>
    %le3A_2234 = arith.cmpf ole, %sub3A_2193, %le3A_2233 : vector<16xf32>
    %mul3A_2235 = arith.mulf %max3A_2196, %mul3A_2231 : vector<16xf32>
    %jit3A_2236 = arith.constant 0.000000e+00 : f32
    %broadcast_in_dim3A_2237 = vector.broadcast %jit3A_2236 : f32 to vector<16xf32>
    %select_n3A_2238 = arith.select %le3A_2234, %broadcast_in_dim3A_2237, %mul3A_2235 : vector<16xi1>, vector<16xf32>
    %reduce_sum3A_2239 = arith.constant true
    %reduce_sum3A_2240 = vector.broadcast %reduce_sum3A_2239 : i1 to vector<16xi1>
    %reduce_sum3A_2241 = tpu.scan <sum>, %select_n3A_2238 masked %reduce_sum3A_2240 : vector<16xf32>, vector<16xi1> -> vector<16xf32>
    %reduce_sum3A_2242 = vector.extract %reduce_sum3A_2241[15] : f32 from vector<16xf32>
    %iota3A = tpu.iota {dimensions = array<i32: 0>} : vector<16xi32>
    %broadcast_in_dim3A_2243 = arith.constant 0.000000e+00 : f32
    %broadcast_in_dim3A_2244 = vector.broadcast %broadcast_in_dim3A_2243 : f32 to vector<16xf32>
    %eq3A = arith.constant 0 : i32
    %eq3A_2245 = vector.broadcast %eq3A : i32 to vector<16xi32>
    %eq3A_2246 = arith.cmpi eq, %iota3A, %eq3A_2245 : vector<16xi32>
    %broadcast_in_dim3A_2247 = vector.broadcast %reduce_sum3A_173 : f32 to vector<16xf32>
    %select_n3A_2248 = arith.select %eq3A_2246, %broadcast_in_dim3A_2247, %broadcast_in_dim3A_2244 : vector<16xi1>, vector<16xf32>
    %eq3A_2249 = arith.constant 1 : i32
    %eq3A_2250 = vector.broadcast %eq3A_2249 : i32 to vector<16xi32>
    %eq3A_2251 = arith.cmpi eq, %iota3A, %eq3A_2250 : vector<16xi32>
    %broadcast_in_dim3A_2252 = vector.broadcast %reduce_sum3A_232 : f32 to vector<16xf32>
    %select_n3A_2253 = arith.select %eq3A_2251, %broadcast_in_dim3A_2252, %select_n3A_2248 : vector<16xi1>, vector<16xf32>
    %eq3A_2254 = arith.constant 2 : i32
    %eq3A_2255 = vector.broadcast %eq3A_2254 : i32 to vector<16xi32>
    %eq3A_2256 = arith.cmpi eq, %iota3A, %eq3A_2255 : vector<16xi32>
    %broadcast_in_dim3A_2257 = vector.broadcast %reduce_sum3A_291 : f32 to vector<16xf32>
    %select_n3A_2258 = arith.select %eq3A_2256, %broadcast_in_dim3A_2257, %select_n3A_2253 : vector<16xi1>, vector<16xf32>
    %eq3A_2259 = arith.constant 3 : i32
    %eq3A_2260 = vector.broadcast %eq3A_2259 : i32 to vector<16xi32>
    %eq3A_2261 = arith.cmpi eq, %iota3A, %eq3A_2260 : vector<16xi32>
    %broadcast_in_dim3A_2262 = vector.broadcast %reduce_sum3A_350 : f32 to vector<16xf32>
    %select_n3A_2263 = arith.select %eq3A_2261, %broadcast_in_dim3A_2262, %select_n3A_2258 : vector<16xi1>, vector<16xf32>
    %eq3A_2264 = arith.constant 4 : i32
    %eq3A_2265 = vector.broadcast %eq3A_2264 : i32 to vector<16xi32>
    %eq3A_2266 = arith.cmpi eq, %iota3A, %eq3A_2265 : vector<16xi32>
    %broadcast_in_dim3A_2267 = vector.broadcast %reduce_sum3A_409 : f32 to vector<16xf32>
    %select_n3A_2268 = arith.select %eq3A_2266, %broadcast_in_dim3A_2267, %select_n3A_2263 : vector<16xi1>, vector<16xf32>
    %eq3A_2269 = arith.constant 5 : i32
    %eq3A_2270 = vector.broadcast %eq3A_2269 : i32 to vector<16xi32>
    %eq3A_2271 = arith.cmpi eq, %iota3A, %eq3A_2270 : vector<16xi32>
    %broadcast_in_dim3A_2272 = vector.broadcast %reduce_sum3A_468 : f32 to vector<16xf32>
    %select_n3A_2273 = arith.select %eq3A_2271, %broadcast_in_dim3A_2272, %select_n3A_2268 : vector<16xi1>, vector<16xf32>
    %eq3A_2274 = arith.constant 6 : i32
    %eq3A_2275 = vector.broadcast %eq3A_2274 : i32 to vector<16xi32>
    %eq3A_2276 = arith.cmpi eq, %iota3A, %eq3A_2275 : vector<16xi32>
    %broadcast_in_dim3A_2277 = vector.broadcast %reduce_sum3A_527 : f32 to vector<16xf32>
    %select_n3A_2278 = arith.select %eq3A_2276, %broadcast_in_dim3A_2277, %select_n3A_2273 : vector<16xi1>, vector<16xf32>
    %eq3A_2279 = arith.constant 7 : i32
    %eq3A_2280 = vector.broadcast %eq3A_2279 : i32 to vector<16xi32>
    %eq3A_2281 = arith.cmpi eq, %iota3A, %eq3A_2280 : vector<16xi32>
    %broadcast_in_dim3A_2282 = vector.broadcast %reduce_sum3A_586 : f32 to vector<16xf32>
    %select_n3A_2283 = arith.select %eq3A_2281, %broadcast_in_dim3A_2282, %select_n3A_2278 : vector<16xi1>, vector<16xf32>
    %eq3A_2284 = arith.constant 8 : i32
    %eq3A_2285 = vector.broadcast %eq3A_2284 : i32 to vector<16xi32>
    %eq3A_2286 = arith.cmpi eq, %iota3A, %eq3A_2285 : vector<16xi32>
    %broadcast_in_dim3A_2287 = vector.broadcast %reduce_sum3A_725 : f32 to vector<16xf32>
    %select_n3A_2288 = arith.select %eq3A_2286, %broadcast_in_dim3A_2287, %select_n3A_2283 : vector<16xi1>, vector<16xf32>
    %eq3A_2289 = arith.constant 9 : i32
    %eq3A_2290 = vector.broadcast %eq3A_2289 : i32 to vector<16xi32>
    %eq3A_2291 = arith.cmpi eq, %iota3A, %eq3A_2290 : vector<16xi32>
    %broadcast_in_dim3A_2292 = vector.broadcast %reduce_sum3A_784 : f32 to vector<16xf32>
    %select_n3A_2293 = arith.select %eq3A_2291, %broadcast_in_dim3A_2292, %select_n3A_2288 : vector<16xi1>, vector<16xf32>
    %eq3A_2294 = arith.constant 10 : i32
    %eq3A_2295 = vector.broadcast %eq3A_2294 : i32 to vector<16xi32>
    %eq3A_2296 = arith.cmpi eq, %iota3A, %eq3A_2295 : vector<16xi32>
    %broadcast_in_dim3A_2297 = vector.broadcast %reduce_sum3A_843 : f32 to vector<16xf32>
    %select_n3A_2298 = arith.select %eq3A_2296, %broadcast_in_dim3A_2297, %select_n3A_2293 : vector<16xi1>, vector<16xf32>
    %eq3A_2299 = arith.constant 11 : i32
    %eq3A_2300 = vector.broadcast %eq3A_2299 : i32 to vector<16xi32>
    %eq3A_2301 = arith.cmpi eq, %iota3A, %eq3A_2300 : vector<16xi32>
    %broadcast_in_dim3A_2302 = vector.broadcast %reduce_sum3A_902 : f32 to vector<16xf32>
    %select_n3A_2303 = arith.select %eq3A_2301, %broadcast_in_dim3A_2302, %select_n3A_2298 : vector<16xi1>, vector<16xf32>
    %eq3A_2304 = arith.constant 12 : i32
    %eq3A_2305 = vector.broadcast %eq3A_2304 : i32 to vector<16xi32>
    %eq3A_2306 = arith.cmpi eq, %iota3A, %eq3A_2305 : vector<16xi32>
    %broadcast_in_dim3A_2307 = vector.broadcast %reduce_sum3A_961 : f32 to vector<16xf32>
    %select_n3A_2308 = arith.select %eq3A_2306, %broadcast_in_dim3A_2307, %select_n3A_2303 : vector<16xi1>, vector<16xf32>
    %eq3A_2309 = arith.constant 13 : i32
    %eq3A_2310 = vector.broadcast %eq3A_2309 : i32 to vector<16xi32>
    %eq3A_2311 = arith.cmpi eq, %iota3A, %eq3A_2310 : vector<16xi32>
    %broadcast_in_dim3A_2312 = vector.broadcast %reduce_sum3A_1020 : f32 to vector<16xf32>
    %select_n3A_2313 = arith.select %eq3A_2311, %broadcast_in_dim3A_2312, %select_n3A_2308 : vector<16xi1>, vector<16xf32>
    %eq3A_2314 = arith.constant 14 : i32
    %eq3A_2315 = vector.broadcast %eq3A_2314 : i32 to vector<16xi32>
    %eq3A_2316 = arith.cmpi eq, %iota3A, %eq3A_2315 : vector<16xi32>
    %broadcast_in_dim3A_2317 = vector.broadcast %reduce_sum3A_1079 : f32 to vector<16xf32>
    %select_n3A_2318 = arith.select %eq3A_2316, %broadcast_in_dim3A_2317, %select_n3A_2313 : vector<16xi1>, vector<16xf32>
    %eq3A_2319 = arith.constant 15 : i32
    %eq3A_2320 = vector.broadcast %eq3A_2319 : i32 to vector<16xi32>
    %eq3A_2321 = arith.cmpi eq, %iota3A, %eq3A_2320 : vector<16xi32>
    %broadcast_in_dim3A_2322 = vector.broadcast %reduce_sum3A_1138 : f32 to vector<16xf32>
    %select_n3A_2323 = arith.select %eq3A_2321, %broadcast_in_dim3A_2322, %select_n3A_2318 : vector<16xi1>, vector<16xf32>
    %swap3A = arith.constant 0 : index
    %swap3A_2324 = tpu.vector_load %arg5[%swap3A] {strides = array<i32>} : memref<32xf32, #tpu.memory_space<vmem>>, vector<16xf32>,
    tpu.vector_store %arg5[%swap3A], %select_n3A_2323 {strides = array<i32>} : memref<32xf32, #tpu.memory_space<vmem>>, vector<16xf32>,
    %broadcast_in_dim3A_2325 = arith.constant 0.000000e+00 : f32
    %broadcast_in_dim3A_2326 = vector.broadcast %broadcast_in_dim3A_2325 : f32 to vector<16xf32>
    %eq3A_2327 = arith.constant 0 : i32
    %eq3A_2328 = vector.broadcast %eq3A_2327 : i32 to vector<16xi32>
    %eq3A_2329 = arith.cmpi eq, %iota3A, %eq3A_2328 : vector<16xi32>
    %broadcast_in_dim3A_2330 = vector.broadcast %reduce_sum3A_1277 : f32 to vector<16xf32>
    %select_n3A_2331 = arith.select %eq3A_2329, %broadcast_in_dim3A_2330, %broadcast_in_dim3A_2326 : vector<16xi1>, vector<16xf32>
    %eq3A_2332 = arith.constant 1 : i32
    %eq3A_2333 = vector.broadcast %eq3A_2332 : i32 to vector<16xi32>
    %eq3A_2334 = arith.cmpi eq, %iota3A, %eq3A_2333 : vector<16xi32>
    %broadcast_in_dim3A_2335 = vector.broadcast %reduce_sum3A_1336 : f32 to vector<16xf32>
    %select_n3A_2336 = arith.select %eq3A_2334, %broadcast_in_dim3A_2335, %select_n3A_2331 : vector<16xi1>, vector<16xf32>
    %eq3A_2337 = arith.constant 2 : i32
    %eq3A_2338 = vector.broadcast %eq3A_2337 : i32 to vector<16xi32>
    %eq3A_2339 = arith.cmpi eq, %iota3A, %eq3A_2338 : vector<16xi32>
    %broadcast_in_dim3A_2340 = vector.broadcast %reduce_sum3A_1395 : f32 to vector<16xf32>
    %select_n3A_2341 = arith.select %eq3A_2339, %broadcast_in_dim3A_2340, %select_n3A_2336 : vector<16xi1>, vector<16xf32>
    %eq3A_2342 = arith.constant 3 : i32
    %eq3A_2343 = vector.broadcast %eq3A_2342 : i32 to vector<16xi32>
    %eq3A_2344 = arith.cmpi eq, %iota3A, %eq3A_2343 : vector<16xi32>
    %broadcast_in_dim3A_2345 = vector.broadcast %reduce_sum3A_1454 : f32 to vector<16xf32>
    %select_n3A_2346 = arith.select %eq3A_2344, %broadcast_in_dim3A_2345, %select_n3A_2341 : vector<16xi1>, vector<16xf32>
    %eq3A_2347 = arith.constant 4 : i32
    %eq3A_2348 = vector.broadcast %eq3A_2347 : i32 to vector<16xi32>
    %eq3A_2349 = arith.cmpi eq, %iota3A, %eq3A_2348 : vector<16xi32>
    %broadcast_in_dim3A_2350 = vector.broadcast %reduce_sum3A_1513 : f32 to vector<16xf32>
    %select_n3A_2351 = arith.select %eq3A_2349, %broadcast_in_dim3A_2350, %select_n3A_2346 : vector<16xi1>, vector<16xf32>
    %eq3A_2352 = arith.constant 5 : i32
    %eq3A_2353 = vector.broadcast %eq3A_2352 : i32 to vector<16xi32>
    %eq3A_2354 = arith.cmpi eq, %iota3A, %eq3A_2353 : vector<16xi32>
    %broadcast_in_dim3A_2355 = vector.broadcast %reduce_sum3A_1572 : f32 to vector<16xf32>
    %select_n3A_2356 = arith.select %eq3A_2354, %broadcast_in_dim3A_2355, %select_n3A_2351 : vector<16xi1>, vector<16xf32>
    %eq3A_2357 = arith.constant 6 : i32
    %eq3A_2358 = vector.broadcast %eq3A_2357 : i32 to vector<16xi32>
    %eq3A_2359 = arith.cmpi eq, %iota3A, %eq3A_2358 : vector<16xi32>
    %broadcast_in_dim3A_2360 = vector.broadcast %reduce_sum3A_1631 : f32 to vector<16xf32>
    %select_n3A_2361 = arith.select %eq3A_2359, %broadcast_in_dim3A_2360, %select_n3A_2356 : vector<16xi1>, vector<16xf32>
    %eq3A_2362 = arith.constant 7 : i32
    %eq3A_2363 = vector.broadcast %eq3A_2362 : i32 to vector<16xi32>
    %eq3A_2364 = arith.cmpi eq, %iota3A, %eq3A_2363 : vector<16xi32>
    %broadcast_in_dim3A_2365 = vector.broadcast %reduce_sum3A_1690 : f32 to vector<16xf32>
    %select_n3A_2366 = arith.select %eq3A_2364, %broadcast_in_dim3A_2365, %select_n3A_2361 : vector<16xi1>, vector<16xf32>
    %eq3A_2367 = arith.constant 8 : i32
    %eq3A_2368 = vector.broadcast %eq3A_2367 : i32 to vector<16xi32>
    %eq3A_2369 = arith.cmpi eq, %iota3A, %eq3A_2368 : vector<16xi32>
    %broadcast_in_dim3A_2370 = vector.broadcast %reduce_sum3A_1829 : f32 to vector<16xf32>
    %select_n3A_2371 = arith.select %eq3A_2369, %broadcast_in_dim3A_2370, %select_n3A_2366 : vector<16xi1>, vector<16xf32>
    %eq3A_2372 = arith.constant 9 : i32
    %eq3A_2373 = vector.broadcast %eq3A_2372 : i32 to vector<16xi32>
    %eq3A_2374 = arith.cmpi eq, %iota3A, %eq3A_2373 : vector<16xi32>
    %broadcast_in_dim3A_2375 = vector.broadcast %reduce_sum3A_1888 : f32 to vector<16xf32>
    %select_n3A_2376 = arith.select %eq3A_2374, %broadcast_in_dim3A_2375, %select_n3A_2371 : vector<16xi1>, vector<16xf32>
    %eq3A_2377 = arith.constant 10 : i32
    %eq3A_2378 = vector.broadcast %eq3A_2377 : i32 to vector<16xi32>
    %eq3A_2379 = arith.cmpi eq, %iota3A, %eq3A_2378 : vector<16xi32>
    %broadcast_in_dim3A_2380 = vector.broadcast %reduce_sum3A_1947 : f32 to vector<16xf32>
    %select_n3A_2381 = arith.select %eq3A_2379, %broadcast_in_dim3A_2380, %select_n3A_2376 : vector<16xi1>, vector<16xf32>
    %eq3A_2382 = arith.constant 11 : i32
    %eq3A_2383 = vector.broadcast %eq3A_2382 : i32 to vector<16xi32>
    %eq3A_2384 = arith.cmpi eq, %iota3A, %eq3A_2383 : vector<16xi32>
    %broadcast_in_dim3A_2385 = vector.broadcast %reduce_sum3A_2006 : f32 to vector<16xf32>
    %select_n3A_2386 = arith.select %eq3A_2384, %broadcast_in_dim3A_2385, %select_n3A_2381 : vector<16xi1>, vector<16xf32>
    %eq3A_2387 = arith.constant 12 : i32
    %eq3A_2388 = vector.broadcast %eq3A_2387 : i32 to vector<16xi32>
    %eq3A_2389 = arith.cmpi eq, %iota3A, %eq3A_2388 : vector<16xi32>
    %broadcast_in_dim3A_2390 = vector.broadcast %reduce_sum3A_2065 : f32 to vector<16xf32>
    %select_n3A_2391 = arith.select %eq3A_2389, %broadcast_in_dim3A_2390, %select_n3A_2386 : vector<16xi1>, vector<16xf32>
    %eq3A_2392 = arith.constant 13 : i32
    %eq3A_2393 = vector.broadcast %eq3A_2392 : i32 to vector<16xi32>
    %eq3A_2394 = arith.cmpi eq, %iota3A, %eq3A_2393 : vector<16xi32>
    %broadcast_in_dim3A_2395 = vector.broadcast %reduce_sum3A_2124 : f32 to vector<16xf32>
    %select_n3A_2396 = arith.select %eq3A_2394, %broadcast_in_dim3A_2395, %select_n3A_2391 : vector<16xi1>, vector<16xf32>
    %eq3A_2397 = arith.constant 14 : i32
    %eq3A_2398 = vector.broadcast %eq3A_2397 : i32 to vector<16xi32>
    %eq3A_2399 = arith.cmpi eq, %iota3A, %eq3A_2398 : vector<16xi32>
    %broadcast_in_dim3A_2400 = vector.broadcast %reduce_sum3A_2183 : f32 to vector<16xf32>
    %select_n3A_2401 = arith.select %eq3A_2399, %broadcast_in_dim3A_2400, %select_n3A_2396 : vector<16xi1>, vector<16xf32>
    %eq3A_2402 = arith.constant 15 : i32
    %eq3A_2403 = vector.broadcast %eq3A_2402 : i32 to vector<16xi32>
    %eq3A_2404 = arith.cmpi eq, %iota3A, %eq3A_2403 : vector<16xi32>
    %broadcast_in_dim3A_2405 = vector.broadcast %reduce_sum3A_2242 : f32 to vector<16xf32>
    %select_n3A_2406 = arith.select %eq3A_2404, %broadcast_in_dim3A_2405, %select_n3A_2401 : vector<16xi1>, vector<16xf32>
    %swap3A_2407 = arith.constant 16 : index
    %swap3A_2408 = tpu.vector_load %arg5[%swap3A_2407] {strides = array<i32>} : memref<32xf32, #tpu.memory_space<vmem>>, vector<16xf32>,
    tpu.vector_store %arg5[%swap3A_2407], %select_n3A_2406 {strides = array<i32>} : memref<32xf32, #tpu.memory_space<vmem>>, vector<16xf32>,
    "tpu.region"() ({
      %run_scoped3A = tpu.sem_alloc : memref<!tpu.dma_semaphore, #tpu.memory_space<semaphore_mem>>
      %dma_start3A_2409 = tpu.memref_slice %arg3[%mul3A_2] : memref<1024xf32, #tpu.memory_space<hbm>> -> memref<32xf32, #tpu.memory_space<hbm>>
      %dma_start3A_2410 = tpu.memref_slice %arg3[%mul3A_2] : memref<1024xf32, #tpu.memory_space<hbm>> -> memref<32xf32, #tpu.memory_space<hbm>>
      tpu.enqueue_dma source(%arg5 : memref<32xf32, #tpu.memory_space<vmem>>) target(%dma_start3A_2410 : memref<32xf32, #tpu.memory_space<hbm>>) target_semaphore(%run_scoped3A : memref<!tpu.dma_semaphore, #tpu.memory_space<semaphore_mem>>)
      %dma_wait3A_2411 = tpu.memref_slice %arg3[%mul3A_2] : memref<1024xf32, #tpu.memory_space<hbm>> -> memref<32xf32, #tpu.memory_space<hbm>>
      %dma_wait3A_2412 = tpu.memref_slice %arg3[%mul3A_2] : memref<1024xf32, #tpu.memory_space<hbm>> -> memref<32xf32, #tpu.memory_space<hbm>>
      tpu.wait_dma2 semaphore(%run_scoped3A : memref<!tpu.dma_semaphore, #tpu.memory_space<semaphore_mem>>) src(%arg5 : memref<32xf32, #tpu.memory_space<vmem>>) dst(%dma_wait3A_2412 : memref<32xf32, #tpu.memory_space<hbm>>)
      tpu.yield
    }) : () -> ()
    return
  }
}

module attributes {stable_mosaic.version = 14 : i64} {
  func.func @_finish_kernel(%arg0: memref<1024xf32, #tpu.memory_space<vmem>>, %arg1: memref<1024xf32, #tpu.memory_space<vmem>>, %arg2: memref<1024xf32, #tpu.memory_space<vmem>>) attributes {dimension_semantics = [], scalar_prefetch = 0 : i64, scratch_operands = 0 : i64, tpu.core_type = #tpu.core_type<tc>} {
    %get3A = arith.constant 0 : index
    %get3A_0 = vector.load %arg0[%get3A] : memref<1024xf32, #tpu.memory_space<vmem>>, vector<1024xf32>
    %mul3A = arith.constant 6.250000e-02 : f32
    %mul3A_1 = vector.broadcast %mul3A : f32 to vector<1024xf32>
    %mul3A_2 = arith.mulf %get3A_0, %mul3A_1 : vector<1024xf32>
    %abs3A = math.absf %mul3A_2 : vector<1024xf32>
    %reduce_sum3A = vector.shape_cast %abs3A : vector<1024xf32> to vector<1x1024xf32>
    %reduce_sum3A_3 = arith.constant dense<0.000000e+00> : vector<1xf32>
    %reduce_sum3A_4 = vector.multi_reduction <add>, %reduce_sum3A, %reduce_sum3A_3 [1] : vector<1x1024xf32> to vector<1xf32>
    %reduce_sum3A_5 = vector.shape_cast %reduce_sum3A_4 : vector<1xf32> to vector<1x1xf32>
    %reduce_sum3A_6 = vector.extract %reduce_sum3A_5[0, 0] : f32 from vector<1x1xf32>
    %div3A = arith.constant 1.024000e+03 : f32
    %div3A_7 = arith.divf %reduce_sum3A_6, %div3A : f32
    %mul3A_8 = arith.constant 0.00999999977 : f32
    %mul3A_9 = arith.mulf %mul3A_8, %div3A_7 : f32
    %add3A = arith.constant 9.900000e-01 : f32
    %add3A_10 = arith.addf %add3A, %mul3A_9 : f32
    %get3A_11 = arith.constant 0 : index
    %get3A_12 = vector.load %arg1[%get3A_11] : memref<1024xf32, #tpu.memory_space<vmem>>, vector<1024xf32>
    %mul3A_13 = arith.constant 1.000000e+00 : f32
    %mul3A_14 = vector.broadcast %mul3A_13 : f32 to vector<1024xf32>
    %mul3A_15 = arith.mulf %mul3A_14, %mul3A_2 : vector<1024xf32>
    %add3A_16 = arith.constant 9.99999993E-9 : f32
    %add3A_17 = arith.addf %add3A_10, %add3A_16 : f32
    %div3A_18 = vector.broadcast %add3A_17 : f32 to vector<1024xf32>
    %div3A_19 = arith.divf %mul3A_15, %div3A_18 : vector<1024xf32>
    %add3A_20 = arith.addf %get3A_12, %div3A_19 : vector<1024xf32>
    %swap3A = arith.constant 0 : index
    %swap3A_21 = vector.load %arg2[%swap3A] : memref<1024xf32, #tpu.memory_space<vmem>>, vector<1024xf32>
    tpu.vector_store %arg2[%swap3A], %add3A_20 {strides = array<i32>} : memref<1024xf32, #tpu.memory_space<vmem>>, vector<1024xf32>,
    return
  }
}

module attributes {stable_mosaic.version = 14 : i64} {
  func.func @_score_kernel(%arg0: memref<16x66x1024xf32, #tpu.memory_space<vmem>>, %arg1: memref<1024x64xf32, #tpu.memory_space<vmem>>, %arg2: memref<1024x1024xf32, #tpu.memory_space<vmem>>) attributes {dimension_semantics = [], scalar_prefetch = 0 : i64, scratch_operands = 0 : i64, tpu.core_type = #tpu.core_type<tc>} {
    %get3A = arith.constant 0 : index
    %get3A_0 = arith.constant 0 : index
    %get3A_1 = arith.constant 0 : index
    %get3A_2 = vector.load %arg0[%get3A, %get3A_0, %get3A_1] : memref<16x66x1024xf32, #tpu.memory_space<vmem>>, vector<16x66x1024xf32>
    %slice3A = vector.extract_strided_slice %get3A_2 {offsets = [0, 0, 0], sizes = [16, 64, 1024], strides = [1, 1, 1]} : vector<16x66x1024xf32> to vector<16x64x1024xf32>
    %slice3A_3 = vector.extract_strided_slice %get3A_2 {offsets = [0, 1, 0], sizes = [16, 64, 1024], strides = [1, 1, 1]} : vector<16x66x1024xf32> to vector<16x64x1024xf32>
    %add3A = arith.addf %slice3A, %slice3A_3 : vector<16x64x1024xf32>
    %slice3A_4 = vector.extract_strided_slice %get3A_2 {offsets = [0, 2, 0], sizes = [16, 64, 1024], strides = [1, 1, 1]} : vector<16x66x1024xf32> to vector<16x64x1024xf32>
    %add3A_5 = arith.addf %add3A, %slice3A_4 : vector<16x64x1024xf32>
    %mul3A = arith.constant 0.333333343 : f32
    %mul3A_6 = vector.broadcast %mul3A : f32 to vector<16x64x1024xf32>
    %mul3A_7 = arith.mulf %add3A_5, %mul3A_6 : vector<16x64x1024xf32>
    %reshape3A = vector.shape_cast %mul3A_7 : vector<16x64x1024xf32> to vector<1024x1024xf32>
    %get3A_8 = arith.constant 0 : index
    %get3A_9 = arith.constant 0 : index
    %get3A_10 = vector.load %arg1[%get3A_8, %get3A_9] : memref<1024x64xf32, #tpu.memory_space<vmem>>, vector<1024x64xf32>
    %dot_general3A = arith.constant dense<0.000000e+00> : vector<1024x64xf32>
    %dot_general3A_11 = tpu.matmul %reshape3A, %get3A_10, %dot_general3A {dimension_numbers = #tpu.dot_dimension_numbers<[1], [0], [0], [1], [0, 0, 1, 1], [], []>, transpose_lhs_hint = false} : vector<1024x1024xf32>, vector<1024x64xf32>, vector<1024x64xf32> -> vector<1024x64xf32>
    %mul3A_12 = arith.constant -2.000000e+00 : f32
    %mul3A_13 = vector.broadcast %mul3A_12 : f32 to vector<1024x64xf32>
    %mul3A_14 = arith.mulf %dot_general3A_11, %mul3A_13 : vector<1024x64xf32>
    %dot_general3A_15 = arith.constant dense<0.000000e+00> : vector<1024x1024xf32>
    %dot_general3A_16 = tpu.matmul %mul3A_14, %dot_general3A_11, %dot_general3A_15 {dimension_numbers = #tpu.dot_dimension_numbers<[1], [1], [0], [0], [0, 0, 1, 0], [], []>, transpose_lhs_hint = false} : vector<1024x64xf32>, vector<1024x64xf32>, vector<1024x1024xf32> -> vector<1024x1024xf32>
    %mul3A_17 = arith.mulf %dot_general3A_11, %dot_general3A_11 : vector<1024x64xf32>
    %reduce_sum3A = arith.constant dense<0.000000e+00> : vector<1024xf32>
    %reduce_sum3A_18 = vector.multi_reduction <add>, %mul3A_17, %reduce_sum3A [1] : vector<1024x64xf32> to vector<1024xf32>
    %broadcast_in_dim3A = vector.shape_cast %reduce_sum3A_18 : vector<1024xf32> to vector<1024x1xf32>
    %reshape3A_19 = vector.shape_cast %broadcast_in_dim3A : vector<1024x1xf32> to vector<1x1024xf32>
    %add3A_20 = vector.broadcast %reshape3A_19 : vector<1x1024xf32> to vector<1024x1024xf32>
    %add3A_21 = arith.addf %dot_general3A_16, %add3A_20 : vector<1024x1024xf32>
    %swap3A = arith.constant 0 : index
    %swap3A_22 = arith.constant 0 : index
    %swap3A_23 = vector.load %arg2[%swap3A, %swap3A_22] : memref<1024x1024xf32, #tpu.memory_space<vmem>>, vector<1024x1024xf32>
    tpu.vector_store %arg2[%swap3A, %swap3A_22], %add3A_21 {strides = array<i32>} : memref<1024x1024xf32, #tpu.memory_space<vmem>>, vector<1024x1024xf32>,
    return
  }
}

</mosaic_0001>

<sc_bundles>
// kernel: kernel.5.cloned.1.call-start
scs
__scs_entry_jumppad:
0x0: {  	(pc) =	sbr.rel $0x88, $3  }
0x1: {  	(tag) =	ssettag $0x0;
	lr =	simm.s32 $0x1  }
0x2: {  	[smem:$0x3F9E] =	sst lr;
	_ =	strace $0xD0000000  }
0x3: {  	_ = 	snop  }
0x4: {  	_ = 	snop  }
0x5: {  	_ = 	snop  }
0x6: {  	_ = 	snop  }
0x7: {  	_ = 	snop  }
__scs_overlays_trampoline_lowered:
0x8: {  	[smem:$0x3FAD] =	sst s0  }
0x9: {  	[smem:$0x3FAE] =	sst s1  }
0xa: {  	[smem:$0x3FAF] =	sst s2  }
0xb: {  	[smem:$0x3FB0] =	sst s3  }
0xc: {  	[smem:$0x3FB1] =	sst s4  }
0xd: {  	[smem:$0x3FB2] =	sst s5  }
0xe: {  	[smem:$0x3FB3] =	sst s6  }
0xf: {  	[smem:$0x3FB4] =	sst s7  }
0x10: {  	[smem:$0x3FB5] =	sst s8  }
0x11: {  	[smem:$0x3FB6] =	sst s9;
	s0 =	simm.s32 @!p0 $0x0  }
0x12: {  	s1 =	sld [smem:$0x3F9C];
	s0 =	simm.s32 @p0 $0x1  }
0x13: {  	[smem:$0x3FB7] =	sst s0;
	s0 =	simm.s32 @!p1 $0x0  }
0x14: {  	s2 =	sld [smem:$0x3F9B];
	s0 =	simm.s32 @p1 $0x1  }
0x15: {  	[smem:$0x3FB8] =	sst s0;
	s0 =	simm.s32 @!p2 $0x0  }
0x16: {  	s3 =	sld [smem:$0x3FDB];
	s0 =	simm.s32 @p2 $0x1  }
0x17: {  	s4 =	simm.s32 $0x1BF5;
	[smem:$0x3FBA] =	sst s0  }
0x18: {  	s0 =	sld [smem:$0x3F9D];
	_ =	swait.ge [sflag:s4], $0x0  }
0x19: {  	s7 =	sld [smem:$0x3F9E]  }
0x1a: {  	s8 =	sadd.s32 $0xFFFFE003, lr  }
0x1b: {  	s9 =	sadd.s32 $0xFFFFFEF7, lr;
	s5 =	simm.s32 $0xFFFFFFFF;
	p2 =	slt.u32 s8, $0xFFFFF086  }
0x1c: {  	p1 =	slt.u32 s9, $0xF7A;
	s5 =	simm.s32 @!p2 $0x0  }
0x1d: {  	s5 =	simm.s32 @p1 $0x1;
	p0 =	seq.s32 s7, s2  }
0x1e: {  	s7 =	smul.u32 @!p0 $0xF7A, s2;
	p2 =	seq.s32 @!p0 s5, $0x0  }
0x1f: {  	s9 =	smul.u32 $0xF7A, s1;
	s8 =	simm.s32 @!p0 $0x1BF5;
	p2 =	por !p2, p0  }
0x20: {  	[sflag:s8] =	ssyncset.s32 @!p0 $0xFFFFF086;
	s6 =	sadd.s32 @!p0 s3, s7;
	s7 =	simm.s32 @!p0 $0x108  }
0x21: {  	s3 =	sadd.s32 s3, s9;
	s6 =	sadd.s32 @!p0 $0x88, s6;
	s7 =	simm.s32 @p2 $0x1082  }
0x22: {  	[simem:s7], [sflag:s8] =	dma.local @!p0 [hbm:s6], $0xF7A  }
0x23: {  	s9 =	sor.u32 $0xD0000000, s2;
	s6 =	simm.s32 $0x108;
	_ =	swait.ge @!p0 [sflag:s8], $0x0  }
0x24: {  	s3 =	sadd.s32 $0x88, s3;
	s6 =	simm.s32 @!p1 $0x1082;
	[sflag:s4] =	ssyncset.s32 $0xFFFFF086  }
0x25: {  	[simem:s6], [sflag:s4] =	dma.local [hbm:s3], $0xF7A  }
0x26: {  	[smem:$0x3F9E] =	sst s1;
	(tag) =	ssettag s2;
	_ =	strace s9  }
0x27: {  	s1 =	sld [smem:$0x3FAE]  }
0x28: {  	s2 =	sld [smem:$0x3FAF]  }
0x29: {  	s4 =	sld [smem:$0x3FB1]  }
0x2a: {  	p0 =	seq.s32 s5, $0x0;
	s5 =	sld [smem:$0x3FB2]  }
0x2b: {  	s6 =	sld [smem:$0x3FB3]  }
0x2c: {  	s7 =	sld [smem:$0x3FB4]  }
0x2d: {  	s3 =	simm.s32 $0x108;
	s8 =	sld [smem:$0x3FB5]  }
0x2e: {  	s3 =	simm.s32 @!p0 $0x1082;
	s9 =	sld [smem:$0x3FB6]  }
0x2f: {  	lr =	sadd.s32 s0, s3;
	s0 =	sld [smem:$0x3FAD]  }
0x30: {  	s3 =	sld [smem:$0x3FB0]  }
0x31: {  	[smem:$0x3FB9] =	sst s10  }
0x32: {  	s10 =	sld [smem:$0x3FB7];
	_ =	sdelay $0x3  }
0x33: {  	p0 =	seq.s32 s10, $0x1;
	s10 =	sld [smem:$0x3FB9];
	_ =	sdelay $0x3  }
0x34: {  	[smem:$0x3FB9] =	sst s10  }
0x35: {  	s10 =	sld [smem:$0x3FB8];
	_ =	sdelay $0x3  }
0x36: {  	p1 =	seq.s32 s10, $0x1;
	s10 =	sld [smem:$0x3FB9];
	_ =	sdelay $0x3  }
0x37: {  	[smem:$0x3FB9] =	sst s10  }
0x38: {  	s10 =	sld [smem:$0x3FBA]  }
0x39: {  	_ = 	snop;
	(pc) =	sbr.ind lr, $3  }
0x3a: {  	_ = 	snop  }
0x3b: {  	_ = 	snop  }
0x3c: {  	p2 =	seq.s32 s10, $0x1;
	s10 =	sld [smem:$0x3FB9]  }
0x3d: {  	_ =	shalt  }
0x3e: {  	_ =	shalt  }
0x3f: {  	_ =	shalt  }
0x40: {  	_ =	shalt  }
0x41: {  	_ =	shalt  }
0x42: {  	_ =	shalt  }
0x43: {  	_ =	shalt  }
0x44: {  	_ =	shalt  }
0x45: {  	_ =	shalt  }
0x46: {  	_ =	shalt  }
0x47: {  	_ =	shalt  }
0x48: {  	_ =	shalt  }
0x49: {  	_ =	shalt  }
0x4a: {  	_ =	shalt  }
0x4b: {  	_ =	shalt  }
0x4c: {  	_ =	shalt  }
0x4d: {  	_ =	shalt  }
0x4e: {  	_ =	shalt  }
0x4f: {  	_ =	shalt  }
0x50: {  	_ =	shalt  }
0x51: {  	_ =	shalt  }
0x52: {  	_ =	shalt  }
0x53: {  	_ =	shalt  }
0x54: {  	_ =	shalt  }
0x55: {  	_ =	shalt  }
0x56: {  	_ =	shalt  }
0x57: {  	_ =	shalt  }
0x58: {  	_ =	shalt  }
0x59: {  	_ =	shalt  }
0x5a: {  	_ =	shalt  }
0x5b: {  	_ =	shalt  }
0x5c: {  	_ =	shalt  }
0x5d: {  	_ =	shalt  }
0x5e: {  	_ =	shalt  }
0x5f: {  	_ =	shalt  }
0x60: {  	_ =	shalt  }
0x61: {  	_ =	shalt  }
0x62: {  	_ =	shalt  }
0x63: {  	_ =	shalt  }
0x64: {  	_ =	shalt  }
0x65: {  	_ =	shalt  }
0x66: {  	_ =	shalt  }
0x67: {  	_ =	shalt  }
0x68: {  	_ =	shalt  }
0x69: {  	_ =	shalt  }
0x6a: {  	_ =	shalt  }
0x6b: {  	_ =	shalt  }
0x6c: {  	_ =	shalt  }
0x6d: {  	_ =	shalt  }
0x6e: {  	_ =	shalt  }
0x6f: {  	_ =	shalt  }
0x70: {  	_ =	shalt  }
0x71: {  	_ =	shalt  }
0x72: {  	_ =	shalt  }
0x73: {  	_ =	shalt  }
0x74: {  	_ =	shalt  }
0x75: {  	_ =	shalt  }
0x76: {  	_ =	shalt  }
0x77: {  	_ =	shalt  }
0x78: {  	_ =	shalt  }
0x79: {  	_ =	shalt  }
0x7a: {  	_ =	shalt  }
0x7b: {  	_ =	shalt  }
0x7c: {  	_ =	shalt  }
0x7d: {  	_ =	shalt  }
0x7e: {  	_ =	shalt  }
0x7f: {  	_ =	shalt  }
0x80: {  	_ =	shalt  }
0x81: {  	_ =	shalt  }
0x82: {  	_ =	shalt  }
0x83: {  	_ =	shalt  }
0x84: {  	_ =	shalt  }
0x85: {  	_ =	shalt  }
0x86: {  	_ =	shalt  }
0x87: {  	_ =	shalt  }
.Lfunc_end0:
.L_simem_size_0:
called_computation_lowered:
.L_overlay_start_0:
0x88: {  	s2 =	sld [smem:$0x3FD9]  }
0x89: {  	s3 =	sld [smem:$0x3FFE];
	_ =	sdelay $0x1  }
0x8a: {  	s1 =	srdreg.scid  }
0x8b: {  	s0 =	sand.u32 $0x1, s1  }
0x8c: {  	s17 =	sshll.u32 s0, $0xA;
	s2 =	sadd.s32 s3, s2  }
0x8d: {  	s2 =	sadd.s32 s2, s17  }
0x8e: {  	[smem:$0x3FC5] =	sst s2  }
0x8f: {  	_ = 	snop  }
0x90: {  	s2 =	sld [smem:$0x3FD0];
	(tm) =	ssettm $0x1  }
0x91: {  	s18 =	sld [smem:$0x3FFB];
	_ =	sdelay $0x3  }
0x92: {  	_ =	strace s18  }
0x93: {  	s3 =	sld [smem:$0x3FFC];
	_ =	sdelay $0x3  }
0x94: {  	_ =	strace s3  }
0x95: {  	s3 =	sld [smem:$0x3FFD];
	_ =	sdelay $0x3  }
0x96: {  	_ =	strace s3  }
0x97: {  	_ =	strace $0x8FFFFFFF  }
0x98: {  	s19 =	sld [smem:$0x3FDB];
	_ =	sdelay $0x1  }
0x99: {  	s4 =	simm.s32 $_scs_section_size  }
0x9a: {  	s5 =	simm.s32 $_size__tile_overlayer_lowered;
	s6 =	simm.s32 $_tile_overlayer_lowered  }
0x9b: {  	s22 =	simm.s32 $0x1BFF;
	s21 =	sshll.u32 s6, $0x1;
	s3 =	sadd.s32 s4, s19  }
0x9c: {  	s7 =	simm.s32 $0x0;
	s20 =	sshll.u32 s5, $0x1;
	s5 =	sadd.s32 s21, s3  }
0x9d: {  	[timem:s7], [sflag:s22] =	dma.local [hbm:s5], s20  }
0x9e: {  	_ =	swait.ge [sflag:s22], s20  }
0x9f: {  	s4 =	ssub.s32 $0x0, s20;
	[sflag:s22] =	ssyncset.done $0x0  }
0xa0: {  	[sflag:s22] =	ssyncadd.s32 s4;
	_ =	sdelay $0x1  }
0xa1: {  	s23 =	simm.s32 $0x1B8B  }
0xa2: {  	_ =	swait.ge [sflag:s23], $0x1  }
0xa3: {  	[sflag:s23] =	ssyncset.done $0x0  }
0xa4: {  	s25 =	simm.s32 $0x1B8E;
	s24 =	sld [smem:$0x3FFE];
	[sflag:s23] =	ssyncadd.s32 $0xFFFFFFFF  }
0xa5: {  	s26 =	simm.s32 $execute0_lowered;
	[smem:$0x3FD2] =	sst s25  }
0xa6: {  	s5 =	sshll.u32 s26, $0x1;
	_ =	strace $0x80000046;
	[dreg:$0x1] =	wrdreg $0xFFFFFFFF  }
0xa7: {  	s28 =	simm.s32 $_size_execute0_lowered;
	s3 =	sadd.s32 s3, s5;
	[dreg:$0x0] =	wrdreg $0x0  }
0xa8: {  	s5 =	sshll.u32 s28, $0x1;
	[dreg:$0x2] =	wrdreg s3  }
0xa9: {  	[dreg:$0x3] =	wrdreg s5  }
0xaa: {  	[dreg:$0x4] =	wrdreg $0xC0  }
0xab: {  	_ =	task [dreg:s7], $0x5FFFF  }
0xac: {  	[dreg:$0x1] =	wrdreg $0xFFFFFFFF  }
0xad: {  	[dreg:$0x0] =	wrdreg $0x60  }
0xae: {  	[dreg:$0x2] =	wrdreg s24  }
0xaf: {  	[dreg:$0x3] =	wrdreg s2  }
0xb0: {  	[dreg:$0x4] =	wrdreg $0x9  }
0xb1: {  	_ =	task.clear_ibuf [dreg:s7], $0x5FFFF;
	_ =	strace $0x90000046  }
0xb2: {  	s29 =	simm.s32 $0x9;
	_ =	strace $0x80000048  }
0xb3: {  	_ =	swait.ge [sflag:s29], $0x1  }
0xb4: {  	[sflag:s29] =	ssyncadd.s32 $0xFFFFFFFF  }
0xb5: {  	_ =	strace $0x90000048  }
0xb6: {  	_ =	sfence  }
0xb7: {  	s30 =	sld [smem:$0x0];
	_ =	sdelay $0x2  }
0xb8: {  	s31 =	sshll.u32 s1, $0xD;
	s1 =	sshrl.u32 s1, $0x2  }
0xb9: {  	s3 =	sand.u32 $0x4000, s31;
	s1 =	sadd.s32 s1, s30  }
0xba: {  	s0 =	sor.u32 s3, s0;
	s1 =	sshll.u32 s1, $0x11  }
0xbb: {  	s0 =	sor.u32 s1, s0  }
0xbc: {  	s0 =	sadd.s32 $0x8F2B, s0  }
0xbd: {  	[sflag:s0] =	ssyncadd.remote.s32 $0x1  }
0xbe: {  	_ =	sfence.sel $0xFFFF  }
0xbf: {  	[dreg:$0x0] =	wrdreg $0xFFFFFFFF;
	(pc) =	sbr.abs _section_cstart, $3  }
0xc0: {  	[dreg:$0x1] =	wrdreg $0xFFFFFFFF  }
0xc1: {  	_ =	task.clear_ibuf [dreg:s7], $0x2FFFF;
	_ =	strace $0x9FFFFFFF  }
0xc2: {  	(tm) =	ssettm $0x7FFFFFFF  }
0xc3: {  	_ =	shalt  }
tec
execute0_lowered:
.L_overlay_start_1:
0x0: {  	(tag) =	ssettag $0x1  }
0x1: {  	s0 =	rddreg [dreg:$0x0]  }
0x2: {  	s1 =	rddreg [dreg:$0x1];
	s3 =	srdreg.scid  }
0x3: {  	s2 =	simm.s32 $0x0;
	s5 =	stileid.u32;
	s3 =	sand.u32 $0x1, s3  }
0x4: {  	[smem:$0x7FF] =	sst s2;
	s5 =	sshll.u32 s5, $0x6;
	s4 =	ssub.s32 $0x2, s3  }
0x5: {  	s0 =	sadd.s32 $0xC00, s0;
	s3 =	sshll.u32 s3, $0x5;
	s6 =	sshrl.u32 s4, $0x1  }
0x6: {  	_ =	strace $0x80000047;
	s7 =	sor.u32 s3, s5;
	s4 =	ssub.s32 s4, s6  }
0x7: {  	s3 =	sshll.u32 s7, $0x7;
	s5 =	sor.u32 $0x10, s7;
	s8 =	sshll.u32 s7, $0x3  }
0x8: {  	s11 =	sand.u32 $0x60, s7;
	s26 =	sshrl.u32 s7, $0x3;
	s3 =	sadd.s32 s0, s3  }
0x9: {  	s10 =	sshll.u32 s5, $0x7;
	s12 =	sor.u32 s7, s8;
	s9 =	sor.u32 s5, s8  }
0xa: {  	s0 =	sadd.s32 s0, s10;
	s5 =	sand.u32 $0x1C60, s12;
	s14 =	sand.u32 $0x1C70, s9  }
0xb: {  	s28 =	sadd.s32 $0xC00, s3;
	s9 =	simm.s32 $0x2;
	s10 =	simm.s32 $0x3  }
0xc: {  	s12 =	simm.s32 $0x5;
	[dreg:$0x3] =	wrdreg s0;
	s15 =	sor.u32 $0x4000, s14  }
0xd: {  	s0 =	sor.u32 s11, s8;
	s16 =	sor.u32 $0x4080, s14;
	[dreg:$0x6] =	wrdreg s15  }
0xe: {  	s17 =	sor.u32 $0x4100, s14;
	s18 =	sor.u32 $0x4180, s14;
	[dreg:$0x7] =	wrdreg s16  }
0xf: {  	s19 =	sor.u32 $0x4200, s14;
	s20 =	sor.u32 $0x4280, s14;
	[dreg:$0x8] =	wrdreg s17  }
0x10: {  	s21 =	sor.u32 $0x4300, s14;
	s22 =	sor.u32 $0x4380, s14;
	[dreg:$0x9] =	wrdreg s18  }
0x11: {  	s23 =	sor.u32 $0x6000, s14;
	s24 =	sor.u32 $0x6080, s14;
	[dreg:$0xa] =	wrdreg s19  }
0x12: {  	s25 =	sor.u32 $0x6100, s14;
	s29 =	sor.u32 $0x2000, s5;
	[dreg:$0xb] =	wrdreg s20  }
0x13: {  	s30 =	sor.u32 $0x2080, s5;
	s31 =	sor.u32 $0x2100, s5;
	[dreg:$0xc] =	wrdreg s21  }
0x14: {  	s6 =	sor.u32 $0x2300, s5;
	s7 =	sor.u32 $0x2380, s5;
	[dreg:$0xd] =	wrdreg s22  }
0x15: {  	s8 =	simm.s32 $0x1;
	s11 =	simm.s32 $0x4;
	[dreg:$0xe] =	wrdreg s23  }
0x16: {  	s13 =	sor.u32 $0x300, s0;
	s0 =	sor.u32 $0x380, s0;
	[dreg:$0xf] =	wrdreg s24  }
0x17: {  	[dreg:$0x10] =	wrdreg s25;
	s19 =	sor.u32 $0x6180, s14;
	s20 =	sor.u32 $0x6200, s14  }
0x18: {  	s21 =	sor.u32 $0x6280, s14;
	s22 =	sadd.s32 s1, s26;
	s23 =	sor.u32 $0x6300, s14  }
0x19: {  	s24 =	sor.u32 $0x6380, s14;
	s25 =	smax.u32 s4, $0x1;
	s26 =	sadd.s32 $0x400, s3  }
0x1a: {  	s1 =	sor.u32 $0x2200, s5;
	s4 =	sor.u32 $0x2280, s5;
	[dreg:$0x4] =	wrdreg s13  }
0x1b: {  	vm6 =	vmmov $0x7f;
	vm8 =	vmmov $0x1ff;
	vm9 =	vmmov $0x3ff;
	[dreg:$0x5] =	wrdreg s0;
	s0 =	sor.u32 $0x2180, s5;
	s13 =	simm.s32 $0x0  }
.LBB2_1:
0x1c: {  	[tilespmem:s2], [sflag:$0x1] =	stream.linear.gather [hbm4b:s3+s2], $0x2000, $0x38;
	[tilespmem:$0x8080] =	vst v63  }
0x1d: {  	s14 =	simm.s32 $0x2000  }
0x1e: {  	[tilespmem:s14], [sflag:$0x2] =	stream.linear.gather [hbm4b:s26+s2], $0x2000, $0x38;
	[tilespmem:$0x8080] =	vst v63  }
0x1f: {  	s17 =	rddreg [dreg:$0x3];
	s15 =	simm.s32 $0x4000  }
0x20: {  	[tilespmem:s15], [sflag:$0x3] =	stream.linear.gather [hbm4b:s17+s2], $0x2000, $0x38;
	[tilespmem:$0x8080] =	vst v63  }
0x21: {  	s18 =	simm.s32 $0x6000  }
0x22: {  	[tilespmem:s18], [sflag:$0x4] =	stream.linear.gather [hbm4b:s28+s2], $0x2000, $0x38;
	[tilespmem:$0x8080] =	vst v63  }
0x23: {  	_ =	swait.ge [sflag:s8], $0x2000  }
0x24: {  	[sflag:s8] =	ssyncset.done $0x0  }
0x25: {  	[sflag:s8] =	ssyncadd.s32 $0xFFFFE000  }
0x26: {  	v0 =	vld [tilespmem:$0x0]  }
0x27: {  	v1 =	vld [tilespmem:$0x80]  }
0x28: {  	v2 =	vld [tilespmem:$0x100]  }
0x29: {  	v3 =	vld [tilespmem:$0x180]  }
0x2a: {  	v4 =	vld [tilespmem:$0x200]  }
0x2b: {  	s15 =	simm.s32 $0x10;
	s18 =	simm.s32 $0x80;
	(xrf1) =	vsort.ascd.msk.f32 $0xffff, v0, v0;
	v0 =	vld [tilespmem:$0x280]  }
0x2c: {  	s16 =	sand.u32 $0x70, s15;
	s17 =	sand.u32 $0x1C00, s18;
	(xrf1) =	vsort.ascd.msk.f32 $0xffff, v1, v1;
	v1 =	vld [tilespmem:$0x300]  }
0x2d: {  	s16 =	sor.u32 s16, s17;
	(xrf1) =	vsort.ascd.msk.f32 $0xffff, v2, v2;
	v2 =	vld [tilespmem:$0x380]  }
0x2e: {  	(xrf1) =	vsort.ascd.msk.f32 $0xffff, v3, v3;
	v3 =	vld [tilespmem:s16+$0x0]  }
0x2f: {  	(xrf1) =	vsort.ascd.msk.f32 $0xffff, v4, v4;
	v4 =	vld [tilespmem:s16+$0x80]  }
0x30: {  	(xrf1) =	vsort.ascd.msk.f32 $0xffff, v0, v0  }
0x31: {  	v0 =	vld [tilespmem:s16+$0x100];
	(xrf1) =	vsort.ascd.msk.f32 $0xffff, v1, v1  }
0x32: {  	v1 =	vld [tilespmem:s16+$0x180];
	(xrf1) =	vsort.ascd.msk.f32 $0xffff, v2, v2  }
0x33: {  	v2 =	vld [tilespmem:s16+$0x200];
	(xrf1) =	vsort.dscd.msk.f32 $0xffff, v3, v3  }
0x34: {  	s14 =	sor.u32 s18, s15;
	s15 =	simm.s32 $0x100;
	s17 =	simm.s32 $0x20;
	v5 =	vld [tilespmem:s16+$0x280];
	(xrf1) =	vsort.dscd.msk.f32 $0xffff, v4, v4  }
0x35: {  	s14 =	sor.u32 $0x380, s14;
	s18 =	sand.u32 $0x1C00, s15;
	v3 =	vld [tilespmem:s16+$0x300];
	s16 =	sand.u32 $0x70, s17  }
0x36: {  	v4 =	vld [tilespmem:s14+$0x0];
	s18 =	sor.u32 s16, s18;
	(xrf1) =	vsort.dscd.msk.f32 $0xffff, v0, v0  }
0x37: {  	v0 =	vld [tilespmem:s18+$0x0];
	(xrf1) =	vsort.dscd.msk.f32 $0xffff, v1, v1  }
0x38: {  	v1 =	vld [tilespmem:s18+$0x80];
	(xrf1) =	vsort.dscd.msk.f32 $0xffff, v2, v2  }
0x39: {  	v2 =	vld [tilespmem:s18+$0x100];
	(xrf1) =	vsort.dscd.msk.f32 $0xffff, v5, v5;
	v5, _, _ =	vpop (xrf1)  }
0x3a: {  	(xrf1) =	vsort.dscd.msk.f32 $0xffff, v3, v3;
	v3 =	vld [tilespmem:s18+$0x180];
	v6, _, _ =	vpop (xrf1)  }
0x3b: {  	(xrf1) =	vsort.dscd.msk.f32 $0xffff, v4, v4;
	v4 =	vld [tilespmem:s18+$0x200];
	v7, _, _ =	vpop (xrf1)  }
0x3c: {  	v8 =	vld [tilespmem:s18+$0x280];
	(xrf1) =	vsort.dscd.msk.f32 $0xffff, v0, v0;
	v0, _, _ =	vpop (xrf1)  }
0x3d: {  	s15 =	sor.u32 s15, s17;
	(xrf1) =	vsort.dscd.msk.f32 $0xffff, v1, v1;
	v1, _, _ =	vpop (xrf1)  }
0x3e: {  	s16 =	sor.u32 $0x380, s15;
	v9 =	vld [tilespmem:s18+$0x300];
	(xrf1) =	vsort.dscd.msk.f32 $0xffff, v2, v2;
	v2, _, _ =	vpop (xrf1)  }
0x3f: {  	v10 =	vld [tilespmem:s16+$0x0];
	(xrf1) =	vsort.dscd.msk.f32 $0xffff, v3, v3;
	v3, _, _ =	vpop (xrf1)  }
0x40: {  	(xrf1) =	vsort.dscd.msk.f32 $0xffff, v4, v4;
	v4, _, _ =	vpop (xrf1)  }
0x41: {  	(xrf1) =	vsort.dscd.msk.f32 $0xffff, v8, v8;
	v8, _, _ =	vpop (xrf1)  }
0x42: {  	v61, _, _ =	vpop (xrf1);
	v5 =	vmin.f32 v5, v8  }
0x43: {  	(xrf1) =	vsort.dscd.msk.f32 $0xffff, v9, v9;
	v6 =	vmin.f32 v6, v61  }
0x44: {  	(xrf1) =	vsort.dscd.msk.f32 $0xffff, v10, v10;
	v8, _, _ =	vpop (xrf1)  }
0x45: {  	s14 =	simm.s32 $0x180;
	s15 =	simm.s32 $0x30;
	(xrf1) =	vsort.ascd.msk.f32 $0xffff, v5, v5;
	v5, _, _ =	vpop (xrf1)  }
0x46: {  	s17 =	sand.u32 $0x70, s15;
	s18 =	sand.u32 $0x1C00, s14;
	v7 =	vmin.f32 v7, v8;
	(xrf1) =	vsort.ascd.msk.f32 $0xffff, v6, v6;
	v6, _, _ =	vpop (xrf1);
	v0 =	vmin.f32 v0, v5  }
0x47: {  	s16 =	sor.u32 s17, s18;
	(xrf1) =	vsort.ascd.msk.f32 $0xffff, v7, v7;
	v1 =	vmin.f32 v1, v6  }
0x48: {  	v7 =	vld [tilespmem:s16+$0x0];
	v5, _, _ =	vpop (xrf1);
	(xrf1) =	vsort.ascd.msk.f32 $0xffff, v0, v0  }
0x49: {  	v6 =	vld [tilespmem:s16+$0x80];
	v2 =	vmin.f32 v2, v5;
	(xrf1) =	vsort.ascd.msk.f32 $0xffff, v1, v1;
	v0, _, _ =	vpop (xrf1)  }
0x4a: {  	v8 =	vld [tilespmem:s16+$0x100];
	(xrf1) =	vsort.ascd.msk.f32 $0xffff, v2, v2;
	v1, _, _ =	vpop (xrf1);
	v0 =	vmin.f32 v3, v0  }
0x4b: {  	v2 =	vld [tilespmem:s16+$0x180];
	v62, _, _ =	vpop (xrf1);
	v1 =	vmin.f32 v4, v1;
	(xrf1) =	vsort.ascd.msk.f32 $0xffff, v0, v0  }
0x4c: {  	v0 =	vld [tilespmem:s16+$0x200];
	v63, _, _ =	vpop (xrf1);
	(xrf1) =	vsort.ascd.msk.f32 $0xffff, v1, v1  }
0x4d: {  	v11 =	vld [tilespmem:s16+$0x280];
	(xrf1) =	vsort.dscd.msk.f32 $0xffff, v7, v7;
	v3, _, _ =	vpop (xrf1)  }
0x4e: {  	v7 =	vld [tilespmem:s16+$0x300];
	(xrf1) =	vsort.dscd.msk.f32 $0xffff, v6, v6;
	v5, _, _ =	vpop (xrf1)  }
0x4f: {  	s14 =	sor.u32 s14, s15;
	(xrf1) =	vsort.dscd.msk.f32 $0xffff, v8, v8;
	v4, _, _ =	vpop (xrf1)  }
0x50: {  	s14 =	sor.u32 $0x380, s14;
	(xrf1) =	vsort.dscd.msk.f32 $0xffff, v2, v2;
	v2, _, _ =	vpop (xrf1)  }
0x51: {  	v6 =	vld [tilespmem:s14+$0x0];
	(xrf1) =	vsort.dscd.msk.f32 $0xffff, v0, v0;
	v1, _, _ =	vpop (xrf1)  }
0x52: {  	(xrf1) =	vsort.dscd.msk.f32 $0xffff, v11, v11;
	v0, _, _ =	vpop (xrf1)  }
0x53: {  	(xrf1) =	vsort.dscd.msk.f32 $0xffff, v7, v7;
	v7, _, _ =	vpop (xrf1)  }
0x54: {  	v7 =	vmin.f32 v7, v62;
	_ =	sdelay $0x1  }
0x55: {  	(xrf1) =	vsort.dscd.msk.f32 $0xffff, v6, v6;
	v6, _, _ =	vpop (xrf1)  }
0x56: {  	s15 =	simm.s32 $0x40;
	s14 =	simm.s32 $0x200;
	v6 =	vmin.f32 v6, v63;
	(xrf1) =	vsort.ascd.msk.f32 $0xffff, v7, v7;
	v7, _, _ =	vpop (xrf1)  }
.LBB2_2:
0x57: {  	s16 =	sand.u32 $0x70, s15;
	s17 =	sand.u32 $0x1C00, s14;
	p0 =	sne.s32 s15, $0x3F0;
	v7 =	vmin.f32 v7, v3;
	(xrf1) =	vsort.ascd.msk.f32 $0xffff, v6, v6;
	v6, _, _ =	vpop (xrf1)  }
0x58: {  	s16 =	sor.u32 s16, s17;
	v5 =	vmin.f32 v6, v5;
	(xrf1) =	vsort.ascd.msk.f32 $0xffff, v7, v7;
	v3, _, _ =	vpop (xrf1)  }
0x59: {  	v6 =	vld [tilespmem:s16+$0x0];
	v7 =	vmin.f32 v3, v4;
	(xrf1) =	vsort.ascd.msk.f32 $0xffff, v5, v5;
	v4, _, _ =	vpop (xrf1)  }
0x5a: {  	v5 =	vld [tilespmem:s16+$0x80];
	v9 =	vmin.f32 v4, v2;
	(xrf1) =	vsort.ascd.msk.f32 $0xffff, v7, v7;
	v3, _, _ =	vpop (xrf1)  }
0x5b: {  	v4 =	vld [tilespmem:s16+$0x100];
	v1 =	vmin.f32 v3, v1;
	(xrf1) =	vsort.ascd.msk.f32 $0xffff, v9, v9;
	v2, _, _ =	vpop (xrf1)  }
0x5c: {  	v7 =	vld [tilespmem:s16+$0x180];
	v8, _, _ =	vpop (xrf1);
	v0 =	vmin.f32 v2, v0;
	(xrf1) =	vsort.ascd.msk.f32 $0xffff, v1, v1  }
0x5d: {  	v1 =	vld [tilespmem:s16+$0x200];
	v9, _, _ =	vpop (xrf1);
	(xrf1) =	vsort.ascd.msk.f32 $0xffff, v0, v0  }
0x5e: {  	s17 =	sor.u32 s14, s15;
	v0 =	vld [tilespmem:s16+$0x280];
	(xrf1) =	vsort.dscd.msk.f32 $0xffff, v6, v6;
	v3, _, _ =	vpop (xrf1)  }
0x5f: {  	v6 =	vld [tilespmem:s16+$0x300];
	s16 =	sor.u32 $0x380, s17;
	(xrf1) =	vsort.dscd.msk.f32 $0xffff, v5, v5;
	v5, _, _ =	vpop (xrf1)  }
0x60: {  	v10 =	vld [tilespmem:s16+$0x0];
	(xrf1) =	vsort.dscd.msk.f32 $0xffff, v4, v4;
	v4, _, _ =	vpop (xrf1)  }
0x61: {  	(xrf1) =	vsort.dscd.msk.f32 $0xffff, v7, v7;
	v2, _, _ =	vpop (xrf1)  }
.Ltmp0:
0x62: {  	(xrf1) =	vsort.dscd.msk.f32 $0xffff, v1, v1;
	v1, _, _ =	vpop (xrf1);
	(pc) =	sbr.rel @p0 .LBB2_2-.Ltmp0, $4  }
0x63: {  	(xrf1) =	vsort.dscd.msk.f32 $0xffff, v0, v0;
	v0, _, _ =	vpop (xrf1)  }
0x64: {  	(xrf1) =	vsort.dscd.msk.f32 $0xffff, v6, v6;
	v6, _, _ =	vpop (xrf1)  }
0x65: {  	(xrf1) =	vsort.dscd.msk.f32 $0xffff, v10, v10;
	v8 =	vmin.f32 v6, v8;
	v6, _, _ =	vpop (xrf1)  }
0x66: {  	s14 =	sadd.s32 $0x80, s14;
	s15 =	sadd.s32 $0x10, s15;
	v6 =	vmin.f32 v6, v9;
	(xrf1) =	vsort.ascd.msk.f32 $0xffff, v8, v8;
	v7, _, _ =	vpop (xrf1)  }
0x67: {  	v3 =	vmin.f32 v7, v3;
	_ =	sdelay $0x1  }
0x68: {  	(xrf1) =	vsort.ascd.msk.f32 $0xffff, v6, v6;
	v6, _, _ =	vpop (xrf1)  }
0x69: {  	(xrf1) =	vsort.ascd.msk.f32 $0xffff, v3, v3;
	v3, _, _ =	vpop (xrf1)  }
0x6a: {  	v3 =	vmin.f32 v3, v4  }
0x6b: {  	v5 =	vmin.f32 v6, v5  }
0x6c: {  	(xrf1) =	vsort.ascd.msk.f32 $0xffff, v5, v5;
	v4, _, _ =	vpop (xrf1)  }
0x6d: {  	(xrf1) =	vsort.ascd.msk.f32 $0xffff, v3, v3;
	v3, _, _ =	vpop (xrf1)  }
0x6e: {  	v44, _, _ =	vpop (xrf1)  }
0x6f: {  	v2 =	vmin.f32 v4, v2;
	v1 =	vmin.f32 v3, v1;
	v3, _, _ =	vpop (xrf1)  }
0x70: {  	(xrf1) =	vsort.ascd.msk.f32 $0xffff, v2, v2;
	v45, _, _ =	vpop (xrf1)  }
0x71: {  	v0 =	vmin.f32 v44, v0;
	(xrf1) =	vsort.ascd.msk.f32 $0xffff, v1, v1;
	v46, _, _ =	vpop (xrf1)  }
0x72: {  	(xrf1) =	vsort.ascd.msk.f32 $0xffff, v0, v0;
	v47, _, _ =	vpop (xrf1)  }
0x73: {  	v4, _, _ =	vpop (xrf1)  }
0x74: {  	v5, _, _ =	vpop (xrf1)  }
0x75: {  	v6, _, _ =	vpop (xrf1)  }
0x76: {  	v7, _, _ =	vpop (xrf1)  }
0x77: {  	v8, _, _ =	vpop (xrf1)  }
0x78: {  	v3 =	vmin.f32 v8, v3;
	_ =	sdelay $0x1  }
0x79: {  	v8, _, _ =	vpop (xrf1)  }
0x7a: {  	v1 =	vmin.f32 v8, v45;
	(xrf1) =	vsort.ascd.msk.f32 $0xffff, v3, v3;
	v3, _, _ =	vpop (xrf1)  }
0x7b: {  	(xrf1) =	vsort.ascd.msk.f32 $0xffff, v1, v1;
	v0 =	vmin.f32 v3, v46;
	v48, _, _ =	vpop (xrf1)  }
0x7c: {  	v1 =	vmin.f32 v48, v47;
	(xrf1) =	vsort.ascd.msk.f32 $0xffff, v0, v0;
	v49, _, _ =	vpop (xrf1)  }
0x7d: {  	v0 =	vmin.f32 v49, v4;
	(xrf1) =	vsort.ascd.msk.f32 $0xffff, v1, v1;
	v50, _, _ =	vpop (xrf1)  }
0x7e: {  	v1 =	vmin.f32 v50, v5;
	(xrf1) =	vsort.ascd.msk.f32 $0xffff, v0, v0;
	v51, _, _ =	vpop (xrf1)  }
0x7f: {  	v0 =	vmin.f32 v51, v6;
	(xrf1) =	vsort.ascd.msk.f32 $0xffff, v1, v1;
	v52, _, _ =	vpop (xrf1)  }
0x80: {  	v1 =	vmin.f32 v52, v7;
	(xrf1) =	vsort.ascd.msk.f32 $0xffff, v0, v0  }
0x81: {  	(xrf1) =	vsort.ascd.msk.f32 $0xffff, v1, v1;
	_ =	sdelay $0x4  }
0x82: {  	s14 =	rddreg [dreg:$0x4]  }
0x83: {  	s16 =	rddreg [dreg:$0x5];
	v55 =	vld [tilespmem:s14+$0x0]  }
0x84: {  	v57 =	vld [tilespmem:s16+$0x0];
	v19, _, _ =	vpop (xrf1)  }
0x85: {  	v16, _, _ =	vpop (xrf1)  }
0x86: {  	v13, _, _ =	vpop (xrf1)  }
0x87: {  	v8, _, _ =	vpop (xrf1)  }
0x88: {  	v21 =	vld [tilespmem:s5+$0x0];
	[tilespmem:$0x1FFD0] =	vst v55;
	v6, _, _ =	vpop (xrf1)  }
0x89: {  	v18 =	vld [tilespmem:s5+$0x80];
	[tilespmem:$0x1FFF0] =	vst v57;
	v53, _, _ =	vpop (xrf1)  }
0x8a: {  	v14 =	vld [tilespmem:s5+$0x100];
	[tilespmem:$0x1FFB0] =	vst v53;
	v54, _, _ =	vpop (xrf1)  }
0x8b: {  	v10 =	vld [tilespmem:s5+$0x180];
	[tilespmem:$0x1FFC0] =	vst v54;
	v56, _, _ =	vpop (xrf1)  }
0x8c: {  	v5 =	vld [tilespmem:s5+$0x280];
	[tilespmem:$0x1FFE0] =	vst v56  }
0x8d: {  	v7 =	vld [tilespmem:s5+$0x200];
	_ =	swait.ge [sflag:s9], $0x2000  }
0x8e: {  	[sflag:s9] =	ssyncset.done $0x0  }
0x8f: {  	[sflag:s9] =	ssyncadd.s32 $0xFFFFE000  }
0x90: {  	v9 =	vld [tilespmem:$0x2000]  }
0x91: {  	v11 =	vld [tilespmem:$0x2080]  }
0x92: {  	v12 =	vld [tilespmem:$0x2100]  }
0x93: {  	v15 =	vld [tilespmem:$0x2180]  }
0x94: {  	v17 =	vld [tilespmem:$0x2200]  }
0x95: {  	s17 =	simm.s32 $0x10;
	s15 =	simm.s32 $0x80;
	(xrf1) =	vsort.ascd.msk.f32 $0xffff, v9, v9;
	v9 =	vld [tilespmem:$0x2280]  }
0x96: {  	s14 =	sand.u32 $0x70, s17;
	s15 =	sand.u32 $0x1C00, s15;
	(xrf1) =	vsort.ascd.msk.f32 $0xffff, v11, v11;
	v11 =	vld [tilespmem:$0x2300]  }
0x97: {  	s14 =	sor.u32 s14, s15;
	(xrf1) =	vsort.ascd.msk.f32 $0xffff, v12, v12;
	v12 =	vld [tilespmem:$0x2380]  }
0x98: {  	(xrf1) =	vsort.ascd.msk.f32 $0xffff, v15, v15;
	v15 =	vld [tilespmem:s14+$0x2000]  }
0x99: {  	(xrf1) =	vsort.ascd.msk.f32 $0xffff, v17, v17;
	v17 =	vld [tilespmem:s14+$0x2080]  }
0x9a: {  	(xrf1) =	vsort.ascd.msk.f32 $0xffff, v9, v9  }
0x9b: {  	v9 =	vld [tilespmem:s14+$0x2100];
	(xrf1) =	vsort.ascd.msk.f32 $0xffff, v11, v11  }
0x9c: {  	v11 =	vld [tilespmem:s14+$0x2180];
	(xrf1) =	vsort.ascd.msk.f32 $0xffff, v12, v12  }
0x9d: {  	v12 =	vld [tilespmem:s14+$0x2200];
	(xrf1) =	vsort.dscd.msk.f32 $0xffff, v15, v15  }
0x9e: {  	s18 =	simm.s32 $0x100;
	s16 =	simm.s32 $0x20;
	v20 =	vld [tilespmem:s14+$0x2280];
	(xrf1) =	vsort.dscd.msk.f32 $0xffff, v17, v17  }
0x9f: {  	s16 =	sand.u32 $0x70, s16;
	s15 =	sand.u32 $0x1C00, s18;
	v15 =	vld [tilespmem:s14+$0x2300]  }
0xa0: {  	s16 =	sor.u32 s16, s15;
	v17 =	vld [tilespmem:s14+$0x2380];
	(xrf1) =	vsort.dscd.msk.f32 $0xffff, v9, v9  }
0xa1: {  	v9 =	vld [tilespmem:s16+$0x2000];
	(xrf1) =	vsort.dscd.msk.f32 $0xffff, v11, v11  }
0xa2: {  	v11 =	vld [tilespmem:s16+$0x2080];
	(xrf1) =	vsort.dscd.msk.f32 $0xffff, v12, v12  }
0xa3: {  	v12 =	vld [tilespmem:s16+$0x2100];
	(xrf1) =	vsort.dscd.msk.f32 $0xffff, v20, v20;
	v20, _, _ =	vpop (xrf1)  }
0xa4: {  	(xrf1) =	vsort.dscd.msk.f32 $0xffff, v15, v15;
	v15 =	vld [tilespmem:s16+$0x2180];
	v22, _, _ =	vpop (xrf1)  }
0xa5: {  	(xrf1) =	vsort.dscd.msk.f32 $0xffff, v17, v17;
	v17 =	vld [tilespmem:s16+$0x2200];
	v23, _, _ =	vpop (xrf1)  }
0xa6: {  	(xrf1) =	vsort.dscd.msk.f32 $0xffff, v9, v9;
	v9, _, _ =	vpop (xrf1)  }
0xa7: {  	v24 =	vld [tilespmem:s16+$0x2280];
	(xrf1) =	vsort.dscd.msk.f32 $0xffff, v11, v11;
	v11, _, _ =	vpop (xrf1)  }
0xa8: {  	v25 =	vld [tilespmem:s16+$0x2300];
	(xrf1) =	vsort.dscd.msk.f32 $0xffff, v12, v12;
	v12, _, _ =	vpop (xrf1)  }
0xa9: {  	v26 =	vld [tilespmem:s16+$0x2380];
	(xrf1) =	vsort.dscd.msk.f32 $0xffff, v15, v15;
	v15, _, _ =	vpop (xrf1)  }
0xaa: {  	(xrf1) =	vsort.dscd.msk.f32 $0xffff, v17, v17;
	v17, _, _ =	vpop (xrf1)  }
0xab: {  	v58, _, _ =	vpop (xrf1)  }
0xac: {  	(xrf1) =	vsort.dscd.msk.f32 $0xffff, v24, v24;
	v59, _, _ =	vpop (xrf1);
	v20 =	vmin.f32 v20, v58  }
0xad: {  	(xrf1) =	vsort.dscd.msk.f32 $0xffff, v25, v25;
	v22 =	vmin.f32 v22, v59  }
0xae: {  	(xrf1) =	vsort.dscd.msk.f32 $0xffff, v26, v26;
	v60, _, _ =	vpop (xrf1)  }
0xaf: {  	s17 =	simm.s32 $0x180;
	s18 =	simm.s32 $0x30;
	(xrf1) =	vsort.ascd.msk.f32 $0xffff, v20, v20;
	v20, _, _ =	vpop (xrf1)  }
0xb0: {  	s15 =	sand.u32 $0x70, s18;
	s14 =	sand.u32 $0x1C00, s17;
	v23 =	vmin.f32 v23, v60;
	(xrf1) =	vsort.ascd.msk.f32 $0xffff, v22, v22;
	v22, _, _ =	vpop (xrf1);
	v9 =	vmin.f32 v9, v20  }
0xb1: {  	s14 =	sor.u32 s15, s14;
	(xrf1) =	vsort.ascd.msk.f32 $0xffff, v23, v23;
	v11 =	vmin.f32 v11, v22  }
0xb2: {  	v23 =	vld [tilespmem:s14+$0x2000];
	v20, _, _ =	vpop (xrf1);
	(xrf1) =	vsort.ascd.msk.f32 $0xffff, v9, v9  }
0xb3: {  	v22 =	vld [tilespmem:s14+$0x2080];
	v12 =	vmin.f32 v12, v20;
	(xrf1) =	vsort.ascd.msk.f32 $0xffff, v11, v11;
	v9, _, _ =	vpop (xrf1)  }
0xb4: {  	v61 =	vld [tilespmem:s14+$0x2100];
	(xrf1) =	vsort.ascd.msk.f32 $0xffff, v12, v12;
	v11, _, _ =	vpop (xrf1);
	v9 =	vmin.f32 v15, v9  }
0xb5: {  	v12 =	vld [tilespmem:s14+$0x2180];
	v62, _, _ =	vpop (xrf1);
	v11 =	vmin.f32 v17, v11;
	(xrf1) =	vsort.ascd.msk.f32 $0xffff, v9, v9  }
0xb6: {  	v9 =	vld [tilespmem:s14+$0x2200];
	v63, _, _ =	vpop (xrf1);
	(xrf1) =	vsort.ascd.msk.f32 $0xffff, v11, v11  }
0xb7: {  	v27 =	vld [tilespmem:s14+$0x2280];
	(xrf1) =	vsort.dscd.msk.f32 $0xffff, v23, v23;
	v20, _, _ =	vpop (xrf1)  }
0xb8: {  	v23 =	vld [tilespmem:s14+$0x2300];
	(xrf1) =	vsort.dscd.msk.f32 $0xffff, v22, v22;
	v17, _, _ =	vpop (xrf1)  }
0xb9: {  	(xrf1) =	vsort.dscd.msk.f32 $0xffff, v61, v61;
	v15, _, _ =	vpop (xrf1)  }
0xba: {  	(xrf1) =	vsort.dscd.msk.f32 $0xffff, v12, v12;
	v12, _, _ =	vpop (xrf1)  }
0xbb: {  	v22 =	vld [tilespmem:s14+$0x2380];
	(xrf1) =	vsort.dscd.msk.f32 $0xffff, v9, v9;
	v11, _, _ =	vpop (xrf1)  }
0xbc: {  	(xrf1) =	vsort.dscd.msk.f32 $0xffff, v27, v27;
	v9, _, _ =	vpop (xrf1)  }
0xbd: {  	(xrf1) =	vsort.dscd.msk.f32 $0xffff, v23, v23;
	v23, _, _ =	vpop (xrf1)  }
0xbe: {  	v23 =	vmin.f32 v23, v62;
	_ =	sdelay $0x1  }
0xbf: {  	(xrf1) =	vsort.dscd.msk.f32 $0xffff, v22, v22;
	v22, _, _ =	vpop (xrf1)  }
0xc0: {  	s15 =	simm.s32 $0x40;
	s14 =	simm.s32 $0x200;
	v22 =	vmin.f32 v22, v63;
	(xrf1) =	vsort.ascd.msk.f32 $0xffff, v23, v23;
	v23, _, _ =	vpop (xrf1)  }
.LBB2_4:
0xc1: {  	s16 =	sand.u32 $0x70, s15;
	s17 =	sand.u32 $0x1C00, s14;
	p0 =	sne.s32 s15, $0x3F0;
	v0 =	vmin.f32 v23, v20;
	(xrf1) =	vsort.ascd.msk.f32 $0xffff, v22, v22;
	v22, _, _ =	vpop (xrf1)  }
0xc2: {  	s16 =	sor.u32 s16, s17;
	v1 =	vmin.f32 v22, v17;
	(xrf1) =	vsort.ascd.msk.f32 $0xffff, v0, v0;
	v20, _, _ =	vpop (xrf1)  }
0xc3: {  	v22 =	vld [tilespmem:s16+$0x2000];
	v0 =	vmin.f32 v20, v15;
	(xrf1) =	vsort.ascd.msk.f32 $0xffff, v1, v1;
	v17, _, _ =	vpop (xrf1)  }
0xc4: {  	v23 =	vld [tilespmem:s16+$0x2080];
	v1 =	vmin.f32 v17, v12;
	(xrf1) =	vsort.ascd.msk.f32 $0xffff, v0, v0;
	v15, _, _ =	vpop (xrf1)  }
0xc5: {  	v24 =	vld [tilespmem:s16+$0x2100];
	v11 =	vmin.f32 v15, v11;
	(xrf1) =	vsort.ascd.msk.f32 $0xffff, v1, v1;
	v12, _, _ =	vpop (xrf1)  }
0xc6: {  	v25 =	vld [tilespmem:s16+$0x2180];
	v26, _, _ =	vpop (xrf1);
	v9 =	vmin.f32 v12, v9;
	(xrf1) =	vsort.ascd.msk.f32 $0xffff, v11, v11  }
0xc7: {  	v11 =	vld [tilespmem:s16+$0x2200];
	v27, _, _ =	vpop (xrf1);
	(xrf1) =	vsort.ascd.msk.f32 $0xffff, v9, v9  }
0xc8: {  	v9 =	vld [tilespmem:s16+$0x2280];
	(xrf1) =	vsort.dscd.msk.f32 $0xffff, v22, v22;
	v20, _, _ =	vpop (xrf1)  }
0xc9: {  	v22 =	vld [tilespmem:s16+$0x2300];
	(xrf1) =	vsort.dscd.msk.f32 $0xffff, v23, v23;
	v17, _, _ =	vpop (xrf1)  }
0xca: {  	v23 =	vld [tilespmem:s16+$0x2380];
	(xrf1) =	vsort.dscd.msk.f32 $0xffff, v24, v24;
	v15, _, _ =	vpop (xrf1)  }
0xcb: {  	(xrf1) =	vsort.dscd.msk.f32 $0xffff, v25, v25;
	v12, _, _ =	vpop (xrf1)  }
.Ltmp1:
0xcc: {  	(xrf1) =	vsort.dscd.msk.f32 $0xffff, v11, v11;
	v11, _, _ =	vpop (xrf1);
	(pc) =	sbr.rel @p0 .LBB2_4-.Ltmp1, $4  }
0xcd: {  	(xrf1) =	vsort.dscd.msk.f32 $0xffff, v9, v9;
	v9, _, _ =	vpop (xrf1)  }
0xce: {  	(xrf1) =	vsort.dscd.msk.f32 $0xffff, v22, v22;
	v22, _, _ =	vpop (xrf1)  }
0xcf: {  	(xrf1) =	vsort.dscd.msk.f32 $0xffff, v23, v23;
	v0 =	vmin.f32 v22, v26;
	v22, _, _ =	vpop (xrf1)  }
0xd0: {  	s14 =	sadd.s32 $0x80, s14;
	s15 =	sadd.s32 $0x10, s15;
	v22 =	vmin.f32 v22, v27;
	(xrf1) =	vsort.ascd.msk.f32 $0xffff, v0, v0;
	v23, _, _ =	vpop (xrf1)  }
0xd1: {  	v20 =	vmin.f32 v23, v20;
	(xrf1) =	vsort.ascd.msk.f32 $0xffff, v22, v22;
	v22, _, _ =	vpop (xrf1)  }
0xd2: {  	v17 =	vmin.f32 v22, v17;
	_ =	sdelay $0x1  }
0xd3: {  	(xrf1) =	vsort.ascd.msk.f32 $0xffff, v20, v20;
	v20, _, _ =	vpop (xrf1)  }
0xd4: {  	(xrf1) =	vsort.ascd.msk.f32 $0xffff, v17, v17;
	v15 =	vmin.f32 v20, v15;
	v17, _, _ =	vpop (xrf1)  }
0xd5: {  	v12 =	vmin.f32 v17, v12;
	_ =	sdelay $0x1  }
0xd6: {  	(xrf1) =	vsort.ascd.msk.f32 $0xffff, v15, v15;
	v15, _, _ =	vpop (xrf1)  }
0xd7: {  	(xrf1) =	vsort.ascd.msk.f32 $0xffff, v12, v12;
	v11 =	vmin.f32 v15, v11;
	v12, _, _ =	vpop (xrf1)  }
0xd8: {  	v9 =	vmin.f32 v12, v9  }
0xd9: {  	v15, _, _ =	vpop (xrf1)  }
0xda: {  	(xrf1) =	vsort.ascd.msk.f32 $0xffff, v11, v11;
	v11, _, _ =	vpop (xrf1)  }
0xdb: {  	(xrf1) =	vsort.ascd.msk.f32 $0xffff, v9, v9;
	v9, _, _ =	vpop (xrf1)  }
0xdc: {  	v12, _, _ =	vpop (xrf1)  }
0xdd: {  	v17, _, _ =	vpop (xrf1)  }
0xde: {  	v20, _, _ =	vpop (xrf1)  }
0xdf: {  	v22, _, _ =	vpop (xrf1)  }
0xe0: {  	v23, _, _ =	vpop (xrf1)  }
0xe1: {  	v24, _, _ =	vpop (xrf1)  }
0xe2: {  	v15 =	vmin.f32 v24, v15;
	v24, _, _ =	vpop (xrf1)  }
0xe3: {  	v11 =	vmin.f32 v24, v11;
	_ =	sdelay $0x1  }
0xe4: {  	(xrf1) =	vsort.ascd.msk.f32 $0xffff, v15, v15;
	v15, _, _ =	vpop (xrf1)  }
0xe5: {  	(xrf1) =	vsort.ascd.msk.f32 $0xffff, v11, v11;
	v9 =	vmin.f32 v15, v9;
	v11, _, _ =	vpop (xrf1)  }
0xe6: {  	v11 =	vmin.f32 v11, v12;
	_ =	sdelay $0x1  }
0xe7: {  	(xrf1) =	vsort.ascd.msk.f32 $0xffff, v9, v9;
	v9, _, _ =	vpop (xrf1)  }
0xe8: {  	(xrf1) =	vsort.ascd.msk.f32 $0xffff, v11, v11;
	v9 =	vmin.f32 v9, v17;
	v11, _, _ =	vpop (xrf1)  }
0xe9: {  	v11 =	vmin.f32 v11, v20;
	_ =	sdelay $0x1  }
0xea: {  	(xrf1) =	vsort.ascd.msk.f32 $0xffff, v9, v9;
	v9, _, _ =	vpop (xrf1)  }
0xeb: {  	(xrf1) =	vsort.ascd.msk.f32 $0xffff, v11, v11;
	v9 =	vmin.f32 v9, v22;
	v11, _, _ =	vpop (xrf1)  }
0xec: {  	v11 =	vmin.f32 v11, v23;
	(xrf1) =	vsort.ascd.msk.f32 $0xffff, v9, v9  }
0xed: {  	(xrf1) =	vsort.ascd.msk.f32 $0xffff, v11, v11;
	_ =	sdelay $0x4  }
0xee: {  	v57 =	vld [tilespmem:s4+$0x0]  }
0xef: {  	v59 =	vld [tilespmem:s6+$0x0]  }
0xf0: {  	v61 =	vld [tilespmem:s7+$0x0];
	v36, _, _ =	vpop (xrf1)  }
0xf1: {  	v30, _, _ =	vpop (xrf1)  }
0xf2: {  	v28, _, _ =	vpop (xrf1)  }
0xf3: {  	[tilespmem:$0x1FF60] =	vst v57;
	v26, _, _ =	vpop (xrf1)  }
0xf4: {  	[tilespmem:$0x1FF80] =	vst v59;
	v22, _, _ =	vpop (xrf1)  }
0xf5: {  	v38 =	vld [tilespmem:s29+$0x0];
	[tilespmem:$0x1FFA0] =	vst v61;
	v0, _, _ =	vpop (xrf1)  }
0xf6: {  	v33 =	vld [tilespmem:s30+$0x0];
	[tilespmem:$0x1FF50] =	vst v0;
	v58, _, _ =	vpop (xrf1)  }
0xf7: {  	v31 =	vld [tilespmem:s31+$0x0];
	[tilespmem:$0x1FF70] =	vst v58;
	v60, _, _ =	vpop (xrf1)  }
0xf8: {  	v27 =	vld [tilespmem:s0+$0x0];
	[tilespmem:$0x1FF90] =	vst v60  }
0xf9: {  	v23 =	vld [tilespmem:s1+$0x0];
	_ =	swait.ge [sflag:s10], $0x2000  }
0xfa: {  	[sflag:s10] =	ssyncset.done $0x0  }
0xfb: {  	[sflag:s10] =	ssyncadd.s32 $0xFFFFE000  }
0xfc: {  	v24 =	vld [tilespmem:$0x4000]  }
0xfd: {  	v25 =	vld [tilespmem:$0x4080]  }
0xfe: {  	v29 =	vld [tilespmem:$0x4100]  }
0xff: {  	v32 =	vld [tilespmem:$0x4180]  }
0x100: {  	v34 =	vld [tilespmem:$0x4200]  }
0x101: {  	s14 =	simm.s32 $0x10;
	s15 =	simm.s32 $0x80;
	(xrf1) =	vsort.ascd.msk.f32 $0xffff, v24, v24;
	v24 =	vld [tilespmem:$0x4280]  }
0x102: {  	s14 =	sand.u32 $0x70, s14;
	s15 =	sand.u32 $0x1C00, s15;
	(xrf1) =	vsort.ascd.msk.f32 $0xffff, v25, v25;
	v25 =	vld [tilespmem:$0x4300]  }
0x103: {  	s14 =	sor.u32 s14, s15;
	(xrf1) =	vsort.ascd.msk.f32 $0xffff, v29, v29;
	v29 =	vld [tilespmem:$0x4380]  }
0x104: {  	v62 =	vld [tilespmem:s14+$0x4000];
	(xrf1) =	vsort.ascd.msk.f32 $0xffff, v32, v32  }
0x105: {  	v63 =	vld [tilespmem:s14+$0x4080];
	(xrf1) =	vsort.ascd.msk.f32 $0xffff, v34, v34  }
0x106: {  	(xrf1) =	vsort.ascd.msk.f32 $0xffff, v24, v24;
	v24 =	vld [tilespmem:s14+$0x4100]  }
0x107: {  	(xrf1) =	vsort.ascd.msk.f32 $0xffff, v25, v25;
	v25 =	vld [tilespmem:s14+$0x4180]  }
0x108: {  	(xrf1) =	vsort.ascd.msk.f32 $0xffff, v29, v29;
	v29 =	vld [tilespmem:s14+$0x4200]  }
0x109: {  	(xrf1) =	vsort.dscd.msk.f32 $0xffff, v62, v62  }
0x10a: {  	s18 =	simm.s32 $0x100;
	s16 =	simm.s32 $0x20;
	v35 =	vld [tilespmem:s14+$0x4280];
	(xrf1) =	vsort.dscd.msk.f32 $0xffff, v63, v63  }
0x10b: {  	s16 =	sand.u32 $0x70, s16;
	s15 =	sand.u32 $0x1C00, s18;
	v0 =	vld [tilespmem:s14+$0x4300];
	(xrf1) =	vsort.dscd.msk.f32 $0xffff, v24, v24  }
0x10c: {  	s16 =	sor.u32 s16, s15;
	v1 =	vld [tilespmem:s14+$0x4380];
	(xrf1) =	vsort.dscd.msk.f32 $0xffff, v25, v25  }
0x10d: {  	v24 =	vld [tilespmem:s16+$0x4000];
	(xrf1) =	vsort.dscd.msk.f32 $0xffff, v29, v29  }
0x10e: {  	v25 =	vld [tilespmem:s16+$0x4080]  }
0x10f: {  	v29 =	vld [tilespmem:s16+$0x4100];
	(xrf1) =	vsort.dscd.msk.f32 $0xffff, v35, v35;
	v2, _, _ =	vpop (xrf1)  }
0x110: {  	v45 =	vld [tilespmem:s16+$0x4180];
	(xrf1) =	vsort.dscd.msk.f32 $0xffff, v0, v0;
	v37, _, _ =	vpop (xrf1)  }
0x111: {  	v46 =	vld [tilespmem:s16+$0x4200];
	(xrf1) =	vsort.dscd.msk.f32 $0xffff, v1, v1;
	v39, _, _ =	vpop (xrf1)  }
0x112: {  	v40 =	vld [tilespmem:s16+$0x4280];
	(xrf1) =	vsort.dscd.msk.f32 $0xffff, v24, v24;
	v24, _, _ =	vpop (xrf1)  }
0x113: {  	v41 =	vld [tilespmem:s16+$0x4300];
	(xrf1) =	vsort.dscd.msk.f32 $0xffff, v25, v25;
	v25, _, _ =	vpop (xrf1)  }
0x114: {  	v42 =	vld [tilespmem:s16+$0x4380];
	(xrf1) =	vsort.dscd.msk.f32 $0xffff, v29, v29;
	v29, _, _ =	vpop (xrf1)  }
0x115: {  	(xrf1) =	vsort.dscd.msk.f32 $0xffff, v45, v45;
	v47, _, _ =	vpop (xrf1)  }
0x116: {  	(xrf1) =	vsort.dscd.msk.f32 $0xffff, v46, v46;
	v48, _, _ =	vpop (xrf1)  }
0x117: {  	(xrf1) =	vsort.dscd.msk.f32 $0xffff, v40, v40;
	v49, _, _ =	vpop (xrf1)  }
0x118: {  	(xrf1) =	vsort.dscd.msk.f32 $0xffff, v41, v41;
	v50, _, _ =	vpop (xrf1)  }
0x119: {  	(xrf1) =	vsort.dscd.msk.f32 $0xffff, v42, v42;
	v35 =	vmin.f32 v2, v49;
	v51, _, _ =	vpop (xrf1)  }
0x11a: {  	s17 =	simm.s32 $0x180;
	s18 =	simm.s32 $0x30;
	v37 =	vmin.f32 v37, v50;
	(xrf1) =	vsort.ascd.msk.f32 $0xffff, v35, v35;
	v52, _, _ =	vpop (xrf1)  }
0x11b: {  	s15 =	sand.u32 $0x70, s18;
	s14 =	sand.u32 $0x1C00, s17;
	v39 =	vmin.f32 v39, v51;
	(xrf1) =	vsort.ascd.msk.f32 $0xffff, v37, v37;
	v53, _, _ =	vpop (xrf1);
	v24 =	vmin.f32 v24, v52  }
0x11c: {  	s14 =	sor.u32 s15, s14;
	(xrf1) =	vsort.ascd.msk.f32 $0xffff, v39, v39;
	v25 =	vmin.f32 v25, v53  }
0x11d: {  	v55 =	vld [tilespmem:s14+$0x4000];
	v54, _, _ =	vpop (xrf1);
	(xrf1) =	vsort.ascd.msk.f32 $0xffff, v24, v24  }
0x11e: {  	v56 =	vld [tilespmem:s14+$0x4080];
	v29 =	vmin.f32 v29, v54;
	(xrf1) =	vsort.ascd.msk.f32 $0xffff, v25, v25;
	v24, _, _ =	vpop (xrf1)  }
0x11f: {  	v57 =	vld [tilespmem:s14+$0x4100];
	(xrf1) =	vsort.ascd.msk.f32 $0xffff, v29, v29;
	v25, _, _ =	vpop (xrf1);
	v24 =	vmin.f32 v47, v24  }
0x120: {  	v29 =	vld [tilespmem:s14+$0x4180];
	v58, _, _ =	vpop (xrf1);
	v25 =	vmin.f32 v48, v25;
	(xrf1) =	vsort.ascd.msk.f32 $0xffff, v24, v24  }
0x121: {  	v59, _, _ =	vpop (xrf1);
	(xrf1) =	vsort.ascd.msk.f32 $0xffff, v25, v25  }
0x122: {  	v24 =	vld [tilespmem:s14+$0x4200];
	(xrf1) =	vsort.dscd.msk.f32 $0xffff, v55, v55;
	v35, _, _ =	vpop (xrf1)  }
0x123: {  	(xrf1) =	vsort.dscd.msk.f32 $0xffff, v56, v56;
	v34, _, _ =	vpop (xrf1)  }
0x124: {  	v43 =	vld [tilespmem:s14+$0x4280];
	(xrf1) =	vsort.dscd.msk.f32 $0xffff, v57, v57;
	v32, _, _ =	vpop (xrf1)  }
0x125: {  	v60 =	vld [tilespmem:s14+$0x4300];
	(xrf1) =	vsort.dscd.msk.f32 $0xffff, v29, v29;
	v29, _, _ =	vpop (xrf1)  }
0x126: {  	v61 =	vld [tilespmem:s14+$0x4380];
	v25, _, _ =	vpop (xrf1)  }
0x127: {  	(xrf1) =	vsort.dscd.msk.f32 $0xffff, v24, v24;
	v24, _, _ =	vpop (xrf1)  }
0x128: {  	v62, _, _ =	vpop (xrf1)  }
0x129: {  	(xrf1) =	vsort.dscd.msk.f32 $0xffff, v43, v43;
	v39 =	vmin.f32 v62, v58  }
0x12a: {  	(xrf1) =	vsort.dscd.msk.f32 $0xffff, v60, v60  }
0x12b: {  	(xrf1) =	vsort.dscd.msk.f32 $0xffff, v61, v61;
	v63, _, _ =	vpop (xrf1)  }
0x12c: {  	s15 =	simm.s32 $0x40;
	s14 =	simm.s32 $0x200;
	v37 =	vmin.f32 v63, v59;
	(xrf1) =	vsort.ascd.msk.f32 $0xffff, v39, v39;
	v39, _, _ =	vpop (xrf1)  }
.LBB2_6:
0x12d: {  	s16 =	sand.u32 $0x70, s15;
	s17 =	sand.u32 $0x1C00, s14;
	p0 =	sne.s32 s15, $0x3F0;
	v0 =	vmin.f32 v39, v35;
	(xrf1) =	vsort.ascd.msk.f32 $0xffff, v37, v37;
	v37, _, _ =	vpop (xrf1)  }
0x12e: {  	s16 =	sor.u32 s16, s17;
	v1 =	vmin.f32 v37, v34;
	(xrf1) =	vsort.ascd.msk.f32 $0xffff, v0, v0;
	v35, _, _ =	vpop (xrf1)  }
0x12f: {  	v37 =	vld [tilespmem:s16+$0x4000];
	v0 =	vmin.f32 v35, v32;
	(xrf1) =	vsort.ascd.msk.f32 $0xffff, v1, v1;
	v34, _, _ =	vpop (xrf1)  }
0x130: {  	v39 =	vld [tilespmem:s16+$0x4080];
	v1 =	vmin.f32 v34, v29;
	(xrf1) =	vsort.ascd.msk.f32 $0xffff, v0, v0;
	v32, _, _ =	vpop (xrf1)  }
0x131: {  	v40 =	vld [tilespmem:s16+$0x4100];
	v25 =	vmin.f32 v32, v25;
	(xrf1) =	vsort.ascd.msk.f32 $0xffff, v1, v1;
	v29, _, _ =	vpop (xrf1)  }
0x132: {  	v41 =	vld [tilespmem:s16+$0x4180];
	v42, _, _ =	vpop (xrf1);
	v24 =	vmin.f32 v29, v24;
	(xrf1) =	vsort.ascd.msk.f32 $0xffff, v25, v25  }
0x133: {  	v25 =	vld [tilespmem:s16+$0x4200];
	v43, _, _ =	vpop (xrf1);
	(xrf1) =	vsort.ascd.msk.f32 $0xffff, v24, v24  }
0x134: {  	v24 =	vld [tilespmem:s16+$0x4280];
	(xrf1) =	vsort.dscd.msk.f32 $0xffff, v37, v37;
	v35, _, _ =	vpop (xrf1)  }
0x135: {  	v37 =	vld [tilespmem:s16+$0x4300];
	(xrf1) =	vsort.dscd.msk.f32 $0xffff, v39, v39;
	v34, _, _ =	vpop (xrf1)  }
0x136: {  	v39 =	vld [tilespmem:s16+$0x4380];
	(xrf1) =	vsort.dscd.msk.f32 $0xffff, v40, v40;
	v32, _, _ =	vpop (xrf1)  }
0x137: {  	(xrf1) =	vsort.dscd.msk.f32 $0xffff, v41, v41;
	v29, _, _ =	vpop (xrf1)  }
.Ltmp2:
0x138: {  	(xrf1) =	vsort.dscd.msk.f32 $0xffff, v25, v25;
	v25, _, _ =	vpop (xrf1);
	(pc) =	sbr.rel @p0 .LBB2_6-.Ltmp2, $4  }
0x139: {  	(xrf1) =	vsort.dscd.msk.f32 $0xffff, v24, v24;
	v24, _, _ =	vpop (xrf1)  }
0x13a: {  	(xrf1) =	vsort.dscd.msk.f32 $0xffff, v37, v37;
	v37, _, _ =	vpop (xrf1)  }
0x13b: {  	(xrf1) =	vsort.dscd.msk.f32 $0xffff, v39, v39;
	v0 =	vmin.f32 v37, v42;
	v37, _, _ =	vpop (xrf1)  }
0x13c: {  	s14 =	sadd.s32 $0x80, s14;
	s15 =	sadd.s32 $0x10, s15;
	v37 =	vmin.f32 v37, v43;
	(xrf1) =	vsort.ascd.msk.f32 $0xffff, v0, v0;
	v39, _, _ =	vpop (xrf1)  }
0x13d: {  	v53, _, _ =	vpop (xrf1)  }
0x13e: {  	v54, _, _ =	vpop (xrf1)  }
0x13f: {  	v35 =	vmin.f32 v39, v35;
	(xrf1) =	vsort.ascd.msk.f32 $0xffff, v37, v37;
	v55, _, _ =	vpop (xrf1)  }
0x140: {  	v34 =	vmin.f32 v53, v34;
	(xrf1) =	vsort.ascd.msk.f32 $0xffff, v35, v35;
	v29 =	vmin.f32 v55, v29  }
0x141: {  	v32 =	vmin.f32 v54, v32;
	(xrf1) =	vsort.ascd.msk.f32 $0xffff, v34, v34  }
0x142: {  	(xrf1) =	vsort.ascd.msk.f32 $0xffff, v32, v32;
	v56, _, _ =	vpop (xrf1)  }
0x143: {  	v25 =	vmin.f32 v56, v25;
	(xrf1) =	vsort.ascd.msk.f32 $0xffff, v29, v29;
	v29, _, _ =	vpop (xrf1)  }
0x144: {  	v24 =	vmin.f32 v29, v24  }
0x145: {  	v57, _, _ =	vpop (xrf1)  }
0x146: {  	(xrf1) =	vsort.ascd.msk.f32 $0xffff, v25, v25;
	v25, _, _ =	vpop (xrf1)  }
0x147: {  	(xrf1) =	vsort.ascd.msk.f32 $0xffff, v24, v24;
	v24, _, _ =	vpop (xrf1)  }
0x148: {  	v29, _, _ =	vpop (xrf1)  }
0x149: {  	v58, _, _ =	vpop (xrf1)  }
0x14a: {  	v59, _, _ =	vpop (xrf1)  }
0x14b: {  	v60, _, _ =	vpop (xrf1)  }
0x14c: {  	v61, _, _ =	vpop (xrf1)  }
0x14d: {  	v40, _, _ =	vpop (xrf1)  }
0x14e: {  	v62, _, _ =	vpop (xrf1)  }
0x14f: {  	v25 =	vmin.f32 v62, v25  }
0x150: {  	v32 =	vmin.f32 v40, v57  }
0x151: {  	(xrf1) =	vsort.ascd.msk.f32 $0xffff, v32, v32;
	v63, _, _ =	vpop (xrf1)  }
0x152: {  	v24 =	vmin.f32 v63, v24;
	(xrf1) =	vsort.ascd.msk.f32 $0xffff, v25, v25;
	v25, _, _ =	vpop (xrf1)  }
0x153: {  	v25 =	vmin.f32 v25, v29;
	_ =	sdelay $0x1  }
0x154: {  	(xrf1) =	vsort.ascd.msk.f32 $0xffff, v24, v24;
	v24, _, _ =	vpop (xrf1)  }
0x155: {  	v24 =	vmin.f32 v24, v58;
	(xrf1) =	vsort.ascd.msk.f32 $0xffff, v25, v25;
	v25, _, _ =	vpop (xrf1)  }
0x156: {  	v25 =	vmin.f32 v25, v59;
	_ =	sdelay $0x1  }
0x157: {  	(xrf1) =	vsort.ascd.msk.f32 $0xffff, v24, v24;
	v24, _, _ =	vpop (xrf1)  }
0x158: {  	v24 =	vmin.f32 v24, v60;
	(xrf1) =	vsort.ascd.msk.f32 $0xffff, v25, v25;
	v25, _, _ =	vpop (xrf1)  }
0x159: {  	(xrf1) =	vsort.ascd.msk.f32 $0xffff, v24, v24;
	v25 =	vmin.f32 v25, v61  }
0x15a: {  	(xrf1) =	vsort.ascd.msk.f32 $0xffff, v25, v25;
	_ =	sdelay $0x6  }
0x15b: {  	s14 =	rddreg [dreg:$0x6];
	v46, _, _ =	vpop (xrf1)  }
0x15c: {  	s18 =	rddreg [dreg:$0x7];
	v47 =	vld [tilespmem:s14+$0x0];
	v44, _, _ =	vpop (xrf1)  }
0x15d: {  	s15 =	rddreg [dreg:$0x8];
	v45 =	vld [tilespmem:s18+$0x0];
	v42, _, _ =	vpop (xrf1)  }
0x15e: {  	s16 =	rddreg [dreg:$0x9];
	v43 =	vld [tilespmem:s15+$0x0];
	v40, _, _ =	vpop (xrf1)  }
0x15f: {  	s17 =	rddreg [dreg:$0xa];
	v41 =	vld [tilespmem:s16+$0x0];
	v37, _, _ =	vpop (xrf1)  }
0x160: {  	v39 =	vld [tilespmem:s17+$0x0];
	s18 =	rddreg [dreg:$0xb];
	v34, _, _ =	vpop (xrf1)  }
0x161: {  	s15 =	rddreg [dreg:$0xc];
	v35 =	vld [tilespmem:s18+$0x0];
	v29, _, _ =	vpop (xrf1)  }
0x162: {  	s16 =	rddreg [dreg:$0xd];
	v32 =	vld [tilespmem:s15+$0x0];
	v24, _, _ =	vpop (xrf1)  }
0x163: {  	v25 =	vld [tilespmem:s16+$0x0];
	_ =	swait.ge [sflag:s11], $0x2000  }
0x164: {  	[sflag:s11] =	ssyncset.done $0x0  }
0x165: {  	[sflag:s11] =	ssyncadd.s32 $0xFFFFE000  }
0x166: {  	v48 =	vld [tilespmem:$0x6000]  }
0x167: {  	v49 =	vld [tilespmem:$0x6080]  }
0x168: {  	v50 =	vld [tilespmem:$0x6100]  }
0x169: {  	v51 =	vld [tilespmem:$0x6180]  }
0x16a: {  	v52 =	vld [tilespmem:$0x6200]  }
0x16b: {  	s17 =	simm.s32 $0x10;
	s15 =	simm.s32 $0x80;
	v0 =	vld [tilespmem:$0x6280];
	(xrf1) =	vsort.ascd.msk.f32 $0xffff, v48, v48  }
0x16c: {  	s14 =	sand.u32 $0x70, s17;
	s15 =	sand.u32 $0x1C00, s15;
	v1 =	vld [tilespmem:$0x6300];
	(xrf1) =	vsort.ascd.msk.f32 $0xffff, v49, v49  }
0x16d: {  	s14 =	sor.u32 s14, s15;
	v2 =	vld [tilespmem:$0x6380];
	(xrf1) =	vsort.ascd.msk.f32 $0xffff, v50, v50  }
0x16e: {  	v56 =	vld [tilespmem:s14+$0x6000];
	(xrf1) =	vsort.ascd.msk.f32 $0xffff, v51, v51  }
0x16f: {  	v57 =	vld [tilespmem:s14+$0x6080];
	(xrf1) =	vsort.ascd.msk.f32 $0xffff, v52, v52  }
0x170: {  	v58 =	vld [tilespmem:s14+$0x6100];
	(xrf1) =	vsort.ascd.msk.f32 $0xffff, v0, v0  }
0x171: {  	v59 =	vld [tilespmem:s14+$0x6180];
	(xrf1) =	vsort.ascd.msk.f32 $0xffff, v1, v1  }
0x172: {  	v60 =	vld [tilespmem:s14+$0x6200];
	(xrf1) =	vsort.ascd.msk.f32 $0xffff, v2, v2  }
0x173: {  	s18 =	simm.s32 $0x100;
	s16 =	simm.s32 $0x20;
	v53 =	vld [tilespmem:s14+$0x6280];
	(xrf1) =	vsort.dscd.msk.f32 $0xffff, v56, v56  }
0x174: {  	s15 =	sand.u32 $0x1C00, s18;
	s16 =	sand.u32 $0x70, s16;
	v61 =	vld [tilespmem:s14+$0x6300];
	(xrf1) =	vsort.dscd.msk.f32 $0xffff, v57, v57  }
0x175: {  	s16 =	sor.u32 s16, s15;
	v62 =	vld [tilespmem:s14+$0x6380];
	(xrf1) =	vsort.dscd.msk.f32 $0xffff, v58, v58  }
0x176: {  	v63 =	vld [tilespmem:s16+$0x6000];
	(xrf1) =	vsort.dscd.msk.f32 $0xffff, v59, v59  }
0x177: {  	v0 =	vld [tilespmem:s16+$0x6080];
	(xrf1) =	vsort.dscd.msk.f32 $0xffff, v60, v60  }
0x178: {  	v1 =	vld [tilespmem:s16+$0x6100];
	(xrf1) =	vsort.dscd.msk.f32 $0xffff, v53, v53  }
0x179: {  	v2 =	vld [tilespmem:s16+$0x6180];
	v53, _, _ =	vpop (xrf1);
	(xrf1) =	vsort.dscd.msk.f32 $0xffff, v61, v61  }
0x17a: {  	v60 =	vld [tilespmem:s16+$0x6200];
	v54, _, _ =	vpop (xrf1);
	(xrf1) =	vsort.dscd.msk.f32 $0xffff, v62, v62  }
0x17b: {  	v56 =	vld [tilespmem:s16+$0x6280];
	v55, _, _ =	vpop (xrf1);
	(xrf1) =	vsort.dscd.msk.f32 $0xffff, v63, v63  }
0x17c: {  	v57 =	vld [tilespmem:s16+$0x6300];
	v61, _, _ =	vpop (xrf1);
	(xrf1) =	vsort.dscd.msk.f32 $0xffff, v0, v0  }
0x17d: {  	v58 =	vld [tilespmem:s16+$0x6380];
	v62, _, _ =	vpop (xrf1);
	(xrf1) =	vsort.dscd.msk.f32 $0xffff, v1, v1  }
0x17e: {  	v63, _, _ =	vpop (xrf1);
	(xrf1) =	vsort.dscd.msk.f32 $0xffff, v2, v2  }
0x17f: {  	v51, _, _ =	vpop (xrf1);
	(xrf1) =	vsort.dscd.msk.f32 $0xffff, v60, v60  }
0x180: {  	v52, _, _ =	vpop (xrf1);
	(xrf1) =	vsort.dscd.msk.f32 $0xffff, v56, v56  }
0x181: {  	v0, _, _ =	vpop (xrf1);
	(xrf1) =	vsort.dscd.msk.f32 $0xffff, v57, v57  }
0x182: {  	v1, _, _ =	vpop (xrf1);
	(xrf1) =	vsort.dscd.msk.f32 $0xffff, v58, v58;
	v53 =	vmin.f32 v53, v0  }
0x183: {  	s17 =	simm.s32 $0x180;
	s18 =	simm.s32 $0x30;
	v2, _, _ =	vpop (xrf1);
	v54 =	vmin.f32 v54, v1;
	(xrf1) =	vsort.ascd.msk.f32 $0xffff, v53, v53  }
0x184: {  	s15 =	sand.u32 $0x70, s18;
	s14 =	sand.u32 $0x1C00, s17;
	v57, _, _ =	vpop (xrf1);
	v55 =	vmin.f32 v55, v2;
	(xrf1) =	vsort.ascd.msk.f32 $0xffff, v54, v54  }
0x185: {  	s14 =	sor.u32 s15, s14;
	v58, _, _ =	vpop (xrf1);
	v48 =	vmin.f32 v61, v57;
	(xrf1) =	vsort.ascd.msk.f32 $0xffff, v55, v55  }
0x186: {  	v60 =	vld [tilespmem:s14+$0x6000];
	v59, _, _ =	vpop (xrf1);
	v49 =	vmin.f32 v62, v58;
	(xrf1) =	vsort.ascd.msk.f32 $0xffff, v48, v48  }
0x187: {  	v62 =	vld [tilespmem:s14+$0x6080];
	v61, _, _ =	vpop (xrf1);
	v50 =	vmin.f32 v63, v59;
	(xrf1) =	vsort.ascd.msk.f32 $0xffff, v49, v49  }
0x188: {  	v53 =	vld [tilespmem:s14+$0x6100];
	v63, _, _ =	vpop (xrf1);
	v48 =	vmin.f32 v51, v61;
	(xrf1) =	vsort.ascd.msk.f32 $0xffff, v50, v50  }
0x189: {  	v50 =	vld [tilespmem:s14+$0x6180];
	v57, _, _ =	vpop (xrf1);
	v49 =	vmin.f32 v52, v63;
	(xrf1) =	vsort.ascd.msk.f32 $0xffff, v48, v48  }
0x18a: {  	v0 =	vld [tilespmem:s14+$0x6200];
	v1, _, _ =	vpop (xrf1);
	(xrf1) =	vsort.ascd.msk.f32 $0xffff, v49, v49  }
0x18b: {  	v2 =	vld [tilespmem:s14+$0x6280];
	(xrf1) =	vsort.dscd.msk.f32 $0xffff, v60, v60;
	v56, _, _ =	vpop (xrf1)  }
0x18c: {  	v59 =	vld [tilespmem:s14+$0x6300];
	(xrf1) =	vsort.dscd.msk.f32 $0xffff, v62, v62;
	v55, _, _ =	vpop (xrf1)  }
0x18d: {  	v60 =	vld [tilespmem:s14+$0x6380];
	(xrf1) =	vsort.dscd.msk.f32 $0xffff, v53, v53;
	v54, _, _ =	vpop (xrf1)  }
0x18e: {  	(xrf1) =	vsort.dscd.msk.f32 $0xffff, v50, v50;
	v53, _, _ =	vpop (xrf1)  }
0x18f: {  	(xrf1) =	vsort.dscd.msk.f32 $0xffff, v0, v0;
	v52, _, _ =	vpop (xrf1)  }
0x190: {  	(xrf1) =	vsort.dscd.msk.f32 $0xffff, v2, v2;
	v51, _, _ =	vpop (xrf1)  }
0x191: {  	(xrf1) =	vsort.dscd.msk.f32 $0xffff, v59, v59;
	v62, _, _ =	vpop (xrf1)  }
0x192: {  	(xrf1) =	vsort.dscd.msk.f32 $0xffff, v60, v60;
	v48 =	vmin.f32 v62, v57;
	v63, _, _ =	vpop (xrf1)  }
0x193: {  	s15 =	simm.s32 $0x40;
	s14 =	simm.s32 $0x200;
	v57 =	vmin.f32 v63, v1;
	(xrf1) =	vsort.ascd.msk.f32 $0xffff, v48, v48;
	v58, _, _ =	vpop (xrf1)  }
.LBB2_8:
0x194: {  	s16 =	sand.u32 $0x70, s15;
	s17 =	sand.u32 $0x1C00, s14;
	p0 =	sne.s32 s15, $0x3F0;
	v0 =	vmin.f32 v58, v56;
	(xrf1) =	vsort.ascd.msk.f32 $0xffff, v57, v57;
	v49, _, _ =	vpop (xrf1)  }
0x195: {  	s16 =	sor.u32 s16, s17;
	v1 =	vmin.f32 v49, v55;
	(xrf1) =	vsort.ascd.msk.f32 $0xffff, v0, v0;
	v48, _, _ =	vpop (xrf1)  }
0x196: {  	v50 =	vld [tilespmem:s16+$0x6000];
	v0 =	vmin.f32 v48, v54;
	(xrf1) =	vsort.ascd.msk.f32 $0xffff, v1, v1;
	v49, _, _ =	vpop (xrf1)  }
0x197: {  	v54 =	vld [tilespmem:s16+$0x6080];
	v1 =	vmin.f32 v49, v53;
	(xrf1) =	vsort.ascd.msk.f32 $0xffff, v0, v0;
	v48, _, _ =	vpop (xrf1)  }
0x198: {  	v53 =	vld [tilespmem:s16+$0x6100];
	v48 =	vmin.f32 v48, v52;
	(xrf1) =	vsort.ascd.msk.f32 $0xffff, v1, v1;
	v49, _, _ =	vpop (xrf1)  }
0x199: {  	v52 =	vld [tilespmem:s16+$0x6180];
	v57, _, _ =	vpop (xrf1);
	v49 =	vmin.f32 v49, v51;
	(xrf1) =	vsort.ascd.msk.f32 $0xffff, v48, v48  }
0x19a: {  	v48 =	vld [tilespmem:s16+$0x6200];
	v58, _, _ =	vpop (xrf1);
	(xrf1) =	vsort.ascd.msk.f32 $0xffff, v49, v49  }
0x19b: {  	v49 =	vld [tilespmem:s16+$0x6280];
	(xrf1) =	vsort.dscd.msk.f32 $0xffff, v50, v50;
	v56, _, _ =	vpop (xrf1)  }
0x19c: {  	v50 =	vld [tilespmem:s16+$0x6300];
	(xrf1) =	vsort.dscd.msk.f32 $0xffff, v54, v54;
	v55, _, _ =	vpop (xrf1)  }
0x19d: {  	v59 =	vld [tilespmem:s16+$0x6380];
	(xrf1) =	vsort.dscd.msk.f32 $0xffff, v53, v53;
	v54, _, _ =	vpop (xrf1)  }
0x19e: {  	(xrf1) =	vsort.dscd.msk.f32 $0xffff, v52, v52;
	v53, _, _ =	vpop (xrf1)  }
.Ltmp3:
0x19f: {  	(xrf1) =	vsort.dscd.msk.f32 $0xffff, v48, v48;
	v52, _, _ =	vpop (xrf1);
	(pc) =	sbr.rel @p0 .LBB2_8-.Ltmp3, $4  }
0x1a0: {  	(xrf1) =	vsort.dscd.msk.f32 $0xffff, v49, v49;
	v51, _, _ =	vpop (xrf1)  }
0x1a1: {  	(xrf1) =	vsort.dscd.msk.f32 $0xffff, v50, v50;
	v48, _, _ =	vpop (xrf1)  }
0x1a2: {  	(xrf1) =	vsort.dscd.msk.f32 $0xffff, v59, v59;
	v48 =	vmin.f32 v48, v57;
	v49, _, _ =	vpop (xrf1)  }
0x1a3: {  	s14 =	sadd.s32 $0x80, s14;
	s15 =	sadd.s32 $0x10, s15;
	v57 =	vmin.f32 v49, v58;
	(xrf1) =	vsort.ascd.msk.f32 $0xffff, v48, v48;
	v58, _, _ =	vpop (xrf1)  }
0x1a4: {  	v21 =	vbroadcast v21, $0x0;
	_ =	sdelay $0x1  }
0x1a5: {  	v48 =	vsub.f32 v19, v21;
	_ =	sdelay $0x1  }
0x1a6: {  	v19 =	vmax.f32 v48, $9.999999960e-13  }
0x1a7: {  	v9 =	vshra.s32 v19, $0x1;
	v59 =	vmul.f32 $5.000000000e-01, v19  }
0x1a8: {  	v21 =	vsub.s32 $0x5F3759DF, v9  }
0x1a9: {  	v49 =	vmul.f32 v21, v59;
	_ =	sdelay $0x1  }
0x1aa: {  	v18 =	vbroadcast v18, $0x1;
	v49 =	vmul.f32 v21, v49;
	_ =	sdelay $0x1  }
0x1ab: {  	v50 =	vsub.f32 $1.500000000e+00, v49;
	v49 =	vsub.f32 v16, v18;
	_ =	sdelay $0x1  }
0x1ac: {  	v18 =	vmax.f32 v49, $9.999999960e-13  }
0x1ad: {  	v0 =	vshra.s32 v18, $0x1;
	v60 =	vmul.f32 $5.000000000e-01, v18  }
0x1ae: {  	v11 =	vmul.f32 v21, v50;
	v21 =	vsub.s32 $0x5F3759DF, v0  }
0x1af: {  	v61 =	vmul.f32 v21, v60  }
0x1b0: {  	v14 =	vbroadcast v14, $0x2;
	v50 =	vmul.f32 v11, v59  }
0x1b1: {  	v61 =	vmul.f32 v21, v61  }
0x1b2: {  	v62 =	vmul.f32 v50, v11;
	v50 =	vsub.f32 v13, v14  }
0x1b3: {  	v2 =	vsub.f32 $1.500000000e+00, v61  }
0x1b4: {  	v1 =	vsub.f32 $1.500000000e+00, v62;
	v61 =	vmax.f32 v50, $9.999999960e-13  }
0x1b5: {  	v3 =	vshra.s32 v61, $0x1;
	v63 =	vmul.f32 $5.000000000e-01, v61;
	v14 =	vmul.f32 v21, v2  }
0x1b6: {  	v13 =	vmul.f32 v1, v11;
	v4 =	vsub.s32 $0x5F3759DF, v3  }
0x1b7: {  	v11 =	vmul.f32 v4, v63;
	v12 =	vmul.f32 v14, v60;
	_ =	sdelay $0x1  }
0x1b8: {  	v21 =	vmul.f32 v4, v11;
	v62 =	vmul.f32 v12, v14  }
0x1b9: {  	v10 =	vbroadcast v10, $0x3;
	v7 =	vbroadcast v7, $0x4  }
0x1ba: {  	v5 =	vbroadcast v5, $0x5;
	v21 =	vsub.f32 $1.500000000e+00, v21;
	v62 =	vsub.f32 $1.500000000e+00, v62  }
0x1bb: {  	v38 =	vbroadcast v38, $0x8;
	v59 =	vmul.f32 v13, v59  }
0x1bc: {  	v6 =	vsub.f32 v6, v7;
	v16 =	vmul.f32 v4, v21;
	v14 =	vmul.f32 v62, v14  }
0x1bd: {  	v33 =	vbroadcast v33, $0x9;
	v8 =	vsub.f32 v8, v10;
	v59 =	vmul.f32 v59, v13  }
0x1be: {  	v0 =	vmax.f32 v6, $9.999999960e-13;
	v17 =	vmul.f32 v16, v63;
	v60 =	vmul.f32 v14, v60  }
0x1bf: {  	v31 =	vbroadcast v31, $0xA;
	v2 =	vmul.f32 $5.000000000e-01, v0;
	v59 =	vsub.f32 $1.500000000e+00, v59  }
0x1c0: {  	v10 =	vmax.f32 v8, $9.999999960e-13;
	v7 =	vmul.f32 v17, v16;
	v60 =	vmul.f32 v60, v14  }
0x1c1: {  	v15 =	vshra.s32 v10, $0x1;
	v13 =	vmul.f32 v59, v13;
	v62 =	vmul.f32 $5.000000000e-01, v10  }
0x1c2: {  	v21 =	vsub.s32 $0x5F3759DF, v15;
	v3 =	vsub.f32 $1.500000000e+00, v7;
	v9 =	vsub.f32 $1.500000000e+00, v60  }
0x1c3: {  	v20 =	vmul.f32 v21, v62;
	v7 =	vmul.f32 v13, v19  }
0x1c4: {  	v1 =	vshra.s32 v0, $0x1;
	v13 =	vmul.f32 v3, v16;
	v3 =	vmul.f32 v9, v14;
	v9 =	vld [tilespmem:$0x1FFD0]  }
0x1c5: {  	v27 =	vbroadcast v27, $0xB;
	v47 =	vbroadcast v47, $0x0;
	v1 =	vsub.s32 $0x5F3759DF, v1  }
0x1c6: {  	v4 =	vmul.f32 v1, v2;
	v59 =	vmul.f32 v21, v20  }
0x1c7: {  	v45 =	vbroadcast v45, $0x1;
	v43 =	vbroadcast v43, $0x2  }
0x1c8: {  	v41 =	vbroadcast v41, $0x3;
	v4 =	vmul.f32 v1, v4;
	v59 =	vsub.f32 $1.500000000e+00, v59  }
0x1c9: {  	v11 =	vmul.f32 v13, v63;
	v63 =	vbroadcast v9, $0x6;
	v9 =	vld [tilespmem:$0x1FFB0]  }
0x1ca: {  	v39 =	vbroadcast v39, $0x4;
	v16 =	vmul.f32 v21, v59  }
0x1cb: {  	v35 =	vbroadcast v35, $0x5;
	v32 =	vbroadcast v32, $0x6;
	v4 =	vsub.f32 $1.500000000e+00, v4  }
0x1cc: {  	v60 =	vmul.f32 v16, v62;
	v14 =	vmul.f32 v11, v13;
	v11 =	vld [tilespmem:$0x1FFC0]  }
0x1cd: {  	v25 =	vbroadcast v25, $0x7;
	v1 =	vmul.f32 v1, v4  }
0x1ce: {  	v19 =	vmin.f32 v58, v56;
	v56 =	vmul.f32 v60, v16;
	v5 =	vsub.f32 v9, v5  }
0x1cf: {  	v38 =	vsub.f32 v36, v38;
	v30 =	vsub.f32 v30, v33;
	v12 =	vmul.f32 v1, v2  }
0x1d0: {  	v17, _, _ =	vpop (xrf1);
	v4 =	vmul.f32 v3, v18;
	v18 =	vsub.f32 $1.500000000e+00, v56;
	v56 =	vmax.f32 v5, $9.999999960e-13  }
0x1d1: {  	v21 =	vmin.f32 v17, v55;
	v3 =	vsub.f32 v11, v63;
	v15 =	vshra.s32 v56, $0x1  }
0x1d2: {  	v55 =	vmul.f32 v12, v1;
	v11, _, _ =	vpop (xrf1);
	v16 =	vmul.f32 v18, v16;
	v58 =	vsub.s32 $0x5F3759DF, v15;
	v15 =	vld [tilespmem:$0x1FFF0]  }
0x1d3: {  	v14 =	vsub.f32 $1.500000000e+00, v14;
	v20, _, _ =	vpop (xrf1);
	(xrf1) =	vsort.ascd.msk.f32 $0xffff, v57, v57;
	v60 =	vmax.f32 v3, $9.999999960e-13;
	v59 =	vmul.f32 $5.000000000e-01, v56  }
0x1d4: {  	(xrf1) =	vsort.ascd.msk.f32 $0xffff, v19, v19;
	v19 =	vmul.f32 v16, v62;
	v62 =	vld [tilespmem:$0x1FFE0];
	v17 =	vshra.s32 v60, $0x1;
	v9 =	vmul.f32 $5.000000000e-01, v60  }
0x1d5: {  	v13 =	vmul.f32 v14, v13;
	v63 =	vsub.s32 $0x5F3759DF, v17;
	v12 =	vmul.f32 v58, v59  }
0x1d6: {  	v18 =	vsub.f32 $1.500000000e+00, v55;
	v11 =	vmin.f32 v11, v54;
	v14 =	vmul.f32 v63, v9  }
0x1d7: {  	v54 =	vmin.f32 v20, v53;
	v12 =	vmul.f32 v58, v12;
	v53 =	vbroadcast v15, $0x7  }
0x1d8: {  	v26 =	vsub.f32 v26, v27;
	v44 =	vsub.f32 v44, v45;
	v14 =	vmul.f32 v63, v14  }
0x1d9: {  	v18 =	vmul.f32 v18, v1;
	v12 =	vsub.f32 $1.500000000e+00, v12;
	v53 =	vsub.f32 v62, v53  }
0x1da: {  	v57, _, _ =	vpop (xrf1);
	v1 =	vmul.f32 v13, v61;
	v19 =	vmul.f32 v19, v16;
	v61 =	vsub.f32 $1.500000000e+00, v14  }
0x1db: {  	(xrf1) =	vsort.ascd.msk.f32 $0xffff, v21, v21;
	v14 =	vmin.f32 v57, v52;
	v12 =	vmul.f32 v58, v12;
	v52 =	vmax.f32 v53, $9.999999960e-13  }
0x1dc: {  	v17, _, _ =	vpop (xrf1);
	(xrf1) =	vsort.ascd.msk.f32 $0xffff, v11, v11;
	v13 =	vmul.f32 v63, v61;
	v62 =	vshra.s32 v52, $0x1;
	v57 =	vmul.f32 $5.000000000e-01, v52  }
0x1dd: {  	v11, _, _ =	vpop (xrf1);
	(xrf1) =	vsort.ascd.msk.f32 $0xffff, v54, v54;
	v21 =	vmin.f32 v17, v51;
	v58 =	vmul.f32 v12, v59;
	v55 =	vsub.s32 $0x5F3759DF, v62  }
0x1de: {  	v54, _, _ =	vpop (xrf1);
	(xrf1) =	vsort.ascd.msk.f32 $0xffff, v14, v14;
	v61 =	vmul.f32 v13, v9;
	v63 =	vmul.f32 v55, v57  }
0x1df: {  	v2 =	vmul.f32 v18, v2;
	v14, _, _ =	vpop (xrf1);
	(xrf1) =	vsort.ascd.msk.f32 $0xffff, v21, v21;
	v21 =	vmul.f32 v58, v12  }
0x1e0: {  	v19 =	vsub.f32 $1.500000000e+00, v19;
	v36 =	vmul.f32 v61, v13;
	v51 =	vmul.f32 v55, v63  }
0x1e1: {  	v29 =	vsub.f32 v29, v32;
	v2 =	vmul.f32 v2, v18;
	v58, _, _ =	vpop (xrf1);
	v15 =	vsub.f32 $1.500000000e+00, v21  }
0x1e2: {  	v16 =	vmul.f32 v19, v16;
	v19 =	vsub.f32 $1.500000000e+00, v36;
	v61, _, _ =	vpop (xrf1);
	v63 =	vmax.f32 v38, $9.999999960e-13  }
0x1e3: {  	vm0 =	vle.f32 v48, $0.0e+00;
	vm3 =	vle.f32 v8, $0.0e+00;
	v62, _, _ =	vpop (xrf1);
	v36 =	vshra.s32 v63, $0x1  }
0x1e4: {  	v2 =	vsub.f32 $1.500000000e+00, v2;
	v13 =	vmul.f32 v19, v13;
	v21 =	vsub.f32 $1.500000000e+00, v51;
	v51, _, _ =	vpop (xrf1)  }
0x1e5: {  	vm4 =	vle.f32 v6, $0.0e+00;
	v12 =	vmul.f32 v15, v12;
	v17 =	vmul.f32 $5.000000000e-01, v63;
	v15, _, _ =	vpop (xrf1)  }
0x1e6: {  	v2 =	vmul.f32 v2, v18;
	v9 =	vmul.f32 v13, v9;
	v20 =	vsub.s32 $0x5F3759DF, v36;
	v36, _, _ =	vpop (xrf1)  }
0x1e7: {  	v36 =	vmin.f32 v36, v11;
	v11 =	vmul.f32 v12, v59;
	v59 =	vmul.f32 v20, v17  }
0x1e8: {  	vm12 =	vle.f32 v38, $0.0e+00;
	v9 =	vmul.f32 v9, v13;
	v55 =	vmul.f32 v55, v21  }
0x1e9: {  	vm13 =	vle.f32 v30, $0.0e+00;
	vm1 =	vle.f32 v49, $0.0e+00;
	v0 =	vmul.f32 v2, v0;
	v21, _, _ =	vpop (xrf1)  }
0x1ea: {  	v2 =	vsub.f32 $1.500000000e+00, v9;
	v21 =	vmin.f32 v21, v54;
	v18, _, _ =	vpop (xrf1);
	v54 =	vmul.f32 v55, v57  }
0x1eb: {  	v19 =	vmin.f32 v18, v14;
	v11 =	vmul.f32 v11, v12;
	v14 =	vmul.f32 v20, v59;
	v59, _, _ =	vpop (xrf1)  }
0x1ec: {  	v2 =	vmul.f32 v2, v13;
	v54 =	vmul.f32 v54, v55;
	v18 =	vmin.f32 v59, v58  }
0x1ed: {  	v58 =	vmul.f32 v16, v10;
	v10 =	vsub.f32 $1.500000000e+00, v11;
	v11 =	vsub.f32 $1.500000000e+00, v14  }
0x1ee: {  	v49 =	vbroadcast v23, $0xC;
	vm2 =	vle.f32 v50, $0.0e+00;
	v59 =	vsub.f32 $1.500000000e+00, v54  }
0x1ef: {  	v8 =	vsel vm0, $0x0, v7;
	v33 =	vmul.f32 v2, v60;
	v16, _, _ =	vpop (xrf1);
	v11 =	vmul.f32 v20, v11  }
0x1f0: {  	v7 =	vsel vm1, $0x0, v4;
	v12 =	vmul.f32 v10, v12;
	v20, _, _ =	vpop (xrf1);
	v9 =	vmul.f32 v59, v55  }
0x1f1: {  	v16 =	vmin.f32 v16, v61;
	v14 =	vmin.f32 v20, v62;
	v54, _, _ =	vpop (xrf1);
	v20 =	vmul.f32 v11, v17  }
0x1f2: {  	v13 =	vmin.f32 v54, v51;
	v59, _, _ =	vpop (xrf1);
	v61 =	vmul.f32 v9, v57;
	v12 =	vmul.f32 v12, v56  }
0x1f3: {  	v10 =	vmin.f32 v59, v15;
	v15 =	vsub.f32 v28, v31;
	v20 =	vmul.f32 v20, v11  }
0x1f4: {  	v57 =	vmax.f32 v26, $9.999999960e-13;
	v28 =	vmax.f32 v30, $9.999999960e-13;
	v62 =	vmul.f32 v61, v9  }
0x1f5: {  	v60 =	vshra.s32 v28, $0x1;
	v54 =	vmax.f32 v15, $9.999999960e-13;
	v20 =	vsub.f32 $1.500000000e+00, v20  }
0x1f6: {  	v51 =	vmul.f32 $5.000000000e-01, v28;
	v61 =	vshra.s32 v54, $0x1;
	v27 =	vmul.f32 $5.000000000e-01, v54  }
0x1f7: {  	v31 =	vsub.s32 $0x5F3759DF, v61;
	v11 =	vmul.f32 v20, v11;
	v20 =	vsub.s32 $0x5F3759DF, v60  }
0x1f8: {  	v59 =	vshra.s32 v57, $0x1;
	v56 =	vmul.f32 v31, v27;
	v55 =	vmul.f32 v20, v51  }
0x1f9: {  	vm14 =	vle.f32 v3, $0.0e+00;
	v59 =	vsub.s32 $0x5F3759DF, v59;
	v60 =	vmul.f32 $5.000000000e-01, v57  }
0x1fa: {  	v2 =	vsub.f32 $1.500000000e+00, v62;
	v56 =	vmul.f32 v31, v56;
	v55 =	vmul.f32 v20, v55  }
0x1fb: {  	vm5 =	vle.f32 v5, $0.0e+00;
	v6 =	vsel vm2, $0x0, v1;
	v48 =	vmul.f32 v59, v60  }
0x1fc: {  	v2 =	vmul.f32 v2, v9;
	v61 =	vsub.f32 $1.500000000e+00, v56;
	v62 =	vsub.f32 $1.500000000e+00, v55  }
0x1fd: {  	vm15 =	vle.f32 v53, $0.0e+00;
	v17 =	vmul.f32 v11, v17;
	v48 =	vmul.f32 v59, v48  }
0x1fe: {  	v4 =	vsel vm3, $0x0, v58;
	v9 =	vmul.f32 v20, v62;
	v20 =	vmul.f32 v31, v61  }
0x1ff: {  	v17 =	vmul.f32 v17, v11;
	v31 =	vmul.f32 v2, v52;
	v52 =	vsub.f32 $1.500000000e+00, v48  }
0x200: {  	v1 =	vsel vm5, $0x0, v12;
	v55 =	vmul.f32 v9, v51;
	v56 =	vmul.f32 v20, v27  }
0x201: {  	v62 =	vsub.f32 $1.500000000e+00, v17;
	v2 =	vsel vm4, $0x0, v0;
	v17 =	vmul.f32 v59, v52  }
0x202: {  	v0 =	vsel vm14, $0x0, v33;
	v59 =	vmul.f32 v55, v9;
	v61 =	vmul.f32 v56, v20  }
0x203: {  	v33 =	vsub.f32 v22, v49;
	v11 =	vmul.f32 v62, v11;
	v48 =	vmul.f32 v17, v60  }
0x204: {  	vm5 =	vmmov $0x3f;
	v62 =	vsub.f32 $1.500000000e+00, v59;
	v5 =	vsub.f32 $1.500000000e+00, v61  }
0x205: {  	vm14 =	vle.f32 v15, $0.0e+00;
	v11 =	vmul.f32 v11, v63;
	v52 =	vmul.f32 v48, v17;
	v59 =	vld [tilespmem:$0x1FF60]  }
0x206: {  	vm4 =	vmmov $0x1f;
	v9 =	vmul.f32 v62, v9;
	v12 =	vmul.f32 v5, v20  }
0x207: {  	v3 =	vsel vm12, $0x0, v11;
	vm12 =	vle.f32 v33, $0.0e+00;
	v56 =	vsub.f32 $1.500000000e+00, v52;
	v62 =	vld [tilespmem:$0x1FF50]  }
0x208: {  	v5 =	vsel vm15, $0x0, v31;
	v50 =	vmul.f32 v9, v51;
	v51 =	vmul.f32 v12, v27  }
0x209: {  	v27 =	vmax.f32 v33, $9.999999960e-13;
	v48 =	vmul.f32 v56, v17;
	v33 =	vsub.f32 v42, v43  }
0x20a: {  	v58 =	vshra.s32 v27, $0x1;
	v31 =	vmul.f32 $5.000000000e-01, v27;
	v38 =	vbroadcast v59, $0xD  }
0x20b: {  	v53 =	vmul.f32 v50, v9;
	v55 =	vmul.f32 v51, v12;
	v23 =	vsub.s32 $0x5F3759DF, v58;
	v58 =	vld [tilespmem:$0x1FF80]  }
0x20c: {  	v42 =	vmax.f32 v33, $9.999999960e-13;
	v61 =	vmul.f32 v23, v31;
	v17 =	vsub.f32 v62, v38  }
0x20d: {  	v11 =	vsub.f32 $1.500000000e+00, v53;
	v20 =	vsub.f32 $1.500000000e+00, v55;
	v53 =	vmul.f32 v48, v60;
	v60 =	vld [tilespmem:$0x1FF70]  }
0x20e: {  	vm15 =	vle.f32 v26, $0.0e+00;
	v43 =	vmul.f32 $5.000000000e-01, v42;
	v55 =	vmul.f32 v23, v61  }
0x20f: {  	v30 =	vmax.f32 v17, $9.999999960e-13;
	v61 =	vld [tilespmem:$0x1FFA0];
	v9 =	vmul.f32 v11, v9;
	v63 =	vmul.f32 v20, v12  }
0x210: {  	v56 =	vshra.s32 v30, $0x1;
	v38 =	vmul.f32 $5.000000000e-01, v30;
	v49 =	vbroadcast v58, $0xE  }
0x211: {  	v12 =	vmul.f32 v53, v48;
	v59 =	vsub.f32 $1.500000000e+00, v55;
	v51 =	vsub.s32 $0x5F3759DF, v56;
	v58 =	vld [tilespmem:$0x1FF90]  }
0x212: {  	v9 =	vmul.f32 v9, v28;
	v22 =	vmul.f32 v51, v38;
	v20 =	vsub.f32 v60, v49  }
0x213: {  	v11 =	vmul.f32 v63, v54;
	v12 =	vsub.f32 $1.500000000e+00, v12;
	v23 =	vmul.f32 v23, v59  }
0x214: {  	v22 =	vmul.f32 v51, v22;
	v49 =	vbroadcast v61, $0xF;
	v28 =	vmax.f32 v20, $9.999999960e-13  }
0x215: {  	v9 =	vsel vm13, $0x0, v9;
	v50 =	vmul.f32 v23, v31;
	v62 =	vshra.s32 v28, $0x1  }
0x216: {  	v53 =	vmul.f32 $5.000000000e-01, v28;
	v63 =	vsub.f32 $1.500000000e+00, v22;
	v22 =	vsub.f32 v58, v49  }
0x217: {  	v12 =	vmul.f32 v12, v48;
	v52 =	vsub.s32 $0x5F3759DF, v62;
	v60 =	vmul.f32 v50, v23  }
0x218: {  	v59 =	vmul.f32 v52, v53;
	v50 =	vmul.f32 v51, v63;
	v51 =	vmax.f32 v22, $9.999999960e-13  }
0x219: {  	v12 =	vmul.f32 v12, v57;
	v61 =	vshra.s32 v51, $0x1;
	v55 =	vmul.f32 $5.000000000e-01, v51  }
0x21a: {  	v49 =	vsub.f32 $1.500000000e+00, v60;
	v48 =	vmul.f32 v52, v59;
	v54 =	vsub.s32 $0x5F3759DF, v61  }
0x21b: {  	v11 =	vsel vm14, $0x0, v11;
	v62 =	vmul.f32 v50, v38;
	v63 =	vmul.f32 v54, v55  }
0x21c: {  	v15 =	vmul.f32 v49, v23;
	v23 =	vsub.f32 v46, v47;
	v48 =	vsub.f32 $1.500000000e+00, v48  }
0x21d: {  	vm13 =	vle.f32 v17, $0.0e+00;
	v56 =	vmul.f32 v62, v50;
	v58 =	vmul.f32 v54, v63  }
0x21e: {  	v31 =	vmul.f32 v15, v31;
	v48 =	vmul.f32 v52, v48;
	v52 =	vmax.f32 v23, $9.999999960e-13  }
0x21f: {  	v59 =	vsub.f32 $1.500000000e+00, v56;
	v61 =	vsub.f32 $1.500000000e+00, v58;
	v56 =	vmul.f32 $5.000000000e-01, v52  }
0x220: {  	v62 =	vshra.s32 v52, $0x1;
	v31 =	vmul.f32 v31, v15;
	v60 =	vmul.f32 v48, v53  }
0x221: {  	v46 =	vmul.f32 v59, v50;
	v50 =	vsub.s32 $0x5F3759DF, v62;
	v49 =	vmul.f32 v54, v61  }
0x222: {  	v63 =	vmul.f32 v50, v56;
	v31 =	vsub.f32 $1.500000000e+00, v31;
	v47 =	vmul.f32 v60, v48  }
0x223: {  	vm14 =	vle.f32 v20, $0.0e+00;
	v38 =	vmul.f32 v46, v38;
	v60 =	vmul.f32 v49, v55  }
0x224: {  	v61 =	vmul.f32 v50, v63;
	v15 =	vmul.f32 v31, v15;
	v47 =	vsub.f32 $1.500000000e+00, v47  }
0x225: {  	v12 =	vsel vm15, $0x0, v12;
	v38 =	vmul.f32 v38, v46;
	v62 =	vmul.f32 v60, v49  }
0x226: {  	vm15 =	vle.f32 v22, $0.0e+00;
	v26 =	vsub.f32 $1.500000000e+00, v61;
	v47 =	vmul.f32 v47, v48  }
0x227: {  	v15 =	vmul.f32 v15, v27;
	v63 =	vsub.f32 $1.500000000e+00, v38;
	v58 =	vsub.f32 $1.500000000e+00, v62  }
0x228: {  	v48 =	vmax.f32 v44, $9.999999960e-13;
	v26 =	vmul.f32 v50, v26;
	v57 =	vmul.f32 v47, v53  }
0x229: {  	v59 =	vshra.s32 v48, $0x1;
	v53 =	vmul.f32 $5.000000000e-01, v48;
	v45 =	vmul.f32 v58, v49  }
0x22a: {  	v50 =	vsub.s32 $0x5F3759DF, v59;
	v60 =	vmul.f32 v26, v56;
	v38 =	vmul.f32 v57, v47  }
0x22b: {  	v27 =	vsub.f32 v40, v41;
	v61 =	vmul.f32 v50, v53;
	v62 =	vmul.f32 v45, v55  }
0x22c: {  	v31 =	vmul.f32 v63, v46;
	v49 =	vmul.f32 v60, v26;
	v38 =	vsub.f32 $1.500000000e+00, v38  }
0x22d: {  	v60 =	vshra.s32 v42, $0x1;
	v63 =	vmul.f32 v50, v61;
	v55 =	vmul.f32 v62, v45  }
0x22e: {  	v57 =	vsub.f32 $1.500000000e+00, v49;
	v62 =	vsub.s32 $0x5F3759DF, v60;
	v38 =	vmul.f32 v38, v47  }
0x22f: {  	v31 =	vmul.f32 v31, v30;
	v58 =	vsub.f32 $1.500000000e+00, v63;
	v54 =	vmul.f32 v62, v43  }
0x230: {  	v59 =	vsub.f32 $1.500000000e+00, v55;
	v26 =	vmul.f32 v57, v26;
	v38 =	vmul.f32 v38, v28  }
0x231: {  	v47 =	vmax.f32 v27, $9.999999960e-13;
	v30 =	vmul.f32 v50, v58;
	v57 =	vmul.f32 v62, v54  }
0x232: {  	v58 =	vshra.s32 v47, $0x1;
	v50 =	vmul.f32 $5.000000000e-01, v47;
	v28 =	vmul.f32 v59, v45  }
0x233: {  	v61 =	vmul.f32 v26, v56;
	v49 =	vsub.s32 $0x5F3759DF, v58;
	v63 =	vmul.f32 v30, v53  }
0x234: {  	v45 =	vsub.f32 $1.500000000e+00, v57;
	v60 =	vmul.f32 v49, v50;
	v40 =	vmul.f32 v28, v51  }
0x235: {  	v15 =	vsel vm12, $0x0, v15;
	v55 =	vmul.f32 v61, v26;
	v56 =	vmul.f32 v63, v30  }
0x236: {  	v28 =	vsub.f32 v37, v39;
	v39 =	vmul.f32 v62, v45;
	v61 =	vmul.f32 v49, v60  }
0x237: {  	vm12 =	vle.f32 v23, $0.0e+00;
	v59 =	vsub.f32 $1.500000000e+00, v55;
	v41 =	vsub.f32 $1.500000000e+00, v56  }
0x238: {  	v17 =	vsel vm13, $0x0, v31;
	v57 =	vsub.f32 $1.500000000e+00, v61;
	v58 =	vmul.f32 v39, v43  }
0x239: {  	vm13 =	vle.f32 v44, $0.0e+00;
	v26 =	vmul.f32 v59, v26;
	v37 =	vmul.f32 v41, v30  }
0x23a: {  	v41 =	vmax.f32 v28, $9.999999960e-13;
	v30 =	vsub.f32 v34, v35;
	v34 =	vmul.f32 v49, v57  }
0x23b: {  	v60 =	vmul.f32 v58, v39;
	v62 =	vshra.s32 v41, $0x1;
	v45 =	vmul.f32 $5.000000000e-01, v41  }
0x23c: {  	v63 =	vmul.f32 v37, v53;
	v53 =	vsub.s32 $0x5F3759DF, v62;
	v49 =	vmax.f32 v30, $9.999999960e-13  }
0x23d: {  	v51 =	vmul.f32 v34, v50;
	v35 =	vsub.f32 $1.500000000e+00, v60;
	v59 =	vmul.f32 v53, v45  }
0x23e: {  	v62 =	vshra.s32 v49, $0x1;
	v55 =	vmul.f32 $5.000000000e-01, v49;
	v31 =	vmul.f32 v63, v37  }
0x23f: {  	v54 =	vsub.s32 $0x5F3759DF, v62;
	v51 =	vmul.f32 v51, v34;
	v35 =	vmul.f32 v35, v39  }
0x240: {  	(xrf1) =	vsort.ascd.msk.f32 $0xffff, v36, v36;
	v61 =	vmul.f32 v53, v59;
	v63 =	vmul.f32 v54, v55;
	v31 =	vsub.f32 $1.500000000e+00, v31  }
0x241: {  	v26 =	vmul.f32 v26, v52;
	v58 =	vsub.f32 $1.500000000e+00, v51;
	v43 =	vmul.f32 v35, v43  }
0x242: {  	v46 =	vsub.f32 $1.500000000e+00, v61;
	v59 =	vmul.f32 v54, v63;
	v31 =	vmul.f32 v31, v37  }
0x243: {  	v20 =	vsel vm14, $0x0, v38;
	v34 =	vmul.f32 v58, v34;
	v62 =	vmul.f32 v43, v35  }
0x244: {  	v37 =	vmax.f32 v29, $9.999999960e-13;
	v57 =	vmul.f32 v53, v46;
	v61 =	vsub.f32 $1.500000000e+00, v59  }
0x245: {  	vm14 =	vle.f32 v33, $0.0e+00;
	v38 =	vmul.f32 $5.000000000e-01, v37;
	v43 =	vmul.f32 v34, v50  }
0x246: {  	(xrf1) =	vsort.ascd.msk.f32 $0xffff, v21, v21;
	v21 =	vsel vm12, $0x0, v26;
	v60 =	vmul.f32 v57, v45;
	v46 =	vmul.f32 v54, v61  }
0x247: {  	s14 =	rddreg [dreg:$0xe];
	v26 =	vsub.f32 v24, v25;
	v31 =	vmul.f32 v31, v48;
	v23 =	vmul.f32 v43, v34  }
0x248: {  	v59 =	vshra.s32 v37, $0x1;
	v63 =	vmul.f32 v60, v57;
	v50 =	vmul.f32 v46, v55;
	v60 =	vld [tilespmem:s14+$0x0]  }
0x249: {  	v39 =	vsub.f32 $1.500000000e+00, v62;
	v36 =	vsub.s32 $0x5F3759DF, v59;
	v53 =	vsub.f32 $1.500000000e+00, v23  }
0x24a: {  	v62 =	vmul.f32 v36, v38;
	v48 =	vsub.f32 $1.500000000e+00, v63;
	v52 =	vmul.f32 v50, v46  }
0x24b: {  	v33 =	vmax.f32 v26, $9.999999960e-13;
	v35 =	vmul.f32 v39, v35;
	v34 =	vmul.f32 v53, v34  }
0x24c: {  	v43 =	vmul.f32 $5.000000000e-01, v33;
	v51 =	vmul.f32 v48, v57;
	v57 =	vsub.f32 $1.500000000e+00, v52  }
0x24d: {  	(xrf1) =	vsort.ascd.msk.f32 $0xffff, v19, v19;
	v22 =	vsel vm15, $0x0, v40;
	v34 =	vmul.f32 v34, v47;
	v47 =	vbroadcast v60, $0x8  }
0x24e: {  	s16 =	rddreg [dreg:$0xf];
	vm15 =	vle.f32 v27, $0.0e+00;
	v54 =	vmul.f32 v51, v45;
	v32 =	vmul.f32 v57, v46;
	v48, _, _ =	vpop (xrf1)  }
0x24f: {  	v56 =	vmul.f32 v35, v42;
	v63 =	vld [tilespmem:s16+$0x0];
	v46 =	vmul.f32 v36, v62;
	v25 =	vsub.f32 v48, v47  }
0x250: {  	v23 =	vsel vm13, $0x0, v31;
	v58 =	vmul.f32 v54, v51;
	v61 =	vmul.f32 v32, v55  }
0x251: {  	v19 =	vsel vm14, $0x0, v56;
	v40 =	vsub.f32 $1.500000000e+00, v46;
	v42 =	vmax.f32 v25, $9.999999960e-13  }
0x252: {  	s17 =	rddreg [dreg:$0x10];
	v35 =	vsub.f32 $1.500000000e+00, v58;
	v45 =	vmul.f32 v61, v32;
	v55 =	vshra.s32 v42, $0x1  }
0x253: {  	v56 =	vld [tilespmem:s17+$0x0];
	v36 =	vmul.f32 v36, v40;
	v44 =	vmul.f32 $5.000000000e-01, v42;
	v39 =	vsub.s32 $0x5F3759DF, v55  }
0x254: {  	v35 =	vmul.f32 v35, v51;
	v24 =	vsub.f32 $1.500000000e+00, v45;
	v51 =	vbroadcast v63, $0x9  }
0x255: {  	v50 =	vshra.s32 v33, $0x1;
	v54 =	vmul.f32 v36, v38;
	v57 =	vmul.f32 v39, v44  }
0x256: {  	(xrf1) =	vsort.ascd.msk.f32 $0xffff, v18, v18;
	v53 =	vsub.s32 $0x5F3759DF, v50;
	v52, _, _ =	vpop (xrf1);
	v31 =	vmul.f32 v35, v41;
	v32 =	vmul.f32 v24, v32  }
0x257: {  	v41 =	vmul.f32 v53, v43;
	v24 =	vsub.f32 v52, v51;
	v59 =	vmul.f32 v54, v36  }
0x258: {  	v18 =	vsel vm15, $0x0, v34;
	v46 =	vbroadcast v56, $0xA;
	v62 =	vmul.f32 v39, v57  }
0x259: {  	v41 =	vmul.f32 v53, v41;
	v45 =	vmax.f32 v24, $9.999999960e-13;
	v52 =	vsub.f32 $1.500000000e+00, v59  }
0x25a: {  	v27 =	vsub.f32 $1.500000000e+00, v62;
	v58 =	vshra.s32 v45, $0x1;
	v50 =	vmul.f32 $5.000000000e-01, v45  }
0x25b: {  	v54, _, _ =	vpop (xrf1);
	v60 =	vsub.f32 $1.500000000e+00, v41;
	v61 =	vsub.s32 $0x5F3759DF, v58;
	v34 =	vmul.f32 v52, v36  }
0x25c: {  	v39 =	vmul.f32 v39, v27;
	v27 =	vsub.f32 v54, v46;
	v63 =	vmul.f32 v61, v50  }
0x25d: {  	vm12 =	vle.f32 v28, $0.0e+00;
	v35 =	vmul.f32 v53, v60;
	v38 =	vmul.f32 v34, v38  }
0x25e: {  	v56 =	vmul.f32 v39, v44;
	v28 =	vmax.f32 v27, $9.999999960e-13;
	v53 =	vmul.f32 v61, v63  }
0x25f: {  	v57 =	vshra.s32 v28, $0x1;
	v47 =	vmul.f32 $5.000000000e-01, v28;
	v55 =	vmul.f32 v35, v43  }
0x260: {  	v58 =	vld [tilespmem:s19+$0x0];
	v46 =	vmul.f32 v56, v39;
	v41 =	vsub.s32 $0x5F3759DF, v57;
	v40 =	vsub.f32 $1.500000000e+00, v53  }
0x261: {  	vm13 =	vle.f32 v30, $0.0e+00;
	(xrf1) =	vsort.ascd.msk.f32 $0xffff, v16, v16;
	v60 =	vmul.f32 v41, v47;
	v36 =	vmul.f32 v55, v35  }
0x262: {  	(xrf1) =	vsort.ascd.msk.f32 $0xffff, v14, v14;
	v32 =	vmul.f32 v32, v49;
	v62 =	vsub.f32 $1.500000000e+00, v46;
	v40 =	vmul.f32 v61, v40  }
0x263: {  	v61 =	vmul.f32 v38, v34;
	v49 =	vmul.f32 v41, v60;
	v36 =	vsub.f32 $1.500000000e+00, v36  }
0x264: {  	v16 =	vsel vm12, $0x0, v31;
	(xrf1) =	vsort.ascd.msk.f32 $0xffff, v13, v13;
	v60 =	vld [tilespmem:s20+$0x0];
	v51 =	vmul.f32 v62, v39;
	v59 =	vmul.f32 v40, v50  }
0x265: {  	v54, _, _ =	vpop (xrf1);
	(xrf1) =	vsort.ascd.msk.f32 $0xffff, v10, v10;
	v53 =	vbroadcast v58, $0xB;
	v30 =	vsub.f32 $1.500000000e+00, v49;
	v31 =	vmul.f32 v36, v35  }
0x266: {  	v36 =	vsub.f32 $1.500000000e+00, v61;
	v55 =	vmul.f32 v51, v44;
	v63 =	vmul.f32 v59, v40  }
0x267: {  	vm14 =	vle.f32 v29, $0.0e+00;
	v30 =	vmul.f32 v41, v30;
	v43 =	vmul.f32 v31, v43  }
0x268: {  	v13 =	vsub.f32 v54, v53;
	v34 =	vmul.f32 v36, v34;
	v57 =	vmul.f32 v55, v51  }
0x269: {  	v53 =	vbroadcast v60, $0xC;
	v52 =	vsub.f32 $1.500000000e+00, v63;
	v58 =	vmul.f32 v30, v47  }
0x26a: {  	v63 =	vld [tilespmem:s21+$0x0];
	v14 =	vmul.f32 v43, v31;
	v39 =	vsub.f32 $1.500000000e+00, v57;
	v34 =	vmul.f32 v34, v37  }
0x26b: {  	vm15 =	vle.f32 v26, $0.0e+00;
	v38 =	vmul.f32 v52, v40;
	v10 =	vmul.f32 v58, v30  }
0x26c: {  	v56 =	vsub.f32 $1.500000000e+00, v14;
	v14 =	vmax.f32 v13, $9.999999960e-13;
	v35 =	vmul.f32 v39, v51  }
0x26d: {  	v58 =	vld [tilespmem:s24+$0x0];
	v40 =	vmul.f32 v38, v50;
	v59 =	vshra.s32 v14, $0x1;
	v43 =	vmul.f32 $5.000000000e-01, v14  }
0x26e: {  	v51 =	vld [tilespmem:s23+$0x0];
	v49 =	vsub.f32 $1.500000000e+00, v10;
	v31 =	vmul.f32 v56, v31;
	v35 =	vmul.f32 v35, v42  }
0x26f: {  	v54, _, _ =	vpop (xrf1);
	v62 =	vsub.s32 $0x5F3759DF, v59;
	v56 =	vbroadcast v63, $0xD;
	v61 =	vmul.f32 v40, v38  }
0x270: {  	v57, _, _ =	vpop (xrf1);
	v10 =	vsel vm13, $0x0, v32;
	v41 =	vmul.f32 v62, v43;
	v30 =	vmul.f32 v49, v30  }
0x271: {  	v31 =	vmul.f32 v31, v33;
	v33 =	vsub.f32 v54, v53;
	v37 =	vsub.f32 v57, v56  }
0x272: {  	v60, _, _ =	vpop (xrf1);
	v40 =	vbroadcast v58, $0xF;
	v48 =	vsub.f32 $1.500000000e+00, v61;
	v50 =	vmul.f32 v62, v41  }
0x273: {  	v58, _, _ =	vpop (xrf1);
	v29 =	vmul.f32 v30, v47;
	v59 =	vbroadcast v51, $0xE;
	v41 =	vmax.f32 v33, $9.999999960e-13  }
0x274: {  	v46 =	vmax.f32 v37, $9.999999960e-13;
	v40 =	vsub.f32 v58, v40;
	v52 =	vmul.f32 v48, v38  }
0x275: {  	v55 =	vsub.f32 $1.500000000e+00, v50;
	v38 =	vsub.f32 v60, v59;
	v57 =	vshra.s32 v46, $0x1  }
0x276: {  	v48 =	vmul.f32 $5.000000000e-01, v46;
	v29 =	vmul.f32 v29, v30;
	v47 =	vsub.s32 $0x5F3759DF, v57  }
0x277: {  	v54 =	vmax.f32 v40, $9.999999960e-13;
	v32 =	vmul.f32 v52, v45;
	v36 =	vmul.f32 v62, v55  }
0x278: {  	v62 =	vshra.s32 v41, $0x1;
	v45 =	vmul.f32 $5.000000000e-01, v41;
	v49 =	vmax.f32 v38, $9.999999960e-13  }
0x279: {  	v60 =	vmul.f32 v47, v48;
	v44 =	vsub.s32 $0x5F3759DF, v62;
	v61 =	vmul.f32 v36, v43  }
0x27a: {  	v59 =	vshra.s32 v49, $0x1;
	v52 =	vmul.f32 $5.000000000e-01, v49;
	v56 =	vmul.f32 v44, v45  }
0x27b: {  	v51 =	vsub.s32 $0x5F3759DF, v59;
	v53 =	vmul.f32 v47, v60;
	v63 =	vmul.f32 v61, v36  }
0x27c: {  	v62 =	vshra.s32 v54, $0x1;
	v61 =	vmul.f32 v51, v52;
	v42 =	vmul.f32 v44, v56  }
0x27d: {  	(xrf2) =	vadd.scan.msk.f32 $0xffff, v8;
	v55 =	vsub.s32 $0x5F3759DF, v62;
	v56 =	vmul.f32 $5.000000000e-01, v54;
	v39 =	vsub.f32 $1.500000000e+00, v63  }
0x27e: {  	v53 =	vsub.f32 $1.500000000e+00, v53;
	v50 =	vmul.f32 v51, v61;
	v42 =	vsub.f32 $1.500000000e+00, v42  }
0x27f: {  	(xrf2) =	vadd.scan.msk.f32 $0xffff, v7;
	v57 =	vmul.f32 v55, v56;
	v61 =	vsub.f32 $1.500000000e+00, v29;
	v36 =	vmul.f32 v39, v36  }
0x280: {  	v63 =	vsub.f32 $1.500000000e+00, v50;
	v42 =	vmul.f32 v44, v42;
	v44 =	vmul.f32 v47, v53  }
0x281: {  	(xrf2) =	vadd.scan.msk.f32 $0xffff, v6;
	vm12 =	vle.f32 v25, $0.0e+00;
	v58 =	vmul.f32 v55, v57;
	v53 =	vmul.f32 v61, v30  }
0x282: {  	(xrf2) =	vadd.scan.msk.f32 $0xffff, v4;
	v34 =	vsel vm14, $0x0, v34;
	v26 =	vmul.f32 v51, v63;
	v59 =	vmul.f32 v42, v45  }
0x283: {  	(xrf2) =	vadd.scan.msk.f32 $0xffff, v2;
	v60 =	vmul.f32 v44, v48;
	v43 =	vmul.f32 v36, v43;
	v39 =	vsub.f32 $1.500000000e+00, v58  }
0x284: {  	(xrf2) =	vadd.scan.msk.f32 $0xffff, v1;
	vm14 =	vle.f32 v27, $0.0e+00;
	v51 =	vmul.f32 v26, v52;
	v62 =	vmul.f32 v59, v42  }
0x285: {  	(xrf2) =	vadd.scan.msk.f32 $0xffff, v0;
	vm13 =	vle.f32 v24, $0.0e+00;
	v63 =	vmul.f32 v60, v44;
	v58 =	vmul.f32 v43, v36  }
0x286: {  	(xrf2) =	vadd.scan.msk.f32 $0xffff, v5;
	v2 =	vsel vm12, $0x0, v35;
	v50 =	vmul.f32 v51, v26;
	v51 =	vmul.f32 v55, v39  }
0x287: {  	(xrf2) =	vadd.scan.msk.f32 $0xffff, v3;
	v6 =	vmul.f32 v53, v28;
	v55 =	vsub.f32 $1.500000000e+00, v62;
	v57 =	vsub.f32 $1.500000000e+00, v63;
	v39, _, _ =	vpop (xrf2)  }
0x288: {  	(xrf2) =	vadd.scan.msk.f32 $0xffff, v9;
	v60 =	vsub.f32 $1.500000000e+00, v58;
	v9 =	vbroadcast v39, $0xF;
	v59 =	vmul.f32 v51, v56  }
0x289: {  	v43, _, _ =	vpop (xrf2);
	v7 =	vsub.f32 $1.500000000e+00, v50;
	v8 =	vmul.f32 v55, v42;
	v29 =	vmul.f32 v57, v44  }
0x28a: {  	v31 =	vsel vm15, $0x0, v31;
	v1 =	vmul.f32 v60, v36;
	v57 =	vbroadcast v43, $0xF  }
0x28b: {  	vm15 =	vle.f32 v13, $0.0e+00;
	v61 =	vmul.f32 v7, v26;
	v62 =	vmul.f32 v59, v51  }
0x28c: {  	vm12 =	vle.f32 v33, $0.0e+00;
	(xrf2) =	vadd.scan.msk.f32 $0xffff, v11;
	v63 =	vmul.f32 v8, v45;
	v30 =	vmul.f32 v29, v48  }
0x28d: {  	(xrf2) =	vadd.scan.msk.f32 $0xffff, v12;
	v1 =	vmul.f32 v1, v14;
	v35 =	vmul.f32 v61, v52;
	v7 =	vsub.f32 $1.500000000e+00, v62  }
0x28e: {  	vm7 =	vle.f32 v40, $0.0e+00;
	v45, _, _ =	vpop (xrf2);
	(xrf2) =	vadd.scan.msk.f32 $0xffff, v15;
	v0 =	vmul.f32 v63, v8;
	v24 =	vmul.f32 v30, v29  }
0x28f: {  	v6 =	vsel vm14, $0x0, v6;
	v48, _, _ =	vpop (xrf2);
	(xrf2) =	vadd.scan.msk.f32 $0xffff, v17;
	v14 =	vbroadcast v45, $0xF;
	v7 =	vmul.f32 v7, v51  }
0x290: {  	v5 =	vmul.f32 v35, v61;
	v0 =	vsub.f32 $1.500000000e+00, v0;
	v42 =	vsub.f32 $1.500000000e+00, v24;
	v51, _, _ =	vpop (xrf2);
	(xrf2) =	vadd.scan.msk.f32 $0xffff, v20  }
0x291: {  	vm14 =	vle.f32 v38, $0.0e+00;
	v11 =	vbroadcast v48, $0xF;
	v52, _, _ =	vpop (xrf2);
	(xrf2) =	vadd.scan.msk.f32 $0xffff, v22;
	v44 =	vmul.f32 v7, v56  }
0x292: {  	v5 =	vsub.f32 $1.500000000e+00, v5;
	v0 =	vmul.f32 v0, v8;
	v47 =	vmul.f32 v42, v29;
	v53, _, _ =	vpop (xrf2);
	(xrf2) =	vadd.scan.msk.f32 $0xffff, v21  }
0x293: {  	v36 =	vsel vm13, $0x0, v32;
	v63 =	vbroadcast v52, $0xF;
	v55, _, _ =	vpop (xrf2);
	(xrf2) =	vadd.scan.msk.f32 $0xffff, v23;
	v21 =	vbroadcast v53, $0xF  }
0x294: {  	vm13 =	vle.f32 v37, $0.0e+00;
	v4 =	vmul.f32 v5, v61;
	v50 =	vmul.f32 v44, v7;
	v56, _, _ =	vpop (xrf2);
	(xrf2) =	vadd.scan.msk.f32 $0xffff, v19  }
0x295: {  	v1 =	vsel vm15, $0x0, v1;
	v0 =	vmul.f32 v0, v41;
	v8 =	vmul.f32 v47, v46;
	v58, _, _ =	vpop (xrf2);
	(xrf2) =	vadd.scan.msk.f32 $0xffff, v18  }
0x296: {  	vm15 =	vmmov $0x1;
	v61 =	vbroadcast v51, $0xF;
	v24 =	vbroadcast v55, $0xF;
	v59, _, _ =	vpop (xrf2);
	(xrf2) =	vadd.scan.msk.f32 $0xffff, v16  }
0x297: {  	v9 =	vsel vm15, v9, v57;
	v26 =	vbroadcast v56, $0xF;
	v4 =	vmul.f32 v4, v49;
	v60, _, _ =	vpop (xrf2);
	(xrf2) =	vadd.scan.msk.f32 $0xffff, v10  }
0x298: {  	v5 =	vsub.f32 $1.500000000e+00, v50;
	v0 =	vsel vm12, $0x0, v0;
	v8 =	vsel vm13, $0x0, v8;
	v62, _, _ =	vpop (xrf2);
	(xrf2) =	vadd.scan.msk.f32 $0xffff, v34  }
0x299: {  	vm12 =	vmmov $0x3;
	vm13 =	vmmov $0x7;
	v30 =	vbroadcast v58, $0xF;
	v19, _, _ =	vpop (xrf2);
	(xrf2) =	vadd.scan.msk.f32 $0xffff, v31  }
0x29a: {  	v9 =	vsel vm12, v9, v14;
	v4 =	vsel vm14, $0x0, v4;
	v5 =	vmul.f32 v5, v7;
	v22, _, _ =	vpop (xrf2);
	(xrf2) =	vadd.scan.msk.f32 $0xffff, v2  }
0x29b: {  	v9 =	vsel vm13, v9, v11;
	vm14 =	vmmov $0xf;
	v39 =	vbroadcast v60, $0xF;
	v25, _, _ =	vpop (xrf2);
	(xrf2) =	vadd.scan.msk.f32 $0xffff, v36  }
0x29c: {  	v9 =	vsel vm14, v9, v61;
	v31 =	vbroadcast v59, $0xF;
	v46 =	vbroadcast v62, $0xF;
	v27, _, _ =	vpop (xrf2);
	(xrf2) =	vadd.scan.msk.f32 $0xffff, v6  }
0x29d: {  	v5 =	vmul.f32 v5, v54;
	v23 =	vsel vm4, v9, v63;
	v53 =	vbroadcast v19, $0xF;
	v28, _, _ =	vpop (xrf2);
	(xrf2) =	vadd.scan.msk.f32 $0xffff, v1  }
0x29e: {  	v2 =	vsel vm5, v23, v21;
	v33 =	vbroadcast v27, $0xF;
	v32, _, _ =	vpop (xrf2);
	(xrf2) =	vadd.scan.msk.f32 $0xffff, v0;
	v6 =	vbroadcast v28, $0xF  }
0x29f: {  	v60 =	vbroadcast v22, $0xF;
	v5 =	vsel vm7, $0x0, v5;
	v34, _, _ =	vpop (xrf2);
	(xrf2) =	vadd.scan.msk.f32 $0xffff, v8;
	v35 =	vbroadcast v32, $0xF  }
0x2a0: {  	v2 =	vsel vm6, v2, v24;
	v36, _, _ =	vpop (xrf2);
	(xrf2) =	vadd.scan.msk.f32 $0xffff, v4;
	v0 =	vsel vm15, v33, v6;
	v37 =	vbroadcast v34, $0xF  }
0x2a1: {  	vm7 =	vmmov $0xff;
	v38, _, _ =	vpop (xrf2);
	v0 =	vsel vm12, v0, v35;
	v40 =	vbroadcast v36, $0xF  }
0x2a2: {  	v29 =	vsel vm7, v2, v26;
	v41, _, _ =	vpop (xrf2);
	v0 =	vsel vm13, v0, v37;
	v42 =	vbroadcast v38, $0xF  }
0x2a3: {  	v1 =	vsel vm8, v29, v30;
	(xrf2) =	vadd.scan.msk.f32 $0xffff, v5;
	v43, _, _ =	vpop (xrf2);
	v0 =	vsel vm14, v0, v40;
	v44 =	vbroadcast v41, $0xF  }
0x2a4: {  	v1 =	vsel vm9, v1, v31;
	v45, _, _ =	vpop (xrf2);
	v0 =	vsel vm4, v0, v42;
	v47 =	vbroadcast v43, $0xF  }
0x2a5: {  	vm15 =	vmmov $0x7ff;
	v48, _, _ =	vpop (xrf2);
	v0 =	vsel vm5, v0, v44;
	v49 =	vbroadcast v45, $0xF  }
0x2a6: {  	v1 =	vsel vm15, v1, v39;
	v50, _, _ =	vpop (xrf2);
	v0 =	vsel vm6, v0, v47;
	v51 =	vbroadcast v48, $0xF  }
0x2a7: {  	vm12 =	vmmov $0xfff;
	v52, _, _ =	vpop (xrf2);
	v0 =	vsel vm7, v0, v49;
	v54 =	vbroadcast v50, $0xF  }
0x2a8: {  	v1 =	vsel vm12, v1, v46;
	v55, _, _ =	vpop (xrf2);
	v0 =	vsel vm8, v0, v51;
	v56 =	vbroadcast v52, $0xF  }
0x2a9: {  	vm13 =	vmmov $0x1fff;
	v57, _, _ =	vpop (xrf2);
	v0 =	vsel vm9, v0, v54;
	v58 =	vbroadcast v55, $0xF  }
0x2aa: {  	v1 =	vsel vm13, v1, v53;
	v59, _, _ =	vpop (xrf2);
	v0 =	vsel vm15, v0, v56;
	v61 =	vbroadcast v57, $0xF  }
0x2ab: {  	vm14 =	vmmov $0x3fff;
	v0 =	vsel vm12, v0, v58;
	v62 =	vbroadcast v59, $0xF  }
0x2ac: {  	v1 =	vsel vm14, v1, v60;
	vm15 =	vmmov $0x7fff;
	v0 =	vsel vm13, v0, v61  }
0x2ad: {  	s13 =	sadd.s32 $0x1, s13;
	v63, _, _ =	vpop (xrf2);
	v1 =	vsel vm15, v1, v25;
	v0 =	vsel vm14, v0, v62  }
0x2ae: {  	p0 =	sne.s32 s13, s25;
	[tilespmem:$0x8000] =	vst v1;
	v0 =	vsel vm15, v0, v63  }
.Ltmp4:
0x2af: {  	s18 =	simm.s32 $0x8000;
	[tilespmem:$0x8010] =	vst v0;
	(pc) =	sbr.rel @p0 .LBB2_1-.Ltmp4, $4  }
0x2b0: {  	[hbm4b:s22+s2] =	stream.linear.scatter [tilespmem:s18], [sflag:$0x5], $0x20, $0x38;
	[tilespmem:$0x8080] =	vst v63  }
0x2b1: {  	_ =	swait.ge [sflag:s12], $0x20  }
0x2b2: {  	[sflag:s12] =	ssyncset.done $0x0  }
0x2b3: {  	[sflag:s12] =	ssyncadd.s32 $0xFFFFFFE0  }
0x2b4: {  	_ =	sfence.sel $0x180000  }
0x2b5: {  	[bflag:$0x0] =	sbarrier.arrive $0xFFFF  }
0x2b6: {  	_ =	strace $0x90000047  }
0x2b7: {  	s0 =	stileid.u32;
	[bflag:$0x2] =	sbarrier.arrive $0xFFFF  }
0x2b8: {  	p0 =	sne.s32 s0, $0x0;
	s0 =	rddreg [dreg:$0x2]  }
0x2b9: {  	s0 =	sadd.s32 @!p0 $0x100000, s0  }
0x2ba: {  	[sflag:s0] =	ssyncadd.tile.s32 @!p0 $0x1;
	_ =	shalt  }
.Lfunc_end2:
_tile_overlayer_lowered:
.L_overlay_start_2:
0x2bb: {  	(tag) =	ssettag $0x2  }
0x2bc: {  	s0 =	rddreg [dreg:$0x0];
	s2 =	stileid.u32  }
0x2bd: {  	s1 =	rddreg [dreg:$0x1];
	p0 =	sne.s32 s2, $0x0  }
0x2be: {  	s3 =	rddreg [dreg:$0x2];
	[bflag:$0x3] =	sbarrier.arrive $0xFFFF;
	s2 =	simm.s32 @!p0 $0x1C05  }
0x2bf: {  	[timem:s3], [sflag:s2] =	dma.local @!p0 [hbm:s0], s1  }
0x2c0: {  	s0 =	simm.s32 @!p0 $0x5  }
0x2c1: {  	_ =	swait.ge @!p0 [sflag:s0], s1  }
0x2c2: {  	s1 =	ssub.s32 @!p0 $0x0, s1;
	[sflag:s0] =	ssyncset.done @!p0 $0x0  }
0x2c3: {  	[sflag:s0] =	ssyncadd.s32 @!p0 s1  }
0x2c4: {  	[bflag:$0x3] =	sbarrier.arrive $0xFFFF  }
0x2c5: {  	_ =	shalt  }

</sc_bundles>
